<compile_context>
chip_gen: v7x
topology: tpu7x:2x2x1
jax: 0.10.2.dev20260603
libtpu: 0.0.44.dev20260713+nightly
codegen_flags: <defaults>
</compile_context>

<pallas_src>
import functools

import jax
import jax.numpy as jnp
from jax import lax
from jax.experimental import pallas as pl
from jax.experimental.pallas import tpu as pltpu
from jax.experimental.pallas import tpu_sc as plsc

NC = 2
NS = 16
LANES = 16
B = 128
SUPER = 6
BM = 1024


def _cdiv(a, b):
    return (a + b - 1) // b



def _agg_body(n_pad, w, nsup, src_hbm, dst_hbm, table_hbm, out_hbm,
              sbuf0, sbuf1, dbuf0, dbuf1, rows0, rows1, acc,
              gsem0, gsem1, ssem0, ssem1, sisem0, sisem1, disem0, disem1,
              zsem):
    c = lax.axis_index("c")
    s = lax.axis_index("s")
    tid = c * NS + s
    slab = n_pad // NS
    base_row = tid * (nsup * SUPER)

    sb, db = (sbuf0, sbuf1), (dbuf0, dbuf1)
    rw = (rows0, rows1)
    gs, ss = (gsem0, gsem1), (ssem0, ssem1)
    si, di = (sisem0, sisem1), (disem0, disem1)

    def fire_idx(hbm, t, buf, sem):
        pltpu.async_copy(hbm.at[pl.ds(base_row + t * SUPER, SUPER)], buf, sem)

    def drain_idx(hbm, buf, sem):
        pltpu.make_async_copy(hbm.at[pl.ds(base_row, SUPER)], buf, sem).wait()

    def fire_gathers(p):
        for j in range(SUPER):
            pltpu.async_copy(table_hbm.at[sb[p].at[j]], rw[p].at[j], gs[p])

    def drain_gathers(p):
        for j in range(SUPER):
            pltpu.make_async_copy(
                table_hbm.at[sb[p].at[j]], rw[p].at[j], gs[p]).wait()

    def fire_scatters(p):
        for j in range(SUPER):
            pltpu.async_copy(rw[p].at[j], acc.at[db[p].at[j]], ss[p], add=True)

    def drain_scatters(p):
        for j in range(SUPER):
            pltpu.make_async_copy(
                rw[p].at[j], acc.at[db[p].at[j]], ss[p]).wait()

    fire_idx(src_hbm, 0, sbuf0, sisem0)
    fire_idx(src_hbm, 1, sbuf1, sisem1)
    fire_idx(dst_hbm, 0, dbuf0, disem0)

    def zrow(i, carry):
        rows0[0, i, :] = jnp.zeros((LANES,), jnp.float32)
        return carry

    lax.fori_loop(0, B, zrow, 0)
    nz = slab // B

    def zchunk(k, carry):
        pltpu.async_copy(rows0.at[0],
                         acc.at[pl.ds(s * slab + k * B, B)], zsem)
        return carry

    def zdrain(k, carry):
        pltpu.make_async_copy(rows0.at[0],
                              acc.at[pl.ds(s * slab + k * B, B)], zsem).wait()
        return carry

    lax.fori_loop(0, nz, zchunk, 0)
    lax.fori_loop(0, nz, zdrain, 0)
    drain_idx(src_hbm, sbuf0, sisem0)
    fire_gathers(0)
    plsc.subcore_barrier()

    def sup(t, carry):
        def branch(p):
            q = 1 - p

            @pl.when(t >= 1)
            def _():
                drain_scatters(q)

            @pl.when(t + 1 < nsup)
            def _():
                fire_idx(dst_hbm, t + 1, db[q], di[q])
                drain_idx(src_hbm, sb[q], si[q])
                fire_gathers(q)

            drain_idx(dst_hbm, db[p], di[p])
            for j in range(SUPER):
                pltpu.make_async_copy(
                    table_hbm.at[sb[p].at[j]], rw[p].at[j], gs[p]).wait()
                pltpu.async_copy(
                    rw[p].at[j], acc.at[db[p].at[j]], ss[p], add=True)

            @pl.when(t + 2 < nsup)
            def _():
                fire_idx(src_hbm, t + 2, sb[p], si[p])

        @pl.when(t % 2 == 0)
        def _():
            branch(0)

        @pl.when(t % 2 == 1)
        def _():
            branch(1)

        return carry

    lax.fori_loop(0, nsup, sup, 0)
    p_last = (nsup - 1) % 2
    for j in range(SUPER):
        pltpu.make_async_copy(
            rw[p_last].at[j], acc.at[db[p_last].at[j]], ss[p_last]).wait()
    plsc.subcore_barrier()
    pltpu.sync_copy(acc.at[pl.ds(s * slab, slab)],
                    out_hbm.at[c, pl.ds(s * slab, slab)])


def _deg_body(n_pad, w, nsup, supb, dst_hbm, out_hbm,
              dbuf0, dbuf1, ones_v, zbuf, acc,
              ssem0, ssem1, disem0, disem1, zsem):
    c = lax.axis_index("c")
    s = lax.axis_index("s")
    tid = c * NS + s
    slab = n_pad // NS
    base_row = tid * (nsup * supb)

    db = (dbuf0, dbuf1)
    ss, di = (ssem0, ssem1), (disem0, disem1)

    def fire_idx(t, buf, sem):
        pltpu.async_copy(dst_hbm.at[pl.ds(base_row + t * supb, supb)],
                         buf, sem)

    def drain_idx(buf, sem):
        pltpu.make_async_copy(dst_hbm.at[pl.ds(base_row, supb)],
                              buf, sem).wait()

    def fire_scatters(p):
        for j in range(supb):
            pltpu.async_copy(ones_v, acc.at[db[p].at[j]], ss[p], add=True)

    def drain_scatters(p):
        for j in range(supb):
            pltpu.make_async_copy(
                ones_v, acc.at[db[p].at[j]], ss[p]).wait()

    fire_idx(0, dbuf0, disem0)

    def fill(i, carry):
        ones_v[i, :] = jnp.ones((LANES,), jnp.float32)
        zbuf[i, :] = jnp.zeros((LANES,), jnp.float32)
        return carry

    lax.fori_loop(0, B, fill, 0)
    nz = slab // B

    def zchunk(k, carry):
        pltpu.async_copy(zbuf, acc.at[pl.ds(s * slab + k * B, B)], zsem)
        return carry

    def zdrain(k, carry):
        pltpu.make_async_copy(zbuf,
                              acc.at[pl.ds(s * slab + k * B, B)], zsem).wait()
        return carry

    lax.fori_loop(0, nz, zchunk, 0)
    lax.fori_loop(0, nz, zdrain, 0)
    plsc.subcore_barrier()

    def sup(t, carry):
        def branch(p):
            q = 1 - p

            @pl.when(t >= 1)
            def _():
                drain_scatters(q)

            @pl.when(t + 1 < nsup)
            def _():
                fire_idx(t + 1, db[q], di[q])

            drain_idx(db[p], di[p])
            fire_scatters(p)

        @pl.when(t % 2 == 0)
        def _():
            branch(0)

        @pl.when(t % 2 == 1)
        def _():
            branch(1)

        return carry

    lax.fori_loop(0, nsup, sup, 0)
    p_last = (nsup - 1) % 2
    for j in range(supb):
        pltpu.make_async_copy(
            ones_v, acc.at[db[p_last].at[j]], ss[p_last]).wait()
    plsc.subcore_barrier()
    pltpu.sync_copy(acc.at[pl.ds(s * slab, slab)],
                    out_hbm.at[c, pl.ds(s * slab, slab)])


def _sc_mesh():
    return plsc.VectorSubcoreMesh(core_axis_name="c", subcore_axis_name="s",
                                  num_cores=NC, num_subcores=NS)


def _edge_aggregate(src2d, dst2d, table, n_pad, w):
    nsup = src2d.shape[0] // (NC * NS * SUPER)
    fn = pl.kernel(
        functools.partial(_agg_body, n_pad, w, nsup),
        out_type=jax.ShapeDtypeStruct((NC, n_pad, w), jnp.float32),
        mesh=_sc_mesh(),
        compiler_params=pltpu.CompilerParams(use_tc_tiling_on_sc=False),
        scratch_types=(
            [pltpu.VMEM((SUPER, B), jnp.int32)] * 4
            + [pltpu.VMEM((SUPER, B, w), jnp.float32)] * 2
            + [pltpu.VMEM_SHARED((n_pad, w), jnp.float32)]
            + [pltpu.SemaphoreType.DMA] * 9
        ),
    )
    return fn(src2d, dst2d, table)


SUPER_D = 24


def _degree_histogram(dst2d, n_pad, w):
    nsup = dst2d.shape[0] // (NC * NS * SUPER_D)
    fn = pl.kernel(
        functools.partial(_deg_body, n_pad, w, nsup, SUPER_D),
        out_type=jax.ShapeDtypeStruct((NC, n_pad, w), jnp.float32),
        mesh=_sc_mesh(),
        compiler_params=pltpu.CompilerParams(use_tc_tiling_on_sc=False),
        scratch_types=(
            [pltpu.VMEM((SUPER_D, B), jnp.int32)] * 2
            + [pltpu.VMEM((B, w), jnp.float32)] * 2
            + [pltpu.VMEM_SHARED((n_pad, w), jnp.float32)]
            + [pltpu.SemaphoreType.DMA] * 5
        ),
    )
    return fn(dst2d)



def _tc0_body(degp_ref, feat_ref, dis_ref, xs_ref):
    deg = degp_ref[0] + degp_ref[1] + 1.0
    dis = lax.rsqrt(deg)
    dis_ref[...] = dis
    xs_ref[...] = feat_ref[...] * dis


def _tc1_body(accp_ref, xs_ref, dis_ref, w1_ref, b1_ref, w2_ref, ys_ref):
    dis = dis_ref[...]
    agg = (accp_ref[0] + accp_ref[1] + xs_ref[...]) * dis
    h = jnp.dot(agg, w1_ref[...], preferred_element_type=jnp.float32)
    h = jnp.maximum(h + b1_ref[...], 0.0)
    ys = jnp.dot(h, w2_ref[...], preferred_element_type=jnp.float32)
    ys_ref[...] = ys * dis


def _tc2_body(accp_ref, ys_ref, dis_ref, b2_ref, out_ref):
    out_ref[...] = ((accp_ref[0] + accp_ref[1] + ys_ref[...]) * dis_ref[...]
                    + b2_ref[...])


def _pick_bmf(r_fold):
    for cand in range(min(512, r_fold), 7, -8):
        if r_fold % cand == 0:
            return cand
    return r_fold


def _row_spec(bmf):
    return pl.BlockSpec((bmf, 128), lambda i: (i, 0))


def _part_spec(bmf):
    return pl.BlockSpec((NC, bmf, 128), lambda i: (0, i, 0))


def _full_spec(shape):
    return pl.BlockSpec(shape, lambda i: tuple(0 for _ in shape))


def _tc0(degp_f, feat_f, r_fold):
    bmf = _pick_bmf(r_fold)
    grid = (r_fold // bmf,)
    return pl.pallas_call(
        _tc0_body,
        grid=grid,
        in_specs=[_part_spec(bmf), _row_spec(bmf)],
        out_specs=[_row_spec(bmf), _row_spec(bmf)],
        out_shape=[jax.ShapeDtypeStruct((r_fold, 128), jnp.float32),
                   jax.ShapeDtypeStruct((r_fold, 128), jnp.float32)],
    )(degp_f, feat_f)


def _tc1(accp_f, xs_f, dis_f, w1big, b1big, w2big, r_fold, d_hid_big):
    bmf = _pick_bmf(r_fold)
    grid = (r_fold // bmf,)
    return pl.pallas_call(
        _tc1_body,
        grid=grid,
        in_specs=[_part_spec(bmf), _row_spec(bmf), _row_spec(bmf),
                  _full_spec((128, d_hid_big)), _full_spec((1, d_hid_big)),
                  _full_spec((d_hid_big, 128))],
        out_specs=_row_spec(bmf),
        out_shape=jax.ShapeDtypeStruct((r_fold, 128), jnp.float32),
    )(accp_f, xs_f, dis_f, w1big, b1big, w2big)


def _tc2(accp_f, ys_f, dis_f, b2big, r_fold):
    bmf = _pick_bmf(r_fold)
    grid = (r_fold // bmf,)
    return pl.pallas_call(
        _tc2_body,
        grid=grid,
        in_specs=[_part_spec(bmf), _row_spec(bmf), _row_spec(bmf),
                  _full_spec((1, 128))],
        out_specs=_row_spec(bmf),
        out_shape=jax.ShapeDtypeStruct((r_fold, 128), jnp.float32),
    )(accp_f, ys_f, dis_f, b2big)



def kernel(feature, edge_index, edge_type, W1, b1, W2, b2):
    del edge_type
    n, d_in = feature.shape
    d_hid = W1.shape[1]
    d_out = W2.shape[1]
    e = edge_index.shape[1]
    w = d_in

    n_pad = _cdiv(n + 1, BM) * BM
    e_gran = NC * NS * max(SUPER, SUPER_D) * B
    e_pad = _cdiv(e, e_gran) * e_gran

    src = edge_index[0].astype(jnp.int32)
    dst = edge_index[1].astype(jnp.int32)
    pad = e_pad - e
    if pad:
        pidx = jnp.arange(pad, dtype=jnp.int32)
        src = jnp.concatenate([src, pidx % n])
        dst = jnp.concatenate([dst, n + pidx % (n_pad - n)])
    src2d = src.reshape(-1, B)
    dst2d = dst.reshape(-1, B)

    f = 128 // w
    r_fold = n_pad // f
    d_hid_big = f * d_hid

    feat_f = jnp.concatenate(
        [feature, jnp.zeros((n_pad - n, d_in), jnp.float32)]
    ).reshape(r_fold, 128)
    eye_f = jnp.eye(f, dtype=jnp.float32)
    w1big = jnp.kron(eye_f, W1)
    b1big = jnp.tile(b1, f).reshape(1, d_hid_big)
    w2p = jnp.concatenate(
        [W2, jnp.zeros((d_hid, w - d_out), jnp.float32)], axis=1)
    w2big = jnp.kron(eye_f, w2p)
    b2p = jnp.concatenate([b2, jnp.zeros((w - d_out,), jnp.float32)])
    b2big = jnp.tile(b2p, f).reshape(1, 128)

    degp_f = _degree_histogram(dst2d, n_pad, w).reshape(NC, r_fold, 128)
    dis_f, xs_f = _tc0(degp_f, feat_f, r_fold)
    xs_sc = xs_f.reshape(n_pad, w)
    accb_f = _edge_aggregate(src2d, dst2d, xs_sc, n_pad, w).reshape(
        NC, r_fold, 128)
    ys_f = _tc1(accb_f, xs_f, dis_f, w1big, b1big, w2big, r_fold, d_hid_big)
    ys_sc = ys_f.reshape(n_pad, w)
    accc_f = _edge_aggregate(src2d, dst2d, ys_sc, n_pad, w).reshape(
        NC, r_fold, 128)
    out_f = _tc2(accc_f, ys_f, dis_f, b2big, r_fold)
    out3 = out_f.reshape(r_fold, f, w)[:, :, :d_out]
    return out3.reshape(n_pad, d_out)[:n]

# --- scband reference (transcript-rebuilt; emitter-appended) ---
"""Pipeline reference for scband-smotegcn-82497731822015 (READ-ONLY COPY).

The authoritative reference and input builder live on the scoring server;
editing this copy changes nothing except your own understanding.
"""

import jax, jax.numpy as jnp
import numpy as np

N_NODES = 100000
N_EDGES = 3200000
D_IN = 16
D_HID = 128
D_OUT = 3


def gcn_conv(x, edge_index, W, b, num_nodes):
    # Standard GCNConv: add self-loops, symmetric degree normalization,
    # message = norm * (x W) gathered at src, aggregated by scatter-add at dst.
    src = jnp.concatenate([edge_index[0], jnp.arange(num_nodes, dtype=edge_index.dtype)])
    dst = jnp.concatenate([edge_index[1], jnp.arange(num_nodes, dtype=edge_index.dtype)])
    ones = jnp.ones(src.shape[0], dtype=x.dtype)
    deg = jax.ops.segment_sum(ones, dst, num_segments=num_nodes)
    deg_inv_sqrt = jnp.where(deg > 0, jax.lax.rsqrt(deg), 0.0)
    norm = deg_inv_sqrt[src] * deg_inv_sqrt[dst]
    xw = x @ W
    msg = xw[src] * norm[:, None]
    out = jax.ops.segment_sum(msg, dst, num_segments=num_nodes)
    return out + b


def setup_inputs(seed: int = 0) -> dict:
    key = jax.random.key(seed)
    k1, k2, k3, k4, k5, k6, k7 = jax.random.split(key, 7)
    feature = jax.random.normal(k1, (N_NODES, D_IN), dtype=jnp.float32)
    edge_index = jax.random.randint(k2, (2, N_EDGES), 0, N_NODES, dtype=jnp.int64)
    edge_type = jax.random.randint(k3, (N_EDGES,), 0, 2, dtype=jnp.int64)
    W1 = jax.random.normal(k4, (D_IN, D_HID), dtype=jnp.float32) / np.sqrt(D_IN)
    b1 = jnp.zeros((D_HID,), dtype=jnp.float32)
    W2 = jax.random.normal(k5, (D_HID, D_OUT), dtype=jnp.float32) / np.sqrt(D_HID)
    b2 = jnp.zeros((D_OUT,), dtype=jnp.float32)
    return {"feature": feature, "edge_index": edge_index, "edge_type": edge_type,
            "W1": W1, "b1": b1, "W2": W2, "b2": b2}


def reference(feature, edge_index, edge_type, W1, b1, W2, b2):
    # edge_type is accepted by the torch forward but unused.
    x = jax.nn.relu(gcn_conv(feature, edge_index, W1, b1, N_NODES))
    # F.dropout with training=self.training; eval mode -> identity
    x = gcn_conv(x, edge_index, W2, b2, N_NODES)
    return x

if __name__ == "__main__":
    import jax
    _d = setup_inputs()
    print(jax.jit(kernel)(*tuple(_d.values())))

</pallas_src>

<mosaic_0001>
#map = affine_map<(d0, d1) -> (0, 0)>
#map1 = affine_map<(d0, d1) -> (0, 0, 0)>
module attributes {stable_mosaic.version = 14 : i64} {
  func.func @_deg_body(%arg0: i32, %arg1: i32, %arg2: memref<25344x128xi32, #tpu.memory_space<hbm>>, %arg3: memref<2x100352x16xf32, #tpu.memory_space<hbm>>, %arg4: memref<24x128xi32, #tpu.memory_space<vmem>>, %arg5: memref<24x128xi32, #tpu.memory_space<vmem>>, %arg6: memref<128x16xf32, #tpu.memory_space<vmem>>, %arg7: memref<128x16xf32, #tpu.memory_space<vmem>>, %arg8: memref<100352x16xf32, #tpu.memory_space<vmem_shared>>, %arg9: memref<!tpu.dma_semaphore, #tpu.memory_space<semaphore_mem>>, %arg10: memref<!tpu.dma_semaphore, #tpu.memory_space<semaphore_mem>>, %arg11: memref<!tpu.dma_semaphore, #tpu.memory_space<semaphore_mem>>, %arg12: memref<!tpu.dma_semaphore, #tpu.memory_space<semaphore_mem>>, %arg13: memref<!tpu.dma_semaphore, #tpu.memory_space<semaphore_mem>>) attributes {dimension_semantics = [#tpu.dimension_semantics<core_parallel>, #tpu.dimension_semantics<subcore_parallel>], iteration_bounds = array<i64: 2, 16>, scalar_prefetch = 0 : i64, scratch_operands = 10 : i64, tpu.core_type = #tpu.core_type<sc_vector_subcore>, window_params = [{transform_indices = #map}, {transform_indices = #map1}]} {
    %mul3A = arith.constant 16 : i32
    %mul3A_0 = arith.muli %arg0, %mul3A : i32
    %add3A = arith.addi %mul3A_0, %arg1 : i32
    %mul3A_1 = arith.constant 792 : i32
    %mul3A_2 = arith.muli %add3A, %mul3A_1 : i32
    %add3A_3 = arith.constant 0 : i32
    %add3A_4 = arith.addi %mul3A_2, %add3A_3 : i32
    %dma_start3A = arith.constant 0 : i32
    %dma_start3A_5 = tpu.memref_slice %arg2[%add3A_4, %dma_start3A] : memref<25344x128xi32, #tpu.memory_space<hbm>> -> memref<24x128xi32, #tpu.memory_space<hbm>>
    %dma_start3A_6 = arith.constant 0 : i32
    %dma_start3A_7 = tpu.memref_slice %arg2[%add3A_4, %dma_start3A_6] : memref<25344x128xi32, #tpu.memory_space<hbm>> -> memref<24x128xi32, #tpu.memory_space<hbm>>
    tpu.enqueue_dma source(%dma_start3A_7 : memref<24x128xi32, #tpu.memory_space<hbm>>) target(%arg4 : memref<24x128xi32, #tpu.memory_space<vmem>>) target_semaphore(%arg11 : memref<!tpu.dma_semaphore, #tpu.memory_space<semaphore_mem>>)
    %scan3A = arith.constant 0 : i32
    %scan3A_8 = arith.constant 0 : i32
    %scan3A_9 = arith.constant 128 : i32
    %scan3A_10 = arith.addi %scan3A_8, %scan3A_9 : i32
    %scan3A_11 = arith.constant 1 : i32
    scf.for %scan3A_203 = %scan3A_8 to %scan3A_10 step %scan3A_11  : i32 {
      %broadcast_in_dim3A = arith.constant 1.000000e+00 : f32
      %broadcast_in_dim3A_204 = vector.broadcast %broadcast_in_dim3A : f32 to vector<16xf32>
      %swap3A = arith.index_cast %scan3A_203 : i32 to index
      %swap3A_205 = arith.constant 0 : index
      %swap3A_206 = tpu.vector_load %arg6[%swap3A, %swap3A_205] {strides = array<i32>} : memref<128x16xf32, #tpu.memory_space<vmem>>, vector<1x16xf32>,
      %swap3A_207 = vector.shape_cast %swap3A_206 : vector<1x16xf32> to vector<16xf32>
      %swap3A_208 = vector.shape_cast %broadcast_in_dim3A_204 : vector<16xf32> to vector<1x16xf32>
      tpu.vector_store %arg6[%swap3A, %swap3A_205], %swap3A_208 {strides = array<i32>} : memref<128x16xf32, #tpu.memory_space<vmem>>, vector<1x16xf32>,
      %broadcast_in_dim3A_209 = arith.constant 0.000000e+00 : f32
      %broadcast_in_dim3A_210 = vector.broadcast %broadcast_in_dim3A_209 : f32 to vector<16xf32>
      %swap3A_211 = arith.index_cast %scan3A_203 : i32 to index
      %swap3A_212 = arith.constant 0 : index
      %swap3A_213 = tpu.vector_load %arg7[%swap3A_211, %swap3A_212] {strides = array<i32>} : memref<128x16xf32, #tpu.memory_space<vmem>>, vector<1x16xf32>,
      %swap3A_214 = vector.shape_cast %swap3A_213 : vector<1x16xf32> to vector<16xf32>
      %swap3A_215 = vector.shape_cast %broadcast_in_dim3A_210 : vector<16xf32> to vector<1x16xf32>
      tpu.vector_store %arg7[%swap3A_211, %swap3A_212], %swap3A_215 {strides = array<i32>} : memref<128x16xf32, #tpu.memory_space<vmem>>, vector<1x16xf32>,
    }
    %scan3A_12 = arith.constant 128 : i32
    %scan3A_13 = arith.constant 0 : i32
    %scan3A_14 = arith.constant 0 : i32
    %scan3A_15 = arith.constant 49 : i32
    %scan3A_16 = arith.addi %scan3A_14, %scan3A_15 : i32
    %scan3A_17 = arith.constant 1 : i32
    scf.for %scan3A_203 = %scan3A_14 to %scan3A_16 step %scan3A_17  : i32 {
      %mul3A_204 = arith.constant 6272 : i32
      %mul3A_205 = arith.muli %arg1, %mul3A_204 : i32
      %mul3A_206 = arith.constant 128 : i32
      %mul3A_207 = arith.muli %scan3A_203, %mul3A_206 : i32
      %add3A_208 = arith.addi %mul3A_205, %mul3A_207 : i32
      %dma_start3A_209 = arith.constant 0 : i32
      %dma_start3A_210 = tpu.memref_slice %arg8[%add3A_208, %dma_start3A_209] : memref<100352x16xf32, #tpu.memory_space<vmem_shared>> -> memref<128x16xf32, #tpu.memory_space<vmem_shared>>
      %dma_start3A_211 = arith.constant 0 : i32
      %dma_start3A_212 = tpu.memref_slice %arg8[%add3A_208, %dma_start3A_211] : memref<100352x16xf32, #tpu.memory_space<vmem_shared>> -> memref<128x16xf32, #tpu.memory_space<vmem_shared>>
      tpu.enqueue_dma source(%arg7 : memref<128x16xf32, #tpu.memory_space<vmem>>) target(%dma_start3A_212 : memref<128x16xf32, #tpu.memory_space<vmem_shared>>) target_semaphore(%arg13 : memref<!tpu.dma_semaphore, #tpu.memory_space<semaphore_mem>>)
    }
    %scan3A_18 = arith.constant 49 : i32
    %scan3A_19 = arith.constant 0 : i32
    %scan3A_20 = arith.constant 0 : i32
    %scan3A_21 = arith.constant 49 : i32
    %scan3A_22 = arith.addi %scan3A_20, %scan3A_21 : i32
    %scan3A_23 = arith.constant 1 : i32
    scf.for %scan3A_203 = %scan3A_20 to %scan3A_22 step %scan3A_23  : i32 {
      %mul3A_204 = arith.constant 6272 : i32
      %mul3A_205 = arith.muli %arg1, %mul3A_204 : i32
      %mul3A_206 = arith.constant 128 : i32
      %mul3A_207 = arith.muli %scan3A_203, %mul3A_206 : i32
      %add3A_208 = arith.addi %mul3A_205, %mul3A_207 : i32
      %dma_wait3A_209 = arith.constant 0 : i32
      %dma_wait3A_210 = tpu.memref_slice %arg8[%add3A_208, %dma_wait3A_209] : memref<100352x16xf32, #tpu.memory_space<vmem_shared>> -> memref<128x16xf32, #tpu.memory_space<vmem_shared>>
      %dma_wait3A_211 = arith.constant 0 : i32
      %dma_wait3A_212 = tpu.memref_slice %arg8[%add3A_208, %dma_wait3A_211] : memref<100352x16xf32, #tpu.memory_space<vmem_shared>> -> memref<128x16xf32, #tpu.memory_space<vmem_shared>>
      tpu.wait_dma2 semaphore(%arg13 : memref<!tpu.dma_semaphore, #tpu.memory_space<semaphore_mem>>) src(%arg7 : memref<128x16xf32, #tpu.memory_space<vmem>>) dst(%dma_wait3A_212 : memref<128x16xf32, #tpu.memory_space<vmem_shared>>)
    }
    %scan3A_24 = arith.constant 49 : i32
    %barrier3A = arith.constant 0 : index
    tpu.barrier barrier_id(%barrier3A)
    %scan3A_25 = arith.constant 0 : i32
    %scan3A_26 = arith.constant 0 : i32
    %scan3A_27 = arith.constant 33 : i32
    %scan3A_28 = arith.addi %scan3A_26, %scan3A_27 : i32
    %scan3A_29 = arith.constant 1 : i32
    scf.for %scan3A_203 = %scan3A_26 to %scan3A_28 step %scan3A_29  : i32 {
      %jit3A = arith.constant 2 : i32
      %eq3A = arith.constant 0 : i32
      %eq3A_204 = arith.cmpi eq, %jit3A, %eq3A : i32
      %jit3A_205 = arith.constant 1 : i32
      %select_n3A = arith.select %eq3A_204, %jit3A_205, %jit3A : i32
      %rem3A = arith.remsi %scan3A_203, %select_n3A : i32
      %ne3A = arith.constant 0 : i32
      %ne3A_206 = arith.cmpi ne, %rem3A, %ne3A : i32
      %lt3A = arith.constant 0 : i32
      %lt3A_207 = arith.cmpi slt, %rem3A, %lt3A : i32
      %lt3A_208 = arith.constant 0 : i32
      %lt3A_209 = arith.cmpi slt, %select_n3A, %lt3A_208 : i32
      %ne3A_210 = arith.xori %lt3A_207, %lt3A_209 : i1
      %and3A = arith.andi %ne3A_210, %ne3A_206 : i1
      %add3A_211 = arith.addi %rem3A, %select_n3A : i32
      %select_n3A_212 = arith.select %and3A, %add3A_211, %rem3A : i32
      %eq3A_213 = arith.constant 0 : i32
      %eq3A_214 = arith.cmpi eq, %select_n3A_212, %eq3A_213 : i32
      %convert_element_type3A = arith.extui %eq3A_214 : i1 to i32
      %cond3A = arith.constant 0 : i32
      %cond3A_215 = arith.cmpi ne, %convert_element_type3A, %cond3A : i32
      scf.if %cond3A_215 {
        %ge3A = arith.constant 1 : i32
        %ge3A_237 = arith.cmpi sge, %scan3A_203, %ge3A : i32
        %convert_element_type3A_238 = arith.extui %ge3A_237 : i1 to i32
        %cond3A_239 = arith.constant 0 : i32
        %cond3A_240 = arith.cmpi ne, %convert_element_type3A_238, %cond3A_239 : i32
        scf.if %cond3A_240 {
          %dma_wait3A_420 = arith.constant 0 : i32
          %dma_wait3A_421 = arith.constant 0 : i32
          %dma_wait3A_422 = tpu.memref_slice %arg5[%dma_wait3A_420, %dma_wait3A_421] : memref<24x128xi32, #tpu.memory_space<vmem>> -> memref<1x128xi32, #tpu.memory_space<vmem>>
          %dma_wait3A_423 = tpu.memref_squeeze %dma_wait3A_422 : memref<1x128xi32, #tpu.memory_space<vmem>> -> memref<128xi32, #tpu.memory_space<vmem>>
          %dma_wait3A_424 = arith.constant 0 : i32
          %dma_wait3A_425 = arith.constant 0 : i32
          %dma_wait3A_426 = tpu.memref_slice %arg8[%dma_wait3A_424, %dma_wait3A_425] : memref<100352x16xf32, #tpu.memory_space<vmem_shared>> -> memref<100352x16xf32, #tpu.memory_space<vmem_shared>>
          tpu.wait_indirect_dma semaphore(%arg10 : memref<!tpu.dma_semaphore, #tpu.memory_space<semaphore_mem>>) src(%arg6 : memref<128x16xf32, #tpu.memory_space<vmem>>) dst(%dma_wait3A_426 : memref<100352x16xf32, #tpu.memory_space<vmem_shared>>)
          %dma_wait3A_427 = arith.constant 1 : i32
          %dma_wait3A_428 = arith.constant 0 : i32
          %dma_wait3A_429 = tpu.memref_slice %arg5[%dma_wait3A_427, %dma_wait3A_428] : memref<24x128xi32, #tpu.memory_space<vmem>> -> memref<1x128xi32, #tpu.memory_space<vmem>>
          %dma_wait3A_430 = tpu.memref_squeeze %dma_wait3A_429 : memref<1x128xi32, #tpu.memory_space<vmem>> -> memref<128xi32, #tpu.memory_space<vmem>>
          %dma_wait3A_431 = arith.constant 0 : i32
          %dma_wait3A_432 = arith.constant 0 : i32
          %dma_wait3A_433 = tpu.memref_slice %arg8[%dma_wait3A_431, %dma_wait3A_432] : memref<100352x16xf32, #tpu.memory_space<vmem_shared>> -> memref<100352x16xf32, #tpu.memory_space<vmem_shared>>
          tpu.wait_indirect_dma semaphore(%arg10 : memref<!tpu.dma_semaphore, #tpu.memory_space<semaphore_mem>>) src(%arg6 : memref<128x16xf32, #tpu.memory_space<vmem>>) dst(%dma_wait3A_433 : memref<100352x16xf32, #tpu.memory_space<vmem_shared>>)
          %dma_wait3A_434 = arith.constant 2 : i32
          %dma_wait3A_435 = arith.constant 0 : i32
          %dma_wait3A_436 = tpu.memref_slice %arg5[%dma_wait3A_434, %dma_wait3A_435] : memref<24x128xi32, #tpu.memory_space<vmem>> -> memref<1x128xi32, #tpu.memory_space<vmem>>
          %dma_wait3A_437 = tpu.memref_squeeze %dma_wait3A_436 : memref<1x128xi32, #tpu.memory_space<vmem>> -> memref<128xi32, #tpu.memory_space<vmem>>
          %dma_wait3A_438 = arith.constant 0 : i32
          %dma_wait3A_439 = arith.constant 0 : i32
          %dma_wait3A_440 = tpu.memref_slice %arg8[%dma_wait3A_438, %dma_wait3A_439] : memref<100352x16xf32, #tpu.memory_space<vmem_shared>> -> memref<100352x16xf32, #tpu.memory_space<vmem_shared>>
          tpu.wait_indirect_dma semaphore(%arg10 : memref<!tpu.dma_semaphore, #tpu.memory_space<semaphore_mem>>) src(%arg6 : memref<128x16xf32, #tpu.memory_space<vmem>>) dst(%dma_wait3A_440 : memref<100352x16xf32, #tpu.memory_space<vmem_shared>>)
          %dma_wait3A_441 = arith.constant 3 : i32
          %dma_wait3A_442 = arith.constant 0 : i32
          %dma_wait3A_443 = tpu.memref_slice %arg5[%dma_wait3A_441, %dma_wait3A_442] : memref<24x128xi32, #tpu.memory_space<vmem>> -> memref<1x128xi32, #tpu.memory_space<vmem>>
          %dma_wait3A_444 = tpu.memref_squeeze %dma_wait3A_443 : memref<1x128xi32, #tpu.memory_space<vmem>> -> memref<128xi32, #tpu.memory_space<vmem>>
          %dma_wait3A_445 = arith.constant 0 : i32
          %dma_wait3A_446 = arith.constant 0 : i32
          %dma_wait3A_447 = tpu.memref_slice %arg8[%dma_wait3A_445, %dma_wait3A_446] : memref<100352x16xf32, #tpu.memory_space<vmem_shared>> -> memref<100352x16xf32, #tpu.memory_space<vmem_shared>>
          tpu.wait_indirect_dma semaphore(%arg10 : memref<!tpu.dma_semaphore, #tpu.memory_space<semaphore_mem>>) src(%arg6 : memref<128x16xf32, #tpu.memory_space<vmem>>) dst(%dma_wait3A_447 : memref<100352x16xf32, #tpu.memory_space<vmem_shared>>)
          %dma_wait3A_448 = arith.constant 4 : i32
          %dma_wait3A_449 = arith.constant 0 : i32
          %dma_wait3A_450 = tpu.memref_slice %arg5[%dma_wait3A_448, %dma_wait3A_449] : memref<24x128xi32, #tpu.memory_space<vmem>> -> memref<1x128xi32, #tpu.memory_space<vmem>>
          %dma_wait3A_451 = tpu.memref_squeeze %dma_wait3A_450 : memref<1x128xi32, #tpu.memory_space<vmem>> -> memref<128xi32, #tpu.memory_space<vmem>>
          %dma_wait3A_452 = arith.constant 0 : i32
          %dma_wait3A_453 = arith.constant 0 : i32
          %dma_wait3A_454 = tpu.memref_slice %arg8[%dma_wait3A_452, %dma_wait3A_453] : memref<100352x16xf32, #tpu.memory_space<vmem_shared>> -> memref<100352x16xf32, #tpu.memory_space<vmem_shared>>
          tpu.wait_indirect_dma semaphore(%arg10 : memref<!tpu.dma_semaphore, #tpu.memory_space<semaphore_mem>>) src(%arg6 : memref<128x16xf32, #tpu.memory_space<vmem>>) dst(%dma_wait3A_454 : memref<100352x16xf32, #tpu.memory_space<vmem_shared>>)
          %dma_wait3A_455 = arith.constant 5 : i32
          %dma_wait3A_456 = arith.constant 0 : i32
          %dma_wait3A_457 = tpu.memref_slice %arg5[%dma_wait3A_455, %dma_wait3A_456] : memref<24x128xi32, #tpu.memory_space<vmem>> -> memref<1x128xi32, #tpu.memory_space<vmem>>
          %dma_wait3A_458 = tpu.memref_squeeze %dma_wait3A_457 : memref<1x128xi32, #tpu.memory_space<vmem>> -> memref<128xi32, #tpu.memory_space<vmem>>
          %dma_wait3A_459 = arith.constant 0 : i32
          %dma_wait3A_460 = arith.constant 0 : i32
          %dma_wait3A_461 = tpu.memref_slice %arg8[%dma_wait3A_459, %dma_wait3A_460] : memref<100352x16xf32, #tpu.memory_space<vmem_shared>> -> memref<100352x16xf32, #tpu.memory_space<vmem_shared>>
          tpu.wait_indirect_dma semaphore(%arg10 : memref<!tpu.dma_semaphore, #tpu.memory_space<semaphore_mem>>) src(%arg6 : memref<128x16xf32, #tpu.memory_space<vmem>>) dst(%dma_wait3A_461 : memref<100352x16xf32, #tpu.memory_space<vmem_shared>>)
          %dma_wait3A_462 = arith.constant 6 : i32
          %dma_wait3A_463 = arith.constant 0 : i32
          %dma_wait3A_464 = tpu.memref_slice %arg5[%dma_wait3A_462, %dma_wait3A_463] : memref<24x128xi32, #tpu.memory_space<vmem>> -> memref<1x128xi32, #tpu.memory_space<vmem>>
          %dma_wait3A_465 = tpu.memref_squeeze %dma_wait3A_464 : memref<1x128xi32, #tpu.memory_space<vmem>> -> memref<128xi32, #tpu.memory_space<vmem>>
          %dma_wait3A_466 = arith.constant 0 : i32
          %dma_wait3A_467 = arith.constant 0 : i32
          %dma_wait3A_468 = tpu.memref_slice %arg8[%dma_wait3A_466, %dma_wait3A_467] : memref<100352x16xf32, #tpu.memory_space<vmem_shared>> -> memref<100352x16xf32, #tpu.memory_space<vmem_shared>>
          tpu.wait_indirect_dma semaphore(%arg10 : memref<!tpu.dma_semaphore, #tpu.memory_space<semaphore_mem>>) src(%arg6 : memref<128x16xf32, #tpu.memory_space<vmem>>) dst(%dma_wait3A_468 : memref<100352x16xf32, #tpu.memory_space<vmem_shared>>)
          %dma_wait3A_469 = arith.constant 7 : i32
          %dma_wait3A_470 = arith.constant 0 : i32
          %dma_wait3A_471 = tpu.memref_slice %arg5[%dma_wait3A_469, %dma_wait3A_470] : memref<24x128xi32, #tpu.memory_space<vmem>> -> memref<1x128xi32, #tpu.memory_space<vmem>>
          %dma_wait3A_472 = tpu.memref_squeeze %dma_wait3A_471 : memref<1x128xi32, #tpu.memory_space<vmem>> -> memref<128xi32, #tpu.memory_space<vmem>>
          %dma_wait3A_473 = arith.constant 0 : i32
          %dma_wait3A_474 = arith.constant 0 : i32
          %dma_wait3A_475 = tpu.memref_slice %arg8[%dma_wait3A_473, %dma_wait3A_474] : memref<100352x16xf32, #tpu.memory_space<vmem_shared>> -> memref<100352x16xf32, #tpu.memory_space<vmem_shared>>
          tpu.wait_indirect_dma semaphore(%arg10 : memref<!tpu.dma_semaphore, #tpu.memory_space<semaphore_mem>>) src(%arg6 : memref<128x16xf32, #tpu.memory_space<vmem>>) dst(%dma_wait3A_475 : memref<100352x16xf32, #tpu.memory_space<vmem_shared>>)
          %dma_wait3A_476 = arith.constant 8 : i32
          %dma_wait3A_477 = arith.constant 0 : i32
          %dma_wait3A_478 = tpu.memref_slice %arg5[%dma_wait3A_476, %dma_wait3A_477] : memref<24x128xi32, #tpu.memory_space<vmem>> -> memref<1x128xi32, #tpu.memory_space<vmem>>
          %dma_wait3A_479 = tpu.memref_squeeze %dma_wait3A_478 : memref<1x128xi32, #tpu.memory_space<vmem>> -> memref<128xi32, #tpu.memory_space<vmem>>
          %dma_wait3A_480 = arith.constant 0 : i32
          %dma_wait3A_481 = arith.constant 0 : i32
          %dma_wait3A_482 = tpu.memref_slice %arg8[%dma_wait3A_480, %dma_wait3A_481] : memref<100352x16xf32, #tpu.memory_space<vmem_shared>> -> memref<100352x16xf32, #tpu.memory_space<vmem_shared>>
          tpu.wait_indirect_dma semaphore(%arg10 : memref<!tpu.dma_semaphore, #tpu.memory_space<semaphore_mem>>) src(%arg6 : memref<128x16xf32, #tpu.memory_space<vmem>>) dst(%dma_wait3A_482 : memref<100352x16xf32, #tpu.memory_space<vmem_shared>>)
          %dma_wait3A_483 = arith.constant 9 : i32
          %dma_wait3A_484 = arith.constant 0 : i32
          %dma_wait3A_485 = tpu.memref_slice %arg5[%dma_wait3A_483, %dma_wait3A_484] : memref<24x128xi32, #tpu.memory_space<vmem>> -> memref<1x128xi32, #tpu.memory_space<vmem>>
          %dma_wait3A_486 = tpu.memref_squeeze %dma_wait3A_485 : memref<1x128xi32, #tpu.memory_space<vmem>> -> memref<128xi32, #tpu.memory_space<vmem>>
          %dma_wait3A_487 = arith.constant 0 : i32
          %dma_wait3A_488 = arith.constant 0 : i32
          %dma_wait3A_489 = tpu.memref_slice %arg8[%dma_wait3A_487, %dma_wait3A_488] : memref<100352x16xf32, #tpu.memory_space<vmem_shared>> -> memref<100352x16xf32, #tpu.memory_space<vmem_shared>>
          tpu.wait_indirect_dma semaphore(%arg10 : memref<!tpu.dma_semaphore, #tpu.memory_space<semaphore_mem>>) src(%arg6 : memref<128x16xf32, #tpu.memory_space<vmem>>) dst(%dma_wait3A_489 : memref<100352x16xf32, #tpu.memory_space<vmem_shared>>)
          %dma_wait3A_490 = arith.constant 10 : i32
          %dma_wait3A_491 = arith.constant 0 : i32
          %dma_wait3A_492 = tpu.memref_slice %arg5[%dma_wait3A_490, %dma_wait3A_491] : memref<24x128xi32, #tpu.memory_space<vmem>> -> memref<1x128xi32, #tpu.memory_space<vmem>>
          %dma_wait3A_493 = tpu.memref_squeeze %dma_wait3A_492 : memref<1x128xi32, #tpu.memory_space<vmem>> -> memref<128xi32, #tpu.memory_space<vmem>>
          %dma_wait3A_494 = arith.constant 0 : i32
          %dma_wait3A_495 = arith.constant 0 : i32
          %dma_wait3A_496 = tpu.memref_slice %arg8[%dma_wait3A_494, %dma_wait3A_495] : memref<100352x16xf32, #tpu.memory_space<vmem_shared>> -> memref<100352x16xf32, #tpu.memory_space<vmem_shared>>
          tpu.wait_indirect_dma semaphore(%arg10 : memref<!tpu.dma_semaphore, #tpu.memory_space<semaphore_mem>>) src(%arg6 : memref<128x16xf32, #tpu.memory_space<vmem>>) dst(%dma_wait3A_496 : memref<100352x16xf32, #tpu.memory_space<vmem_shared>>)
          %dma_wait3A_497 = arith.constant 11 : i32
          %dma_wait3A_498 = arith.constant 0 : i32
          %dma_wait3A_499 = tpu.memref_slice %arg5[%dma_wait3A_497, %dma_wait3A_498] : memref<24x128xi32, #tpu.memory_space<vmem>> -> memref<1x128xi32, #tpu.memory_space<vmem>>
          %dma_wait3A_500 = tpu.memref_squeeze %dma_wait3A_499 : memref<1x128xi32, #tpu.memory_space<vmem>> -> memref<128xi32, #tpu.memory_space<vmem>>
          %dma_wait3A_501 = arith.constant 0 : i32
          %dma_wait3A_502 = arith.constant 0 : i32
          %dma_wait3A_503 = tpu.memref_slice %arg8[%dma_wait3A_501, %dma_wait3A_502] : memref<100352x16xf32, #tpu.memory_space<vmem_shared>> -> memref<100352x16xf32, #tpu.memory_space<vmem_shared>>
          tpu.wait_indirect_dma semaphore(%arg10 : memref<!tpu.dma_semaphore, #tpu.memory_space<semaphore_mem>>) src(%arg6 : memref<128x16xf32, #tpu.memory_space<vmem>>) dst(%dma_wait3A_503 : memref<100352x16xf32, #tpu.memory_space<vmem_shared>>)
          %dma_wait3A_504 = arith.constant 12 : i32
          %dma_wait3A_505 = arith.constant 0 : i32
          %dma_wait3A_506 = tpu.memref_slice %arg5[%dma_wait3A_504, %dma_wait3A_505] : memref<24x128xi32, #tpu.memory_space<vmem>> -> memref<1x128xi32, #tpu.memory_space<vmem>>
          %dma_wait3A_507 = tpu.memref_squeeze %dma_wait3A_506 : memref<1x128xi32, #tpu.memory_space<vmem>> -> memref<128xi32, #tpu.memory_space<vmem>>
          %dma_wait3A_508 = arith.constant 0 : i32
          %dma_wait3A_509 = arith.constant 0 : i32
          %dma_wait3A_510 = tpu.memref_slice %arg8[%dma_wait3A_508, %dma_wait3A_509] : memref<100352x16xf32, #tpu.memory_space<vmem_shared>> -> memref<100352x16xf32, #tpu.memory_space<vmem_shared>>
          tpu.wait_indirect_dma semaphore(%arg10 : memref<!tpu.dma_semaphore, #tpu.memory_space<semaphore_mem>>) src(%arg6 : memref<128x16xf32, #tpu.memory_space<vmem>>) dst(%dma_wait3A_510 : memref<100352x16xf32, #tpu.memory_space<vmem_shared>>)
          %dma_wait3A_511 = arith.constant 13 : i32
          %dma_wait3A_512 = arith.constant 0 : i32
          %dma_wait3A_513 = tpu.memref_slice %arg5[%dma_wait3A_511, %dma_wait3A_512] : memref<24x128xi32, #tpu.memory_space<vmem>> -> memref<1x128xi32, #tpu.memory_space<vmem>>
          %dma_wait3A_514 = tpu.memref_squeeze %dma_wait3A_513 : memref<1x128xi32, #tpu.memory_space<vmem>> -> memref<128xi32, #tpu.memory_space<vmem>>
          %dma_wait3A_515 = arith.constant 0 : i32
          %dma_wait3A_516 = arith.constant 0 : i32
          %dma_wait3A_517 = tpu.memref_slice %arg8[%dma_wait3A_515, %dma_wait3A_516] : memref<100352x16xf32, #tpu.memory_space<vmem_shared>> -> memref<100352x16xf32, #tpu.memory_space<vmem_shared>>
          tpu.wait_indirect_dma semaphore(%arg10 : memref<!tpu.dma_semaphore, #tpu.memory_space<semaphore_mem>>) src(%arg6 : memref<128x16xf32, #tpu.memory_space<vmem>>) dst(%dma_wait3A_517 : memref<100352x16xf32, #tpu.memory_space<vmem_shared>>)
          %dma_wait3A_518 = arith.constant 14 : i32
          %dma_wait3A_519 = arith.constant 0 : i32
          %dma_wait3A_520 = tpu.memref_slice %arg5[%dma_wait3A_518, %dma_wait3A_519] : memref<24x128xi32, #tpu.memory_space<vmem>> -> memref<1x128xi32, #tpu.memory_space<vmem>>
          %dma_wait3A_521 = tpu.memref_squeeze %dma_wait3A_520 : memref<1x128xi32, #tpu.memory_space<vmem>> -> memref<128xi32, #tpu.memory_space<vmem>>
          %dma_wait3A_522 = arith.constant 0 : i32
          %dma_wait3A_523 = arith.constant 0 : i32
          %dma_wait3A_524 = tpu.memref_slice %arg8[%dma_wait3A_522, %dma_wait3A_523] : memref<100352x16xf32, #tpu.memory_space<vmem_shared>> -> memref<100352x16xf32, #tpu.memory_space<vmem_shared>>
          tpu.wait_indirect_dma semaphore(%arg10 : memref<!tpu.dma_semaphore, #tpu.memory_space<semaphore_mem>>) src(%arg6 : memref<128x16xf32, #tpu.memory_space<vmem>>) dst(%dma_wait3A_524 : memref<100352x16xf32, #tpu.memory_space<vmem_shared>>)
          %dma_wait3A_525 = arith.constant 15 : i32
          %dma_wait3A_526 = arith.constant 0 : i32
          %dma_wait3A_527 = tpu.memref_slice %arg5[%dma_wait3A_525, %dma_wait3A_526] : memref<24x128xi32, #tpu.memory_space<vmem>> -> memref<1x128xi32, #tpu.memory_space<vmem>>
          %dma_wait3A_528 = tpu.memref_squeeze %dma_wait3A_527 : memref<1x128xi32, #tpu.memory_space<vmem>> -> memref<128xi32, #tpu.memory_space<vmem>>
          %dma_wait3A_529 = arith.constant 0 : i32
          %dma_wait3A_530 = arith.constant 0 : i32
          %dma_wait3A_531 = tpu.memref_slice %arg8[%dma_wait3A_529, %dma_wait3A_530] : memref<100352x16xf32, #tpu.memory_space<vmem_shared>> -> memref<100352x16xf32, #tpu.memory_space<vmem_shared>>
          tpu.wait_indirect_dma semaphore(%arg10 : memref<!tpu.dma_semaphore, #tpu.memory_space<semaphore_mem>>) src(%arg6 : memref<128x16xf32, #tpu.memory_space<vmem>>) dst(%dma_wait3A_531 : memref<100352x16xf32, #tpu.memory_space<vmem_shared>>)
          %dma_wait3A_532 = arith.constant 16 : i32
          %dma_wait3A_533 = arith.constant 0 : i32
          %dma_wait3A_534 = tpu.memref_slice %arg5[%dma_wait3A_532, %dma_wait3A_533] : memref<24x128xi32, #tpu.memory_space<vmem>> -> memref<1x128xi32, #tpu.memory_space<vmem>>
          %dma_wait3A_535 = tpu.memref_squeeze %dma_wait3A_534 : memref<1x128xi32, #tpu.memory_space<vmem>> -> memref<128xi32, #tpu.memory_space<vmem>>
          %dma_wait3A_536 = arith.constant 0 : i32
          %dma_wait3A_537 = arith.constant 0 : i32
          %dma_wait3A_538 = tpu.memref_slice %arg8[%dma_wait3A_536, %dma_wait3A_537] : memref<100352x16xf32, #tpu.memory_space<vmem_shared>> -> memref<100352x16xf32, #tpu.memory_space<vmem_shared>>
          tpu.wait_indirect_dma semaphore(%arg10 : memref<!tpu.dma_semaphore, #tpu.memory_space<semaphore_mem>>) src(%arg6 : memref<128x16xf32, #tpu.memory_space<vmem>>) dst(%dma_wait3A_538 : memref<100352x16xf32, #tpu.memory_space<vmem_shared>>)
          %dma_wait3A_539 = arith.constant 17 : i32
          %dma_wait3A_540 = arith.constant 0 : i32
          %dma_wait3A_541 = tpu.memref_slice %arg5[%dma_wait3A_539, %dma_wait3A_540] : memref<24x128xi32, #tpu.memory_space<vmem>> -> memref<1x128xi32, #tpu.memory_space<vmem>>
          %dma_wait3A_542 = tpu.memref_squeeze %dma_wait3A_541 : memref<1x128xi32, #tpu.memory_space<vmem>> -> memref<128xi32, #tpu.memory_space<vmem>>
          %dma_wait3A_543 = arith.constant 0 : i32
          %dma_wait3A_544 = arith.constant 0 : i32
          %dma_wait3A_545 = tpu.memref_slice %arg8[%dma_wait3A_543, %dma_wait3A_544] : memref<100352x16xf32, #tpu.memory_space<vmem_shared>> -> memref<100352x16xf32, #tpu.memory_space<vmem_shared>>
          tpu.wait_indirect_dma semaphore(%arg10 : memref<!tpu.dma_semaphore, #tpu.memory_space<semaphore_mem>>) src(%arg6 : memref<128x16xf32, #tpu.memory_space<vmem>>) dst(%dma_wait3A_545 : memref<100352x16xf32, #tpu.memory_space<vmem_shared>>)
          %dma_wait3A_546 = arith.constant 18 : i32
          %dma_wait3A_547 = arith.constant 0 : i32
          %dma_wait3A_548 = tpu.memref_slice %arg5[%dma_wait3A_546, %dma_wait3A_547] : memref<24x128xi32, #tpu.memory_space<vmem>> -> memref<1x128xi32, #tpu.memory_space<vmem>>
          %dma_wait3A_549 = tpu.memref_squeeze %dma_wait3A_548 : memref<1x128xi32, #tpu.memory_space<vmem>> -> memref<128xi32, #tpu.memory_space<vmem>>
          %dma_wait3A_550 = arith.constant 0 : i32
          %dma_wait3A_551 = arith.constant 0 : i32
          %dma_wait3A_552 = tpu.memref_slice %arg8[%dma_wait3A_550, %dma_wait3A_551] : memref<100352x16xf32, #tpu.memory_space<vmem_shared>> -> memref<100352x16xf32, #tpu.memory_space<vmem_shared>>
          tpu.wait_indirect_dma semaphore(%arg10 : memref<!tpu.dma_semaphore, #tpu.memory_space<semaphore_mem>>) src(%arg6 : memref<128x16xf32, #tpu.memory_space<vmem>>) dst(%dma_wait3A_552 : memref<100352x16xf32, #tpu.memory_space<vmem_shared>>)
          %dma_wait3A_553 = arith.constant 19 : i32
          %dma_wait3A_554 = arith.constant 0 : i32
          %dma_wait3A_555 = tpu.memref_slice %arg5[%dma_wait3A_553, %dma_wait3A_554] : memref<24x128xi32, #tpu.memory_space<vmem>> -> memref<1x128xi32, #tpu.memory_space<vmem>>
          %dma_wait3A_556 = tpu.memref_squeeze %dma_wait3A_555 : memref<1x128xi32, #tpu.memory_space<vmem>> -> memref<128xi32, #tpu.memory_space<vmem>>
          %dma_wait3A_557 = arith.constant 0 : i32
          %dma_wait3A_558 = arith.constant 0 : i32
          %dma_wait3A_559 = tpu.memref_slice %arg8[%dma_wait3A_557, %dma_wait3A_558] : memref<100352x16xf32, #tpu.memory_space<vmem_shared>> -> memref<100352x16xf32, #tpu.memory_space<vmem_shared>>
          tpu.wait_indirect_dma semaphore(%arg10 : memref<!tpu.dma_semaphore, #tpu.memory_space<semaphore_mem>>) src(%arg6 : memref<128x16xf32, #tpu.memory_space<vmem>>) dst(%dma_wait3A_559 : memref<100352x16xf32, #tpu.memory_space<vmem_shared>>)
          %dma_wait3A_560 = arith.constant 20 : i32
          %dma_wait3A_561 = arith.constant 0 : i32
          %dma_wait3A_562 = tpu.memref_slice %arg5[%dma_wait3A_560, %dma_wait3A_561] : memref<24x128xi32, #tpu.memory_space<vmem>> -> memref<1x128xi32, #tpu.memory_space<vmem>>
          %dma_wait3A_563 = tpu.memref_squeeze %dma_wait3A_562 : memref<1x128xi32, #tpu.memory_space<vmem>> -> memref<128xi32, #tpu.memory_space<vmem>>
          %dma_wait3A_564 = arith.constant 0 : i32
          %dma_wait3A_565 = arith.constant 0 : i32
          %dma_wait3A_566 = tpu.memref_slice %arg8[%dma_wait3A_564, %dma_wait3A_565] : memref<100352x16xf32, #tpu.memory_space<vmem_shared>> -> memref<100352x16xf32, #tpu.memory_space<vmem_shared>>
          tpu.wait_indirect_dma semaphore(%arg10 : memref<!tpu.dma_semaphore, #tpu.memory_space<semaphore_mem>>) src(%arg6 : memref<128x16xf32, #tpu.memory_space<vmem>>) dst(%dma_wait3A_566 : memref<100352x16xf32, #tpu.memory_space<vmem_shared>>)
          %dma_wait3A_567 = arith.constant 21 : i32
          %dma_wait3A_568 = arith.constant 0 : i32
          %dma_wait3A_569 = tpu.memref_slice %arg5[%dma_wait3A_567, %dma_wait3A_568] : memref<24x128xi32, #tpu.memory_space<vmem>> -> memref<1x128xi32, #tpu.memory_space<vmem>>
          %dma_wait3A_570 = tpu.memref_squeeze %dma_wait3A_569 : memref<1x128xi32, #tpu.memory_space<vmem>> -> memref<128xi32, #tpu.memory_space<vmem>>
          %dma_wait3A_571 = arith.constant 0 : i32
          %dma_wait3A_572 = arith.constant 0 : i32
          %dma_wait3A_573 = tpu.memref_slice %arg8[%dma_wait3A_571, %dma_wait3A_572] : memref<100352x16xf32, #tpu.memory_space<vmem_shared>> -> memref<100352x16xf32, #tpu.memory_space<vmem_shared>>
          tpu.wait_indirect_dma semaphore(%arg10 : memref<!tpu.dma_semaphore, #tpu.memory_space<semaphore_mem>>) src(%arg6 : memref<128x16xf32, #tpu.memory_space<vmem>>) dst(%dma_wait3A_573 : memref<100352x16xf32, #tpu.memory_space<vmem_shared>>)
          %dma_wait3A_574 = arith.constant 22 : i32
          %dma_wait3A_575 = arith.constant 0 : i32
          %dma_wait3A_576 = tpu.memref_slice %arg5[%dma_wait3A_574, %dma_wait3A_575] : memref<24x128xi32, #tpu.memory_space<vmem>> -> memref<1x128xi32, #tpu.memory_space<vmem>>
          %dma_wait3A_577 = tpu.memref_squeeze %dma_wait3A_576 : memref<1x128xi32, #tpu.memory_space<vmem>> -> memref<128xi32, #tpu.memory_space<vmem>>
          %dma_wait3A_578 = arith.constant 0 : i32
          %dma_wait3A_579 = arith.constant 0 : i32
          %dma_wait3A_580 = tpu.memref_slice %arg8[%dma_wait3A_578, %dma_wait3A_579] : memref<100352x16xf32, #tpu.memory_space<vmem_shared>> -> memref<100352x16xf32, #tpu.memory_space<vmem_shared>>
          tpu.wait_indirect_dma semaphore(%arg10 : memref<!tpu.dma_semaphore, #tpu.memory_space<semaphore_mem>>) src(%arg6 : memref<128x16xf32, #tpu.memory_space<vmem>>) dst(%dma_wait3A_580 : memref<100352x16xf32, #tpu.memory_space<vmem_shared>>)
          %dma_wait3A_581 = arith.constant 23 : i32
          %dma_wait3A_582 = arith.constant 0 : i32
          %dma_wait3A_583 = tpu.memref_slice %arg5[%dma_wait3A_581, %dma_wait3A_582] : memref<24x128xi32, #tpu.memory_space<vmem>> -> memref<1x128xi32, #tpu.memory_space<vmem>>
          %dma_wait3A_584 = tpu.memref_squeeze %dma_wait3A_583 : memref<1x128xi32, #tpu.memory_space<vmem>> -> memref<128xi32, #tpu.memory_space<vmem>>
          %dma_wait3A_585 = arith.constant 0 : i32
          %dma_wait3A_586 = arith.constant 0 : i32
          %dma_wait3A_587 = tpu.memref_slice %arg8[%dma_wait3A_585, %dma_wait3A_586] : memref<100352x16xf32, #tpu.memory_space<vmem_shared>> -> memref<100352x16xf32, #tpu.memory_space<vmem_shared>>
          tpu.wait_indirect_dma semaphore(%arg10 : memref<!tpu.dma_semaphore, #tpu.memory_space<semaphore_mem>>) src(%arg6 : memref<128x16xf32, #tpu.memory_space<vmem>>) dst(%dma_wait3A_587 : memref<100352x16xf32, #tpu.memory_space<vmem_shared>>)
        } else {
        }
        %add3A_241 = arith.constant 1 : i32
        %add3A_242 = arith.addi %scan3A_203, %add3A_241 : i32
        %lt3A_243 = arith.constant 33 : i32
        %lt3A_244 = arith.cmpi slt, %add3A_242, %lt3A_243 : i32
        %convert_element_type3A_245 = arith.extui %lt3A_244 : i1 to i32
        %cond3A_246 = arith.constant 0 : i32
        %cond3A_247 = arith.cmpi ne, %convert_element_type3A_245, %cond3A_246 : i32
        scf.if %cond3A_247 {
          %add3A_420 = arith.constant 1 : i32
          %add3A_421 = arith.addi %scan3A_203, %add3A_420 : i32
          %mul3A_422 = arith.constant 24 : i32
          %mul3A_423 = arith.muli %add3A_421, %mul3A_422 : i32
          %add3A_424 = arith.addi %mul3A_2, %mul3A_423 : i32
          %dma_start3A_425 = arith.constant 0 : i32
          %dma_start3A_426 = tpu.memref_slice %arg2[%add3A_424, %dma_start3A_425] : memref<25344x128xi32, #tpu.memory_space<hbm>> -> memref<24x128xi32, #tpu.memory_space<hbm>>
          %dma_start3A_427 = arith.constant 0 : i32
          %dma_start3A_428 = tpu.memref_slice %arg2[%add3A_424, %dma_start3A_427] : memref<25344x128xi32, #tpu.memory_space<hbm>> -> memref<24x128xi32, #tpu.memory_space<hbm>>
          tpu.enqueue_dma source(%dma_start3A_428 : memref<24x128xi32, #tpu.memory_space<hbm>>) target(%arg5 : memref<24x128xi32, #tpu.memory_space<vmem>>) target_semaphore(%arg12 : memref<!tpu.dma_semaphore, #tpu.memory_space<semaphore_mem>>)
        } else {
        }
        %dma_wait3A_248 = arith.constant 0 : i32
        %dma_wait3A_249 = tpu.memref_slice %arg2[%mul3A_2, %dma_wait3A_248] : memref<25344x128xi32, #tpu.memory_space<hbm>> -> memref<24x128xi32, #tpu.memory_space<hbm>>
        %dma_wait3A_250 = arith.constant 0 : i32
        %dma_wait3A_251 = tpu.memref_slice %arg2[%mul3A_2, %dma_wait3A_250] : memref<25344x128xi32, #tpu.memory_space<hbm>> -> memref<24x128xi32, #tpu.memory_space<hbm>>
        tpu.wait_dma2 semaphore(%arg11 : memref<!tpu.dma_semaphore, #tpu.memory_space<semaphore_mem>>) src(%dma_wait3A_251 : memref<24x128xi32, #tpu.memory_space<hbm>>) dst(%arg4 : memref<24x128xi32, #tpu.memory_space<vmem>>)
        %dma_start3A_252 = arith.constant 0 : i32
        %dma_start3A_253 = arith.constant 0 : i32
        %dma_start3A_254 = tpu.memref_slice %arg4[%dma_start3A_252, %dma_start3A_253] : memref<24x128xi32, #tpu.memory_space<vmem>> -> memref<1x128xi32, #tpu.memory_space<vmem>>
        %dma_start3A_255 = tpu.memref_squeeze %dma_start3A_254 : memref<1x128xi32, #tpu.memory_space<vmem>> -> memref<128xi32, #tpu.memory_space<vmem>>
        %dma_start3A_256 = arith.constant 0 : i32
        %dma_start3A_257 = arith.constant 0 : i32
        %dma_start3A_258 = tpu.memref_slice %arg8[%dma_start3A_256, %dma_start3A_257] : memref<100352x16xf32, #tpu.memory_space<vmem_shared>> -> memref<100352x16xf32, #tpu.memory_space<vmem_shared>>
        tpu.enqueue_indirect_dma source(%arg6 : memref<128x16xf32, #tpu.memory_space<vmem>>) target(%dma_start3A_258 : memref<100352x16xf32, #tpu.memory_space<vmem_shared>>) offsets(%dma_start3A_255 : memref<128xi32, #tpu.memory_space<vmem>>) semaphore(%arg9 : memref<!tpu.dma_semaphore, #tpu.memory_space<semaphore_mem>>) {add = true}
        %dma_start3A_259 = arith.constant 1 : i32
        %dma_start3A_260 = arith.constant 0 : i32
        %dma_start3A_261 = tpu.memref_slice %arg4[%dma_start3A_259, %dma_start3A_260] : memref<24x128xi32, #tpu.memory_space<vmem>> -> memref<1x128xi32, #tpu.memory_space<vmem>>
        %dma_start3A_262 = tpu.memref_squeeze %dma_start3A_261 : memref<1x128xi32, #tpu.memory_space<vmem>> -> memref<128xi32, #tpu.memory_space<vmem>>
        %dma_start3A_263 = arith.constant 0 : i32
        %dma_start3A_264 = arith.constant 0 : i32
        %dma_start3A_265 = tpu.memref_slice %arg8[%dma_start3A_263, %dma_start3A_264] : memref<100352x16xf32, #tpu.memory_space<vmem_shared>> -> memref<100352x16xf32, #tpu.memory_space<vmem_shared>>
        tpu.enqueue_indirect_dma source(%arg6 : memref<128x16xf32, #tpu.memory_space<vmem>>) target(%dma_start3A_265 : memref<100352x16xf32, #tpu.memory_space<vmem_shared>>) offsets(%dma_start3A_262 : memref<128xi32, #tpu.memory_space<vmem>>) semaphore(%arg9 : memref<!tpu.dma_semaphore, #tpu.memory_space<semaphore_mem>>) {add = true}
        %dma_start3A_266 = arith.constant 2 : i32
        %dma_start3A_267 = arith.constant 0 : i32
        %dma_start3A_268 = tpu.memref_slice %arg4[%dma_start3A_266, %dma_start3A_267] : memref<24x128xi32, #tpu.memory_space<vmem>> -> memref<1x128xi32, #tpu.memory_space<vmem>>
        %dma_start3A_269 = tpu.memref_squeeze %dma_start3A_268 : memref<1x128xi32, #tpu.memory_space<vmem>> -> memref<128xi32, #tpu.memory_space<vmem>>
        %dma_start3A_270 = arith.constant 0 : i32
        %dma_start3A_271 = arith.constant 0 : i32
        %dma_start3A_272 = tpu.memref_slice %arg8[%dma_start3A_270, %dma_start3A_271] : memref<100352x16xf32, #tpu.memory_space<vmem_shared>> -> memref<100352x16xf32, #tpu.memory_space<vmem_shared>>
        tpu.enqueue_indirect_dma source(%arg6 : memref<128x16xf32, #tpu.memory_space<vmem>>) target(%dma_start3A_272 : memref<100352x16xf32, #tpu.memory_space<vmem_shared>>) offsets(%dma_start3A_269 : memref<128xi32, #tpu.memory_space<vmem>>) semaphore(%arg9 : memref<!tpu.dma_semaphore, #tpu.memory_space<semaphore_mem>>) {add = true}
        %dma_start3A_273 = arith.constant 3 : i32
        %dma_start3A_274 = arith.constant 0 : i32
        %dma_start3A_275 = tpu.memref_slice %arg4[%dma_start3A_273, %dma_start3A_274] : memref<24x128xi32, #tpu.memory_space<vmem>> -> memref<1x128xi32, #tpu.memory_space<vmem>>
        %dma_start3A_276 = tpu.memref_squeeze %dma_start3A_275 : memref<1x128xi32, #tpu.memory_space<vmem>> -> memref<128xi32, #tpu.memory_space<vmem>>
        %dma_start3A_277 = arith.constant 0 : i32
        %dma_start3A_278 = arith.constant 0 : i32
        %dma_start3A_279 = tpu.memref_slice %arg8[%dma_start3A_277, %dma_start3A_278] : memref<100352x16xf32, #tpu.memory_space<vmem_shared>> -> memref<100352x16xf32, #tpu.memory_space<vmem_shared>>
        tpu.enqueue_indirect_dma source(%arg6 : memref<128x16xf32, #tpu.memory_space<vmem>>) target(%dma_start3A_279 : memref<100352x16xf32, #tpu.memory_space<vmem_shared>>) offsets(%dma_start3A_276 : memref<128xi32, #tpu.memory_space<vmem>>) semaphore(%arg9 : memref<!tpu.dma_semaphore, #tpu.memory_space<semaphore_mem>>) {add = true}
        %dma_start3A_280 = arith.constant 4 : i32
        %dma_start3A_281 = arith.constant 0 : i32
        %dma_start3A_282 = tpu.memref_slice %arg4[%dma_start3A_280, %dma_start3A_281] : memref<24x128xi32, #tpu.memory_space<vmem>> -> memref<1x128xi32, #tpu.memory_space<vmem>>
        %dma_start3A_283 = tpu.memref_squeeze %dma_start3A_282 : memref<1x128xi32, #tpu.memory_space<vmem>> -> memref<128xi32, #tpu.memory_space<vmem>>
        %dma_start3A_284 = arith.constant 0 : i32
        %dma_start3A_285 = arith.constant 0 : i32
        %dma_start3A_286 = tpu.memref_slice %arg8[%dma_start3A_284, %dma_start3A_285] : memref<100352x16xf32, #tpu.memory_space<vmem_shared>> -> memref<100352x16xf32, #tpu.memory_space<vmem_shared>>
        tpu.enqueue_indirect_dma source(%arg6 : memref<128x16xf32, #tpu.memory_space<vmem>>) target(%dma_start3A_286 : memref<100352x16xf32, #tpu.memory_space<vmem_shared>>) offsets(%dma_start3A_283 : memref<128xi32, #tpu.memory_space<vmem>>) semaphore(%arg9 : memref<!tpu.dma_semaphore, #tpu.memory_space<semaphore_mem>>) {add = true}
        %dma_start3A_287 = arith.constant 5 : i32
        %dma_start3A_288 = arith.constant 0 : i32
        %dma_start3A_289 = tpu.memref_slice %arg4[%dma_start3A_287, %dma_start3A_288] : memref<24x128xi32, #tpu.memory_space<vmem>> -> memref<1x128xi32, #tpu.memory_space<vmem>>
        %dma_start3A_290 = tpu.memref_squeeze %dma_start3A_289 : memref<1x128xi32, #tpu.memory_space<vmem>> -> memref<128xi32, #tpu.memory_space<vmem>>
        %dma_start3A_291 = arith.constant 0 : i32
        %dma_start3A_292 = arith.constant 0 : i32
        %dma_start3A_293 = tpu.memref_slice %arg8[%dma_start3A_291, %dma_start3A_292] : memref<100352x16xf32, #tpu.memory_space<vmem_shared>> -> memref<100352x16xf32, #tpu.memory_space<vmem_shared>>
        tpu.enqueue_indirect_dma source(%arg6 : memref<128x16xf32, #tpu.memory_space<vmem>>) target(%dma_start3A_293 : memref<100352x16xf32, #tpu.memory_space<vmem_shared>>) offsets(%dma_start3A_290 : memref<128xi32, #tpu.memory_space<vmem>>) semaphore(%arg9 : memref<!tpu.dma_semaphore, #tpu.memory_space<semaphore_mem>>) {add = true}
        %dma_start3A_294 = arith.constant 6 : i32
        %dma_start3A_295 = arith.constant 0 : i32
        %dma_start3A_296 = tpu.memref_slice %arg4[%dma_start3A_294, %dma_start3A_295] : memref<24x128xi32, #tpu.memory_space<vmem>> -> memref<1x128xi32, #tpu.memory_space<vmem>>
        %dma_start3A_297 = tpu.memref_squeeze %dma_start3A_296 : memref<1x128xi32, #tpu.memory_space<vmem>> -> memref<128xi32, #tpu.memory_space<vmem>>
        %dma_start3A_298 = arith.constant 0 : i32
        %dma_start3A_299 = arith.constant 0 : i32
        %dma_start3A_300 = tpu.memref_slice %arg8[%dma_start3A_298, %dma_start3A_299] : memref<100352x16xf32, #tpu.memory_space<vmem_shared>> -> memref<100352x16xf32, #tpu.memory_space<vmem_shared>>
        tpu.enqueue_indirect_dma source(%arg6 : memref<128x16xf32, #tpu.memory_space<vmem>>) target(%dma_start3A_300 : memref<100352x16xf32, #tpu.memory_space<vmem_shared>>) offsets(%dma_start3A_297 : memref<128xi32, #tpu.memory_space<vmem>>) semaphore(%arg9 : memref<!tpu.dma_semaphore, #tpu.memory_space<semaphore_mem>>) {add = true}
        %dma_start3A_301 = arith.constant 7 : i32
        %dma_start3A_302 = arith.constant 0 : i32
        %dma_start3A_303 = tpu.memref_slice %arg4[%dma_start3A_301, %dma_start3A_302] : memref<24x128xi32, #tpu.memory_space<vmem>> -> memref<1x128xi32, #tpu.memory_space<vmem>>
        %dma_start3A_304 = tpu.memref_squeeze %dma_start3A_303 : memref<1x128xi32, #tpu.memory_space<vmem>> -> memref<128xi32, #tpu.memory_space<vmem>>
        %dma_start3A_305 = arith.constant 0 : i32
        %dma_start3A_306 = arith.constant 0 : i32
        %dma_start3A_307 = tpu.memref_slice %arg8[%dma_start3A_305, %dma_start3A_306] : memref<100352x16xf32, #tpu.memory_space<vmem_shared>> -> memref<100352x16xf32, #tpu.memory_space<vmem_shared>>
        tpu.enqueue_indirect_dma source(%arg6 : memref<128x16xf32, #tpu.memory_space<vmem>>) target(%dma_start3A_307 : memref<100352x16xf32, #tpu.memory_space<vmem_shared>>) offsets(%dma_start3A_304 : memref<128xi32, #tpu.memory_space<vmem>>) semaphore(%arg9 : memref<!tpu.dma_semaphore, #tpu.memory_space<semaphore_mem>>) {add = true}
        %dma_start3A_308 = arith.constant 8 : i32
        %dma_start3A_309 = arith.constant 0 : i32
        %dma_start3A_310 = tpu.memref_slice %arg4[%dma_start3A_308, %dma_start3A_309] : memref<24x128xi32, #tpu.memory_space<vmem>> -> memref<1x128xi32, #tpu.memory_space<vmem>>
        %dma_start3A_311 = tpu.memref_squeeze %dma_start3A_310 : memref<1x128xi32, #tpu.memory_space<vmem>> -> memref<128xi32, #tpu.memory_space<vmem>>
        %dma_start3A_312 = arith.constant 0 : i32
        %dma_start3A_313 = arith.constant 0 : i32
        %dma_start3A_314 = tpu.memref_slice %arg8[%dma_start3A_312, %dma_start3A_313] : memref<100352x16xf32, #tpu.memory_space<vmem_shared>> -> memref<100352x16xf32, #tpu.memory_space<vmem_shared>>
        tpu.enqueue_indirect_dma source(%arg6 : memref<128x16xf32, #tpu.memory_space<vmem>>) target(%dma_start3A_314 : memref<100352x16xf32, #tpu.memory_space<vmem_shared>>) offsets(%dma_start3A_311 : memref<128xi32, #tpu.memory_space<vmem>>) semaphore(%arg9 : memref<!tpu.dma_semaphore, #tpu.memory_space<semaphore_mem>>) {add = true}
        %dma_start3A_315 = arith.constant 9 : i32
        %dma_start3A_316 = arith.constant 0 : i32
        %dma_start3A_317 = tpu.memref_slice %arg4[%dma_start3A_315, %dma_start3A_316] : memref<24x128xi32, #tpu.memory_space<vmem>> -> memref<1x128xi32, #tpu.memory_space<vmem>>
        %dma_start3A_318 = tpu.memref_squeeze %dma_start3A_317 : memref<1x128xi32, #tpu.memory_space<vmem>> -> memref<128xi32, #tpu.memory_space<vmem>>
        %dma_start3A_319 = arith.constant 0 : i32
        %dma_start3A_320 = arith.constant 0 : i32
        %dma_start3A_321 = tpu.memref_slice %arg8[%dma_start3A_319, %dma_start3A_320] : memref<100352x16xf32, #tpu.memory_space<vmem_shared>> -> memref<100352x16xf32, #tpu.memory_space<vmem_shared>>
        tpu.enqueue_indirect_dma source(%arg6 : memref<128x16xf32, #tpu.memory_space<vmem>>) target(%dma_start3A_321 : memref<100352x16xf32, #tpu.memory_space<vmem_shared>>) offsets(%dma_start3A_318 : memref<128xi32, #tpu.memory_space<vmem>>) semaphore(%arg9 : memref<!tpu.dma_semaphore, #tpu.memory_space<semaphore_mem>>) {add = true}
        %dma_start3A_322 = arith.constant 10 : i32
        %dma_start3A_323 = arith.constant 0 : i32
        %dma_start3A_324 = tpu.memref_slice %arg4[%dma_start3A_322, %dma_start3A_323] : memref<24x128xi32, #tpu.memory_space<vmem>> -> memref<1x128xi32, #tpu.memory_space<vmem>>
        %dma_start3A_325 = tpu.memref_squeeze %dma_start3A_324 : memref<1x128xi32, #tpu.memory_space<vmem>> -> memref<128xi32, #tpu.memory_space<vmem>>
        %dma_start3A_326 = arith.constant 0 : i32
        %dma_start3A_327 = arith.constant 0 : i32
        %dma_start3A_328 = tpu.memref_slice %arg8[%dma_start3A_326, %dma_start3A_327] : memref<100352x16xf32, #tpu.memory_space<vmem_shared>> -> memref<100352x16xf32, #tpu.memory_space<vmem_shared>>
        tpu.enqueue_indirect_dma source(%arg6 : memref<128x16xf32, #tpu.memory_space<vmem>>) target(%dma_start3A_328 : memref<100352x16xf32, #tpu.memory_space<vmem_shared>>) offsets(%dma_start3A_325 : memref<128xi32, #tpu.memory_space<vmem>>) semaphore(%arg9 : memref<!tpu.dma_semaphore, #tpu.memory_space<semaphore_mem>>) {add = true}
        %dma_start3A_329 = arith.constant 11 : i32
        %dma_start3A_330 = arith.constant 0 : i32
        %dma_start3A_331 = tpu.memref_slice %arg4[%dma_start3A_329, %dma_start3A_330] : memref<24x128xi32, #tpu.memory_space<vmem>> -> memref<1x128xi32, #tpu.memory_space<vmem>>
        %dma_start3A_332 = tpu.memref_squeeze %dma_start3A_331 : memref<1x128xi32, #tpu.memory_space<vmem>> -> memref<128xi32, #tpu.memory_space<vmem>>
        %dma_start3A_333 = arith.constant 0 : i32
        %dma_start3A_334 = arith.constant 0 : i32
        %dma_start3A_335 = tpu.memref_slice %arg8[%dma_start3A_333, %dma_start3A_334] : memref<100352x16xf32, #tpu.memory_space<vmem_shared>> -> memref<100352x16xf32, #tpu.memory_space<vmem_shared>>
        tpu.enqueue_indirect_dma source(%arg6 : memref<128x16xf32, #tpu.memory_space<vmem>>) target(%dma_start3A_335 : memref<100352x16xf32, #tpu.memory_space<vmem_shared>>) offsets(%dma_start3A_332 : memref<128xi32, #tpu.memory_space<vmem>>) semaphore(%arg9 : memref<!tpu.dma_semaphore, #tpu.memory_space<semaphore_mem>>) {add = true}
        %dma_start3A_336 = arith.constant 12 : i32
        %dma_start3A_337 = arith.constant 0 : i32
        %dma_start3A_338 = tpu.memref_slice %arg4[%dma_start3A_336, %dma_start3A_337] : memref<24x128xi32, #tpu.memory_space<vmem>> -> memref<1x128xi32, #tpu.memory_space<vmem>>
        %dma_start3A_339 = tpu.memref_squeeze %dma_start3A_338 : memref<1x128xi32, #tpu.memory_space<vmem>> -> memref<128xi32, #tpu.memory_space<vmem>>
        %dma_start3A_340 = arith.constant 0 : i32
        %dma_start3A_341 = arith.constant 0 : i32
        %dma_start3A_342 = tpu.memref_slice %arg8[%dma_start3A_340, %dma_start3A_341] : memref<100352x16xf32, #tpu.memory_space<vmem_shared>> -> memref<100352x16xf32, #tpu.memory_space<vmem_shared>>
        tpu.enqueue_indirect_dma source(%arg6 : memref<128x16xf32, #tpu.memory_space<vmem>>) target(%dma_start3A_342 : memref<100352x16xf32, #tpu.memory_space<vmem_shared>>) offsets(%dma_start3A_339 : memref<128xi32, #tpu.memory_space<vmem>>) semaphore(%arg9 : memref<!tpu.dma_semaphore, #tpu.memory_space<semaphore_mem>>) {add = true}
        %dma_start3A_343 = arith.constant 13 : i32
        %dma_start3A_344 = arith.constant 0 : i32
        %dma_start3A_345 = tpu.memref_slice %arg4[%dma_start3A_343, %dma_start3A_344] : memref<24x128xi32, #tpu.memory_space<vmem>> -> memref<1x128xi32, #tpu.memory_space<vmem>>
        %dma_start3A_346 = tpu.memref_squeeze %dma_start3A_345 : memref<1x128xi32, #tpu.memory_space<vmem>> -> memref<128xi32, #tpu.memory_space<vmem>>
        %dma_start3A_347 = arith.constant 0 : i32
        %dma_start3A_348 = arith.constant 0 : i32
        %dma_start3A_349 = tpu.memref_slice %arg8[%dma_start3A_347, %dma_start3A_348] : memref<100352x16xf32, #tpu.memory_space<vmem_shared>> -> memref<100352x16xf32, #tpu.memory_space<vmem_shared>>
        tpu.enqueue_indirect_dma source(%arg6 : memref<128x16xf32, #tpu.memory_space<vmem>>) target(%dma_start3A_349 : memref<100352x16xf32, #tpu.memory_space<vmem_shared>>) offsets(%dma_start3A_346 : memref<128xi32, #tpu.memory_space<vmem>>) semaphore(%arg9 : memref<!tpu.dma_semaphore, #tpu.memory_space<semaphore_mem>>) {add = true}
        %dma_start3A_350 = arith.constant 14 : i32
        %dma_start3A_351 = arith.constant 0 : i32
        %dma_start3A_352 = tpu.memref_slice %arg4[%dma_start3A_350, %dma_start3A_351] : memref<24x128xi32, #tpu.memory_space<vmem>> -> memref<1x128xi32, #tpu.memory_space<vmem>>
        %dma_start3A_353 = tpu.memref_squeeze %dma_start3A_352 : memref<1x128xi32, #tpu.memory_space<vmem>> -> memref<128xi32, #tpu.memory_space<vmem>>
        %dma_start3A_354 = arith.constant 0 : i32
        %dma_start3A_355 = arith.constant 0 : i32
        %dma_start3A_356 = tpu.memref_slice %arg8[%dma_start3A_354, %dma_start3A_355] : memref<100352x16xf32, #tpu.memory_space<vmem_shared>> -> memref<100352x16xf32, #tpu.memory_space<vmem_shared>>
        tpu.enqueue_indirect_dma source(%arg6 : memref<128x16xf32, #tpu.memory_space<vmem>>) target(%dma_start3A_356 : memref<100352x16xf32, #tpu.memory_space<vmem_shared>>) offsets(%dma_start3A_353 : memref<128xi32, #tpu.memory_space<vmem>>) semaphore(%arg9 : memref<!tpu.dma_semaphore, #tpu.memory_space<semaphore_mem>>) {add = true}
        %dma_start3A_357 = arith.constant 15 : i32
        %dma_start3A_358 = arith.constant 0 : i32
        %dma_start3A_359 = tpu.memref_slice %arg4[%dma_start3A_357, %dma_start3A_358] : memref<24x128xi32, #tpu.memory_space<vmem>> -> memref<1x128xi32, #tpu.memory_space<vmem>>
        %dma_start3A_360 = tpu.memref_squeeze %dma_start3A_359 : memref<1x128xi32, #tpu.memory_space<vmem>> -> memref<128xi32, #tpu.memory_space<vmem>>
        %dma_start3A_361 = arith.constant 0 : i32
        %dma_start3A_362 = arith.constant 0 : i32
        %dma_start3A_363 = tpu.memref_slice %arg8[%dma_start3A_361, %dma_start3A_362] : memref<100352x16xf32, #tpu.memory_space<vmem_shared>> -> memref<100352x16xf32, #tpu.memory_space<vmem_shared>>
        tpu.enqueue_indirect_dma source(%arg6 : memref<128x16xf32, #tpu.memory_space<vmem>>) target(%dma_start3A_363 : memref<100352x16xf32, #tpu.memory_space<vmem_shared>>) offsets(%dma_start3A_360 : memref<128xi32, #tpu.memory_space<vmem>>) semaphore(%arg9 : memref<!tpu.dma_semaphore, #tpu.memory_space<semaphore_mem>>) {add = true}
        %dma_start3A_364 = arith.constant 16 : i32
        %dma_start3A_365 = arith.constant 0 : i32
        %dma_start3A_366 = tpu.memref_slice %arg4[%dma_start3A_364, %dma_start3A_365] : memref<24x128xi32, #tpu.memory_space<vmem>> -> memref<1x128xi32, #tpu.memory_space<vmem>>
        %dma_start3A_367 = tpu.memref_squeeze %dma_start3A_366 : memref<1x128xi32, #tpu.memory_space<vmem>> -> memref<128xi32, #tpu.memory_space<vmem>>
        %dma_start3A_368 = arith.constant 0 : i32
        %dma_start3A_369 = arith.constant 0 : i32
        %dma_start3A_370 = tpu.memref_slice %arg8[%dma_start3A_368, %dma_start3A_369] : memref<100352x16xf32, #tpu.memory_space<vmem_shared>> -> memref<100352x16xf32, #tpu.memory_space<vmem_shared>>
        tpu.enqueue_indirect_dma source(%arg6 : memref<128x16xf32, #tpu.memory_space<vmem>>) target(%dma_start3A_370 : memref<100352x16xf32, #tpu.memory_space<vmem_shared>>) offsets(%dma_start3A_367 : memref<128xi32, #tpu.memory_space<vmem>>) semaphore(%arg9 : memref<!tpu.dma_semaphore, #tpu.memory_space<semaphore_mem>>) {add = true}
        %dma_start3A_371 = arith.constant 17 : i32
        %dma_start3A_372 = arith.constant 0 : i32
        %dma_start3A_373 = tpu.memref_slice %arg4[%dma_start3A_371, %dma_start3A_372] : memref<24x128xi32, #tpu.memory_space<vmem>> -> memref<1x128xi32, #tpu.memory_space<vmem>>
        %dma_start3A_374 = tpu.memref_squeeze %dma_start3A_373 : memref<1x128xi32, #tpu.memory_space<vmem>> -> memref<128xi32, #tpu.memory_space<vmem>>
        %dma_start3A_375 = arith.constant 0 : i32
        %dma_start3A_376 = arith.constant 0 : i32
        %dma_start3A_377 = tpu.memref_slice %arg8[%dma_start3A_375, %dma_start3A_376] : memref<100352x16xf32, #tpu.memory_space<vmem_shared>> -> memref<100352x16xf32, #tpu.memory_space<vmem_shared>>
        tpu.enqueue_indirect_dma source(%arg6 : memref<128x16xf32, #tpu.memory_space<vmem>>) target(%dma_start3A_377 : memref<100352x16xf32, #tpu.memory_space<vmem_shared>>) offsets(%dma_start3A_374 : memref<128xi32, #tpu.memory_space<vmem>>) semaphore(%arg9 : memref<!tpu.dma_semaphore, #tpu.memory_space<semaphore_mem>>) {add = true}
        %dma_start3A_378 = arith.constant 18 : i32
        %dma_start3A_379 = arith.constant 0 : i32
        %dma_start3A_380 = tpu.memref_slice %arg4[%dma_start3A_378, %dma_start3A_379] : memref<24x128xi32, #tpu.memory_space<vmem>> -> memref<1x128xi32, #tpu.memory_space<vmem>>
        %dma_start3A_381 = tpu.memref_squeeze %dma_start3A_380 : memref<1x128xi32, #tpu.memory_space<vmem>> -> memref<128xi32, #tpu.memory_space<vmem>>
        %dma_start3A_382 = arith.constant 0 : i32
        %dma_start3A_383 = arith.constant 0 : i32
        %dma_start3A_384 = tpu.memref_slice %arg8[%dma_start3A_382, %dma_start3A_383] : memref<100352x16xf32, #tpu.memory_space<vmem_shared>> -> memref<100352x16xf32, #tpu.memory_space<vmem_shared>>
        tpu.enqueue_indirect_dma source(%arg6 : memref<128x16xf32, #tpu.memory_space<vmem>>) target(%dma_start3A_384 : memref<100352x16xf32, #tpu.memory_space<vmem_shared>>) offsets(%dma_start3A_381 : memref<128xi32, #tpu.memory_space<vmem>>) semaphore(%arg9 : memref<!tpu.dma_semaphore, #tpu.memory_space<semaphore_mem>>) {add = true}
        %dma_start3A_385 = arith.constant 19 : i32
        %dma_start3A_386 = arith.constant 0 : i32
        %dma_start3A_387 = tpu.memref_slice %arg4[%dma_start3A_385, %dma_start3A_386] : memref<24x128xi32, #tpu.memory_space<vmem>> -> memref<1x128xi32, #tpu.memory_space<vmem>>
        %dma_start3A_388 = tpu.memref_squeeze %dma_start3A_387 : memref<1x128xi32, #tpu.memory_space<vmem>> -> memref<128xi32, #tpu.memory_space<vmem>>
        %dma_start3A_389 = arith.constant 0 : i32
        %dma_start3A_390 = arith.constant 0 : i32
        %dma_start3A_391 = tpu.memref_slice %arg8[%dma_start3A_389, %dma_start3A_390] : memref<100352x16xf32, #tpu.memory_space<vmem_shared>> -> memref<100352x16xf32, #tpu.memory_space<vmem_shared>>
        tpu.enqueue_indirect_dma source(%arg6 : memref<128x16xf32, #tpu.memory_space<vmem>>) target(%dma_start3A_391 : memref<100352x16xf32, #tpu.memory_space<vmem_shared>>) offsets(%dma_start3A_388 : memref<128xi32, #tpu.memory_space<vmem>>) semaphore(%arg9 : memref<!tpu.dma_semaphore, #tpu.memory_space<semaphore_mem>>) {add = true}
        %dma_start3A_392 = arith.constant 20 : i32
        %dma_start3A_393 = arith.constant 0 : i32
        %dma_start3A_394 = tpu.memref_slice %arg4[%dma_start3A_392, %dma_start3A_393] : memref<24x128xi32, #tpu.memory_space<vmem>> -> memref<1x128xi32, #tpu.memory_space<vmem>>
        %dma_start3A_395 = tpu.memref_squeeze %dma_start3A_394 : memref<1x128xi32, #tpu.memory_space<vmem>> -> memref<128xi32, #tpu.memory_space<vmem>>
        %dma_start3A_396 = arith.constant 0 : i32
        %dma_start3A_397 = arith.constant 0 : i32
        %dma_start3A_398 = tpu.memref_slice %arg8[%dma_start3A_396, %dma_start3A_397] : memref<100352x16xf32, #tpu.memory_space<vmem_shared>> -> memref<100352x16xf32, #tpu.memory_space<vmem_shared>>
        tpu.enqueue_indirect_dma source(%arg6 : memref<128x16xf32, #tpu.memory_space<vmem>>) target(%dma_start3A_398 : memref<100352x16xf32, #tpu.memory_space<vmem_shared>>) offsets(%dma_start3A_395 : memref<128xi32, #tpu.memory_space<vmem>>) semaphore(%arg9 : memref<!tpu.dma_semaphore, #tpu.memory_space<semaphore_mem>>) {add = true}
        %dma_start3A_399 = arith.constant 21 : i32
        %dma_start3A_400 = arith.constant 0 : i32
        %dma_start3A_401 = tpu.memref_slice %arg4[%dma_start3A_399, %dma_start3A_400] : memref<24x128xi32, #tpu.memory_space<vmem>> -> memref<1x128xi32, #tpu.memory_space<vmem>>
        %dma_start3A_402 = tpu.memref_squeeze %dma_start3A_401 : memref<1x128xi32, #tpu.memory_space<vmem>> -> memref<128xi32, #tpu.memory_space<vmem>>
        %dma_start3A_403 = arith.constant 0 : i32
        %dma_start3A_404 = arith.constant 0 : i32
        %dma_start3A_405 = tpu.memref_slice %arg8[%dma_start3A_403, %dma_start3A_404] : memref<100352x16xf32, #tpu.memory_space<vmem_shared>> -> memref<100352x16xf32, #tpu.memory_space<vmem_shared>>
        tpu.enqueue_indirect_dma source(%arg6 : memref<128x16xf32, #tpu.memory_space<vmem>>) target(%dma_start3A_405 : memref<100352x16xf32, #tpu.memory_space<vmem_shared>>) offsets(%dma_start3A_402 : memref<128xi32, #tpu.memory_space<vmem>>) semaphore(%arg9 : memref<!tpu.dma_semaphore, #tpu.memory_space<semaphore_mem>>) {add = true}
        %dma_start3A_406 = arith.constant 22 : i32
        %dma_start3A_407 = arith.constant 0 : i32
        %dma_start3A_408 = tpu.memref_slice %arg4[%dma_start3A_406, %dma_start3A_407] : memref<24x128xi32, #tpu.memory_space<vmem>> -> memref<1x128xi32, #tpu.memory_space<vmem>>
        %dma_start3A_409 = tpu.memref_squeeze %dma_start3A_408 : memref<1x128xi32, #tpu.memory_space<vmem>> -> memref<128xi32, #tpu.memory_space<vmem>>
        %dma_start3A_410 = arith.constant 0 : i32
        %dma_start3A_411 = arith.constant 0 : i32
        %dma_start3A_412 = tpu.memref_slice %arg8[%dma_start3A_410, %dma_start3A_411] : memref<100352x16xf32, #tpu.memory_space<vmem_shared>> -> memref<100352x16xf32, #tpu.memory_space<vmem_shared>>
        tpu.enqueue_indirect_dma source(%arg6 : memref<128x16xf32, #tpu.memory_space<vmem>>) target(%dma_start3A_412 : memref<100352x16xf32, #tpu.memory_space<vmem_shared>>) offsets(%dma_start3A_409 : memref<128xi32, #tpu.memory_space<vmem>>) semaphore(%arg9 : memref<!tpu.dma_semaphore, #tpu.memory_space<semaphore_mem>>) {add = true}
        %dma_start3A_413 = arith.constant 23 : i32
        %dma_start3A_414 = arith.constant 0 : i32
        %dma_start3A_415 = tpu.memref_slice %arg4[%dma_start3A_413, %dma_start3A_414] : memref<24x128xi32, #tpu.memory_space<vmem>> -> memref<1x128xi32, #tpu.memory_space<vmem>>
        %dma_start3A_416 = tpu.memref_squeeze %dma_start3A_415 : memref<1x128xi32, #tpu.memory_space<vmem>> -> memref<128xi32, #tpu.memory_space<vmem>>
        %dma_start3A_417 = arith.constant 0 : i32
        %dma_start3A_418 = arith.constant 0 : i32
        %dma_start3A_419 = tpu.memref_slice %arg8[%dma_start3A_417, %dma_start3A_418] : memref<100352x16xf32, #tpu.memory_space<vmem_shared>> -> memref<100352x16xf32, #tpu.memory_space<vmem_shared>>
        tpu.enqueue_indirect_dma source(%arg6 : memref<128x16xf32, #tpu.memory_space<vmem>>) target(%dma_start3A_419 : memref<100352x16xf32, #tpu.memory_space<vmem_shared>>) offsets(%dma_start3A_416 : memref<128xi32, #tpu.memory_space<vmem>>) semaphore(%arg9 : memref<!tpu.dma_semaphore, #tpu.memory_space<semaphore_mem>>) {add = true}
      } else {
      }
      %jit3A_216 = arith.constant 2 : i32
      %eq3A_217 = arith.constant 0 : i32
      %eq3A_218 = arith.cmpi eq, %jit3A_216, %eq3A_217 : i32
      %jit3A_219 = arith.constant 1 : i32
      %select_n3A_220 = arith.select %eq3A_218, %jit3A_219, %jit3A_216 : i32
      %rem3A_221 = arith.remsi %scan3A_203, %select_n3A_220 : i32
      %ne3A_222 = arith.constant 0 : i32
      %ne3A_223 = arith.cmpi ne, %rem3A_221, %ne3A_222 : i32
      %lt3A_224 = arith.constant 0 : i32
      %lt3A_225 = arith.cmpi slt, %rem3A_221, %lt3A_224 : i32
      %lt3A_226 = arith.constant 0 : i32
      %lt3A_227 = arith.cmpi slt, %select_n3A_220, %lt3A_226 : i32
      %ne3A_228 = arith.xori %lt3A_225, %lt3A_227 : i1
      %and3A_229 = arith.andi %ne3A_228, %ne3A_223 : i1
      %add3A_230 = arith.addi %rem3A_221, %select_n3A_220 : i32
      %select_n3A_231 = arith.select %and3A_229, %add3A_230, %rem3A_221 : i32
      %eq3A_232 = arith.constant 1 : i32
      %eq3A_233 = arith.cmpi eq, %select_n3A_231, %eq3A_232 : i32
      %convert_element_type3A_234 = arith.extui %eq3A_233 : i1 to i32
      %cond3A_235 = arith.constant 0 : i32
      %cond3A_236 = arith.cmpi ne, %convert_element_type3A_234, %cond3A_235 : i32
      scf.if %cond3A_236 {
        %ge3A = arith.constant 1 : i32
        %ge3A_237 = arith.cmpi sge, %scan3A_203, %ge3A : i32
        %convert_element_type3A_238 = arith.extui %ge3A_237 : i1 to i32
        %cond3A_239 = arith.constant 0 : i32
        %cond3A_240 = arith.cmpi ne, %convert_element_type3A_238, %cond3A_239 : i32
        scf.if %cond3A_240 {
          %dma_wait3A_420 = arith.constant 0 : i32
          %dma_wait3A_421 = arith.constant 0 : i32
          %dma_wait3A_422 = tpu.memref_slice %arg4[%dma_wait3A_420, %dma_wait3A_421] : memref<24x128xi32, #tpu.memory_space<vmem>> -> memref<1x128xi32, #tpu.memory_space<vmem>>
          %dma_wait3A_423 = tpu.memref_squeeze %dma_wait3A_422 : memref<1x128xi32, #tpu.memory_space<vmem>> -> memref<128xi32, #tpu.memory_space<vmem>>
          %dma_wait3A_424 = arith.constant 0 : i32
          %dma_wait3A_425 = arith.constant 0 : i32
          %dma_wait3A_426 = tpu.memref_slice %arg8[%dma_wait3A_424, %dma_wait3A_425] : memref<100352x16xf32, #tpu.memory_space<vmem_shared>> -> memref<100352x16xf32, #tpu.memory_space<vmem_shared>>
          tpu.wait_indirect_dma semaphore(%arg9 : memref<!tpu.dma_semaphore, #tpu.memory_space<semaphore_mem>>) src(%arg6 : memref<128x16xf32, #tpu.memory_space<vmem>>) dst(%dma_wait3A_426 : memref<100352x16xf32, #tpu.memory_space<vmem_shared>>)
          %dma_wait3A_427 = arith.constant 1 : i32
          %dma_wait3A_428 = arith.constant 0 : i32
          %dma_wait3A_429 = tpu.memref_slice %arg4[%dma_wait3A_427, %dma_wait3A_428] : memref<24x128xi32, #tpu.memory_space<vmem>> -> memref<1x128xi32, #tpu.memory_space<vmem>>
          %dma_wait3A_430 = tpu.memref_squeeze %dma_wait3A_429 : memref<1x128xi32, #tpu.memory_space<vmem>> -> memref<128xi32, #tpu.memory_space<vmem>>
          %dma_wait3A_431 = arith.constant 0 : i32
          %dma_wait3A_432 = arith.constant 0 : i32
          %dma_wait3A_433 = tpu.memref_slice %arg8[%dma_wait3A_431, %dma_wait3A_432] : memref<100352x16xf32, #tpu.memory_space<vmem_shared>> -> memref<100352x16xf32, #tpu.memory_space<vmem_shared>>
          tpu.wait_indirect_dma semaphore(%arg9 : memref<!tpu.dma_semaphore, #tpu.memory_space<semaphore_mem>>) src(%arg6 : memref<128x16xf32, #tpu.memory_space<vmem>>) dst(%dma_wait3A_433 : memref<100352x16xf32, #tpu.memory_space<vmem_shared>>)
          %dma_wait3A_434 = arith.constant 2 : i32
          %dma_wait3A_435 = arith.constant 0 : i32
          %dma_wait3A_436 = tpu.memref_slice %arg4[%dma_wait3A_434, %dma_wait3A_435] : memref<24x128xi32, #tpu.memory_space<vmem>> -> memref<1x128xi32, #tpu.memory_space<vmem>>
          %dma_wait3A_437 = tpu.memref_squeeze %dma_wait3A_436 : memref<1x128xi32, #tpu.memory_space<vmem>> -> memref<128xi32, #tpu.memory_space<vmem>>
          %dma_wait3A_438 = arith.constant 0 : i32
          %dma_wait3A_439 = arith.constant 0 : i32
          %dma_wait3A_440 = tpu.memref_slice %arg8[%dma_wait3A_438, %dma_wait3A_439] : memref<100352x16xf32, #tpu.memory_space<vmem_shared>> -> memref<100352x16xf32, #tpu.memory_space<vmem_shared>>
          tpu.wait_indirect_dma semaphore(%arg9 : memref<!tpu.dma_semaphore, #tpu.memory_space<semaphore_mem>>) src(%arg6 : memref<128x16xf32, #tpu.memory_space<vmem>>) dst(%dma_wait3A_440 : memref<100352x16xf32, #tpu.memory_space<vmem_shared>>)
          %dma_wait3A_441 = arith.constant 3 : i32
          %dma_wait3A_442 = arith.constant 0 : i32
          %dma_wait3A_443 = tpu.memref_slice %arg4[%dma_wait3A_441, %dma_wait3A_442] : memref<24x128xi32, #tpu.memory_space<vmem>> -> memref<1x128xi32, #tpu.memory_space<vmem>>
          %dma_wait3A_444 = tpu.memref_squeeze %dma_wait3A_443 : memref<1x128xi32, #tpu.memory_space<vmem>> -> memref<128xi32, #tpu.memory_space<vmem>>
          %dma_wait3A_445 = arith.constant 0 : i32
          %dma_wait3A_446 = arith.constant 0 : i32
          %dma_wait3A_447 = tpu.memref_slice %arg8[%dma_wait3A_445, %dma_wait3A_446] : memref<100352x16xf32, #tpu.memory_space<vmem_shared>> -> memref<100352x16xf32, #tpu.memory_space<vmem_shared>>
          tpu.wait_indirect_dma semaphore(%arg9 : memref<!tpu.dma_semaphore, #tpu.memory_space<semaphore_mem>>) src(%arg6 : memref<128x16xf32, #tpu.memory_space<vmem>>) dst(%dma_wait3A_447 : memref<100352x16xf32, #tpu.memory_space<vmem_shared>>)
          %dma_wait3A_448 = arith.constant 4 : i32
          %dma_wait3A_449 = arith.constant 0 : i32
          %dma_wait3A_450 = tpu.memref_slice %arg4[%dma_wait3A_448, %dma_wait3A_449] : memref<24x128xi32, #tpu.memory_space<vmem>> -> memref<1x128xi32, #tpu.memory_space<vmem>>
          %dma_wait3A_451 = tpu.memref_squeeze %dma_wait3A_450 : memref<1x128xi32, #tpu.memory_space<vmem>> -> memref<128xi32, #tpu.memory_space<vmem>>
          %dma_wait3A_452 = arith.constant 0 : i32
          %dma_wait3A_453 = arith.constant 0 : i32
          %dma_wait3A_454 = tpu.memref_slice %arg8[%dma_wait3A_452, %dma_wait3A_453] : memref<100352x16xf32, #tpu.memory_space<vmem_shared>> -> memref<100352x16xf32, #tpu.memory_space<vmem_shared>>
          tpu.wait_indirect_dma semaphore(%arg9 : memref<!tpu.dma_semaphore, #tpu.memory_space<semaphore_mem>>) src(%arg6 : memref<128x16xf32, #tpu.memory_space<vmem>>) dst(%dma_wait3A_454 : memref<100352x16xf32, #tpu.memory_space<vmem_shared>>)
          %dma_wait3A_455 = arith.constant 5 : i32
          %dma_wait3A_456 = arith.constant 0 : i32
          %dma_wait3A_457 = tpu.memref_slice %arg4[%dma_wait3A_455, %dma_wait3A_456] : memref<24x128xi32, #tpu.memory_space<vmem>> -> memref<1x128xi32, #tpu.memory_space<vmem>>
          %dma_wait3A_458 = tpu.memref_squeeze %dma_wait3A_457 : memref<1x128xi32, #tpu.memory_space<vmem>> -> memref<128xi32, #tpu.memory_space<vmem>>
          %dma_wait3A_459 = arith.constant 0 : i32
          %dma_wait3A_460 = arith.constant 0 : i32
          %dma_wait3A_461 = tpu.memref_slice %arg8[%dma_wait3A_459, %dma_wait3A_460] : memref<100352x16xf32, #tpu.memory_space<vmem_shared>> -> memref<100352x16xf32, #tpu.memory_space<vmem_shared>>
          tpu.wait_indirect_dma semaphore(%arg9 : memref<!tpu.dma_semaphore, #tpu.memory_space<semaphore_mem>>) src(%arg6 : memref<128x16xf32, #tpu.memory_space<vmem>>) dst(%dma_wait3A_461 : memref<100352x16xf32, #tpu.memory_space<vmem_shared>>)
          %dma_wait3A_462 = arith.constant 6 : i32
          %dma_wait3A_463 = arith.constant 0 : i32
          %dma_wait3A_464 = tpu.memref_slice %arg4[%dma_wait3A_462, %dma_wait3A_463] : memref<24x128xi32, #tpu.memory_space<vmem>> -> memref<1x128xi32, #tpu.memory_space<vmem>>
          %dma_wait3A_465 = tpu.memref_squeeze %dma_wait3A_464 : memref<1x128xi32, #tpu.memory_space<vmem>> -> memref<128xi32, #tpu.memory_space<vmem>>
          %dma_wait3A_466 = arith.constant 0 : i32
          %dma_wait3A_467 = arith.constant 0 : i32
          %dma_wait3A_468 = tpu.memref_slice %arg8[%dma_wait3A_466, %dma_wait3A_467] : memref<100352x16xf32, #tpu.memory_space<vmem_shared>> -> memref<100352x16xf32, #tpu.memory_space<vmem_shared>>
          tpu.wait_indirect_dma semaphore(%arg9 : memref<!tpu.dma_semaphore, #tpu.memory_space<semaphore_mem>>) src(%arg6 : memref<128x16xf32, #tpu.memory_space<vmem>>) dst(%dma_wait3A_468 : memref<100352x16xf32, #tpu.memory_space<vmem_shared>>)
          %dma_wait3A_469 = arith.constant 7 : i32
          %dma_wait3A_470 = arith.constant 0 : i32
          %dma_wait3A_471 = tpu.memref_slice %arg4[%dma_wait3A_469, %dma_wait3A_470] : memref<24x128xi32, #tpu.memory_space<vmem>> -> memref<1x128xi32, #tpu.memory_space<vmem>>
          %dma_wait3A_472 = tpu.memref_squeeze %dma_wait3A_471 : memref<1x128xi32, #tpu.memory_space<vmem>> -> memref<128xi32, #tpu.memory_space<vmem>>
          %dma_wait3A_473 = arith.constant 0 : i32
          %dma_wait3A_474 = arith.constant 0 : i32
          %dma_wait3A_475 = tpu.memref_slice %arg8[%dma_wait3A_473, %dma_wait3A_474] : memref<100352x16xf32, #tpu.memory_space<vmem_shared>> -> memref<100352x16xf32, #tpu.memory_space<vmem_shared>>
          tpu.wait_indirect_dma semaphore(%arg9 : memref<!tpu.dma_semaphore, #tpu.memory_space<semaphore_mem>>) src(%arg6 : memref<128x16xf32, #tpu.memory_space<vmem>>) dst(%dma_wait3A_475 : memref<100352x16xf32, #tpu.memory_space<vmem_shared>>)
          %dma_wait3A_476 = arith.constant 8 : i32
          %dma_wait3A_477 = arith.constant 0 : i32
          %dma_wait3A_478 = tpu.memref_slice %arg4[%dma_wait3A_476, %dma_wait3A_477] : memref<24x128xi32, #tpu.memory_space<vmem>> -> memref<1x128xi32, #tpu.memory_space<vmem>>
          %dma_wait3A_479 = tpu.memref_squeeze %dma_wait3A_478 : memref<1x128xi32, #tpu.memory_space<vmem>> -> memref<128xi32, #tpu.memory_space<vmem>>
          %dma_wait3A_480 = arith.constant 0 : i32
          %dma_wait3A_481 = arith.constant 0 : i32
          %dma_wait3A_482 = tpu.memref_slice %arg8[%dma_wait3A_480, %dma_wait3A_481] : memref<100352x16xf32, #tpu.memory_space<vmem_shared>> -> memref<100352x16xf32, #tpu.memory_space<vmem_shared>>
          tpu.wait_indirect_dma semaphore(%arg9 : memref<!tpu.dma_semaphore, #tpu.memory_space<semaphore_mem>>) src(%arg6 : memref<128x16xf32, #tpu.memory_space<vmem>>) dst(%dma_wait3A_482 : memref<100352x16xf32, #tpu.memory_space<vmem_shared>>)
          %dma_wait3A_483 = arith.constant 9 : i32
          %dma_wait3A_484 = arith.constant 0 : i32
          %dma_wait3A_485 = tpu.memref_slice %arg4[%dma_wait3A_483, %dma_wait3A_484] : memref<24x128xi32, #tpu.memory_space<vmem>> -> memref<1x128xi32, #tpu.memory_space<vmem>>
          %dma_wait3A_486 = tpu.memref_squeeze %dma_wait3A_485 : memref<1x128xi32, #tpu.memory_space<vmem>> -> memref<128xi32, #tpu.memory_space<vmem>>
          %dma_wait3A_487 = arith.constant 0 : i32
          %dma_wait3A_488 = arith.constant 0 : i32
          %dma_wait3A_489 = tpu.memref_slice %arg8[%dma_wait3A_487, %dma_wait3A_488] : memref<100352x16xf32, #tpu.memory_space<vmem_shared>> -> memref<100352x16xf32, #tpu.memory_space<vmem_shared>>
          tpu.wait_indirect_dma semaphore(%arg9 : memref<!tpu.dma_semaphore, #tpu.memory_space<semaphore_mem>>) src(%arg6 : memref<128x16xf32, #tpu.memory_space<vmem>>) dst(%dma_wait3A_489 : memref<100352x16xf32, #tpu.memory_space<vmem_shared>>)
          %dma_wait3A_490 = arith.constant 10 : i32
          %dma_wait3A_491 = arith.constant 0 : i32
          %dma_wait3A_492 = tpu.memref_slice %arg4[%dma_wait3A_490, %dma_wait3A_491] : memref<24x128xi32, #tpu.memory_space<vmem>> -> memref<1x128xi32, #tpu.memory_space<vmem>>
          %dma_wait3A_493 = tpu.memref_squeeze %dma_wait3A_492 : memref<1x128xi32, #tpu.memory_space<vmem>> -> memref<128xi32, #tpu.memory_space<vmem>>
          %dma_wait3A_494 = arith.constant 0 : i32
          %dma_wait3A_495 = arith.constant 0 : i32
          %dma_wait3A_496 = tpu.memref_slice %arg8[%dma_wait3A_494, %dma_wait3A_495] : memref<100352x16xf32, #tpu.memory_space<vmem_shared>> -> memref<100352x16xf32, #tpu.memory_space<vmem_shared>>
          tpu.wait_indirect_dma semaphore(%arg9 : memref<!tpu.dma_semaphore, #tpu.memory_space<semaphore_mem>>) src(%arg6 : memref<128x16xf32, #tpu.memory_space<vmem>>) dst(%dma_wait3A_496 : memref<100352x16xf32, #tpu.memory_space<vmem_shared>>)
          %dma_wait3A_497 = arith.constant 11 : i32
          %dma_wait3A_498 = arith.constant 0 : i32
          %dma_wait3A_499 = tpu.memref_slice %arg4[%dma_wait3A_497, %dma_wait3A_498] : memref<24x128xi32, #tpu.memory_space<vmem>> -> memref<1x128xi32, #tpu.memory_space<vmem>>
          %dma_wait3A_500 = tpu.memref_squeeze %dma_wait3A_499 : memref<1x128xi32, #tpu.memory_space<vmem>> -> memref<128xi32, #tpu.memory_space<vmem>>
          %dma_wait3A_501 = arith.constant 0 : i32
          %dma_wait3A_502 = arith.constant 0 : i32
          %dma_wait3A_503 = tpu.memref_slice %arg8[%dma_wait3A_501, %dma_wait3A_502] : memref<100352x16xf32, #tpu.memory_space<vmem_shared>> -> memref<100352x16xf32, #tpu.memory_space<vmem_shared>>
          tpu.wait_indirect_dma semaphore(%arg9 : memref<!tpu.dma_semaphore, #tpu.memory_space<semaphore_mem>>) src(%arg6 : memref<128x16xf32, #tpu.memory_space<vmem>>) dst(%dma_wait3A_503 : memref<100352x16xf32, #tpu.memory_space<vmem_shared>>)
          %dma_wait3A_504 = arith.constant 12 : i32
          %dma_wait3A_505 = arith.constant 0 : i32
          %dma_wait3A_506 = tpu.memref_slice %arg4[%dma_wait3A_504, %dma_wait3A_505] : memref<24x128xi32, #tpu.memory_space<vmem>> -> memref<1x128xi32, #tpu.memory_space<vmem>>
          %dma_wait3A_507 = tpu.memref_squeeze %dma_wait3A_506 : memref<1x128xi32, #tpu.memory_space<vmem>> -> memref<128xi32, #tpu.memory_space<vmem>>
          %dma_wait3A_508 = arith.constant 0 : i32
          %dma_wait3A_509 = arith.constant 0 : i32
          %dma_wait3A_510 = tpu.memref_slice %arg8[%dma_wait3A_508, %dma_wait3A_509] : memref<100352x16xf32, #tpu.memory_space<vmem_shared>> -> memref<100352x16xf32, #tpu.memory_space<vmem_shared>>
          tpu.wait_indirect_dma semaphore(%arg9 : memref<!tpu.dma_semaphore, #tpu.memory_space<semaphore_mem>>) src(%arg6 : memref<128x16xf32, #tpu.memory_space<vmem>>) dst(%dma_wait3A_510 : memref<100352x16xf32, #tpu.memory_space<vmem_shared>>)
          %dma_wait3A_511 = arith.constant 13 : i32
          %dma_wait3A_512 = arith.constant 0 : i32
          %dma_wait3A_513 = tpu.memref_slice %arg4[%dma_wait3A_511, %dma_wait3A_512] : memref<24x128xi32, #tpu.memory_space<vmem>> -> memref<1x128xi32, #tpu.memory_space<vmem>>
          %dma_wait3A_514 = tpu.memref_squeeze %dma_wait3A_513 : memref<1x128xi32, #tpu.memory_space<vmem>> -> memref<128xi32, #tpu.memory_space<vmem>>
          %dma_wait3A_515 = arith.constant 0 : i32
          %dma_wait3A_516 = arith.constant 0 : i32
          %dma_wait3A_517 = tpu.memref_slice %arg8[%dma_wait3A_515, %dma_wait3A_516] : memref<100352x16xf32, #tpu.memory_space<vmem_shared>> -> memref<100352x16xf32, #tpu.memory_space<vmem_shared>>
          tpu.wait_indirect_dma semaphore(%arg9 : memref<!tpu.dma_semaphore, #tpu.memory_space<semaphore_mem>>) src(%arg6 : memref<128x16xf32, #tpu.memory_space<vmem>>) dst(%dma_wait3A_517 : memref<100352x16xf32, #tpu.memory_space<vmem_shared>>)
          %dma_wait3A_518 = arith.constant 14 : i32
          %dma_wait3A_519 = arith.constant 0 : i32
          %dma_wait3A_520 = tpu.memref_slice %arg4[%dma_wait3A_518, %dma_wait3A_519] : memref<24x128xi32, #tpu.memory_space<vmem>> -> memref<1x128xi32, #tpu.memory_space<vmem>>
          %dma_wait3A_521 = tpu.memref_squeeze %dma_wait3A_520 : memref<1x128xi32, #tpu.memory_space<vmem>> -> memref<128xi32, #tpu.memory_space<vmem>>
          %dma_wait3A_522 = arith.constant 0 : i32
          %dma_wait3A_523 = arith.constant 0 : i32
          %dma_wait3A_524 = tpu.memref_slice %arg8[%dma_wait3A_522, %dma_wait3A_523] : memref<100352x16xf32, #tpu.memory_space<vmem_shared>> -> memref<100352x16xf32, #tpu.memory_space<vmem_shared>>
          tpu.wait_indirect_dma semaphore(%arg9 : memref<!tpu.dma_semaphore, #tpu.memory_space<semaphore_mem>>) src(%arg6 : memref<128x16xf32, #tpu.memory_space<vmem>>) dst(%dma_wait3A_524 : memref<100352x16xf32, #tpu.memory_space<vmem_shared>>)
          %dma_wait3A_525 = arith.constant 15 : i32
          %dma_wait3A_526 = arith.constant 0 : i32
          %dma_wait3A_527 = tpu.memref_slice %arg4[%dma_wait3A_525, %dma_wait3A_526] : memref<24x128xi32, #tpu.memory_space<vmem>> -> memref<1x128xi32, #tpu.memory_space<vmem>>
          %dma_wait3A_528 = tpu.memref_squeeze %dma_wait3A_527 : memref<1x128xi32, #tpu.memory_space<vmem>> -> memref<128xi32, #tpu.memory_space<vmem>>
          %dma_wait3A_529 = arith.constant 0 : i32
          %dma_wait3A_530 = arith.constant 0 : i32
          %dma_wait3A_531 = tpu.memref_slice %arg8[%dma_wait3A_529, %dma_wait3A_530] : memref<100352x16xf32, #tpu.memory_space<vmem_shared>> -> memref<100352x16xf32, #tpu.memory_space<vmem_shared>>
          tpu.wait_indirect_dma semaphore(%arg9 : memref<!tpu.dma_semaphore, #tpu.memory_space<semaphore_mem>>) src(%arg6 : memref<128x16xf32, #tpu.memory_space<vmem>>) dst(%dma_wait3A_531 : memref<100352x16xf32, #tpu.memory_space<vmem_shared>>)
          %dma_wait3A_532 = arith.constant 16 : i32
          %dma_wait3A_533 = arith.constant 0 : i32
          %dma_wait3A_534 = tpu.memref_slice %arg4[%dma_wait3A_532, %dma_wait3A_533] : memref<24x128xi32, #tpu.memory_space<vmem>> -> memref<1x128xi32, #tpu.memory_space<vmem>>
          %dma_wait3A_535 = tpu.memref_squeeze %dma_wait3A_534 : memref<1x128xi32, #tpu.memory_space<vmem>> -> memref<128xi32, #tpu.memory_space<vmem>>
          %dma_wait3A_536 = arith.constant 0 : i32
          %dma_wait3A_537 = arith.constant 0 : i32
          %dma_wait3A_538 = tpu.memref_slice %arg8[%dma_wait3A_536, %dma_wait3A_537] : memref<100352x16xf32, #tpu.memory_space<vmem_shared>> -> memref<100352x16xf32, #tpu.memory_space<vmem_shared>>
          tpu.wait_indirect_dma semaphore(%arg9 : memref<!tpu.dma_semaphore, #tpu.memory_space<semaphore_mem>>) src(%arg6 : memref<128x16xf32, #tpu.memory_space<vmem>>) dst(%dma_wait3A_538 : memref<100352x16xf32, #tpu.memory_space<vmem_shared>>)
          %dma_wait3A_539 = arith.constant 17 : i32
          %dma_wait3A_540 = arith.constant 0 : i32
          %dma_wait3A_541 = tpu.memref_slice %arg4[%dma_wait3A_539, %dma_wait3A_540] : memref<24x128xi32, #tpu.memory_space<vmem>> -> memref<1x128xi32, #tpu.memory_space<vmem>>
          %dma_wait3A_542 = tpu.memref_squeeze %dma_wait3A_541 : memref<1x128xi32, #tpu.memory_space<vmem>> -> memref<128xi32, #tpu.memory_space<vmem>>
          %dma_wait3A_543 = arith.constant 0 : i32
          %dma_wait3A_544 = arith.constant 0 : i32
          %dma_wait3A_545 = tpu.memref_slice %arg8[%dma_wait3A_543, %dma_wait3A_544] : memref<100352x16xf32, #tpu.memory_space<vmem_shared>> -> memref<100352x16xf32, #tpu.memory_space<vmem_shared>>
          tpu.wait_indirect_dma semaphore(%arg9 : memref<!tpu.dma_semaphore, #tpu.memory_space<semaphore_mem>>) src(%arg6 : memref<128x16xf32, #tpu.memory_space<vmem>>) dst(%dma_wait3A_545 : memref<100352x16xf32, #tpu.memory_space<vmem_shared>>)
          %dma_wait3A_546 = arith.constant 18 : i32
          %dma_wait3A_547 = arith.constant 0 : i32
          %dma_wait3A_548 = tpu.memref_slice %arg4[%dma_wait3A_546, %dma_wait3A_547] : memref<24x128xi32, #tpu.memory_space<vmem>> -> memref<1x128xi32, #tpu.memory_space<vmem>>
          %dma_wait3A_549 = tpu.memref_squeeze %dma_wait3A_548 : memref<1x128xi32, #tpu.memory_space<vmem>> -> memref<128xi32, #tpu.memory_space<vmem>>
          %dma_wait3A_550 = arith.constant 0 : i32
          %dma_wait3A_551 = arith.constant 0 : i32
          %dma_wait3A_552 = tpu.memref_slice %arg8[%dma_wait3A_550, %dma_wait3A_551] : memref<100352x16xf32, #tpu.memory_space<vmem_shared>> -> memref<100352x16xf32, #tpu.memory_space<vmem_shared>>
          tpu.wait_indirect_dma semaphore(%arg9 : memref<!tpu.dma_semaphore, #tpu.memory_space<semaphore_mem>>) src(%arg6 : memref<128x16xf32, #tpu.memory_space<vmem>>) dst(%dma_wait3A_552 : memref<100352x16xf32, #tpu.memory_space<vmem_shared>>)
          %dma_wait3A_553 = arith.constant 19 : i32
          %dma_wait3A_554 = arith.constant 0 : i32
          %dma_wait3A_555 = tpu.memref_slice %arg4[%dma_wait3A_553, %dma_wait3A_554] : memref<24x128xi32, #tpu.memory_space<vmem>> -> memref<1x128xi32, #tpu.memory_space<vmem>>
          %dma_wait3A_556 = tpu.memref_squeeze %dma_wait3A_555 : memref<1x128xi32, #tpu.memory_space<vmem>> -> memref<128xi32, #tpu.memory_space<vmem>>
          %dma_wait3A_557 = arith.constant 0 : i32
          %dma_wait3A_558 = arith.constant 0 : i32
          %dma_wait3A_559 = tpu.memref_slice %arg8[%dma_wait3A_557, %dma_wait3A_558] : memref<100352x16xf32, #tpu.memory_space<vmem_shared>> -> memref<100352x16xf32, #tpu.memory_space<vmem_shared>>
          tpu.wait_indirect_dma semaphore(%arg9 : memref<!tpu.dma_semaphore, #tpu.memory_space<semaphore_mem>>) src(%arg6 : memref<128x16xf32, #tpu.memory_space<vmem>>) dst(%dma_wait3A_559 : memref<100352x16xf32, #tpu.memory_space<vmem_shared>>)
          %dma_wait3A_560 = arith.constant 20 : i32
          %dma_wait3A_561 = arith.constant 0 : i32
          %dma_wait3A_562 = tpu.memref_slice %arg4[%dma_wait3A_560, %dma_wait3A_561] : memref<24x128xi32, #tpu.memory_space<vmem>> -> memref<1x128xi32, #tpu.memory_space<vmem>>
          %dma_wait3A_563 = tpu.memref_squeeze %dma_wait3A_562 : memref<1x128xi32, #tpu.memory_space<vmem>> -> memref<128xi32, #tpu.memory_space<vmem>>
          %dma_wait3A_564 = arith.constant 0 : i32
          %dma_wait3A_565 = arith.constant 0 : i32
          %dma_wait3A_566 = tpu.memref_slice %arg8[%dma_wait3A_564, %dma_wait3A_565] : memref<100352x16xf32, #tpu.memory_space<vmem_shared>> -> memref<100352x16xf32, #tpu.memory_space<vmem_shared>>
          tpu.wait_indirect_dma semaphore(%arg9 : memref<!tpu.dma_semaphore, #tpu.memory_space<semaphore_mem>>) src(%arg6 : memref<128x16xf32, #tpu.memory_space<vmem>>) dst(%dma_wait3A_566 : memref<100352x16xf32, #tpu.memory_space<vmem_shared>>)
          %dma_wait3A_567 = arith.constant 21 : i32
          %dma_wait3A_568 = arith.constant 0 : i32
          %dma_wait3A_569 = tpu.memref_slice %arg4[%dma_wait3A_567, %dma_wait3A_568] : memref<24x128xi32, #tpu.memory_space<vmem>> -> memref<1x128xi32, #tpu.memory_space<vmem>>
          %dma_wait3A_570 = tpu.memref_squeeze %dma_wait3A_569 : memref<1x128xi32, #tpu.memory_space<vmem>> -> memref<128xi32, #tpu.memory_space<vmem>>
          %dma_wait3A_571 = arith.constant 0 : i32
          %dma_wait3A_572 = arith.constant 0 : i32
          %dma_wait3A_573 = tpu.memref_slice %arg8[%dma_wait3A_571, %dma_wait3A_572] : memref<100352x16xf32, #tpu.memory_space<vmem_shared>> -> memref<100352x16xf32, #tpu.memory_space<vmem_shared>>
          tpu.wait_indirect_dma semaphore(%arg9 : memref<!tpu.dma_semaphore, #tpu.memory_space<semaphore_mem>>) src(%arg6 : memref<128x16xf32, #tpu.memory_space<vmem>>) dst(%dma_wait3A_573 : memref<100352x16xf32, #tpu.memory_space<vmem_shared>>)
          %dma_wait3A_574 = arith.constant 22 : i32
          %dma_wait3A_575 = arith.constant 0 : i32
          %dma_wait3A_576 = tpu.memref_slice %arg4[%dma_wait3A_574, %dma_wait3A_575] : memref<24x128xi32, #tpu.memory_space<vmem>> -> memref<1x128xi32, #tpu.memory_space<vmem>>
          %dma_wait3A_577 = tpu.memref_squeeze %dma_wait3A_576 : memref<1x128xi32, #tpu.memory_space<vmem>> -> memref<128xi32, #tpu.memory_space<vmem>>
          %dma_wait3A_578 = arith.constant 0 : i32
          %dma_wait3A_579 = arith.constant 0 : i32
          %dma_wait3A_580 = tpu.memref_slice %arg8[%dma_wait3A_578, %dma_wait3A_579] : memref<100352x16xf32, #tpu.memory_space<vmem_shared>> -> memref<100352x16xf32, #tpu.memory_space<vmem_shared>>
          tpu.wait_indirect_dma semaphore(%arg9 : memref<!tpu.dma_semaphore, #tpu.memory_space<semaphore_mem>>) src(%arg6 : memref<128x16xf32, #tpu.memory_space<vmem>>) dst(%dma_wait3A_580 : memref<100352x16xf32, #tpu.memory_space<vmem_shared>>)
          %dma_wait3A_581 = arith.constant 23 : i32
          %dma_wait3A_582 = arith.constant 0 : i32
          %dma_wait3A_583 = tpu.memref_slice %arg4[%dma_wait3A_581, %dma_wait3A_582] : memref<24x128xi32, #tpu.memory_space<vmem>> -> memref<1x128xi32, #tpu.memory_space<vmem>>
          %dma_wait3A_584 = tpu.memref_squeeze %dma_wait3A_583 : memref<1x128xi32, #tpu.memory_space<vmem>> -> memref<128xi32, #tpu.memory_space<vmem>>
          %dma_wait3A_585 = arith.constant 0 : i32
          %dma_wait3A_586 = arith.constant 0 : i32
          %dma_wait3A_587 = tpu.memref_slice %arg8[%dma_wait3A_585, %dma_wait3A_586] : memref<100352x16xf32, #tpu.memory_space<vmem_shared>> -> memref<100352x16xf32, #tpu.memory_space<vmem_shared>>
          tpu.wait_indirect_dma semaphore(%arg9 : memref<!tpu.dma_semaphore, #tpu.memory_space<semaphore_mem>>) src(%arg6 : memref<128x16xf32, #tpu.memory_space<vmem>>) dst(%dma_wait3A_587 : memref<100352x16xf32, #tpu.memory_space<vmem_shared>>)
        } else {
        }
        %add3A_241 = arith.constant 1 : i32
        %add3A_242 = arith.addi %scan3A_203, %add3A_241 : i32
        %lt3A_243 = arith.constant 33 : i32
        %lt3A_244 = arith.cmpi slt, %add3A_242, %lt3A_243 : i32
        %convert_element_type3A_245 = arith.extui %lt3A_244 : i1 to i32
        %cond3A_246 = arith.constant 0 : i32
        %cond3A_247 = arith.cmpi ne, %convert_element_type3A_245, %cond3A_246 : i32
        scf.if %cond3A_247 {
          %add3A_420 = arith.constant 1 : i32
          %add3A_421 = arith.addi %scan3A_203, %add3A_420 : i32
          %mul3A_422 = arith.constant 24 : i32
          %mul3A_423 = arith.muli %add3A_421, %mul3A_422 : i32
          %add3A_424 = arith.addi %mul3A_2, %mul3A_423 : i32
          %dma_start3A_425 = arith.constant 0 : i32
          %dma_start3A_426 = tpu.memref_slice %arg2[%add3A_424, %dma_start3A_425] : memref<25344x128xi32, #tpu.memory_space<hbm>> -> memref<24x128xi32, #tpu.memory_space<hbm>>
          %dma_start3A_427 = arith.constant 0 : i32
          %dma_start3A_428 = tpu.memref_slice %arg2[%add3A_424, %dma_start3A_427] : memref<25344x128xi32, #tpu.memory_space<hbm>> -> memref<24x128xi32, #tpu.memory_space<hbm>>
          tpu.enqueue_dma source(%dma_start3A_428 : memref<24x128xi32, #tpu.memory_space<hbm>>) target(%arg4 : memref<24x128xi32, #tpu.memory_space<vmem>>) target_semaphore(%arg11 : memref<!tpu.dma_semaphore, #tpu.memory_space<semaphore_mem>>)
        } else {
        }
        %dma_wait3A_248 = arith.constant 0 : i32
        %dma_wait3A_249 = tpu.memref_slice %arg2[%mul3A_2, %dma_wait3A_248] : memref<25344x128xi32, #tpu.memory_space<hbm>> -> memref<24x128xi32, #tpu.memory_space<hbm>>
        %dma_wait3A_250 = arith.constant 0 : i32
        %dma_wait3A_251 = tpu.memref_slice %arg2[%mul3A_2, %dma_wait3A_250] : memref<25344x128xi32, #tpu.memory_space<hbm>> -> memref<24x128xi32, #tpu.memory_space<hbm>>
        tpu.wait_dma2 semaphore(%arg12 : memref<!tpu.dma_semaphore, #tpu.memory_space<semaphore_mem>>) src(%dma_wait3A_251 : memref<24x128xi32, #tpu.memory_space<hbm>>) dst(%arg5 : memref<24x128xi32, #tpu.memory_space<vmem>>)
        %dma_start3A_252 = arith.constant 0 : i32
        %dma_start3A_253 = arith.constant 0 : i32
        %dma_start3A_254 = tpu.memref_slice %arg5[%dma_start3A_252, %dma_start3A_253] : memref<24x128xi32, #tpu.memory_space<vmem>> -> memref<1x128xi32, #tpu.memory_space<vmem>>
        %dma_start3A_255 = tpu.memref_squeeze %dma_start3A_254 : memref<1x128xi32, #tpu.memory_space<vmem>> -> memref<128xi32, #tpu.memory_space<vmem>>
        %dma_start3A_256 = arith.constant 0 : i32
        %dma_start3A_257 = arith.constant 0 : i32
        %dma_start3A_258 = tpu.memref_slice %arg8[%dma_start3A_256, %dma_start3A_257] : memref<100352x16xf32, #tpu.memory_space<vmem_shared>> -> memref<100352x16xf32, #tpu.memory_space<vmem_shared>>
        tpu.enqueue_indirect_dma source(%arg6 : memref<128x16xf32, #tpu.memory_space<vmem>>) target(%dma_start3A_258 : memref<100352x16xf32, #tpu.memory_space<vmem_shared>>) offsets(%dma_start3A_255 : memref<128xi32, #tpu.memory_space<vmem>>) semaphore(%arg10 : memref<!tpu.dma_semaphore, #tpu.memory_space<semaphore_mem>>) {add = true}
        %dma_start3A_259 = arith.constant 1 : i32
        %dma_start3A_260 = arith.constant 0 : i32
        %dma_start3A_261 = tpu.memref_slice %arg5[%dma_start3A_259, %dma_start3A_260] : memref<24x128xi32, #tpu.memory_space<vmem>> -> memref<1x128xi32, #tpu.memory_space<vmem>>
        %dma_start3A_262 = tpu.memref_squeeze %dma_start3A_261 : memref<1x128xi32, #tpu.memory_space<vmem>> -> memref<128xi32, #tpu.memory_space<vmem>>
        %dma_start3A_263 = arith.constant 0 : i32
        %dma_start3A_264 = arith.constant 0 : i32
        %dma_start3A_265 = tpu.memref_slice %arg8[%dma_start3A_263, %dma_start3A_264] : memref<100352x16xf32, #tpu.memory_space<vmem_shared>> -> memref<100352x16xf32, #tpu.memory_space<vmem_shared>>
        tpu.enqueue_indirect_dma source(%arg6 : memref<128x16xf32, #tpu.memory_space<vmem>>) target(%dma_start3A_265 : memref<100352x16xf32, #tpu.memory_space<vmem_shared>>) offsets(%dma_start3A_262 : memref<128xi32, #tpu.memory_space<vmem>>) semaphore(%arg10 : memref<!tpu.dma_semaphore, #tpu.memory_space<semaphore_mem>>) {add = true}
        %dma_start3A_266 = arith.constant 2 : i32
        %dma_start3A_267 = arith.constant 0 : i32
        %dma_start3A_268 = tpu.memref_slice %arg5[%dma_start3A_266, %dma_start3A_267] : memref<24x128xi32, #tpu.memory_space<vmem>> -> memref<1x128xi32, #tpu.memory_space<vmem>>
        %dma_start3A_269 = tpu.memref_squeeze %dma_start3A_268 : memref<1x128xi32, #tpu.memory_space<vmem>> -> memref<128xi32, #tpu.memory_space<vmem>>
        %dma_start3A_270 = arith.constant 0 : i32
        %dma_start3A_271 = arith.constant 0 : i32
        %dma_start3A_272 = tpu.memref_slice %arg8[%dma_start3A_270, %dma_start3A_271] : memref<100352x16xf32, #tpu.memory_space<vmem_shared>> -> memref<100352x16xf32, #tpu.memory_space<vmem_shared>>
        tpu.enqueue_indirect_dma source(%arg6 : memref<128x16xf32, #tpu.memory_space<vmem>>) target(%dma_start3A_272 : memref<100352x16xf32, #tpu.memory_space<vmem_shared>>) offsets(%dma_start3A_269 : memref<128xi32, #tpu.memory_space<vmem>>) semaphore(%arg10 : memref<!tpu.dma_semaphore, #tpu.memory_space<semaphore_mem>>) {add = true}
        %dma_start3A_273 = arith.constant 3 : i32
        %dma_start3A_274 = arith.constant 0 : i32
        %dma_start3A_275 = tpu.memref_slice %arg5[%dma_start3A_273, %dma_start3A_274] : memref<24x128xi32, #tpu.memory_space<vmem>> -> memref<1x128xi32, #tpu.memory_space<vmem>>
        %dma_start3A_276 = tpu.memref_squeeze %dma_start3A_275 : memref<1x128xi32, #tpu.memory_space<vmem>> -> memref<128xi32, #tpu.memory_space<vmem>>
        %dma_start3A_277 = arith.constant 0 : i32
        %dma_start3A_278 = arith.constant 0 : i32
        %dma_start3A_279 = tpu.memref_slice %arg8[%dma_start3A_277, %dma_start3A_278] : memref<100352x16xf32, #tpu.memory_space<vmem_shared>> -> memref<100352x16xf32, #tpu.memory_space<vmem_shared>>
        tpu.enqueue_indirect_dma source(%arg6 : memref<128x16xf32, #tpu.memory_space<vmem>>) target(%dma_start3A_279 : memref<100352x16xf32, #tpu.memory_space<vmem_shared>>) offsets(%dma_start3A_276 : memref<128xi32, #tpu.memory_space<vmem>>) semaphore(%arg10 : memref<!tpu.dma_semaphore, #tpu.memory_space<semaphore_mem>>) {add = true}
        %dma_start3A_280 = arith.constant 4 : i32
        %dma_start3A_281 = arith.constant 0 : i32
        %dma_start3A_282 = tpu.memref_slice %arg5[%dma_start3A_280, %dma_start3A_281] : memref<24x128xi32, #tpu.memory_space<vmem>> -> memref<1x128xi32, #tpu.memory_space<vmem>>
        %dma_start3A_283 = tpu.memref_squeeze %dma_start3A_282 : memref<1x128xi32, #tpu.memory_space<vmem>> -> memref<128xi32, #tpu.memory_space<vmem>>
        %dma_start3A_284 = arith.constant 0 : i32
        %dma_start3A_285 = arith.constant 0 : i32
        %dma_start3A_286 = tpu.memref_slice %arg8[%dma_start3A_284, %dma_start3A_285] : memref<100352x16xf32, #tpu.memory_space<vmem_shared>> -> memref<100352x16xf32, #tpu.memory_space<vmem_shared>>
        tpu.enqueue_indirect_dma source(%arg6 : memref<128x16xf32, #tpu.memory_space<vmem>>) target(%dma_start3A_286 : memref<100352x16xf32, #tpu.memory_space<vmem_shared>>) offsets(%dma_start3A_283 : memref<128xi32, #tpu.memory_space<vmem>>) semaphore(%arg10 : memref<!tpu.dma_semaphore, #tpu.memory_space<semaphore_mem>>) {add = true}
        %dma_start3A_287 = arith.constant 5 : i32
        %dma_start3A_288 = arith.constant 0 : i32
        %dma_start3A_289 = tpu.memref_slice %arg5[%dma_start3A_287, %dma_start3A_288] : memref<24x128xi32, #tpu.memory_space<vmem>> -> memref<1x128xi32, #tpu.memory_space<vmem>>
        %dma_start3A_290 = tpu.memref_squeeze %dma_start3A_289 : memref<1x128xi32, #tpu.memory_space<vmem>> -> memref<128xi32, #tpu.memory_space<vmem>>
        %dma_start3A_291 = arith.constant 0 : i32
        %dma_start3A_292 = arith.constant 0 : i32
        %dma_start3A_293 = tpu.memref_slice %arg8[%dma_start3A_291, %dma_start3A_292] : memref<100352x16xf32, #tpu.memory_space<vmem_shared>> -> memref<100352x16xf32, #tpu.memory_space<vmem_shared>>
        tpu.enqueue_indirect_dma source(%arg6 : memref<128x16xf32, #tpu.memory_space<vmem>>) target(%dma_start3A_293 : memref<100352x16xf32, #tpu.memory_space<vmem_shared>>) offsets(%dma_start3A_290 : memref<128xi32, #tpu.memory_space<vmem>>) semaphore(%arg10 : memref<!tpu.dma_semaphore, #tpu.memory_space<semaphore_mem>>) {add = true}
        %dma_start3A_294 = arith.constant 6 : i32
        %dma_start3A_295 = arith.constant 0 : i32
        %dma_start3A_296 = tpu.memref_slice %arg5[%dma_start3A_294, %dma_start3A_295] : memref<24x128xi32, #tpu.memory_space<vmem>> -> memref<1x128xi32, #tpu.memory_space<vmem>>
        %dma_start3A_297 = tpu.memref_squeeze %dma_start3A_296 : memref<1x128xi32, #tpu.memory_space<vmem>> -> memref<128xi32, #tpu.memory_space<vmem>>
        %dma_start3A_298 = arith.constant 0 : i32
        %dma_start3A_299 = arith.constant 0 : i32
        %dma_start3A_300 = tpu.memref_slice %arg8[%dma_start3A_298, %dma_start3A_299] : memref<100352x16xf32, #tpu.memory_space<vmem_shared>> -> memref<100352x16xf32, #tpu.memory_space<vmem_shared>>
        tpu.enqueue_indirect_dma source(%arg6 : memref<128x16xf32, #tpu.memory_space<vmem>>) target(%dma_start3A_300 : memref<100352x16xf32, #tpu.memory_space<vmem_shared>>) offsets(%dma_start3A_297 : memref<128xi32, #tpu.memory_space<vmem>>) semaphore(%arg10 : memref<!tpu.dma_semaphore, #tpu.memory_space<semaphore_mem>>) {add = true}
        %dma_start3A_301 = arith.constant 7 : i32
        %dma_start3A_302 = arith.constant 0 : i32
        %dma_start3A_303 = tpu.memref_slice %arg5[%dma_start3A_301, %dma_start3A_302] : memref<24x128xi32, #tpu.memory_space<vmem>> -> memref<1x128xi32, #tpu.memory_space<vmem>>
        %dma_start3A_304 = tpu.memref_squeeze %dma_start3A_303 : memref<1x128xi32, #tpu.memory_space<vmem>> -> memref<128xi32, #tpu.memory_space<vmem>>
        %dma_start3A_305 = arith.constant 0 : i32
        %dma_start3A_306 = arith.constant 0 : i32
        %dma_start3A_307 = tpu.memref_slice %arg8[%dma_start3A_305, %dma_start3A_306] : memref<100352x16xf32, #tpu.memory_space<vmem_shared>> -> memref<100352x16xf32, #tpu.memory_space<vmem_shared>>
        tpu.enqueue_indirect_dma source(%arg6 : memref<128x16xf32, #tpu.memory_space<vmem>>) target(%dma_start3A_307 : memref<100352x16xf32, #tpu.memory_space<vmem_shared>>) offsets(%dma_start3A_304 : memref<128xi32, #tpu.memory_space<vmem>>) semaphore(%arg10 : memref<!tpu.dma_semaphore, #tpu.memory_space<semaphore_mem>>) {add = true}
        %dma_start3A_308 = arith.constant 8 : i32
        %dma_start3A_309 = arith.constant 0 : i32
        %dma_start3A_310 = tpu.memref_slice %arg5[%dma_start3A_308, %dma_start3A_309] : memref<24x128xi32, #tpu.memory_space<vmem>> -> memref<1x128xi32, #tpu.memory_space<vmem>>
        %dma_start3A_311 = tpu.memref_squeeze %dma_start3A_310 : memref<1x128xi32, #tpu.memory_space<vmem>> -> memref<128xi32, #tpu.memory_space<vmem>>
        %dma_start3A_312 = arith.constant 0 : i32
        %dma_start3A_313 = arith.constant 0 : i32
        %dma_start3A_314 = tpu.memref_slice %arg8[%dma_start3A_312, %dma_start3A_313] : memref<100352x16xf32, #tpu.memory_space<vmem_shared>> -> memref<100352x16xf32, #tpu.memory_space<vmem_shared>>
        tpu.enqueue_indirect_dma source(%arg6 : memref<128x16xf32, #tpu.memory_space<vmem>>) target(%dma_start3A_314 : memref<100352x16xf32, #tpu.memory_space<vmem_shared>>) offsets(%dma_start3A_311 : memref<128xi32, #tpu.memory_space<vmem>>) semaphore(%arg10 : memref<!tpu.dma_semaphore, #tpu.memory_space<semaphore_mem>>) {add = true}
        %dma_start3A_315 = arith.constant 9 : i32
        %dma_start3A_316 = arith.constant 0 : i32
        %dma_start3A_317 = tpu.memref_slice %arg5[%dma_start3A_315, %dma_start3A_316] : memref<24x128xi32, #tpu.memory_space<vmem>> -> memref<1x128xi32, #tpu.memory_space<vmem>>
        %dma_start3A_318 = tpu.memref_squeeze %dma_start3A_317 : memref<1x128xi32, #tpu.memory_space<vmem>> -> memref<128xi32, #tpu.memory_space<vmem>>
        %dma_start3A_319 = arith.constant 0 : i32
        %dma_start3A_320 = arith.constant 0 : i32
        %dma_start3A_321 = tpu.memref_slice %arg8[%dma_start3A_319, %dma_start3A_320] : memref<100352x16xf32, #tpu.memory_space<vmem_shared>> -> memref<100352x16xf32, #tpu.memory_space<vmem_shared>>
        tpu.enqueue_indirect_dma source(%arg6 : memref<128x16xf32, #tpu.memory_space<vmem>>) target(%dma_start3A_321 : memref<100352x16xf32, #tpu.memory_space<vmem_shared>>) offsets(%dma_start3A_318 : memref<128xi32, #tpu.memory_space<vmem>>) semaphore(%arg10 : memref<!tpu.dma_semaphore, #tpu.memory_space<semaphore_mem>>) {add = true}
        %dma_start3A_322 = arith.constant 10 : i32
        %dma_start3A_323 = arith.constant 0 : i32
        %dma_start3A_324 = tpu.memref_slice %arg5[%dma_start3A_322, %dma_start3A_323] : memref<24x128xi32, #tpu.memory_space<vmem>> -> memref<1x128xi32, #tpu.memory_space<vmem>>
        %dma_start3A_325 = tpu.memref_squeeze %dma_start3A_324 : memref<1x128xi32, #tpu.memory_space<vmem>> -> memref<128xi32, #tpu.memory_space<vmem>>
        %dma_start3A_326 = arith.constant 0 : i32
        %dma_start3A_327 = arith.constant 0 : i32
        %dma_start3A_328 = tpu.memref_slice %arg8[%dma_start3A_326, %dma_start3A_327] : memref<100352x16xf32, #tpu.memory_space<vmem_shared>> -> memref<100352x16xf32, #tpu.memory_space<vmem_shared>>
        tpu.enqueue_indirect_dma source(%arg6 : memref<128x16xf32, #tpu.memory_space<vmem>>) target(%dma_start3A_328 : memref<100352x16xf32, #tpu.memory_space<vmem_shared>>) offsets(%dma_start3A_325 : memref<128xi32, #tpu.memory_space<vmem>>) semaphore(%arg10 : memref<!tpu.dma_semaphore, #tpu.memory_space<semaphore_mem>>) {add = true}
        %dma_start3A_329 = arith.constant 11 : i32
        %dma_start3A_330 = arith.constant 0 : i32
        %dma_start3A_331 = tpu.memref_slice %arg5[%dma_start3A_329, %dma_start3A_330] : memref<24x128xi32, #tpu.memory_space<vmem>> -> memref<1x128xi32, #tpu.memory_space<vmem>>
        %dma_start3A_332 = tpu.memref_squeeze %dma_start3A_331 : memref<1x128xi32, #tpu.memory_space<vmem>> -> memref<128xi32, #tpu.memory_space<vmem>>
        %dma_start3A_333 = arith.constant 0 : i32
        %dma_start3A_334 = arith.constant 0 : i32
        %dma_start3A_335 = tpu.memref_slice %arg8[%dma_start3A_333, %dma_start3A_334] : memref<100352x16xf32, #tpu.memory_space<vmem_shared>> -> memref<100352x16xf32, #tpu.memory_space<vmem_shared>>
        tpu.enqueue_indirect_dma source(%arg6 : memref<128x16xf32, #tpu.memory_space<vmem>>) target(%dma_start3A_335 : memref<100352x16xf32, #tpu.memory_space<vmem_shared>>) offsets(%dma_start3A_332 : memref<128xi32, #tpu.memory_space<vmem>>) semaphore(%arg10 : memref<!tpu.dma_semaphore, #tpu.memory_space<semaphore_mem>>) {add = true}
        %dma_start3A_336 = arith.constant 12 : i32
        %dma_start3A_337 = arith.constant 0 : i32
        %dma_start3A_338 = tpu.memref_slice %arg5[%dma_start3A_336, %dma_start3A_337] : memref<24x128xi32, #tpu.memory_space<vmem>> -> memref<1x128xi32, #tpu.memory_space<vmem>>
        %dma_start3A_339 = tpu.memref_squeeze %dma_start3A_338 : memref<1x128xi32, #tpu.memory_space<vmem>> -> memref<128xi32, #tpu.memory_space<vmem>>
        %dma_start3A_340 = arith.constant 0 : i32
        %dma_start3A_341 = arith.constant 0 : i32
        %dma_start3A_342 = tpu.memref_slice %arg8[%dma_start3A_340, %dma_start3A_341] : memref<100352x16xf32, #tpu.memory_space<vmem_shared>> -> memref<100352x16xf32, #tpu.memory_space<vmem_shared>>
        tpu.enqueue_indirect_dma source(%arg6 : memref<128x16xf32, #tpu.memory_space<vmem>>) target(%dma_start3A_342 : memref<100352x16xf32, #tpu.memory_space<vmem_shared>>) offsets(%dma_start3A_339 : memref<128xi32, #tpu.memory_space<vmem>>) semaphore(%arg10 : memref<!tpu.dma_semaphore, #tpu.memory_space<semaphore_mem>>) {add = true}
        %dma_start3A_343 = arith.constant 13 : i32
        %dma_start3A_344 = arith.constant 0 : i32
        %dma_start3A_345 = tpu.memref_slice %arg5[%dma_start3A_343, %dma_start3A_344] : memref<24x128xi32, #tpu.memory_space<vmem>> -> memref<1x128xi32, #tpu.memory_space<vmem>>
        %dma_start3A_346 = tpu.memref_squeeze %dma_start3A_345 : memref<1x128xi32, #tpu.memory_space<vmem>> -> memref<128xi32, #tpu.memory_space<vmem>>
        %dma_start3A_347 = arith.constant 0 : i32
        %dma_start3A_348 = arith.constant 0 : i32
        %dma_start3A_349 = tpu.memref_slice %arg8[%dma_start3A_347, %dma_start3A_348] : memref<100352x16xf32, #tpu.memory_space<vmem_shared>> -> memref<100352x16xf32, #tpu.memory_space<vmem_shared>>
        tpu.enqueue_indirect_dma source(%arg6 : memref<128x16xf32, #tpu.memory_space<vmem>>) target(%dma_start3A_349 : memref<100352x16xf32, #tpu.memory_space<vmem_shared>>) offsets(%dma_start3A_346 : memref<128xi32, #tpu.memory_space<vmem>>) semaphore(%arg10 : memref<!tpu.dma_semaphore, #tpu.memory_space<semaphore_mem>>) {add = true}
        %dma_start3A_350 = arith.constant 14 : i32
        %dma_start3A_351 = arith.constant 0 : i32
        %dma_start3A_352 = tpu.memref_slice %arg5[%dma_start3A_350, %dma_start3A_351] : memref<24x128xi32, #tpu.memory_space<vmem>> -> memref<1x128xi32, #tpu.memory_space<vmem>>
        %dma_start3A_353 = tpu.memref_squeeze %dma_start3A_352 : memref<1x128xi32, #tpu.memory_space<vmem>> -> memref<128xi32, #tpu.memory_space<vmem>>
        %dma_start3A_354 = arith.constant 0 : i32
        %dma_start3A_355 = arith.constant 0 : i32
        %dma_start3A_356 = tpu.memref_slice %arg8[%dma_start3A_354, %dma_start3A_355] : memref<100352x16xf32, #tpu.memory_space<vmem_shared>> -> memref<100352x16xf32, #tpu.memory_space<vmem_shared>>
        tpu.enqueue_indirect_dma source(%arg6 : memref<128x16xf32, #tpu.memory_space<vmem>>) target(%dma_start3A_356 : memref<100352x16xf32, #tpu.memory_space<vmem_shared>>) offsets(%dma_start3A_353 : memref<128xi32, #tpu.memory_space<vmem>>) semaphore(%arg10 : memref<!tpu.dma_semaphore, #tpu.memory_space<semaphore_mem>>) {add = true}
        %dma_start3A_357 = arith.constant 15 : i32
        %dma_start3A_358 = arith.constant 0 : i32
        %dma_start3A_359 = tpu.memref_slice %arg5[%dma_start3A_357, %dma_start3A_358] : memref<24x128xi32, #tpu.memory_space<vmem>> -> memref<1x128xi32, #tpu.memory_space<vmem>>
        %dma_start3A_360 = tpu.memref_squeeze %dma_start3A_359 : memref<1x128xi32, #tpu.memory_space<vmem>> -> memref<128xi32, #tpu.memory_space<vmem>>
        %dma_start3A_361 = arith.constant 0 : i32
        %dma_start3A_362 = arith.constant 0 : i32
        %dma_start3A_363 = tpu.memref_slice %arg8[%dma_start3A_361, %dma_start3A_362] : memref<100352x16xf32, #tpu.memory_space<vmem_shared>> -> memref<100352x16xf32, #tpu.memory_space<vmem_shared>>
        tpu.enqueue_indirect_dma source(%arg6 : memref<128x16xf32, #tpu.memory_space<vmem>>) target(%dma_start3A_363 : memref<100352x16xf32, #tpu.memory_space<vmem_shared>>) offsets(%dma_start3A_360 : memref<128xi32, #tpu.memory_space<vmem>>) semaphore(%arg10 : memref<!tpu.dma_semaphore, #tpu.memory_space<semaphore_mem>>) {add = true}
        %dma_start3A_364 = arith.constant 16 : i32
        %dma_start3A_365 = arith.constant 0 : i32
        %dma_start3A_366 = tpu.memref_slice %arg5[%dma_start3A_364, %dma_start3A_365] : memref<24x128xi32, #tpu.memory_space<vmem>> -> memref<1x128xi32, #tpu.memory_space<vmem>>
        %dma_start3A_367 = tpu.memref_squeeze %dma_start3A_366 : memref<1x128xi32, #tpu.memory_space<vmem>> -> memref<128xi32, #tpu.memory_space<vmem>>
        %dma_start3A_368 = arith.constant 0 : i32
        %dma_start3A_369 = arith.constant 0 : i32
        %dma_start3A_370 = tpu.memref_slice %arg8[%dma_start3A_368, %dma_start3A_369] : memref<100352x16xf32, #tpu.memory_space<vmem_shared>> -> memref<100352x16xf32, #tpu.memory_space<vmem_shared>>
        tpu.enqueue_indirect_dma source(%arg6 : memref<128x16xf32, #tpu.memory_space<vmem>>) target(%dma_start3A_370 : memref<100352x16xf32, #tpu.memory_space<vmem_shared>>) offsets(%dma_start3A_367 : memref<128xi32, #tpu.memory_space<vmem>>) semaphore(%arg10 : memref<!tpu.dma_semaphore, #tpu.memory_space<semaphore_mem>>) {add = true}
        %dma_start3A_371 = arith.constant 17 : i32
        %dma_start3A_372 = arith.constant 0 : i32
        %dma_start3A_373 = tpu.memref_slice %arg5[%dma_start3A_371, %dma_start3A_372] : memref<24x128xi32, #tpu.memory_space<vmem>> -> memref<1x128xi32, #tpu.memory_space<vmem>>
        %dma_start3A_374 = tpu.memref_squeeze %dma_start3A_373 : memref<1x128xi32, #tpu.memory_space<vmem>> -> memref<128xi32, #tpu.memory_space<vmem>>
        %dma_start3A_375 = arith.constant 0 : i32
        %dma_start3A_376 = arith.constant 0 : i32
        %dma_start3A_377 = tpu.memref_slice %arg8[%dma_start3A_375, %dma_start3A_376] : memref<100352x16xf32, #tpu.memory_space<vmem_shared>> -> memref<100352x16xf32, #tpu.memory_space<vmem_shared>>
        tpu.enqueue_indirect_dma source(%arg6 : memref<128x16xf32, #tpu.memory_space<vmem>>) target(%dma_start3A_377 : memref<100352x16xf32, #tpu.memory_space<vmem_shared>>) offsets(%dma_start3A_374 : memref<128xi32, #tpu.memory_space<vmem>>) semaphore(%arg10 : memref<!tpu.dma_semaphore, #tpu.memory_space<semaphore_mem>>) {add = true}
        %dma_start3A_378 = arith.constant 18 : i32
        %dma_start3A_379 = arith.constant 0 : i32
        %dma_start3A_380 = tpu.memref_slice %arg5[%dma_start3A_378, %dma_start3A_379] : memref<24x128xi32, #tpu.memory_space<vmem>> -> memref<1x128xi32, #tpu.memory_space<vmem>>
        %dma_start3A_381 = tpu.memref_squeeze %dma_start3A_380 : memref<1x128xi32, #tpu.memory_space<vmem>> -> memref<128xi32, #tpu.memory_space<vmem>>
        %dma_start3A_382 = arith.constant 0 : i32
        %dma_start3A_383 = arith.constant 0 : i32
        %dma_start3A_384 = tpu.memref_slice %arg8[%dma_start3A_382, %dma_start3A_383] : memref<100352x16xf32, #tpu.memory_space<vmem_shared>> -> memref<100352x16xf32, #tpu.memory_space<vmem_shared>>
        tpu.enqueue_indirect_dma source(%arg6 : memref<128x16xf32, #tpu.memory_space<vmem>>) target(%dma_start3A_384 : memref<100352x16xf32, #tpu.memory_space<vmem_shared>>) offsets(%dma_start3A_381 : memref<128xi32, #tpu.memory_space<vmem>>) semaphore(%arg10 : memref<!tpu.dma_semaphore, #tpu.memory_space<semaphore_mem>>) {add = true}
        %dma_start3A_385 = arith.constant 19 : i32
        %dma_start3A_386 = arith.constant 0 : i32
        %dma_start3A_387 = tpu.memref_slice %arg5[%dma_start3A_385, %dma_start3A_386] : memref<24x128xi32, #tpu.memory_space<vmem>> -> memref<1x128xi32, #tpu.memory_space<vmem>>
        %dma_start3A_388 = tpu.memref_squeeze %dma_start3A_387 : memref<1x128xi32, #tpu.memory_space<vmem>> -> memref<128xi32, #tpu.memory_space<vmem>>
        %dma_start3A_389 = arith.constant 0 : i32
        %dma_start3A_390 = arith.constant 0 : i32
        %dma_start3A_391 = tpu.memref_slice %arg8[%dma_start3A_389, %dma_start3A_390] : memref<100352x16xf32, #tpu.memory_space<vmem_shared>> -> memref<100352x16xf32, #tpu.memory_space<vmem_shared>>
        tpu.enqueue_indirect_dma source(%arg6 : memref<128x16xf32, #tpu.memory_space<vmem>>) target(%dma_start3A_391 : memref<100352x16xf32, #tpu.memory_space<vmem_shared>>) offsets(%dma_start3A_388 : memref<128xi32, #tpu.memory_space<vmem>>) semaphore(%arg10 : memref<!tpu.dma_semaphore, #tpu.memory_space<semaphore_mem>>) {add = true}
        %dma_start3A_392 = arith.constant 20 : i32
        %dma_start3A_393 = arith.constant 0 : i32
        %dma_start3A_394 = tpu.memref_slice %arg5[%dma_start3A_392, %dma_start3A_393] : memref<24x128xi32, #tpu.memory_space<vmem>> -> memref<1x128xi32, #tpu.memory_space<vmem>>
        %dma_start3A_395 = tpu.memref_squeeze %dma_start3A_394 : memref<1x128xi32, #tpu.memory_space<vmem>> -> memref<128xi32, #tpu.memory_space<vmem>>
        %dma_start3A_396 = arith.constant 0 : i32
        %dma_start3A_397 = arith.constant 0 : i32
        %dma_start3A_398 = tpu.memref_slice %arg8[%dma_start3A_396, %dma_start3A_397] : memref<100352x16xf32, #tpu.memory_space<vmem_shared>> -> memref<100352x16xf32, #tpu.memory_space<vmem_shared>>
        tpu.enqueue_indirect_dma source(%arg6 : memref<128x16xf32, #tpu.memory_space<vmem>>) target(%dma_start3A_398 : memref<100352x16xf32, #tpu.memory_space<vmem_shared>>) offsets(%dma_start3A_395 : memref<128xi32, #tpu.memory_space<vmem>>) semaphore(%arg10 : memref<!tpu.dma_semaphore, #tpu.memory_space<semaphore_mem>>) {add = true}
        %dma_start3A_399 = arith.constant 21 : i32
        %dma_start3A_400 = arith.constant 0 : i32
        %dma_start3A_401 = tpu.memref_slice %arg5[%dma_start3A_399, %dma_start3A_400] : memref<24x128xi32, #tpu.memory_space<vmem>> -> memref<1x128xi32, #tpu.memory_space<vmem>>
        %dma_start3A_402 = tpu.memref_squeeze %dma_start3A_401 : memref<1x128xi32, #tpu.memory_space<vmem>> -> memref<128xi32, #tpu.memory_space<vmem>>
        %dma_start3A_403 = arith.constant 0 : i32
        %dma_start3A_404 = arith.constant 0 : i32
        %dma_start3A_405 = tpu.memref_slice %arg8[%dma_start3A_403, %dma_start3A_404] : memref<100352x16xf32, #tpu.memory_space<vmem_shared>> -> memref<100352x16xf32, #tpu.memory_space<vmem_shared>>
        tpu.enqueue_indirect_dma source(%arg6 : memref<128x16xf32, #tpu.memory_space<vmem>>) target(%dma_start3A_405 : memref<100352x16xf32, #tpu.memory_space<vmem_shared>>) offsets(%dma_start3A_402 : memref<128xi32, #tpu.memory_space<vmem>>) semaphore(%arg10 : memref<!tpu.dma_semaphore, #tpu.memory_space<semaphore_mem>>) {add = true}
        %dma_start3A_406 = arith.constant 22 : i32
        %dma_start3A_407 = arith.constant 0 : i32
        %dma_start3A_408 = tpu.memref_slice %arg5[%dma_start3A_406, %dma_start3A_407] : memref<24x128xi32, #tpu.memory_space<vmem>> -> memref<1x128xi32, #tpu.memory_space<vmem>>
        %dma_start3A_409 = tpu.memref_squeeze %dma_start3A_408 : memref<1x128xi32, #tpu.memory_space<vmem>> -> memref<128xi32, #tpu.memory_space<vmem>>
        %dma_start3A_410 = arith.constant 0 : i32
        %dma_start3A_411 = arith.constant 0 : i32
        %dma_start3A_412 = tpu.memref_slice %arg8[%dma_start3A_410, %dma_start3A_411] : memref<100352x16xf32, #tpu.memory_space<vmem_shared>> -> memref<100352x16xf32, #tpu.memory_space<vmem_shared>>
        tpu.enqueue_indirect_dma source(%arg6 : memref<128x16xf32, #tpu.memory_space<vmem>>) target(%dma_start3A_412 : memref<100352x16xf32, #tpu.memory_space<vmem_shared>>) offsets(%dma_start3A_409 : memref<128xi32, #tpu.memory_space<vmem>>) semaphore(%arg10 : memref<!tpu.dma_semaphore, #tpu.memory_space<semaphore_mem>>) {add = true}
        %dma_start3A_413 = arith.constant 23 : i32
        %dma_start3A_414 = arith.constant 0 : i32
        %dma_start3A_415 = tpu.memref_slice %arg5[%dma_start3A_413, %dma_start3A_414] : memref<24x128xi32, #tpu.memory_space<vmem>> -> memref<1x128xi32, #tpu.memory_space<vmem>>
        %dma_start3A_416 = tpu.memref_squeeze %dma_start3A_415 : memref<1x128xi32, #tpu.memory_space<vmem>> -> memref<128xi32, #tpu.memory_space<vmem>>
        %dma_start3A_417 = arith.constant 0 : i32
        %dma_start3A_418 = arith.constant 0 : i32
        %dma_start3A_419 = tpu.memref_slice %arg8[%dma_start3A_417, %dma_start3A_418] : memref<100352x16xf32, #tpu.memory_space<vmem_shared>> -> memref<100352x16xf32, #tpu.memory_space<vmem_shared>>
        tpu.enqueue_indirect_dma source(%arg6 : memref<128x16xf32, #tpu.memory_space<vmem>>) target(%dma_start3A_419 : memref<100352x16xf32, #tpu.memory_space<vmem_shared>>) offsets(%dma_start3A_416 : memref<128xi32, #tpu.memory_space<vmem>>) semaphore(%arg10 : memref<!tpu.dma_semaphore, #tpu.memory_space<semaphore_mem>>) {add = true}
      } else {
      }
    }
    %scan3A_30 = arith.constant 33 : i32
    %dma_wait3A = arith.constant 0 : i32
    %dma_wait3A_31 = arith.constant 0 : i32
    %dma_wait3A_32 = tpu.memref_slice %arg4[%dma_wait3A, %dma_wait3A_31] : memref<24x128xi32, #tpu.memory_space<vmem>> -> memref<1x128xi32, #tpu.memory_space<vmem>>
    %dma_wait3A_33 = tpu.memref_squeeze %dma_wait3A_32 : memref<1x128xi32, #tpu.memory_space<vmem>> -> memref<128xi32, #tpu.memory_space<vmem>>
    %dma_wait3A_34 = arith.constant 0 : i32
    %dma_wait3A_35 = arith.constant 0 : i32
    %dma_wait3A_36 = tpu.memref_slice %arg8[%dma_wait3A_34, %dma_wait3A_35] : memref<100352x16xf32, #tpu.memory_space<vmem_shared>> -> memref<100352x16xf32, #tpu.memory_space<vmem_shared>>
    tpu.wait_indirect_dma semaphore(%arg9 : memref<!tpu.dma_semaphore, #tpu.memory_space<semaphore_mem>>) src(%arg6 : memref<128x16xf32, #tpu.memory_space<vmem>>) dst(%dma_wait3A_36 : memref<100352x16xf32, #tpu.memory_space<vmem_shared>>)
    %dma_wait3A_37 = arith.constant 1 : i32
    %dma_wait3A_38 = arith.constant 0 : i32
    %dma_wait3A_39 = tpu.memref_slice %arg4[%dma_wait3A_37, %dma_wait3A_38] : memref<24x128xi32, #tpu.memory_space<vmem>> -> memref<1x128xi32, #tpu.memory_space<vmem>>
    %dma_wait3A_40 = tpu.memref_squeeze %dma_wait3A_39 : memref<1x128xi32, #tpu.memory_space<vmem>> -> memref<128xi32, #tpu.memory_space<vmem>>
    %dma_wait3A_41 = arith.constant 0 : i32
    %dma_wait3A_42 = arith.constant 0 : i32
    %dma_wait3A_43 = tpu.memref_slice %arg8[%dma_wait3A_41, %dma_wait3A_42] : memref<100352x16xf32, #tpu.memory_space<vmem_shared>> -> memref<100352x16xf32, #tpu.memory_space<vmem_shared>>
    tpu.wait_indirect_dma semaphore(%arg9 : memref<!tpu.dma_semaphore, #tpu.memory_space<semaphore_mem>>) src(%arg6 : memref<128x16xf32, #tpu.memory_space<vmem>>) dst(%dma_wait3A_43 : memref<100352x16xf32, #tpu.memory_space<vmem_shared>>)
    %dma_wait3A_44 = arith.constant 2 : i32
    %dma_wait3A_45 = arith.constant 0 : i32
    %dma_wait3A_46 = tpu.memref_slice %arg4[%dma_wait3A_44, %dma_wait3A_45] : memref<24x128xi32, #tpu.memory_space<vmem>> -> memref<1x128xi32, #tpu.memory_space<vmem>>
    %dma_wait3A_47 = tpu.memref_squeeze %dma_wait3A_46 : memref<1x128xi32, #tpu.memory_space<vmem>> -> memref<128xi32, #tpu.memory_space<vmem>>
    %dma_wait3A_48 = arith.constant 0 : i32
    %dma_wait3A_49 = arith.constant 0 : i32
    %dma_wait3A_50 = tpu.memref_slice %arg8[%dma_wait3A_48, %dma_wait3A_49] : memref<100352x16xf32, #tpu.memory_space<vmem_shared>> -> memref<100352x16xf32, #tpu.memory_space<vmem_shared>>
    tpu.wait_indirect_dma semaphore(%arg9 : memref<!tpu.dma_semaphore, #tpu.memory_space<semaphore_mem>>) src(%arg6 : memref<128x16xf32, #tpu.memory_space<vmem>>) dst(%dma_wait3A_50 : memref<100352x16xf32, #tpu.memory_space<vmem_shared>>)
    %dma_wait3A_51 = arith.constant 3 : i32
    %dma_wait3A_52 = arith.constant 0 : i32
    %dma_wait3A_53 = tpu.memref_slice %arg4[%dma_wait3A_51, %dma_wait3A_52] : memref<24x128xi32, #tpu.memory_space<vmem>> -> memref<1x128xi32, #tpu.memory_space<vmem>>
    %dma_wait3A_54 = tpu.memref_squeeze %dma_wait3A_53 : memref<1x128xi32, #tpu.memory_space<vmem>> -> memref<128xi32, #tpu.memory_space<vmem>>
    %dma_wait3A_55 = arith.constant 0 : i32
    %dma_wait3A_56 = arith.constant 0 : i32
    %dma_wait3A_57 = tpu.memref_slice %arg8[%dma_wait3A_55, %dma_wait3A_56] : memref<100352x16xf32, #tpu.memory_space<vmem_shared>> -> memref<100352x16xf32, #tpu.memory_space<vmem_shared>>
    tpu.wait_indirect_dma semaphore(%arg9 : memref<!tpu.dma_semaphore, #tpu.memory_space<semaphore_mem>>) src(%arg6 : memref<128x16xf32, #tpu.memory_space<vmem>>) dst(%dma_wait3A_57 : memref<100352x16xf32, #tpu.memory_space<vmem_shared>>)
    %dma_wait3A_58 = arith.constant 4 : i32
    %dma_wait3A_59 = arith.constant 0 : i32
    %dma_wait3A_60 = tpu.memref_slice %arg4[%dma_wait3A_58, %dma_wait3A_59] : memref<24x128xi32, #tpu.memory_space<vmem>> -> memref<1x128xi32, #tpu.memory_space<vmem>>
    %dma_wait3A_61 = tpu.memref_squeeze %dma_wait3A_60 : memref<1x128xi32, #tpu.memory_space<vmem>> -> memref<128xi32, #tpu.memory_space<vmem>>
    %dma_wait3A_62 = arith.constant 0 : i32
    %dma_wait3A_63 = arith.constant 0 : i32
    %dma_wait3A_64 = tpu.memref_slice %arg8[%dma_wait3A_62, %dma_wait3A_63] : memref<100352x16xf32, #tpu.memory_space<vmem_shared>> -> memref<100352x16xf32, #tpu.memory_space<vmem_shared>>
    tpu.wait_indirect_dma semaphore(%arg9 : memref<!tpu.dma_semaphore, #tpu.memory_space<semaphore_mem>>) src(%arg6 : memref<128x16xf32, #tpu.memory_space<vmem>>) dst(%dma_wait3A_64 : memref<100352x16xf32, #tpu.memory_space<vmem_shared>>)
    %dma_wait3A_65 = arith.constant 5 : i32
    %dma_wait3A_66 = arith.constant 0 : i32
    %dma_wait3A_67 = tpu.memref_slice %arg4[%dma_wait3A_65, %dma_wait3A_66] : memref<24x128xi32, #tpu.memory_space<vmem>> -> memref<1x128xi32, #tpu.memory_space<vmem>>
    %dma_wait3A_68 = tpu.memref_squeeze %dma_wait3A_67 : memref<1x128xi32, #tpu.memory_space<vmem>> -> memref<128xi32, #tpu.memory_space<vmem>>
    %dma_wait3A_69 = arith.constant 0 : i32
    %dma_wait3A_70 = arith.constant 0 : i32
    %dma_wait3A_71 = tpu.memref_slice %arg8[%dma_wait3A_69, %dma_wait3A_70] : memref<100352x16xf32, #tpu.memory_space<vmem_shared>> -> memref<100352x16xf32, #tpu.memory_space<vmem_shared>>
    tpu.wait_indirect_dma semaphore(%arg9 : memref<!tpu.dma_semaphore, #tpu.memory_space<semaphore_mem>>) src(%arg6 : memref<128x16xf32, #tpu.memory_space<vmem>>) dst(%dma_wait3A_71 : memref<100352x16xf32, #tpu.memory_space<vmem_shared>>)
    %dma_wait3A_72 = arith.constant 6 : i32
    %dma_wait3A_73 = arith.constant 0 : i32
    %dma_wait3A_74 = tpu.memref_slice %arg4[%dma_wait3A_72, %dma_wait3A_73] : memref<24x128xi32, #tpu.memory_space<vmem>> -> memref<1x128xi32, #tpu.memory_space<vmem>>
    %dma_wait3A_75 = tpu.memref_squeeze %dma_wait3A_74 : memref<1x128xi32, #tpu.memory_space<vmem>> -> memref<128xi32, #tpu.memory_space<vmem>>
    %dma_wait3A_76 = arith.constant 0 : i32
    %dma_wait3A_77 = arith.constant 0 : i32
    %dma_wait3A_78 = tpu.memref_slice %arg8[%dma_wait3A_76, %dma_wait3A_77] : memref<100352x16xf32, #tpu.memory_space<vmem_shared>> -> memref<100352x16xf32, #tpu.memory_space<vmem_shared>>
    tpu.wait_indirect_dma semaphore(%arg9 : memref<!tpu.dma_semaphore, #tpu.memory_space<semaphore_mem>>) src(%arg6 : memref<128x16xf32, #tpu.memory_space<vmem>>) dst(%dma_wait3A_78 : memref<100352x16xf32, #tpu.memory_space<vmem_shared>>)
    %dma_wait3A_79 = arith.constant 7 : i32
    %dma_wait3A_80 = arith.constant 0 : i32
    %dma_wait3A_81 = tpu.memref_slice %arg4[%dma_wait3A_79, %dma_wait3A_80] : memref<24x128xi32, #tpu.memory_space<vmem>> -> memref<1x128xi32, #tpu.memory_space<vmem>>
    %dma_wait3A_82 = tpu.memref_squeeze %dma_wait3A_81 : memref<1x128xi32, #tpu.memory_space<vmem>> -> memref<128xi32, #tpu.memory_space<vmem>>
    %dma_wait3A_83 = arith.constant 0 : i32
    %dma_wait3A_84 = arith.constant 0 : i32
    %dma_wait3A_85 = tpu.memref_slice %arg8[%dma_wait3A_83, %dma_wait3A_84] : memref<100352x16xf32, #tpu.memory_space<vmem_shared>> -> memref<100352x16xf32, #tpu.memory_space<vmem_shared>>
    tpu.wait_indirect_dma semaphore(%arg9 : memref<!tpu.dma_semaphore, #tpu.memory_space<semaphore_mem>>) src(%arg6 : memref<128x16xf32, #tpu.memory_space<vmem>>) dst(%dma_wait3A_85 : memref<100352x16xf32, #tpu.memory_space<vmem_shared>>)
    %dma_wait3A_86 = arith.constant 8 : i32
    %dma_wait3A_87 = arith.constant 0 : i32
    %dma_wait3A_88 = tpu.memref_slice %arg4[%dma_wait3A_86, %dma_wait3A_87] : memref<24x128xi32, #tpu.memory_space<vmem>> -> memref<1x128xi32, #tpu.memory_space<vmem>>
    %dma_wait3A_89 = tpu.memref_squeeze %dma_wait3A_88 : memref<1x128xi32, #tpu.memory_space<vmem>> -> memref<128xi32, #tpu.memory_space<vmem>>
    %dma_wait3A_90 = arith.constant 0 : i32
    %dma_wait3A_91 = arith.constant 0 : i32
    %dma_wait3A_92 = tpu.memref_slice %arg8[%dma_wait3A_90, %dma_wait3A_91] : memref<100352x16xf32, #tpu.memory_space<vmem_shared>> -> memref<100352x16xf32, #tpu.memory_space<vmem_shared>>
    tpu.wait_indirect_dma semaphore(%arg9 : memref<!tpu.dma_semaphore, #tpu.memory_space<semaphore_mem>>) src(%arg6 : memref<128x16xf32, #tpu.memory_space<vmem>>) dst(%dma_wait3A_92 : memref<100352x16xf32, #tpu.memory_space<vmem_shared>>)
    %dma_wait3A_93 = arith.constant 9 : i32
    %dma_wait3A_94 = arith.constant 0 : i32
    %dma_wait3A_95 = tpu.memref_slice %arg4[%dma_wait3A_93, %dma_wait3A_94] : memref<24x128xi32, #tpu.memory_space<vmem>> -> memref<1x128xi32, #tpu.memory_space<vmem>>
    %dma_wait3A_96 = tpu.memref_squeeze %dma_wait3A_95 : memref<1x128xi32, #tpu.memory_space<vmem>> -> memref<128xi32, #tpu.memory_space<vmem>>
    %dma_wait3A_97 = arith.constant 0 : i32
    %dma_wait3A_98 = arith.constant 0 : i32
    %dma_wait3A_99 = tpu.memref_slice %arg8[%dma_wait3A_97, %dma_wait3A_98] : memref<100352x16xf32, #tpu.memory_space<vmem_shared>> -> memref<100352x16xf32, #tpu.memory_space<vmem_shared>>
    tpu.wait_indirect_dma semaphore(%arg9 : memref<!tpu.dma_semaphore, #tpu.memory_space<semaphore_mem>>) src(%arg6 : memref<128x16xf32, #tpu.memory_space<vmem>>) dst(%dma_wait3A_99 : memref<100352x16xf32, #tpu.memory_space<vmem_shared>>)
    %dma_wait3A_100 = arith.constant 10 : i32
    %dma_wait3A_101 = arith.constant 0 : i32
    %dma_wait3A_102 = tpu.memref_slice %arg4[%dma_wait3A_100, %dma_wait3A_101] : memref<24x128xi32, #tpu.memory_space<vmem>> -> memref<1x128xi32, #tpu.memory_space<vmem>>
    %dma_wait3A_103 = tpu.memref_squeeze %dma_wait3A_102 : memref<1x128xi32, #tpu.memory_space<vmem>> -> memref<128xi32, #tpu.memory_space<vmem>>
    %dma_wait3A_104 = arith.constant 0 : i32
    %dma_wait3A_105 = arith.constant 0 : i32
    %dma_wait3A_106 = tpu.memref_slice %arg8[%dma_wait3A_104, %dma_wait3A_105] : memref<100352x16xf32, #tpu.memory_space<vmem_shared>> -> memref<100352x16xf32, #tpu.memory_space<vmem_shared>>
    tpu.wait_indirect_dma semaphore(%arg9 : memref<!tpu.dma_semaphore, #tpu.memory_space<semaphore_mem>>) src(%arg6 : memref<128x16xf32, #tpu.memory_space<vmem>>) dst(%dma_wait3A_106 : memref<100352x16xf32, #tpu.memory_space<vmem_shared>>)
    %dma_wait3A_107 = arith.constant 11 : i32
    %dma_wait3A_108 = arith.constant 0 : i32
    %dma_wait3A_109 = tpu.memref_slice %arg4[%dma_wait3A_107, %dma_wait3A_108] : memref<24x128xi32, #tpu.memory_space<vmem>> -> memref<1x128xi32, #tpu.memory_space<vmem>>
    %dma_wait3A_110 = tpu.memref_squeeze %dma_wait3A_109 : memref<1x128xi32, #tpu.memory_space<vmem>> -> memref<128xi32, #tpu.memory_space<vmem>>
    %dma_wait3A_111 = arith.constant 0 : i32
    %dma_wait3A_112 = arith.constant 0 : i32
    %dma_wait3A_113 = tpu.memref_slice %arg8[%dma_wait3A_111, %dma_wait3A_112] : memref<100352x16xf32, #tpu.memory_space<vmem_shared>> -> memref<100352x16xf32, #tpu.memory_space<vmem_shared>>
    tpu.wait_indirect_dma semaphore(%arg9 : memref<!tpu.dma_semaphore, #tpu.memory_space<semaphore_mem>>) src(%arg6 : memref<128x16xf32, #tpu.memory_space<vmem>>) dst(%dma_wait3A_113 : memref<100352x16xf32, #tpu.memory_space<vmem_shared>>)
    %dma_wait3A_114 = arith.constant 12 : i32
    %dma_wait3A_115 = arith.constant 0 : i32
    %dma_wait3A_116 = tpu.memref_slice %arg4[%dma_wait3A_114, %dma_wait3A_115] : memref<24x128xi32, #tpu.memory_space<vmem>> -> memref<1x128xi32, #tpu.memory_space<vmem>>
    %dma_wait3A_117 = tpu.memref_squeeze %dma_wait3A_116 : memref<1x128xi32, #tpu.memory_space<vmem>> -> memref<128xi32, #tpu.memory_space<vmem>>
    %dma_wait3A_118 = arith.constant 0 : i32
    %dma_wait3A_119 = arith.constant 0 : i32
    %dma_wait3A_120 = tpu.memref_slice %arg8[%dma_wait3A_118, %dma_wait3A_119] : memref<100352x16xf32, #tpu.memory_space<vmem_shared>> -> memref<100352x16xf32, #tpu.memory_space<vmem_shared>>
    tpu.wait_indirect_dma semaphore(%arg9 : memref<!tpu.dma_semaphore, #tpu.memory_space<semaphore_mem>>) src(%arg6 : memref<128x16xf32, #tpu.memory_space<vmem>>) dst(%dma_wait3A_120 : memref<100352x16xf32, #tpu.memory_space<vmem_shared>>)
    %dma_wait3A_121 = arith.constant 13 : i32
    %dma_wait3A_122 = arith.constant 0 : i32
    %dma_wait3A_123 = tpu.memref_slice %arg4[%dma_wait3A_121, %dma_wait3A_122] : memref<24x128xi32, #tpu.memory_space<vmem>> -> memref<1x128xi32, #tpu.memory_space<vmem>>
    %dma_wait3A_124 = tpu.memref_squeeze %dma_wait3A_123 : memref<1x128xi32, #tpu.memory_space<vmem>> -> memref<128xi32, #tpu.memory_space<vmem>>
    %dma_wait3A_125 = arith.constant 0 : i32
    %dma_wait3A_126 = arith.constant 0 : i32
    %dma_wait3A_127 = tpu.memref_slice %arg8[%dma_wait3A_125, %dma_wait3A_126] : memref<100352x16xf32, #tpu.memory_space<vmem_shared>> -> memref<100352x16xf32, #tpu.memory_space<vmem_shared>>
    tpu.wait_indirect_dma semaphore(%arg9 : memref<!tpu.dma_semaphore, #tpu.memory_space<semaphore_mem>>) src(%arg6 : memref<128x16xf32, #tpu.memory_space<vmem>>) dst(%dma_wait3A_127 : memref<100352x16xf32, #tpu.memory_space<vmem_shared>>)
    %dma_wait3A_128 = arith.constant 14 : i32
    %dma_wait3A_129 = arith.constant 0 : i32
    %dma_wait3A_130 = tpu.memref_slice %arg4[%dma_wait3A_128, %dma_wait3A_129] : memref<24x128xi32, #tpu.memory_space<vmem>> -> memref<1x128xi32, #tpu.memory_space<vmem>>
    %dma_wait3A_131 = tpu.memref_squeeze %dma_wait3A_130 : memref<1x128xi32, #tpu.memory_space<vmem>> -> memref<128xi32, #tpu.memory_space<vmem>>
    %dma_wait3A_132 = arith.constant 0 : i32
    %dma_wait3A_133 = arith.constant 0 : i32
    %dma_wait3A_134 = tpu.memref_slice %arg8[%dma_wait3A_132, %dma_wait3A_133] : memref<100352x16xf32, #tpu.memory_space<vmem_shared>> -> memref<100352x16xf32, #tpu.memory_space<vmem_shared>>
    tpu.wait_indirect_dma semaphore(%arg9 : memref<!tpu.dma_semaphore, #tpu.memory_space<semaphore_mem>>) src(%arg6 : memref<128x16xf32, #tpu.memory_space<vmem>>) dst(%dma_wait3A_134 : memref<100352x16xf32, #tpu.memory_space<vmem_shared>>)
    %dma_wait3A_135 = arith.constant 15 : i32
    %dma_wait3A_136 = arith.constant 0 : i32
    %dma_wait3A_137 = tpu.memref_slice %arg4[%dma_wait3A_135, %dma_wait3A_136] : memref<24x128xi32, #tpu.memory_space<vmem>> -> memref<1x128xi32, #tpu.memory_space<vmem>>
    %dma_wait3A_138 = tpu.memref_squeeze %dma_wait3A_137 : memref<1x128xi32, #tpu.memory_space<vmem>> -> memref<128xi32, #tpu.memory_space<vmem>>
    %dma_wait3A_139 = arith.constant 0 : i32
    %dma_wait3A_140 = arith.constant 0 : i32
    %dma_wait3A_141 = tpu.memref_slice %arg8[%dma_wait3A_139, %dma_wait3A_140] : memref<100352x16xf32, #tpu.memory_space<vmem_shared>> -> memref<100352x16xf32, #tpu.memory_space<vmem_shared>>
    tpu.wait_indirect_dma semaphore(%arg9 : memref<!tpu.dma_semaphore, #tpu.memory_space<semaphore_mem>>) src(%arg6 : memref<128x16xf32, #tpu.memory_space<vmem>>) dst(%dma_wait3A_141 : memref<100352x16xf32, #tpu.memory_space<vmem_shared>>)
    %dma_wait3A_142 = arith.constant 16 : i32
    %dma_wait3A_143 = arith.constant 0 : i32
    %dma_wait3A_144 = tpu.memref_slice %arg4[%dma_wait3A_142, %dma_wait3A_143] : memref<24x128xi32, #tpu.memory_space<vmem>> -> memref<1x128xi32, #tpu.memory_space<vmem>>
    %dma_wait3A_145 = tpu.memref_squeeze %dma_wait3A_144 : memref<1x128xi32, #tpu.memory_space<vmem>> -> memref<128xi32, #tpu.memory_space<vmem>>
    %dma_wait3A_146 = arith.constant 0 : i32
    %dma_wait3A_147 = arith.constant 0 : i32
    %dma_wait3A_148 = tpu.memref_slice %arg8[%dma_wait3A_146, %dma_wait3A_147] : memref<100352x16xf32, #tpu.memory_space<vmem_shared>> -> memref<100352x16xf32, #tpu.memory_space<vmem_shared>>
    tpu.wait_indirect_dma semaphore(%arg9 : memref<!tpu.dma_semaphore, #tpu.memory_space<semaphore_mem>>) src(%arg6 : memref<128x16xf32, #tpu.memory_space<vmem>>) dst(%dma_wait3A_148 : memref<100352x16xf32, #tpu.memory_space<vmem_shared>>)
    %dma_wait3A_149 = arith.constant 17 : i32
    %dma_wait3A_150 = arith.constant 0 : i32
    %dma_wait3A_151 = tpu.memref_slice %arg4[%dma_wait3A_149, %dma_wait3A_150] : memref<24x128xi32, #tpu.memory_space<vmem>> -> memref<1x128xi32, #tpu.memory_space<vmem>>
    %dma_wait3A_152 = tpu.memref_squeeze %dma_wait3A_151 : memref<1x128xi32, #tpu.memory_space<vmem>> -> memref<128xi32, #tpu.memory_space<vmem>>
    %dma_wait3A_153 = arith.constant 0 : i32
    %dma_wait3A_154 = arith.constant 0 : i32
    %dma_wait3A_155 = tpu.memref_slice %arg8[%dma_wait3A_153, %dma_wait3A_154] : memref<100352x16xf32, #tpu.memory_space<vmem_shared>> -> memref<100352x16xf32, #tpu.memory_space<vmem_shared>>
    tpu.wait_indirect_dma semaphore(%arg9 : memref<!tpu.dma_semaphore, #tpu.memory_space<semaphore_mem>>) src(%arg6 : memref<128x16xf32, #tpu.memory_space<vmem>>) dst(%dma_wait3A_155 : memref<100352x16xf32, #tpu.memory_space<vmem_shared>>)
    %dma_wait3A_156 = arith.constant 18 : i32
    %dma_wait3A_157 = arith.constant 0 : i32
    %dma_wait3A_158 = tpu.memref_slice %arg4[%dma_wait3A_156, %dma_wait3A_157] : memref<24x128xi32, #tpu.memory_space<vmem>> -> memref<1x128xi32, #tpu.memory_space<vmem>>
    %dma_wait3A_159 = tpu.memref_squeeze %dma_wait3A_158 : memref<1x128xi32, #tpu.memory_space<vmem>> -> memref<128xi32, #tpu.memory_space<vmem>>
    %dma_wait3A_160 = arith.constant 0 : i32
    %dma_wait3A_161 = arith.constant 0 : i32
    %dma_wait3A_162 = tpu.memref_slice %arg8[%dma_wait3A_160, %dma_wait3A_161] : memref<100352x16xf32, #tpu.memory_space<vmem_shared>> -> memref<100352x16xf32, #tpu.memory_space<vmem_shared>>
    tpu.wait_indirect_dma semaphore(%arg9 : memref<!tpu.dma_semaphore, #tpu.memory_space<semaphore_mem>>) src(%arg6 : memref<128x16xf32, #tpu.memory_space<vmem>>) dst(%dma_wait3A_162 : memref<100352x16xf32, #tpu.memory_space<vmem_shared>>)
    %dma_wait3A_163 = arith.constant 19 : i32
    %dma_wait3A_164 = arith.constant 0 : i32
    %dma_wait3A_165 = tpu.memref_slice %arg4[%dma_wait3A_163, %dma_wait3A_164] : memref<24x128xi32, #tpu.memory_space<vmem>> -> memref<1x128xi32, #tpu.memory_space<vmem>>
    %dma_wait3A_166 = tpu.memref_squeeze %dma_wait3A_165 : memref<1x128xi32, #tpu.memory_space<vmem>> -> memref<128xi32, #tpu.memory_space<vmem>>
    %dma_wait3A_167 = arith.constant 0 : i32
    %dma_wait3A_168 = arith.constant 0 : i32
    %dma_wait3A_169 = tpu.memref_slice %arg8[%dma_wait3A_167, %dma_wait3A_168] : memref<100352x16xf32, #tpu.memory_space<vmem_shared>> -> memref<100352x16xf32, #tpu.memory_space<vmem_shared>>
    tpu.wait_indirect_dma semaphore(%arg9 : memref<!tpu.dma_semaphore, #tpu.memory_space<semaphore_mem>>) src(%arg6 : memref<128x16xf32, #tpu.memory_space<vmem>>) dst(%dma_wait3A_169 : memref<100352x16xf32, #tpu.memory_space<vmem_shared>>)
    %dma_wait3A_170 = arith.constant 20 : i32
    %dma_wait3A_171 = arith.constant 0 : i32
    %dma_wait3A_172 = tpu.memref_slice %arg4[%dma_wait3A_170, %dma_wait3A_171] : memref<24x128xi32, #tpu.memory_space<vmem>> -> memref<1x128xi32, #tpu.memory_space<vmem>>
    %dma_wait3A_173 = tpu.memref_squeeze %dma_wait3A_172 : memref<1x128xi32, #tpu.memory_space<vmem>> -> memref<128xi32, #tpu.memory_space<vmem>>
    %dma_wait3A_174 = arith.constant 0 : i32
    %dma_wait3A_175 = arith.constant 0 : i32
    %dma_wait3A_176 = tpu.memref_slice %arg8[%dma_wait3A_174, %dma_wait3A_175] : memref<100352x16xf32, #tpu.memory_space<vmem_shared>> -> memref<100352x16xf32, #tpu.memory_space<vmem_shared>>
    tpu.wait_indirect_dma semaphore(%arg9 : memref<!tpu.dma_semaphore, #tpu.memory_space<semaphore_mem>>) src(%arg6 : memref<128x16xf32, #tpu.memory_space<vmem>>) dst(%dma_wait3A_176 : memref<100352x16xf32, #tpu.memory_space<vmem_shared>>)
    %dma_wait3A_177 = arith.constant 21 : i32
    %dma_wait3A_178 = arith.constant 0 : i32
    %dma_wait3A_179 = tpu.memref_slice %arg4[%dma_wait3A_177, %dma_wait3A_178] : memref<24x128xi32, #tpu.memory_space<vmem>> -> memref<1x128xi32, #tpu.memory_space<vmem>>
    %dma_wait3A_180 = tpu.memref_squeeze %dma_wait3A_179 : memref<1x128xi32, #tpu.memory_space<vmem>> -> memref<128xi32, #tpu.memory_space<vmem>>
    %dma_wait3A_181 = arith.constant 0 : i32
    %dma_wait3A_182 = arith.constant 0 : i32
    %dma_wait3A_183 = tpu.memref_slice %arg8[%dma_wait3A_181, %dma_wait3A_182] : memref<100352x16xf32, #tpu.memory_space<vmem_shared>> -> memref<100352x16xf32, #tpu.memory_space<vmem_shared>>
    tpu.wait_indirect_dma semaphore(%arg9 : memref<!tpu.dma_semaphore, #tpu.memory_space<semaphore_mem>>) src(%arg6 : memref<128x16xf32, #tpu.memory_space<vmem>>) dst(%dma_wait3A_183 : memref<100352x16xf32, #tpu.memory_space<vmem_shared>>)
    %dma_wait3A_184 = arith.constant 22 : i32
    %dma_wait3A_185 = arith.constant 0 : i32
    %dma_wait3A_186 = tpu.memref_slice %arg4[%dma_wait3A_184, %dma_wait3A_185] : memref<24x128xi32, #tpu.memory_space<vmem>> -> memref<1x128xi32, #tpu.memory_space<vmem>>
    %dma_wait3A_187 = tpu.memref_squeeze %dma_wait3A_186 : memref<1x128xi32, #tpu.memory_space<vmem>> -> memref<128xi32, #tpu.memory_space<vmem>>
    %dma_wait3A_188 = arith.constant 0 : i32
    %dma_wait3A_189 = arith.constant 0 : i32
    %dma_wait3A_190 = tpu.memref_slice %arg8[%dma_wait3A_188, %dma_wait3A_189] : memref<100352x16xf32, #tpu.memory_space<vmem_shared>> -> memref<100352x16xf32, #tpu.memory_space<vmem_shared>>
    tpu.wait_indirect_dma semaphore(%arg9 : memref<!tpu.dma_semaphore, #tpu.memory_space<semaphore_mem>>) src(%arg6 : memref<128x16xf32, #tpu.memory_space<vmem>>) dst(%dma_wait3A_190 : memref<100352x16xf32, #tpu.memory_space<vmem_shared>>)
    %dma_wait3A_191 = arith.constant 23 : i32
    %dma_wait3A_192 = arith.constant 0 : i32
    %dma_wait3A_193 = tpu.memref_slice %arg4[%dma_wait3A_191, %dma_wait3A_192] : memref<24x128xi32, #tpu.memory_space<vmem>> -> memref<1x128xi32, #tpu.memory_space<vmem>>
    %dma_wait3A_194 = tpu.memref_squeeze %dma_wait3A_193 : memref<1x128xi32, #tpu.memory_space<vmem>> -> memref<128xi32, #tpu.memory_space<vmem>>
    %dma_wait3A_195 = arith.constant 0 : i32
    %dma_wait3A_196 = arith.constant 0 : i32
    %dma_wait3A_197 = tpu.memref_slice %arg8[%dma_wait3A_195, %dma_wait3A_196] : memref<100352x16xf32, #tpu.memory_space<vmem_shared>> -> memref<100352x16xf32, #tpu.memory_space<vmem_shared>>
    tpu.wait_indirect_dma semaphore(%arg9 : memref<!tpu.dma_semaphore, #tpu.memory_space<semaphore_mem>>) src(%arg6 : memref<128x16xf32, #tpu.memory_space<vmem>>) dst(%dma_wait3A_197 : memref<100352x16xf32, #tpu.memory_space<vmem_shared>>)
    %barrier3A_198 = arith.constant 0 : index
    tpu.barrier barrier_id(%barrier3A_198)
    %mul3A_199 = arith.constant 6272 : i32
    %mul3A_200 = arith.muli %arg1, %mul3A_199 : i32
    %mul3A_201 = arith.constant 6272 : i32
    %mul3A_202 = arith.muli %arg1, %mul3A_201 : i32
    "tpu.region"() ({
      %run_scoped3A = tpu.sem_alloc : memref<!tpu.dma_semaphore, #tpu.memory_space<semaphore_mem>>
      %dma_start3A_203 = arith.constant 0 : i32
      %dma_start3A_204 = tpu.memref_slice %arg3[%arg0, %mul3A_202, %dma_start3A_203] : memref<2x100352x16xf32, #tpu.memory_space<hbm>> -> memref<1x6272x16xf32, #tpu.memory_space<hbm>>
      %dma_start3A_205 = tpu.memref_squeeze %dma_start3A_204 : memref<1x6272x16xf32, #tpu.memory_space<hbm>> -> memref<6272x16xf32, #tpu.memory_space<hbm>>
      %dma_start3A_206 = arith.constant 0 : i32
      %dma_start3A_207 = tpu.memref_slice %arg8[%mul3A_200, %dma_start3A_206] : memref<100352x16xf32, #tpu.memory_space<vmem_shared>> -> memref<6272x16xf32, #tpu.memory_space<vmem_shared>>
      tpu.enqueue_dma source(%dma_start3A_207 : memref<6272x16xf32, #tpu.memory_space<vmem_shared>>) target(%dma_start3A_205 : memref<6272x16xf32, #tpu.memory_space<hbm>>) target_semaphore(%run_scoped3A : memref<!tpu.dma_semaphore, #tpu.memory_space<semaphore_mem>>)
      %dma_wait3A_208 = arith.constant 0 : i32
      %dma_wait3A_209 = tpu.memref_slice %arg3[%arg0, %mul3A_202, %dma_wait3A_208] : memref<2x100352x16xf32, #tpu.memory_space<hbm>> -> memref<1x6272x16xf32, #tpu.memory_space<hbm>>
      %dma_wait3A_210 = tpu.memref_squeeze %dma_wait3A_209 : memref<1x6272x16xf32, #tpu.memory_space<hbm>> -> memref<6272x16xf32, #tpu.memory_space<hbm>>
      %dma_wait3A_211 = arith.constant 0 : i32
      %dma_wait3A_212 = tpu.memref_slice %arg8[%mul3A_200, %dma_wait3A_211] : memref<100352x16xf32, #tpu.memory_space<vmem_shared>> -> memref<6272x16xf32, #tpu.memory_space<vmem_shared>>
      tpu.wait_dma2 semaphore(%run_scoped3A : memref<!tpu.dma_semaphore, #tpu.memory_space<semaphore_mem>>) src(%dma_wait3A_212 : memref<6272x16xf32, #tpu.memory_space<vmem_shared>>) dst(%dma_wait3A_210 : memref<6272x16xf32, #tpu.memory_space<hbm>>)
      tpu.yield
    }) : () -> ()
    return
  }
}

#map = affine_map<(d0, d1) -> (0, 0)>
#map1 = affine_map<(d0, d1) -> (0, 0, 0)>
module attributes {stable_mosaic.version = 14 : i64} {
  func.func @_agg_body(%arg0: i32, %arg1: i32, %arg2: memref<25344x128xi32, #tpu.memory_space<hbm>>, %arg3: memref<25344x128xi32, #tpu.memory_space<hbm>>, %arg4: memref<100352x16xf32, #tpu.memory_space<hbm>>, %arg5: memref<2x100352x16xf32, #tpu.memory_space<hbm>>, %arg6: memref<6x128xi32, #tpu.memory_space<vmem>>, %arg7: memref<6x128xi32, #tpu.memory_space<vmem>>, %arg8: memref<6x128xi32, #tpu.memory_space<vmem>>, %arg9: memref<6x128xi32, #tpu.memory_space<vmem>>, %arg10: memref<6x128x16xf32, #tpu.memory_space<vmem>>, %arg11: memref<6x128x16xf32, #tpu.memory_space<vmem>>, %arg12: memref<100352x16xf32, #tpu.memory_space<vmem_shared>>, %arg13: memref<!tpu.dma_semaphore, #tpu.memory_space<semaphore_mem>>, %arg14: memref<!tpu.dma_semaphore, #tpu.memory_space<semaphore_mem>>, %arg15: memref<!tpu.dma_semaphore, #tpu.memory_space<semaphore_mem>>, %arg16: memref<!tpu.dma_semaphore, #tpu.memory_space<semaphore_mem>>, %arg17: memref<!tpu.dma_semaphore, #tpu.memory_space<semaphore_mem>>, %arg18: memref<!tpu.dma_semaphore, #tpu.memory_space<semaphore_mem>>, %arg19: memref<!tpu.dma_semaphore, #tpu.memory_space<semaphore_mem>>, %arg20: memref<!tpu.dma_semaphore, #tpu.memory_space<semaphore_mem>>, %arg21: memref<!tpu.dma_semaphore, #tpu.memory_space<semaphore_mem>>) attributes {dimension_semantics = [#tpu.dimension_semantics<core_parallel>, #tpu.dimension_semantics<subcore_parallel>], iteration_bounds = array<i64: 2, 16>, scalar_prefetch = 0 : i64, scratch_operands = 16 : i64, tpu.core_type = #tpu.core_type<sc_vector_subcore>, window_params = [{transform_indices = #map}, {transform_indices = #map}, {transform_indices = #map}, {transform_indices = #map1}]} {
    %mul3A = arith.constant 16 : i32
    %mul3A_0 = arith.muli %arg0, %mul3A : i32
    %add3A = arith.addi %mul3A_0, %arg1 : i32
    %mul3A_1 = arith.constant 792 : i32
    %mul3A_2 = arith.muli %add3A, %mul3A_1 : i32
    %add3A_3 = arith.constant 0 : i32
    %add3A_4 = arith.addi %mul3A_2, %add3A_3 : i32
    %dma_start3A = arith.constant 0 : i32
    %dma_start3A_5 = tpu.memref_slice %arg2[%add3A_4, %dma_start3A] : memref<25344x128xi32, #tpu.memory_space<hbm>> -> memref<6x128xi32, #tpu.memory_space<hbm>>
    %dma_start3A_6 = arith.constant 0 : i32
    %dma_start3A_7 = tpu.memref_slice %arg2[%add3A_4, %dma_start3A_6] : memref<25344x128xi32, #tpu.memory_space<hbm>> -> memref<6x128xi32, #tpu.memory_space<hbm>>
    tpu.enqueue_dma source(%dma_start3A_7 : memref<6x128xi32, #tpu.memory_space<hbm>>) target(%arg6 : memref<6x128xi32, #tpu.memory_space<vmem>>) target_semaphore(%arg17 : memref<!tpu.dma_semaphore, #tpu.memory_space<semaphore_mem>>)
    %add3A_8 = arith.constant 6 : i32
    %add3A_9 = arith.addi %mul3A_2, %add3A_8 : i32
    %dma_start3A_10 = arith.constant 0 : i32
    %dma_start3A_11 = tpu.memref_slice %arg2[%add3A_9, %dma_start3A_10] : memref<25344x128xi32, #tpu.memory_space<hbm>> -> memref<6x128xi32, #tpu.memory_space<hbm>>
    %dma_start3A_12 = arith.constant 0 : i32
    %dma_start3A_13 = tpu.memref_slice %arg2[%add3A_9, %dma_start3A_12] : memref<25344x128xi32, #tpu.memory_space<hbm>> -> memref<6x128xi32, #tpu.memory_space<hbm>>
    tpu.enqueue_dma source(%dma_start3A_13 : memref<6x128xi32, #tpu.memory_space<hbm>>) target(%arg7 : memref<6x128xi32, #tpu.memory_space<vmem>>) target_semaphore(%arg18 : memref<!tpu.dma_semaphore, #tpu.memory_space<semaphore_mem>>)
    %add3A_14 = arith.constant 0 : i32
    %add3A_15 = arith.addi %mul3A_2, %add3A_14 : i32
    %dma_start3A_16 = arith.constant 0 : i32
    %dma_start3A_17 = tpu.memref_slice %arg3[%add3A_15, %dma_start3A_16] : memref<25344x128xi32, #tpu.memory_space<hbm>> -> memref<6x128xi32, #tpu.memory_space<hbm>>
    %dma_start3A_18 = arith.constant 0 : i32
    %dma_start3A_19 = tpu.memref_slice %arg3[%add3A_15, %dma_start3A_18] : memref<25344x128xi32, #tpu.memory_space<hbm>> -> memref<6x128xi32, #tpu.memory_space<hbm>>
    tpu.enqueue_dma source(%dma_start3A_19 : memref<6x128xi32, #tpu.memory_space<hbm>>) target(%arg8 : memref<6x128xi32, #tpu.memory_space<vmem>>) target_semaphore(%arg19 : memref<!tpu.dma_semaphore, #tpu.memory_space<semaphore_mem>>)
    %scan3A = arith.constant 0 : i32
    %scan3A_20 = arith.constant 0 : i32
    %scan3A_21 = arith.constant 128 : i32
    %scan3A_22 = arith.addi %scan3A_20, %scan3A_21 : i32
    %scan3A_23 = arith.constant 1 : i32
    scf.for %scan3A_195 = %scan3A_20 to %scan3A_22 step %scan3A_23  : i32 {
      %broadcast_in_dim3A = arith.constant 0.000000e+00 : f32
      %broadcast_in_dim3A_196 = vector.broadcast %broadcast_in_dim3A : f32 to vector<16xf32>
      %swap3A = arith.constant 0 : i32
      %swap3A_197 = arith.index_cast %swap3A : i32 to index
      %swap3A_198 = arith.index_cast %scan3A_195 : i32 to index
      %swap3A_199 = arith.constant 0 : index
      %swap3A_200 = tpu.vector_load %arg10[%swap3A_197, %swap3A_198, %swap3A_199] {strides = array<i32>} : memref<6x128x16xf32, #tpu.memory_space<vmem>>, vector<1x1x16xf32>,
      %swap3A_201 = vector.shape_cast %swap3A_200 : vector<1x1x16xf32> to vector<16xf32>
      %swap3A_202 = vector.shape_cast %broadcast_in_dim3A_196 : vector<16xf32> to vector<1x1x16xf32>
      tpu.vector_store %arg10[%swap3A_197, %swap3A_198, %swap3A_199], %swap3A_202 {strides = array<i32>} : memref<6x128x16xf32, #tpu.memory_space<vmem>>, vector<1x1x16xf32>,
    }
    %scan3A_24 = arith.constant 128 : i32
    %scan3A_25 = arith.constant 0 : i32
    %scan3A_26 = arith.constant 0 : i32
    %scan3A_27 = arith.constant 49 : i32
    %scan3A_28 = arith.addi %scan3A_26, %scan3A_27 : i32
    %scan3A_29 = arith.constant 1 : i32
    scf.for %scan3A_195 = %scan3A_26 to %scan3A_28 step %scan3A_29  : i32 {
      %mul3A_196 = arith.constant 6272 : i32
      %mul3A_197 = arith.muli %arg1, %mul3A_196 : i32
      %mul3A_198 = arith.constant 128 : i32
      %mul3A_199 = arith.muli %scan3A_195, %mul3A_198 : i32
      %add3A_200 = arith.addi %mul3A_197, %mul3A_199 : i32
      %dma_start3A_201 = arith.constant 0 : i32
      %dma_start3A_202 = arith.constant 0 : i32
      %dma_start3A_203 = arith.constant 0 : i32
      %dma_start3A_204 = tpu.memref_slice %arg10[%dma_start3A_201, %dma_start3A_202, %dma_start3A_203] : memref<6x128x16xf32, #tpu.memory_space<vmem>> -> memref<1x128x16xf32, #tpu.memory_space<vmem>>
      %dma_start3A_205 = tpu.memref_squeeze %dma_start3A_204 : memref<1x128x16xf32, #tpu.memory_space<vmem>> -> memref<128x16xf32, #tpu.memory_space<vmem>>
      %dma_start3A_206 = arith.constant 0 : i32
      %dma_start3A_207 = tpu.memref_slice %arg12[%add3A_200, %dma_start3A_206] : memref<100352x16xf32, #tpu.memory_space<vmem_shared>> -> memref<128x16xf32, #tpu.memory_space<vmem_shared>>
      %dma_start3A_208 = arith.constant 0 : i32
      %dma_start3A_209 = tpu.memref_slice %arg12[%add3A_200, %dma_start3A_208] : memref<100352x16xf32, #tpu.memory_space<vmem_shared>> -> memref<128x16xf32, #tpu.memory_space<vmem_shared>>
      %dma_start3A_210 = arith.constant 0 : i32
      %dma_start3A_211 = arith.constant 0 : i32
      %dma_start3A_212 = tpu.memref_slice %arg10[%dma_start3A_201, %dma_start3A_210, %dma_start3A_211] : memref<6x128x16xf32, #tpu.memory_space<vmem>> -> memref<1x128x16xf32, #tpu.memory_space<vmem>>
      %dma_start3A_213 = tpu.memref_squeeze %dma_start3A_212 : memref<1x128x16xf32, #tpu.memory_space<vmem>> -> memref<128x16xf32, #tpu.memory_space<vmem>>
      tpu.enqueue_dma source(%dma_start3A_213 : memref<128x16xf32, #tpu.memory_space<vmem>>) target(%dma_start3A_209 : memref<128x16xf32, #tpu.memory_space<vmem_shared>>) target_semaphore(%arg21 : memref<!tpu.dma_semaphore, #tpu.memory_space<semaphore_mem>>)
    }
    %scan3A_30 = arith.constant 49 : i32
    %scan3A_31 = arith.constant 0 : i32
    %scan3A_32 = arith.constant 0 : i32
    %scan3A_33 = arith.constant 49 : i32
    %scan3A_34 = arith.addi %scan3A_32, %scan3A_33 : i32
    %scan3A_35 = arith.constant 1 : i32
    scf.for %scan3A_195 = %scan3A_32 to %scan3A_34 step %scan3A_35  : i32 {
      %mul3A_196 = arith.constant 6272 : i32
      %mul3A_197 = arith.muli %arg1, %mul3A_196 : i32
      %mul3A_198 = arith.constant 128 : i32
      %mul3A_199 = arith.muli %scan3A_195, %mul3A_198 : i32
      %add3A_200 = arith.addi %mul3A_197, %mul3A_199 : i32
      %dma_wait3A_201 = arith.constant 0 : i32
      %dma_wait3A_202 = arith.constant 0 : i32
      %dma_wait3A_203 = arith.constant 0 : i32
      %dma_wait3A_204 = tpu.memref_slice %arg10[%dma_wait3A_201, %dma_wait3A_202, %dma_wait3A_203] : memref<6x128x16xf32, #tpu.memory_space<vmem>> -> memref<1x128x16xf32, #tpu.memory_space<vmem>>
      %dma_wait3A_205 = tpu.memref_squeeze %dma_wait3A_204 : memref<1x128x16xf32, #tpu.memory_space<vmem>> -> memref<128x16xf32, #tpu.memory_space<vmem>>
      %dma_wait3A_206 = arith.constant 0 : i32
      %dma_wait3A_207 = tpu.memref_slice %arg12[%add3A_200, %dma_wait3A_206] : memref<100352x16xf32, #tpu.memory_space<vmem_shared>> -> memref<128x16xf32, #tpu.memory_space<vmem_shared>>
      %dma_wait3A_208 = arith.constant 0 : i32
      %dma_wait3A_209 = tpu.memref_slice %arg12[%add3A_200, %dma_wait3A_208] : memref<100352x16xf32, #tpu.memory_space<vmem_shared>> -> memref<128x16xf32, #tpu.memory_space<vmem_shared>>
      %dma_wait3A_210 = arith.constant 0 : i32
      %dma_wait3A_211 = arith.constant 0 : i32
      %dma_wait3A_212 = tpu.memref_slice %arg10[%dma_wait3A_201, %dma_wait3A_210, %dma_wait3A_211] : memref<6x128x16xf32, #tpu.memory_space<vmem>> -> memref<1x128x16xf32, #tpu.memory_space<vmem>>
      %dma_wait3A_213 = tpu.memref_squeeze %dma_wait3A_212 : memref<1x128x16xf32, #tpu.memory_space<vmem>> -> memref<128x16xf32, #tpu.memory_space<vmem>>
      tpu.wait_dma2 semaphore(%arg21 : memref<!tpu.dma_semaphore, #tpu.memory_space<semaphore_mem>>) src(%dma_wait3A_213 : memref<128x16xf32, #tpu.memory_space<vmem>>) dst(%dma_wait3A_209 : memref<128x16xf32, #tpu.memory_space<vmem_shared>>)
    }
    %scan3A_36 = arith.constant 49 : i32
    %dma_wait3A = arith.constant 0 : i32
    %dma_wait3A_37 = tpu.memref_slice %arg2[%mul3A_2, %dma_wait3A] : memref<25344x128xi32, #tpu.memory_space<hbm>> -> memref<6x128xi32, #tpu.memory_space<hbm>>
    %dma_wait3A_38 = arith.constant 0 : i32
    %dma_wait3A_39 = tpu.memref_slice %arg2[%mul3A_2, %dma_wait3A_38] : memref<25344x128xi32, #tpu.memory_space<hbm>> -> memref<6x128xi32, #tpu.memory_space<hbm>>
    tpu.wait_dma2 semaphore(%arg17 : memref<!tpu.dma_semaphore, #tpu.memory_space<semaphore_mem>>) src(%dma_wait3A_39 : memref<6x128xi32, #tpu.memory_space<hbm>>) dst(%arg6 : memref<6x128xi32, #tpu.memory_space<vmem>>)
    %dma_start3A_40 = arith.constant 0 : i32
    %dma_start3A_41 = arith.constant 0 : i32
    %dma_start3A_42 = arith.constant 0 : i32
    %dma_start3A_43 = arith.constant 0 : i32
    %dma_start3A_44 = tpu.memref_slice %arg10[%dma_start3A_41, %dma_start3A_42, %dma_start3A_43] : memref<6x128x16xf32, #tpu.memory_space<vmem>> -> memref<1x128x16xf32, #tpu.memory_space<vmem>>
    %dma_start3A_45 = tpu.memref_squeeze %dma_start3A_44 : memref<1x128x16xf32, #tpu.memory_space<vmem>> -> memref<128x16xf32, #tpu.memory_space<vmem>>
    %dma_start3A_46 = arith.constant 0 : i32
    %dma_start3A_47 = tpu.memref_slice %arg6[%dma_start3A_40, %dma_start3A_46] : memref<6x128xi32, #tpu.memory_space<vmem>> -> memref<1x128xi32, #tpu.memory_space<vmem>>
    %dma_start3A_48 = tpu.memref_squeeze %dma_start3A_47 : memref<1x128xi32, #tpu.memory_space<vmem>> -> memref<128xi32, #tpu.memory_space<vmem>>
    %dma_start3A_49 = arith.constant 0 : i32
    %dma_start3A_50 = arith.constant 0 : i32
    %dma_start3A_51 = tpu.memref_slice %arg4[%dma_start3A_49, %dma_start3A_50] : memref<100352x16xf32, #tpu.memory_space<hbm>> -> memref<100352x16xf32, #tpu.memory_space<hbm>>
    tpu.enqueue_indirect_dma source(%dma_start3A_51 : memref<100352x16xf32, #tpu.memory_space<hbm>>) target(%dma_start3A_45 : memref<128x16xf32, #tpu.memory_space<vmem>>) offsets(%dma_start3A_48 : memref<128xi32, #tpu.memory_space<vmem>>) semaphore(%arg13 : memref<!tpu.dma_semaphore, #tpu.memory_space<semaphore_mem>>)
    %dma_start3A_52 = arith.constant 1 : i32
    %dma_start3A_53 = arith.constant 1 : i32
    %dma_start3A_54 = arith.constant 0 : i32
    %dma_start3A_55 = arith.constant 0 : i32
    %dma_start3A_56 = tpu.memref_slice %arg10[%dma_start3A_53, %dma_start3A_54, %dma_start3A_55] : memref<6x128x16xf32, #tpu.memory_space<vmem>> -> memref<1x128x16xf32, #tpu.memory_space<vmem>>
    %dma_start3A_57 = tpu.memref_squeeze %dma_start3A_56 : memref<1x128x16xf32, #tpu.memory_space<vmem>> -> memref<128x16xf32, #tpu.memory_space<vmem>>
    %dma_start3A_58 = arith.constant 0 : i32
    %dma_start3A_59 = tpu.memref_slice %arg6[%dma_start3A_52, %dma_start3A_58] : memref<6x128xi32, #tpu.memory_space<vmem>> -> memref<1x128xi32, #tpu.memory_space<vmem>>
    %dma_start3A_60 = tpu.memref_squeeze %dma_start3A_59 : memref<1x128xi32, #tpu.memory_space<vmem>> -> memref<128xi32, #tpu.memory_space<vmem>>
    %dma_start3A_61 = arith.constant 0 : i32
    %dma_start3A_62 = arith.constant 0 : i32
    %dma_start3A_63 = tpu.memref_slice %arg4[%dma_start3A_61, %dma_start3A_62] : memref<100352x16xf32, #tpu.memory_space<hbm>> -> memref<100352x16xf32, #tpu.memory_space<hbm>>
    tpu.enqueue_indirect_dma source(%dma_start3A_63 : memref<100352x16xf32, #tpu.memory_space<hbm>>) target(%dma_start3A_57 : memref<128x16xf32, #tpu.memory_space<vmem>>) offsets(%dma_start3A_60 : memref<128xi32, #tpu.memory_space<vmem>>) semaphore(%arg13 : memref<!tpu.dma_semaphore, #tpu.memory_space<semaphore_mem>>)
    %dma_start3A_64 = arith.constant 2 : i32
    %dma_start3A_65 = arith.constant 2 : i32
    %dma_start3A_66 = arith.constant 0 : i32
    %dma_start3A_67 = arith.constant 0 : i32
    %dma_start3A_68 = tpu.memref_slice %arg10[%dma_start3A_65, %dma_start3A_66, %dma_start3A_67] : memref<6x128x16xf32, #tpu.memory_space<vmem>> -> memref<1x128x16xf32, #tpu.memory_space<vmem>>
    %dma_start3A_69 = tpu.memref_squeeze %dma_start3A_68 : memref<1x128x16xf32, #tpu.memory_space<vmem>> -> memref<128x16xf32, #tpu.memory_space<vmem>>
    %dma_start3A_70 = arith.constant 0 : i32
    %dma_start3A_71 = tpu.memref_slice %arg6[%dma_start3A_64, %dma_start3A_70] : memref<6x128xi32, #tpu.memory_space<vmem>> -> memref<1x128xi32, #tpu.memory_space<vmem>>
    %dma_start3A_72 = tpu.memref_squeeze %dma_start3A_71 : memref<1x128xi32, #tpu.memory_space<vmem>> -> memref<128xi32, #tpu.memory_space<vmem>>
    %dma_start3A_73 = arith.constant 0 : i32
    %dma_start3A_74 = arith.constant 0 : i32
    %dma_start3A_75 = tpu.memref_slice %arg4[%dma_start3A_73, %dma_start3A_74] : memref<100352x16xf32, #tpu.memory_space<hbm>> -> memref<100352x16xf32, #tpu.memory_space<hbm>>
    tpu.enqueue_indirect_dma source(%dma_start3A_75 : memref<100352x16xf32, #tpu.memory_space<hbm>>) target(%dma_start3A_69 : memref<128x16xf32, #tpu.memory_space<vmem>>) offsets(%dma_start3A_72 : memref<128xi32, #tpu.memory_space<vmem>>) semaphore(%arg13 : memref<!tpu.dma_semaphore, #tpu.memory_space<semaphore_mem>>)
    %dma_start3A_76 = arith.constant 3 : i32
    %dma_start3A_77 = arith.constant 3 : i32
    %dma_start3A_78 = arith.constant 0 : i32
    %dma_start3A_79 = arith.constant 0 : i32
    %dma_start3A_80 = tpu.memref_slice %arg10[%dma_start3A_77, %dma_start3A_78, %dma_start3A_79] : memref<6x128x16xf32, #tpu.memory_space<vmem>> -> memref<1x128x16xf32, #tpu.memory_space<vmem>>
    %dma_start3A_81 = tpu.memref_squeeze %dma_start3A_80 : memref<1x128x16xf32, #tpu.memory_space<vmem>> -> memref<128x16xf32, #tpu.memory_space<vmem>>
    %dma_start3A_82 = arith.constant 0 : i32
    %dma_start3A_83 = tpu.memref_slice %arg6[%dma_start3A_76, %dma_start3A_82] : memref<6x128xi32, #tpu.memory_space<vmem>> -> memref<1x128xi32, #tpu.memory_space<vmem>>
    %dma_start3A_84 = tpu.memref_squeeze %dma_start3A_83 : memref<1x128xi32, #tpu.memory_space<vmem>> -> memref<128xi32, #tpu.memory_space<vmem>>
    %dma_start3A_85 = arith.constant 0 : i32
    %dma_start3A_86 = arith.constant 0 : i32
    %dma_start3A_87 = tpu.memref_slice %arg4[%dma_start3A_85, %dma_start3A_86] : memref<100352x16xf32, #tpu.memory_space<hbm>> -> memref<100352x16xf32, #tpu.memory_space<hbm>>
    tpu.enqueue_indirect_dma source(%dma_start3A_87 : memref<100352x16xf32, #tpu.memory_space<hbm>>) target(%dma_start3A_81 : memref<128x16xf32, #tpu.memory_space<vmem>>) offsets(%dma_start3A_84 : memref<128xi32, #tpu.memory_space<vmem>>) semaphore(%arg13 : memref<!tpu.dma_semaphore, #tpu.memory_space<semaphore_mem>>)
    %dma_start3A_88 = arith.constant 4 : i32
    %dma_start3A_89 = arith.constant 4 : i32
    %dma_start3A_90 = arith.constant 0 : i32
    %dma_start3A_91 = arith.constant 0 : i32
    %dma_start3A_92 = tpu.memref_slice %arg10[%dma_start3A_89, %dma_start3A_90, %dma_start3A_91] : memref<6x128x16xf32, #tpu.memory_space<vmem>> -> memref<1x128x16xf32, #tpu.memory_space<vmem>>
    %dma_start3A_93 = tpu.memref_squeeze %dma_start3A_92 : memref<1x128x16xf32, #tpu.memory_space<vmem>> -> memref<128x16xf32, #tpu.memory_space<vmem>>
    %dma_start3A_94 = arith.constant 0 : i32
    %dma_start3A_95 = tpu.memref_slice %arg6[%dma_start3A_88, %dma_start3A_94] : memref<6x128xi32, #tpu.memory_space<vmem>> -> memref<1x128xi32, #tpu.memory_space<vmem>>
    %dma_start3A_96 = tpu.memref_squeeze %dma_start3A_95 : memref<1x128xi32, #tpu.memory_space<vmem>> -> memref<128xi32, #tpu.memory_space<vmem>>
    %dma_start3A_97 = arith.constant 0 : i32
    %dma_start3A_98 = arith.constant 0 : i32
    %dma_start3A_99 = tpu.memref_slice %arg4[%dma_start3A_97, %dma_start3A_98] : memref<100352x16xf32, #tpu.memory_space<hbm>> -> memref<100352x16xf32, #tpu.memory_space<hbm>>
    tpu.enqueue_indirect_dma source(%dma_start3A_99 : memref<100352x16xf32, #tpu.memory_space<hbm>>) target(%dma_start3A_93 : memref<128x16xf32, #tpu.memory_space<vmem>>) offsets(%dma_start3A_96 : memref<128xi32, #tpu.memory_space<vmem>>) semaphore(%arg13 : memref<!tpu.dma_semaphore, #tpu.memory_space<semaphore_mem>>)
    %dma_start3A_100 = arith.constant 5 : i32
    %dma_start3A_101 = arith.constant 5 : i32
    %dma_start3A_102 = arith.constant 0 : i32
    %dma_start3A_103 = arith.constant 0 : i32
    %dma_start3A_104 = tpu.memref_slice %arg10[%dma_start3A_101, %dma_start3A_102, %dma_start3A_103] : memref<6x128x16xf32, #tpu.memory_space<vmem>> -> memref<1x128x16xf32, #tpu.memory_space<vmem>>
    %dma_start3A_105 = tpu.memref_squeeze %dma_start3A_104 : memref<1x128x16xf32, #tpu.memory_space<vmem>> -> memref<128x16xf32, #tpu.memory_space<vmem>>
    %dma_start3A_106 = arith.constant 0 : i32
    %dma_start3A_107 = tpu.memref_slice %arg6[%dma_start3A_100, %dma_start3A_106] : memref<6x128xi32, #tpu.memory_space<vmem>> -> memref<1x128xi32, #tpu.memory_space<vmem>>
    %dma_start3A_108 = tpu.memref_squeeze %dma_start3A_107 : memref<1x128xi32, #tpu.memory_space<vmem>> -> memref<128xi32, #tpu.memory_space<vmem>>
    %dma_start3A_109 = arith.constant 0 : i32
    %dma_start3A_110 = arith.constant 0 : i32
    %dma_start3A_111 = tpu.memref_slice %arg4[%dma_start3A_109, %dma_start3A_110] : memref<100352x16xf32, #tpu.memory_space<hbm>> -> memref<100352x16xf32, #tpu.memory_space<hbm>>
    tpu.enqueue_indirect_dma source(%dma_start3A_111 : memref<100352x16xf32, #tpu.memory_space<hbm>>) target(%dma_start3A_105 : memref<128x16xf32, #tpu.memory_space<vmem>>) offsets(%dma_start3A_108 : memref<128xi32, #tpu.memory_space<vmem>>) semaphore(%arg13 : memref<!tpu.dma_semaphore, #tpu.memory_space<semaphore_mem>>)
    %barrier3A = arith.constant 0 : index
    tpu.barrier barrier_id(%barrier3A)
    %scan3A_112 = arith.constant 0 : i32
    %scan3A_113 = arith.constant 0 : i32
    %scan3A_114 = arith.constant 132 : i32
    %scan3A_115 = arith.addi %scan3A_113, %scan3A_114 : i32
    %scan3A_116 = arith.constant 1 : i32
    scf.for %scan3A_195 = %scan3A_113 to %scan3A_115 step %scan3A_116  : i32 {
      %jit3A = arith.constant 2 : i32
      %eq3A = arith.constant 0 : i32
      %eq3A_196 = arith.cmpi eq, %jit3A, %eq3A : i32
      %jit3A_197 = arith.constant 1 : i32
      %select_n3A = arith.select %eq3A_196, %jit3A_197, %jit3A : i32
      %rem3A = arith.remsi %scan3A_195, %select_n3A : i32
      %ne3A = arith.constant 0 : i32
      %ne3A_198 = arith.cmpi ne, %rem3A, %ne3A : i32
      %lt3A = arith.constant 0 : i32
      %lt3A_199 = arith.cmpi slt, %rem3A, %lt3A : i32
      %lt3A_200 = arith.constant 0 : i32
      %lt3A_201 = arith.cmpi slt, %select_n3A, %lt3A_200 : i32
      %ne3A_202 = arith.xori %lt3A_199, %lt3A_201 : i1
      %and3A = arith.andi %ne3A_202, %ne3A_198 : i1
      %add3A_203 = arith.addi %rem3A, %select_n3A : i32
      %select_n3A_204 = arith.select %and3A, %add3A_203, %rem3A : i32
      %eq3A_205 = arith.constant 0 : i32
      %eq3A_206 = arith.cmpi eq, %select_n3A_204, %eq3A_205 : i32
      %convert_element_type3A = arith.extui %eq3A_206 : i1 to i32
      %cond3A = arith.constant 0 : i32
      %cond3A_207 = arith.cmpi ne, %convert_element_type3A, %cond3A : i32
      scf.if %cond3A_207 {
        %ge3A = arith.constant 1 : i32
        %ge3A_229 = arith.cmpi sge, %scan3A_195, %ge3A : i32
        %convert_element_type3A_230 = arith.extui %ge3A_229 : i1 to i32
        %cond3A_231 = arith.constant 0 : i32
        %cond3A_232 = arith.cmpi ne, %convert_element_type3A_230, %cond3A_231 : i32
        scf.if %cond3A_232 {
          %dma_wait3A_395 = arith.constant 0 : i32
          %dma_wait3A_396 = arith.constant 0 : i32
          %dma_wait3A_397 = arith.constant 0 : i32
          %dma_wait3A_398 = arith.constant 0 : i32
          %dma_wait3A_399 = tpu.memref_slice %arg11[%dma_wait3A_395, %dma_wait3A_397, %dma_wait3A_398] : memref<6x128x16xf32, #tpu.memory_space<vmem>> -> memref<1x128x16xf32, #tpu.memory_space<vmem>>
          %dma_wait3A_400 = tpu.memref_squeeze %dma_wait3A_399 : memref<1x128x16xf32, #tpu.memory_space<vmem>> -> memref<128x16xf32, #tpu.memory_space<vmem>>
          %dma_wait3A_401 = arith.constant 0 : i32
          %dma_wait3A_402 = tpu.memref_slice %arg9[%dma_wait3A_396, %dma_wait3A_401] : memref<6x128xi32, #tpu.memory_space<vmem>> -> memref<1x128xi32, #tpu.memory_space<vmem>>
          %dma_wait3A_403 = tpu.memref_squeeze %dma_wait3A_402 : memref<1x128xi32, #tpu.memory_space<vmem>> -> memref<128xi32, #tpu.memory_space<vmem>>
          %dma_wait3A_404 = arith.constant 0 : i32
          %dma_wait3A_405 = arith.constant 0 : i32
          %dma_wait3A_406 = tpu.memref_slice %arg12[%dma_wait3A_404, %dma_wait3A_405] : memref<100352x16xf32, #tpu.memory_space<vmem_shared>> -> memref<100352x16xf32, #tpu.memory_space<vmem_shared>>
          tpu.wait_indirect_dma semaphore(%arg16 : memref<!tpu.dma_semaphore, #tpu.memory_space<semaphore_mem>>) src(%dma_wait3A_400 : memref<128x16xf32, #tpu.memory_space<vmem>>) dst(%dma_wait3A_406 : memref<100352x16xf32, #tpu.memory_space<vmem_shared>>)
          %dma_wait3A_407 = arith.constant 1 : i32
          %dma_wait3A_408 = arith.constant 1 : i32
          %dma_wait3A_409 = arith.constant 0 : i32
          %dma_wait3A_410 = arith.constant 0 : i32
          %dma_wait3A_411 = tpu.memref_slice %arg11[%dma_wait3A_407, %dma_wait3A_409, %dma_wait3A_410] : memref<6x128x16xf32, #tpu.memory_space<vmem>> -> memref<1x128x16xf32, #tpu.memory_space<vmem>>
          %dma_wait3A_412 = tpu.memref_squeeze %dma_wait3A_411 : memref<1x128x16xf32, #tpu.memory_space<vmem>> -> memref<128x16xf32, #tpu.memory_space<vmem>>
          %dma_wait3A_413 = arith.constant 0 : i32
          %dma_wait3A_414 = tpu.memref_slice %arg9[%dma_wait3A_408, %dma_wait3A_413] : memref<6x128xi32, #tpu.memory_space<vmem>> -> memref<1x128xi32, #tpu.memory_space<vmem>>
          %dma_wait3A_415 = tpu.memref_squeeze %dma_wait3A_414 : memref<1x128xi32, #tpu.memory_space<vmem>> -> memref<128xi32, #tpu.memory_space<vmem>>
          %dma_wait3A_416 = arith.constant 0 : i32
          %dma_wait3A_417 = arith.constant 0 : i32
          %dma_wait3A_418 = tpu.memref_slice %arg12[%dma_wait3A_416, %dma_wait3A_417] : memref<100352x16xf32, #tpu.memory_space<vmem_shared>> -> memref<100352x16xf32, #tpu.memory_space<vmem_shared>>
          tpu.wait_indirect_dma semaphore(%arg16 : memref<!tpu.dma_semaphore, #tpu.memory_space<semaphore_mem>>) src(%dma_wait3A_412 : memref<128x16xf32, #tpu.memory_space<vmem>>) dst(%dma_wait3A_418 : memref<100352x16xf32, #tpu.memory_space<vmem_shared>>)
          %dma_wait3A_419 = arith.constant 2 : i32
          %dma_wait3A_420 = arith.constant 2 : i32
          %dma_wait3A_421 = arith.constant 0 : i32
          %dma_wait3A_422 = arith.constant 0 : i32
          %dma_wait3A_423 = tpu.memref_slice %arg11[%dma_wait3A_419, %dma_wait3A_421, %dma_wait3A_422] : memref<6x128x16xf32, #tpu.memory_space<vmem>> -> memref<1x128x16xf32, #tpu.memory_space<vmem>>
          %dma_wait3A_424 = tpu.memref_squeeze %dma_wait3A_423 : memref<1x128x16xf32, #tpu.memory_space<vmem>> -> memref<128x16xf32, #tpu.memory_space<vmem>>
          %dma_wait3A_425 = arith.constant 0 : i32
          %dma_wait3A_426 = tpu.memref_slice %arg9[%dma_wait3A_420, %dma_wait3A_425] : memref<6x128xi32, #tpu.memory_space<vmem>> -> memref<1x128xi32, #tpu.memory_space<vmem>>
          %dma_wait3A_427 = tpu.memref_squeeze %dma_wait3A_426 : memref<1x128xi32, #tpu.memory_space<vmem>> -> memref<128xi32, #tpu.memory_space<vmem>>
          %dma_wait3A_428 = arith.constant 0 : i32
          %dma_wait3A_429 = arith.constant 0 : i32
          %dma_wait3A_430 = tpu.memref_slice %arg12[%dma_wait3A_428, %dma_wait3A_429] : memref<100352x16xf32, #tpu.memory_space<vmem_shared>> -> memref<100352x16xf32, #tpu.memory_space<vmem_shared>>
          tpu.wait_indirect_dma semaphore(%arg16 : memref<!tpu.dma_semaphore, #tpu.memory_space<semaphore_mem>>) src(%dma_wait3A_424 : memref<128x16xf32, #tpu.memory_space<vmem>>) dst(%dma_wait3A_430 : memref<100352x16xf32, #tpu.memory_space<vmem_shared>>)
          %dma_wait3A_431 = arith.constant 3 : i32
          %dma_wait3A_432 = arith.constant 3 : i32
          %dma_wait3A_433 = arith.constant 0 : i32
          %dma_wait3A_434 = arith.constant 0 : i32
          %dma_wait3A_435 = tpu.memref_slice %arg11[%dma_wait3A_431, %dma_wait3A_433, %dma_wait3A_434] : memref<6x128x16xf32, #tpu.memory_space<vmem>> -> memref<1x128x16xf32, #tpu.memory_space<vmem>>
          %dma_wait3A_436 = tpu.memref_squeeze %dma_wait3A_435 : memref<1x128x16xf32, #tpu.memory_space<vmem>> -> memref<128x16xf32, #tpu.memory_space<vmem>>
          %dma_wait3A_437 = arith.constant 0 : i32
          %dma_wait3A_438 = tpu.memref_slice %arg9[%dma_wait3A_432, %dma_wait3A_437] : memref<6x128xi32, #tpu.memory_space<vmem>> -> memref<1x128xi32, #tpu.memory_space<vmem>>
          %dma_wait3A_439 = tpu.memref_squeeze %dma_wait3A_438 : memref<1x128xi32, #tpu.memory_space<vmem>> -> memref<128xi32, #tpu.memory_space<vmem>>
          %dma_wait3A_440 = arith.constant 0 : i32
          %dma_wait3A_441 = arith.constant 0 : i32
          %dma_wait3A_442 = tpu.memref_slice %arg12[%dma_wait3A_440, %dma_wait3A_441] : memref<100352x16xf32, #tpu.memory_space<vmem_shared>> -> memref<100352x16xf32, #tpu.memory_space<vmem_shared>>
          tpu.wait_indirect_dma semaphore(%arg16 : memref<!tpu.dma_semaphore, #tpu.memory_space<semaphore_mem>>) src(%dma_wait3A_436 : memref<128x16xf32, #tpu.memory_space<vmem>>) dst(%dma_wait3A_442 : memref<100352x16xf32, #tpu.memory_space<vmem_shared>>)
          %dma_wait3A_443 = arith.constant 4 : i32
          %dma_wait3A_444 = arith.constant 4 : i32
          %dma_wait3A_445 = arith.constant 0 : i32
          %dma_wait3A_446 = arith.constant 0 : i32
          %dma_wait3A_447 = tpu.memref_slice %arg11[%dma_wait3A_443, %dma_wait3A_445, %dma_wait3A_446] : memref<6x128x16xf32, #tpu.memory_space<vmem>> -> memref<1x128x16xf32, #tpu.memory_space<vmem>>
          %dma_wait3A_448 = tpu.memref_squeeze %dma_wait3A_447 : memref<1x128x16xf32, #tpu.memory_space<vmem>> -> memref<128x16xf32, #tpu.memory_space<vmem>>
          %dma_wait3A_449 = arith.constant 0 : i32
          %dma_wait3A_450 = tpu.memref_slice %arg9[%dma_wait3A_444, %dma_wait3A_449] : memref<6x128xi32, #tpu.memory_space<vmem>> -> memref<1x128xi32, #tpu.memory_space<vmem>>
          %dma_wait3A_451 = tpu.memref_squeeze %dma_wait3A_450 : memref<1x128xi32, #tpu.memory_space<vmem>> -> memref<128xi32, #tpu.memory_space<vmem>>
          %dma_wait3A_452 = arith.constant 0 : i32
          %dma_wait3A_453 = arith.constant 0 : i32
          %dma_wait3A_454 = tpu.memref_slice %arg12[%dma_wait3A_452, %dma_wait3A_453] : memref<100352x16xf32, #tpu.memory_space<vmem_shared>> -> memref<100352x16xf32, #tpu.memory_space<vmem_shared>>
          tpu.wait_indirect_dma semaphore(%arg16 : memref<!tpu.dma_semaphore, #tpu.memory_space<semaphore_mem>>) src(%dma_wait3A_448 : memref<128x16xf32, #tpu.memory_space<vmem>>) dst(%dma_wait3A_454 : memref<100352x16xf32, #tpu.memory_space<vmem_shared>>)
          %dma_wait3A_455 = arith.constant 5 : i32
          %dma_wait3A_456 = arith.constant 5 : i32
          %dma_wait3A_457 = arith.constant 0 : i32
          %dma_wait3A_458 = arith.constant 0 : i32
          %dma_wait3A_459 = tpu.memref_slice %arg11[%dma_wait3A_455, %dma_wait3A_457, %dma_wait3A_458] : memref<6x128x16xf32, #tpu.memory_space<vmem>> -> memref<1x128x16xf32, #tpu.memory_space<vmem>>
          %dma_wait3A_460 = tpu.memref_squeeze %dma_wait3A_459 : memref<1x128x16xf32, #tpu.memory_space<vmem>> -> memref<128x16xf32, #tpu.memory_space<vmem>>
          %dma_wait3A_461 = arith.constant 0 : i32
          %dma_wait3A_462 = tpu.memref_slice %arg9[%dma_wait3A_456, %dma_wait3A_461] : memref<6x128xi32, #tpu.memory_space<vmem>> -> memref<1x128xi32, #tpu.memory_space<vmem>>
          %dma_wait3A_463 = tpu.memref_squeeze %dma_wait3A_462 : memref<1x128xi32, #tpu.memory_space<vmem>> -> memref<128xi32, #tpu.memory_space<vmem>>
          %dma_wait3A_464 = arith.constant 0 : i32
          %dma_wait3A_465 = arith.constant 0 : i32
          %dma_wait3A_466 = tpu.memref_slice %arg12[%dma_wait3A_464, %dma_wait3A_465] : memref<100352x16xf32, #tpu.memory_space<vmem_shared>> -> memref<100352x16xf32, #tpu.memory_space<vmem_shared>>
          tpu.wait_indirect_dma semaphore(%arg16 : memref<!tpu.dma_semaphore, #tpu.memory_space<semaphore_mem>>) src(%dma_wait3A_460 : memref<128x16xf32, #tpu.memory_space<vmem>>) dst(%dma_wait3A_466 : memref<100352x16xf32, #tpu.memory_space<vmem_shared>>)
        } else {
        }
        %add3A_233 = arith.constant 1 : i32
        %add3A_234 = arith.addi %scan3A_195, %add3A_233 : i32
        %lt3A_235 = arith.constant 132 : i32
        %lt3A_236 = arith.cmpi slt, %add3A_234, %lt3A_235 : i32
        %convert_element_type3A_237 = arith.extui %lt3A_236 : i1 to i32
        %cond3A_238 = arith.constant 0 : i32
        %cond3A_239 = arith.cmpi ne, %convert_element_type3A_237, %cond3A_238 : i32
        scf.if %cond3A_239 {
          %add3A_395 = arith.constant 1 : i32
          %add3A_396 = arith.addi %scan3A_195, %add3A_395 : i32
          %mul3A_397 = arith.constant 6 : i32
          %mul3A_398 = arith.muli %add3A_396, %mul3A_397 : i32
          %add3A_399 = arith.addi %mul3A_2, %mul3A_398 : i32
          %dma_start3A_400 = arith.constant 0 : i32
          %dma_start3A_401 = tpu.memref_slice %arg3[%add3A_399, %dma_start3A_400] : memref<25344x128xi32, #tpu.memory_space<hbm>> -> memref<6x128xi32, #tpu.memory_space<hbm>>
          %dma_start3A_402 = arith.constant 0 : i32
          %dma_start3A_403 = tpu.memref_slice %arg3[%add3A_399, %dma_start3A_402] : memref<25344x128xi32, #tpu.memory_space<hbm>> -> memref<6x128xi32, #tpu.memory_space<hbm>>
          tpu.enqueue_dma source(%dma_start3A_403 : memref<6x128xi32, #tpu.memory_space<hbm>>) target(%arg9 : memref<6x128xi32, #tpu.memory_space<vmem>>) target_semaphore(%arg20 : memref<!tpu.dma_semaphore, #tpu.memory_space<semaphore_mem>>)
          %dma_wait3A_404 = arith.constant 0 : i32
          %dma_wait3A_405 = tpu.memref_slice %arg2[%mul3A_2, %dma_wait3A_404] : memref<25344x128xi32, #tpu.memory_space<hbm>> -> memref<6x128xi32, #tpu.memory_space<hbm>>
          %dma_wait3A_406 = arith.constant 0 : i32
          %dma_wait3A_407 = tpu.memref_slice %arg2[%mul3A_2, %dma_wait3A_406] : memref<25344x128xi32, #tpu.memory_space<hbm>> -> memref<6x128xi32, #tpu.memory_space<hbm>>
          tpu.wait_dma2 semaphore(%arg18 : memref<!tpu.dma_semaphore, #tpu.memory_space<semaphore_mem>>) src(%dma_wait3A_407 : memref<6x128xi32, #tpu.memory_space<hbm>>) dst(%arg7 : memref<6x128xi32, #tpu.memory_space<vmem>>)
          %dma_start3A_408 = arith.constant 0 : i32
          %dma_start3A_409 = arith.constant 0 : i32
          %dma_start3A_410 = arith.constant 0 : i32
          %dma_start3A_411 = arith.constant 0 : i32
          %dma_start3A_412 = tpu.memref_slice %arg11[%dma_start3A_409, %dma_start3A_410, %dma_start3A_411] : memref<6x128x16xf32, #tpu.memory_space<vmem>> -> memref<1x128x16xf32, #tpu.memory_space<vmem>>
          %dma_start3A_413 = tpu.memref_squeeze %dma_start3A_412 : memref<1x128x16xf32, #tpu.memory_space<vmem>> -> memref<128x16xf32, #tpu.memory_space<vmem>>
          %dma_start3A_414 = arith.constant 0 : i32
          %dma_start3A_415 = tpu.memref_slice %arg7[%dma_start3A_408, %dma_start3A_414] : memref<6x128xi32, #tpu.memory_space<vmem>> -> memref<1x128xi32, #tpu.memory_space<vmem>>
          %dma_start3A_416 = tpu.memref_squeeze %dma_start3A_415 : memref<1x128xi32, #tpu.memory_space<vmem>> -> memref<128xi32, #tpu.memory_space<vmem>>
          %dma_start3A_417 = arith.constant 0 : i32
          %dma_start3A_418 = arith.constant 0 : i32
          %dma_start3A_419 = tpu.memref_slice %arg4[%dma_start3A_417, %dma_start3A_418] : memref<100352x16xf32, #tpu.memory_space<hbm>> -> memref<100352x16xf32, #tpu.memory_space<hbm>>
          tpu.enqueue_indirect_dma source(%dma_start3A_419 : memref<100352x16xf32, #tpu.memory_space<hbm>>) target(%dma_start3A_413 : memref<128x16xf32, #tpu.memory_space<vmem>>) offsets(%dma_start3A_416 : memref<128xi32, #tpu.memory_space<vmem>>) semaphore(%arg14 : memref<!tpu.dma_semaphore, #tpu.memory_space<semaphore_mem>>)
          %dma_start3A_420 = arith.constant 1 : i32
          %dma_start3A_421 = arith.constant 1 : i32
          %dma_start3A_422 = arith.constant 0 : i32
          %dma_start3A_423 = arith.constant 0 : i32
          %dma_start3A_424 = tpu.memref_slice %arg11[%dma_start3A_421, %dma_start3A_422, %dma_start3A_423] : memref<6x128x16xf32, #tpu.memory_space<vmem>> -> memref<1x128x16xf32, #tpu.memory_space<vmem>>
          %dma_start3A_425 = tpu.memref_squeeze %dma_start3A_424 : memref<1x128x16xf32, #tpu.memory_space<vmem>> -> memref<128x16xf32, #tpu.memory_space<vmem>>
          %dma_start3A_426 = arith.constant 0 : i32
          %dma_start3A_427 = tpu.memref_slice %arg7[%dma_start3A_420, %dma_start3A_426] : memref<6x128xi32, #tpu.memory_space<vmem>> -> memref<1x128xi32, #tpu.memory_space<vmem>>
          %dma_start3A_428 = tpu.memref_squeeze %dma_start3A_427 : memref<1x128xi32, #tpu.memory_space<vmem>> -> memref<128xi32, #tpu.memory_space<vmem>>
          %dma_start3A_429 = arith.constant 0 : i32
          %dma_start3A_430 = arith.constant 0 : i32
          %dma_start3A_431 = tpu.memref_slice %arg4[%dma_start3A_429, %dma_start3A_430] : memref<100352x16xf32, #tpu.memory_space<hbm>> -> memref<100352x16xf32, #tpu.memory_space<hbm>>
          tpu.enqueue_indirect_dma source(%dma_start3A_431 : memref<100352x16xf32, #tpu.memory_space<hbm>>) target(%dma_start3A_425 : memref<128x16xf32, #tpu.memory_space<vmem>>) offsets(%dma_start3A_428 : memref<128xi32, #tpu.memory_space<vmem>>) semaphore(%arg14 : memref<!tpu.dma_semaphore, #tpu.memory_space<semaphore_mem>>)
          %dma_start3A_432 = arith.constant 2 : i32
          %dma_start3A_433 = arith.constant 2 : i32
          %dma_start3A_434 = arith.constant 0 : i32
          %dma_start3A_435 = arith.constant 0 : i32
          %dma_start3A_436 = tpu.memref_slice %arg11[%dma_start3A_433, %dma_start3A_434, %dma_start3A_435] : memref<6x128x16xf32, #tpu.memory_space<vmem>> -> memref<1x128x16xf32, #tpu.memory_space<vmem>>
          %dma_start3A_437 = tpu.memref_squeeze %dma_start3A_436 : memref<1x128x16xf32, #tpu.memory_space<vmem>> -> memref<128x16xf32, #tpu.memory_space<vmem>>
          %dma_start3A_438 = arith.constant 0 : i32
          %dma_start3A_439 = tpu.memref_slice %arg7[%dma_start3A_432, %dma_start3A_438] : memref<6x128xi32, #tpu.memory_space<vmem>> -> memref<1x128xi32, #tpu.memory_space<vmem>>
          %dma_start3A_440 = tpu.memref_squeeze %dma_start3A_439 : memref<1x128xi32, #tpu.memory_space<vmem>> -> memref<128xi32, #tpu.memory_space<vmem>>
          %dma_start3A_441 = arith.constant 0 : i32
          %dma_start3A_442 = arith.constant 0 : i32
          %dma_start3A_443 = tpu.memref_slice %arg4[%dma_start3A_441, %dma_start3A_442] : memref<100352x16xf32, #tpu.memory_space<hbm>> -> memref<100352x16xf32, #tpu.memory_space<hbm>>
          tpu.enqueue_indirect_dma source(%dma_start3A_443 : memref<100352x16xf32, #tpu.memory_space<hbm>>) target(%dma_start3A_437 : memref<128x16xf32, #tpu.memory_space<vmem>>) offsets(%dma_start3A_440 : memref<128xi32, #tpu.memory_space<vmem>>) semaphore(%arg14 : memref<!tpu.dma_semaphore, #tpu.memory_space<semaphore_mem>>)
          %dma_start3A_444 = arith.constant 3 : i32
          %dma_start3A_445 = arith.constant 3 : i32
          %dma_start3A_446 = arith.constant 0 : i32
          %dma_start3A_447 = arith.constant 0 : i32
          %dma_start3A_448 = tpu.memref_slice %arg11[%dma_start3A_445, %dma_start3A_446, %dma_start3A_447] : memref<6x128x16xf32, #tpu.memory_space<vmem>> -> memref<1x128x16xf32, #tpu.memory_space<vmem>>
          %dma_start3A_449 = tpu.memref_squeeze %dma_start3A_448 : memref<1x128x16xf32, #tpu.memory_space<vmem>> -> memref<128x16xf32, #tpu.memory_space<vmem>>
          %dma_start3A_450 = arith.constant 0 : i32
          %dma_start3A_451 = tpu.memref_slice %arg7[%dma_start3A_444, %dma_start3A_450] : memref<6x128xi32, #tpu.memory_space<vmem>> -> memref<1x128xi32, #tpu.memory_space<vmem>>
          %dma_start3A_452 = tpu.memref_squeeze %dma_start3A_451 : memref<1x128xi32, #tpu.memory_space<vmem>> -> memref<128xi32, #tpu.memory_space<vmem>>
          %dma_start3A_453 = arith.constant 0 : i32
          %dma_start3A_454 = arith.constant 0 : i32
          %dma_start3A_455 = tpu.memref_slice %arg4[%dma_start3A_453, %dma_start3A_454] : memref<100352x16xf32, #tpu.memory_space<hbm>> -> memref<100352x16xf32, #tpu.memory_space<hbm>>
          tpu.enqueue_indirect_dma source(%dma_start3A_455 : memref<100352x16xf32, #tpu.memory_space<hbm>>) target(%dma_start3A_449 : memref<128x16xf32, #tpu.memory_space<vmem>>) offsets(%dma_start3A_452 : memref<128xi32, #tpu.memory_space<vmem>>) semaphore(%arg14 : memref<!tpu.dma_semaphore, #tpu.memory_space<semaphore_mem>>)
          %dma_start3A_456 = arith.constant 4 : i32
          %dma_start3A_457 = arith.constant 4 : i32
          %dma_start3A_458 = arith.constant 0 : i32
          %dma_start3A_459 = arith.constant 0 : i32
          %dma_start3A_460 = tpu.memref_slice %arg11[%dma_start3A_457, %dma_start3A_458, %dma_start3A_459] : memref<6x128x16xf32, #tpu.memory_space<vmem>> -> memref<1x128x16xf32, #tpu.memory_space<vmem>>
          %dma_start3A_461 = tpu.memref_squeeze %dma_start3A_460 : memref<1x128x16xf32, #tpu.memory_space<vmem>> -> memref<128x16xf32, #tpu.memory_space<vmem>>
          %dma_start3A_462 = arith.constant 0 : i32
          %dma_start3A_463 = tpu.memref_slice %arg7[%dma_start3A_456, %dma_start3A_462] : memref<6x128xi32, #tpu.memory_space<vmem>> -> memref<1x128xi32, #tpu.memory_space<vmem>>
          %dma_start3A_464 = tpu.memref_squeeze %dma_start3A_463 : memref<1x128xi32, #tpu.memory_space<vmem>> -> memref<128xi32, #tpu.memory_space<vmem>>
          %dma_start3A_465 = arith.constant 0 : i32
          %dma_start3A_466 = arith.constant 0 : i32
          %dma_start3A_467 = tpu.memref_slice %arg4[%dma_start3A_465, %dma_start3A_466] : memref<100352x16xf32, #tpu.memory_space<hbm>> -> memref<100352x16xf32, #tpu.memory_space<hbm>>
          tpu.enqueue_indirect_dma source(%dma_start3A_467 : memref<100352x16xf32, #tpu.memory_space<hbm>>) target(%dma_start3A_461 : memref<128x16xf32, #tpu.memory_space<vmem>>) offsets(%dma_start3A_464 : memref<128xi32, #tpu.memory_space<vmem>>) semaphore(%arg14 : memref<!tpu.dma_semaphore, #tpu.memory_space<semaphore_mem>>)
          %dma_start3A_468 = arith.constant 5 : i32
          %dma_start3A_469 = arith.constant 5 : i32
          %dma_start3A_470 = arith.constant 0 : i32
          %dma_start3A_471 = arith.constant 0 : i32
          %dma_start3A_472 = tpu.memref_slice %arg11[%dma_start3A_469, %dma_start3A_470, %dma_start3A_471] : memref<6x128x16xf32, #tpu.memory_space<vmem>> -> memref<1x128x16xf32, #tpu.memory_space<vmem>>
          %dma_start3A_473 = tpu.memref_squeeze %dma_start3A_472 : memref<1x128x16xf32, #tpu.memory_space<vmem>> -> memref<128x16xf32, #tpu.memory_space<vmem>>
          %dma_start3A_474 = arith.constant 0 : i32
          %dma_start3A_475 = tpu.memref_slice %arg7[%dma_start3A_468, %dma_start3A_474] : memref<6x128xi32, #tpu.memory_space<vmem>> -> memref<1x128xi32, #tpu.memory_space<vmem>>
          %dma_start3A_476 = tpu.memref_squeeze %dma_start3A_475 : memref<1x128xi32, #tpu.memory_space<vmem>> -> memref<128xi32, #tpu.memory_space<vmem>>
          %dma_start3A_477 = arith.constant 0 : i32
          %dma_start3A_478 = arith.constant 0 : i32
          %dma_start3A_479 = tpu.memref_slice %arg4[%dma_start3A_477, %dma_start3A_478] : memref<100352x16xf32, #tpu.memory_space<hbm>> -> memref<100352x16xf32, #tpu.memory_space<hbm>>
          tpu.enqueue_indirect_dma source(%dma_start3A_479 : memref<100352x16xf32, #tpu.memory_space<hbm>>) target(%dma_start3A_473 : memref<128x16xf32, #tpu.memory_space<vmem>>) offsets(%dma_start3A_476 : memref<128xi32, #tpu.memory_space<vmem>>) semaphore(%arg14 : memref<!tpu.dma_semaphore, #tpu.memory_space<semaphore_mem>>)
        } else {
        }
        %dma_wait3A_240 = arith.constant 0 : i32
        %dma_wait3A_241 = tpu.memref_slice %arg3[%mul3A_2, %dma_wait3A_240] : memref<25344x128xi32, #tpu.memory_space<hbm>> -> memref<6x128xi32, #tpu.memory_space<hbm>>
        %dma_wait3A_242 = arith.constant 0 : i32
        %dma_wait3A_243 = tpu.memref_slice %arg3[%mul3A_2, %dma_wait3A_242] : memref<25344x128xi32, #tpu.memory_space<hbm>> -> memref<6x128xi32, #tpu.memory_space<hbm>>
        tpu.wait_dma2 semaphore(%arg19 : memref<!tpu.dma_semaphore, #tpu.memory_space<semaphore_mem>>) src(%dma_wait3A_243 : memref<6x128xi32, #tpu.memory_space<hbm>>) dst(%arg8 : memref<6x128xi32, #tpu.memory_space<vmem>>)
        %dma_wait3A_244 = arith.constant 0 : i32
        %dma_wait3A_245 = arith.constant 0 : i32
        %dma_wait3A_246 = arith.constant 0 : i32
        %dma_wait3A_247 = arith.constant 0 : i32
        %dma_wait3A_248 = tpu.memref_slice %arg10[%dma_wait3A_245, %dma_wait3A_246, %dma_wait3A_247] : memref<6x128x16xf32, #tpu.memory_space<vmem>> -> memref<1x128x16xf32, #tpu.memory_space<vmem>>
        %dma_wait3A_249 = tpu.memref_squeeze %dma_wait3A_248 : memref<1x128x16xf32, #tpu.memory_space<vmem>> -> memref<128x16xf32, #tpu.memory_space<vmem>>
        %dma_wait3A_250 = arith.constant 0 : i32
        %dma_wait3A_251 = tpu.memref_slice %arg6[%dma_wait3A_244, %dma_wait3A_250] : memref<6x128xi32, #tpu.memory_space<vmem>> -> memref<1x128xi32, #tpu.memory_space<vmem>>
        %dma_wait3A_252 = tpu.memref_squeeze %dma_wait3A_251 : memref<1x128xi32, #tpu.memory_space<vmem>> -> memref<128xi32, #tpu.memory_space<vmem>>
        %dma_wait3A_253 = arith.constant 0 : i32
        %dma_wait3A_254 = arith.constant 0 : i32
        %dma_wait3A_255 = tpu.memref_slice %arg4[%dma_wait3A_253, %dma_wait3A_254] : memref<100352x16xf32, #tpu.memory_space<hbm>> -> memref<100352x16xf32, #tpu.memory_space<hbm>>
        tpu.wait_indirect_dma semaphore(%arg13 : memref<!tpu.dma_semaphore, #tpu.memory_space<semaphore_mem>>) src(%dma_wait3A_255 : memref<100352x16xf32, #tpu.memory_space<hbm>>) dst(%dma_wait3A_249 : memref<128x16xf32, #tpu.memory_space<vmem>>)
        %dma_start3A_256 = arith.constant 0 : i32
        %dma_start3A_257 = arith.constant 0 : i32
        %dma_start3A_258 = arith.constant 0 : i32
        %dma_start3A_259 = arith.constant 0 : i32
        %dma_start3A_260 = tpu.memref_slice %arg10[%dma_start3A_256, %dma_start3A_258, %dma_start3A_259] : memref<6x128x16xf32, #tpu.memory_space<vmem>> -> memref<1x128x16xf32, #tpu.memory_space<vmem>>
        %dma_start3A_261 = tpu.memref_squeeze %dma_start3A_260 : memref<1x128x16xf32, #tpu.memory_space<vmem>> -> memref<128x16xf32, #tpu.memory_space<vmem>>
        %dma_start3A_262 = arith.constant 0 : i32
        %dma_start3A_263 = tpu.memref_slice %arg8[%dma_start3A_257, %dma_start3A_262] : memref<6x128xi32, #tpu.memory_space<vmem>> -> memref<1x128xi32, #tpu.memory_space<vmem>>
        %dma_start3A_264 = tpu.memref_squeeze %dma_start3A_263 : memref<1x128xi32, #tpu.memory_space<vmem>> -> memref<128xi32, #tpu.memory_space<vmem>>
        %dma_start3A_265 = arith.constant 0 : i32
        %dma_start3A_266 = arith.constant 0 : i32
        %dma_start3A_267 = tpu.memref_slice %arg12[%dma_start3A_265, %dma_start3A_266] : memref<100352x16xf32, #tpu.memory_space<vmem_shared>> -> memref<100352x16xf32, #tpu.memory_space<vmem_shared>>
        tpu.enqueue_indirect_dma source(%dma_start3A_261 : memref<128x16xf32, #tpu.memory_space<vmem>>) target(%dma_start3A_267 : memref<100352x16xf32, #tpu.memory_space<vmem_shared>>) offsets(%dma_start3A_264 : memref<128xi32, #tpu.memory_space<vmem>>) semaphore(%arg15 : memref<!tpu.dma_semaphore, #tpu.memory_space<semaphore_mem>>) {add = true}
        %dma_wait3A_268 = arith.constant 1 : i32
        %dma_wait3A_269 = arith.constant 1 : i32
        %dma_wait3A_270 = arith.constant 0 : i32
        %dma_wait3A_271 = arith.constant 0 : i32
        %dma_wait3A_272 = tpu.memref_slice %arg10[%dma_wait3A_269, %dma_wait3A_270, %dma_wait3A_271] : memref<6x128x16xf32, #tpu.memory_space<vmem>> -> memref<1x128x16xf32, #tpu.memory_space<vmem>>
        %dma_wait3A_273 = tpu.memref_squeeze %dma_wait3A_272 : memref<1x128x16xf32, #tpu.memory_space<vmem>> -> memref<128x16xf32, #tpu.memory_space<vmem>>
        %dma_wait3A_274 = arith.constant 0 : i32
        %dma_wait3A_275 = tpu.memref_slice %arg6[%dma_wait3A_268, %dma_wait3A_274] : memref<6x128xi32, #tpu.memory_space<vmem>> -> memref<1x128xi32, #tpu.memory_space<vmem>>
        %dma_wait3A_276 = tpu.memref_squeeze %dma_wait3A_275 : memref<1x128xi32, #tpu.memory_space<vmem>> -> memref<128xi32, #tpu.memory_space<vmem>>
        %dma_wait3A_277 = arith.constant 0 : i32
        %dma_wait3A_278 = arith.constant 0 : i32
        %dma_wait3A_279 = tpu.memref_slice %arg4[%dma_wait3A_277, %dma_wait3A_278] : memref<100352x16xf32, #tpu.memory_space<hbm>> -> memref<100352x16xf32, #tpu.memory_space<hbm>>
        tpu.wait_indirect_dma semaphore(%arg13 : memref<!tpu.dma_semaphore, #tpu.memory_space<semaphore_mem>>) src(%dma_wait3A_279 : memref<100352x16xf32, #tpu.memory_space<hbm>>) dst(%dma_wait3A_273 : memref<128x16xf32, #tpu.memory_space<vmem>>)
        %dma_start3A_280 = arith.constant 1 : i32
        %dma_start3A_281 = arith.constant 1 : i32
        %dma_start3A_282 = arith.constant 0 : i32
        %dma_start3A_283 = arith.constant 0 : i32
        %dma_start3A_284 = tpu.memref_slice %arg10[%dma_start3A_280, %dma_start3A_282, %dma_start3A_283] : memref<6x128x16xf32, #tpu.memory_space<vmem>> -> memref<1x128x16xf32, #tpu.memory_space<vmem>>
        %dma_start3A_285 = tpu.memref_squeeze %dma_start3A_284 : memref<1x128x16xf32, #tpu.memory_space<vmem>> -> memref<128x16xf32, #tpu.memory_space<vmem>>
        %dma_start3A_286 = arith.constant 0 : i32
        %dma_start3A_287 = tpu.memref_slice %arg8[%dma_start3A_281, %dma_start3A_286] : memref<6x128xi32, #tpu.memory_space<vmem>> -> memref<1x128xi32, #tpu.memory_space<vmem>>
        %dma_start3A_288 = tpu.memref_squeeze %dma_start3A_287 : memref<1x128xi32, #tpu.memory_space<vmem>> -> memref<128xi32, #tpu.memory_space<vmem>>
        %dma_start3A_289 = arith.constant 0 : i32
        %dma_start3A_290 = arith.constant 0 : i32
        %dma_start3A_291 = tpu.memref_slice %arg12[%dma_start3A_289, %dma_start3A_290] : memref<100352x16xf32, #tpu.memory_space<vmem_shared>> -> memref<100352x16xf32, #tpu.memory_space<vmem_shared>>
        tpu.enqueue_indirect_dma source(%dma_start3A_285 : memref<128x16xf32, #tpu.memory_space<vmem>>) target(%dma_start3A_291 : memref<100352x16xf32, #tpu.memory_space<vmem_shared>>) offsets(%dma_start3A_288 : memref<128xi32, #tpu.memory_space<vmem>>) semaphore(%arg15 : memref<!tpu.dma_semaphore, #tpu.memory_space<semaphore_mem>>) {add = true}
        %dma_wait3A_292 = arith.constant 2 : i32
        %dma_wait3A_293 = arith.constant 2 : i32
        %dma_wait3A_294 = arith.constant 0 : i32
        %dma_wait3A_295 = arith.constant 0 : i32
        %dma_wait3A_296 = tpu.memref_slice %arg10[%dma_wait3A_293, %dma_wait3A_294, %dma_wait3A_295] : memref<6x128x16xf32, #tpu.memory_space<vmem>> -> memref<1x128x16xf32, #tpu.memory_space<vmem>>
        %dma_wait3A_297 = tpu.memref_squeeze %dma_wait3A_296 : memref<1x128x16xf32, #tpu.memory_space<vmem>> -> memref<128x16xf32, #tpu.memory_space<vmem>>
        %dma_wait3A_298 = arith.constant 0 : i32
        %dma_wait3A_299 = tpu.memref_slice %arg6[%dma_wait3A_292, %dma_wait3A_298] : memref<6x128xi32, #tpu.memory_space<vmem>> -> memref<1x128xi32, #tpu.memory_space<vmem>>
        %dma_wait3A_300 = tpu.memref_squeeze %dma_wait3A_299 : memref<1x128xi32, #tpu.memory_space<vmem>> -> memref<128xi32, #tpu.memory_space<vmem>>
        %dma_wait3A_301 = arith.constant 0 : i32
        %dma_wait3A_302 = arith.constant 0 : i32
        %dma_wait3A_303 = tpu.memref_slice %arg4[%dma_wait3A_301, %dma_wait3A_302] : memref<100352x16xf32, #tpu.memory_space<hbm>> -> memref<100352x16xf32, #tpu.memory_space<hbm>>
        tpu.wait_indirect_dma semaphore(%arg13 : memref<!tpu.dma_semaphore, #tpu.memory_space<semaphore_mem>>) src(%dma_wait3A_303 : memref<100352x16xf32, #tpu.memory_space<hbm>>) dst(%dma_wait3A_297 : memref<128x16xf32, #tpu.memory_space<vmem>>)
        %dma_start3A_304 = arith.constant 2 : i32
        %dma_start3A_305 = arith.constant 2 : i32
        %dma_start3A_306 = arith.constant 0 : i32
        %dma_start3A_307 = arith.constant 0 : i32
        %dma_start3A_308 = tpu.memref_slice %arg10[%dma_start3A_304, %dma_start3A_306, %dma_start3A_307] : memref<6x128x16xf32, #tpu.memory_space<vmem>> -> memref<1x128x16xf32, #tpu.memory_space<vmem>>
        %dma_start3A_309 = tpu.memref_squeeze %dma_start3A_308 : memref<1x128x16xf32, #tpu.memory_space<vmem>> -> memref<128x16xf32, #tpu.memory_space<vmem>>
        %dma_start3A_310 = arith.constant 0 : i32
        %dma_start3A_311 = tpu.memref_slice %arg8[%dma_start3A_305, %dma_start3A_310] : memref<6x128xi32, #tpu.memory_space<vmem>> -> memref<1x128xi32, #tpu.memory_space<vmem>>
        %dma_start3A_312 = tpu.memref_squeeze %dma_start3A_311 : memref<1x128xi32, #tpu.memory_space<vmem>> -> memref<128xi32, #tpu.memory_space<vmem>>
        %dma_start3A_313 = arith.constant 0 : i32
        %dma_start3A_314 = arith.constant 0 : i32
        %dma_start3A_315 = tpu.memref_slice %arg12[%dma_start3A_313, %dma_start3A_314] : memref<100352x16xf32, #tpu.memory_space<vmem_shared>> -> memref<100352x16xf32, #tpu.memory_space<vmem_shared>>
        tpu.enqueue_indirect_dma source(%dma_start3A_309 : memref<128x16xf32, #tpu.memory_space<vmem>>) target(%dma_start3A_315 : memref<100352x16xf32, #tpu.memory_space<vmem_shared>>) offsets(%dma_start3A_312 : memref<128xi32, #tpu.memory_space<vmem>>) semaphore(%arg15 : memref<!tpu.dma_semaphore, #tpu.memory_space<semaphore_mem>>) {add = true}
        %dma_wait3A_316 = arith.constant 3 : i32
        %dma_wait3A_317 = arith.constant 3 : i32
        %dma_wait3A_318 = arith.constant 0 : i32
        %dma_wait3A_319 = arith.constant 0 : i32
        %dma_wait3A_320 = tpu.memref_slice %arg10[%dma_wait3A_317, %dma_wait3A_318, %dma_wait3A_319] : memref<6x128x16xf32, #tpu.memory_space<vmem>> -> memref<1x128x16xf32, #tpu.memory_space<vmem>>
        %dma_wait3A_321 = tpu.memref_squeeze %dma_wait3A_320 : memref<1x128x16xf32, #tpu.memory_space<vmem>> -> memref<128x16xf32, #tpu.memory_space<vmem>>
        %dma_wait3A_322 = arith.constant 0 : i32
        %dma_wait3A_323 = tpu.memref_slice %arg6[%dma_wait3A_316, %dma_wait3A_322] : memref<6x128xi32, #tpu.memory_space<vmem>> -> memref<1x128xi32, #tpu.memory_space<vmem>>
        %dma_wait3A_324 = tpu.memref_squeeze %dma_wait3A_323 : memref<1x128xi32, #tpu.memory_space<vmem>> -> memref<128xi32, #tpu.memory_space<vmem>>
        %dma_wait3A_325 = arith.constant 0 : i32
        %dma_wait3A_326 = arith.constant 0 : i32
        %dma_wait3A_327 = tpu.memref_slice %arg4[%dma_wait3A_325, %dma_wait3A_326] : memref<100352x16xf32, #tpu.memory_space<hbm>> -> memref<100352x16xf32, #tpu.memory_space<hbm>>
        tpu.wait_indirect_dma semaphore(%arg13 : memref<!tpu.dma_semaphore, #tpu.memory_space<semaphore_mem>>) src(%dma_wait3A_327 : memref<100352x16xf32, #tpu.memory_space<hbm>>) dst(%dma_wait3A_321 : memref<128x16xf32, #tpu.memory_space<vmem>>)
        %dma_start3A_328 = arith.constant 3 : i32
        %dma_start3A_329 = arith.constant 3 : i32
        %dma_start3A_330 = arith.constant 0 : i32
        %dma_start3A_331 = arith.constant 0 : i32
        %dma_start3A_332 = tpu.memref_slice %arg10[%dma_start3A_328, %dma_start3A_330, %dma_start3A_331] : memref<6x128x16xf32, #tpu.memory_space<vmem>> -> memref<1x128x16xf32, #tpu.memory_space<vmem>>
        %dma_start3A_333 = tpu.memref_squeeze %dma_start3A_332 : memref<1x128x16xf32, #tpu.memory_space<vmem>> -> memref<128x16xf32, #tpu.memory_space<vmem>>
        %dma_start3A_334 = arith.constant 0 : i32
        %dma_start3A_335 = tpu.memref_slice %arg8[%dma_start3A_329, %dma_start3A_334] : memref<6x128xi32, #tpu.memory_space<vmem>> -> memref<1x128xi32, #tpu.memory_space<vmem>>
        %dma_start3A_336 = tpu.memref_squeeze %dma_start3A_335 : memref<1x128xi32, #tpu.memory_space<vmem>> -> memref<128xi32, #tpu.memory_space<vmem>>
        %dma_start3A_337 = arith.constant 0 : i32
        %dma_start3A_338 = arith.constant 0 : i32
        %dma_start3A_339 = tpu.memref_slice %arg12[%dma_start3A_337, %dma_start3A_338] : memref<100352x16xf32, #tpu.memory_space<vmem_shared>> -> memref<100352x16xf32, #tpu.memory_space<vmem_shared>>
        tpu.enqueue_indirect_dma source(%dma_start3A_333 : memref<128x16xf32, #tpu.memory_space<vmem>>) target(%dma_start3A_339 : memref<100352x16xf32, #tpu.memory_space<vmem_shared>>) offsets(%dma_start3A_336 : memref<128xi32, #tpu.memory_space<vmem>>) semaphore(%arg15 : memref<!tpu.dma_semaphore, #tpu.memory_space<semaphore_mem>>) {add = true}
        %dma_wait3A_340 = arith.constant 4 : i32
        %dma_wait3A_341 = arith.constant 4 : i32
        %dma_wait3A_342 = arith.constant 0 : i32
        %dma_wait3A_343 = arith.constant 0 : i32
        %dma_wait3A_344 = tpu.memref_slice %arg10[%dma_wait3A_341, %dma_wait3A_342, %dma_wait3A_343] : memref<6x128x16xf32, #tpu.memory_space<vmem>> -> memref<1x128x16xf32, #tpu.memory_space<vmem>>
        %dma_wait3A_345 = tpu.memref_squeeze %dma_wait3A_344 : memref<1x128x16xf32, #tpu.memory_space<vmem>> -> memref<128x16xf32, #tpu.memory_space<vmem>>
        %dma_wait3A_346 = arith.constant 0 : i32
        %dma_wait3A_347 = tpu.memref_slice %arg6[%dma_wait3A_340, %dma_wait3A_346] : memref<6x128xi32, #tpu.memory_space<vmem>> -> memref<1x128xi32, #tpu.memory_space<vmem>>
        %dma_wait3A_348 = tpu.memref_squeeze %dma_wait3A_347 : memref<1x128xi32, #tpu.memory_space<vmem>> -> memref<128xi32, #tpu.memory_space<vmem>>
        %dma_wait3A_349 = arith.constant 0 : i32
        %dma_wait3A_350 = arith.constant 0 : i32
        %dma_wait3A_351 = tpu.memref_slice %arg4[%dma_wait3A_349, %dma_wait3A_350] : memref<100352x16xf32, #tpu.memory_space<hbm>> -> memref<100352x16xf32, #tpu.memory_space<hbm>>
        tpu.wait_indirect_dma semaphore(%arg13 : memref<!tpu.dma_semaphore, #tpu.memory_space<semaphore_mem>>) src(%dma_wait3A_351 : memref<100352x16xf32, #tpu.memory_space<hbm>>) dst(%dma_wait3A_345 : memref<128x16xf32, #tpu.memory_space<vmem>>)
        %dma_start3A_352 = arith.constant 4 : i32
        %dma_start3A_353 = arith.constant 4 : i32
        %dma_start3A_354 = arith.constant 0 : i32
        %dma_start3A_355 = arith.constant 0 : i32
        %dma_start3A_356 = tpu.memref_slice %arg10[%dma_start3A_352, %dma_start3A_354, %dma_start3A_355] : memref<6x128x16xf32, #tpu.memory_space<vmem>> -> memref<1x128x16xf32, #tpu.memory_space<vmem>>
        %dma_start3A_357 = tpu.memref_squeeze %dma_start3A_356 : memref<1x128x16xf32, #tpu.memory_space<vmem>> -> memref<128x16xf32, #tpu.memory_space<vmem>>
        %dma_start3A_358 = arith.constant 0 : i32
        %dma_start3A_359 = tpu.memref_slice %arg8[%dma_start3A_353, %dma_start3A_358] : memref<6x128xi32, #tpu.memory_space<vmem>> -> memref<1x128xi32, #tpu.memory_space<vmem>>
        %dma_start3A_360 = tpu.memref_squeeze %dma_start3A_359 : memref<1x128xi32, #tpu.memory_space<vmem>> -> memref<128xi32, #tpu.memory_space<vmem>>
        %dma_start3A_361 = arith.constant 0 : i32
        %dma_start3A_362 = arith.constant 0 : i32
        %dma_start3A_363 = tpu.memref_slice %arg12[%dma_start3A_361, %dma_start3A_362] : memref<100352x16xf32, #tpu.memory_space<vmem_shared>> -> memref<100352x16xf32, #tpu.memory_space<vmem_shared>>
        tpu.enqueue_indirect_dma source(%dma_start3A_357 : memref<128x16xf32, #tpu.memory_space<vmem>>) target(%dma_start3A_363 : memref<100352x16xf32, #tpu.memory_space<vmem_shared>>) offsets(%dma_start3A_360 : memref<128xi32, #tpu.memory_space<vmem>>) semaphore(%arg15 : memref<!tpu.dma_semaphore, #tpu.memory_space<semaphore_mem>>) {add = true}
        %dma_wait3A_364 = arith.constant 5 : i32
        %dma_wait3A_365 = arith.constant 5 : i32
        %dma_wait3A_366 = arith.constant 0 : i32
        %dma_wait3A_367 = arith.constant 0 : i32
        %dma_wait3A_368 = tpu.memref_slice %arg10[%dma_wait3A_365, %dma_wait3A_366, %dma_wait3A_367] : memref<6x128x16xf32, #tpu.memory_space<vmem>> -> memref<1x128x16xf32, #tpu.memory_space<vmem>>
        %dma_wait3A_369 = tpu.memref_squeeze %dma_wait3A_368 : memref<1x128x16xf32, #tpu.memory_space<vmem>> -> memref<128x16xf32, #tpu.memory_space<vmem>>
        %dma_wait3A_370 = arith.constant 0 : i32
        %dma_wait3A_371 = tpu.memref_slice %arg6[%dma_wait3A_364, %dma_wait3A_370] : memref<6x128xi32, #tpu.memory_space<vmem>> -> memref<1x128xi32, #tpu.memory_space<vmem>>
        %dma_wait3A_372 = tpu.memref_squeeze %dma_wait3A_371 : memref<1x128xi32, #tpu.memory_space<vmem>> -> memref<128xi32, #tpu.memory_space<vmem>>
        %dma_wait3A_373 = arith.constant 0 : i32
        %dma_wait3A_374 = arith.constant 0 : i32
        %dma_wait3A_375 = tpu.memref_slice %arg4[%dma_wait3A_373, %dma_wait3A_374] : memref<100352x16xf32, #tpu.memory_space<hbm>> -> memref<100352x16xf32, #tpu.memory_space<hbm>>
        tpu.wait_indirect_dma semaphore(%arg13 : memref<!tpu.dma_semaphore, #tpu.memory_space<semaphore_mem>>) src(%dma_wait3A_375 : memref<100352x16xf32, #tpu.memory_space<hbm>>) dst(%dma_wait3A_369 : memref<128x16xf32, #tpu.memory_space<vmem>>)
        %dma_start3A_376 = arith.constant 5 : i32
        %dma_start3A_377 = arith.constant 5 : i32
        %dma_start3A_378 = arith.constant 0 : i32
        %dma_start3A_379 = arith.constant 0 : i32
        %dma_start3A_380 = tpu.memref_slice %arg10[%dma_start3A_376, %dma_start3A_378, %dma_start3A_379] : memref<6x128x16xf32, #tpu.memory_space<vmem>> -> memref<1x128x16xf32, #tpu.memory_space<vmem>>
        %dma_start3A_381 = tpu.memref_squeeze %dma_start3A_380 : memref<1x128x16xf32, #tpu.memory_space<vmem>> -> memref<128x16xf32, #tpu.memory_space<vmem>>
        %dma_start3A_382 = arith.constant 0 : i32
        %dma_start3A_383 = tpu.memref_slice %arg8[%dma_start3A_377, %dma_start3A_382] : memref<6x128xi32, #tpu.memory_space<vmem>> -> memref<1x128xi32, #tpu.memory_space<vmem>>
        %dma_start3A_384 = tpu.memref_squeeze %dma_start3A_383 : memref<1x128xi32, #tpu.memory_space<vmem>> -> memref<128xi32, #tpu.memory_space<vmem>>
        %dma_start3A_385 = arith.constant 0 : i32
        %dma_start3A_386 = arith.constant 0 : i32
        %dma_start3A_387 = tpu.memref_slice %arg12[%dma_start3A_385, %dma_start3A_386] : memref<100352x16xf32, #tpu.memory_space<vmem_shared>> -> memref<100352x16xf32, #tpu.memory_space<vmem_shared>>
        tpu.enqueue_indirect_dma source(%dma_start3A_381 : memref<128x16xf32, #tpu.memory_space<vmem>>) target(%dma_start3A_387 : memref<100352x16xf32, #tpu.memory_space<vmem_shared>>) offsets(%dma_start3A_384 : memref<128xi32, #tpu.memory_space<vmem>>) semaphore(%arg15 : memref<!tpu.dma_semaphore, #tpu.memory_space<semaphore_mem>>) {add = true}
        %add3A_388 = arith.constant 2 : i32
        %add3A_389 = arith.addi %scan3A_195, %add3A_388 : i32
        %lt3A_390 = arith.constant 132 : i32
        %lt3A_391 = arith.cmpi slt, %add3A_389, %lt3A_390 : i32
        %convert_element_type3A_392 = arith.extui %lt3A_391 : i1 to i32
        %cond3A_393 = arith.constant 0 : i32
        %cond3A_394 = arith.cmpi ne, %convert_element_type3A_392, %cond3A_393 : i32
        scf.if %cond3A_394 {
          %add3A_395 = arith.constant 2 : i32
          %add3A_396 = arith.addi %scan3A_195, %add3A_395 : i32
          %mul3A_397 = arith.constant 6 : i32
          %mul3A_398 = arith.muli %add3A_396, %mul3A_397 : i32
          %add3A_399 = arith.addi %mul3A_2, %mul3A_398 : i32
          %dma_start3A_400 = arith.constant 0 : i32
          %dma_start3A_401 = tpu.memref_slice %arg2[%add3A_399, %dma_start3A_400] : memref<25344x128xi32, #tpu.memory_space<hbm>> -> memref<6x128xi32, #tpu.memory_space<hbm>>
          %dma_start3A_402 = arith.constant 0 : i32
          %dma_start3A_403 = tpu.memref_slice %arg2[%add3A_399, %dma_start3A_402] : memref<25344x128xi32, #tpu.memory_space<hbm>> -> memref<6x128xi32, #tpu.memory_space<hbm>>
          tpu.enqueue_dma source(%dma_start3A_403 : memref<6x128xi32, #tpu.memory_space<hbm>>) target(%arg6 : memref<6x128xi32, #tpu.memory_space<vmem>>) target_semaphore(%arg17 : memref<!tpu.dma_semaphore, #tpu.memory_space<semaphore_mem>>)
        } else {
        }
      } else {
      }
      %jit3A_208 = arith.constant 2 : i32
      %eq3A_209 = arith.constant 0 : i32
      %eq3A_210 = arith.cmpi eq, %jit3A_208, %eq3A_209 : i32
      %jit3A_211 = arith.constant 1 : i32
      %select_n3A_212 = arith.select %eq3A_210, %jit3A_211, %jit3A_208 : i32
      %rem3A_213 = arith.remsi %scan3A_195, %select_n3A_212 : i32
      %ne3A_214 = arith.constant 0 : i32
      %ne3A_215 = arith.cmpi ne, %rem3A_213, %ne3A_214 : i32
      %lt3A_216 = arith.constant 0 : i32
      %lt3A_217 = arith.cmpi slt, %rem3A_213, %lt3A_216 : i32
      %lt3A_218 = arith.constant 0 : i32
      %lt3A_219 = arith.cmpi slt, %select_n3A_212, %lt3A_218 : i32
      %ne3A_220 = arith.xori %lt3A_217, %lt3A_219 : i1
      %and3A_221 = arith.andi %ne3A_220, %ne3A_215 : i1
      %add3A_222 = arith.addi %rem3A_213, %select_n3A_212 : i32
      %select_n3A_223 = arith.select %and3A_221, %add3A_222, %rem3A_213 : i32
      %eq3A_224 = arith.constant 1 : i32
      %eq3A_225 = arith.cmpi eq, %select_n3A_223, %eq3A_224 : i32
      %convert_element_type3A_226 = arith.extui %eq3A_225 : i1 to i32
      %cond3A_227 = arith.constant 0 : i32
      %cond3A_228 = arith.cmpi ne, %convert_element_type3A_226, %cond3A_227 : i32
      scf.if %cond3A_228 {
        %ge3A = arith.constant 1 : i32
        %ge3A_229 = arith.cmpi sge, %scan3A_195, %ge3A : i32
        %convert_element_type3A_230 = arith.extui %ge3A_229 : i1 to i32
        %cond3A_231 = arith.constant 0 : i32
        %cond3A_232 = arith.cmpi ne, %convert_element_type3A_230, %cond3A_231 : i32
        scf.if %cond3A_232 {
          %dma_wait3A_395 = arith.constant 0 : i32
          %dma_wait3A_396 = arith.constant 0 : i32
          %dma_wait3A_397 = arith.constant 0 : i32
          %dma_wait3A_398 = arith.constant 0 : i32
          %dma_wait3A_399 = tpu.memref_slice %arg10[%dma_wait3A_395, %dma_wait3A_397, %dma_wait3A_398] : memref<6x128x16xf32, #tpu.memory_space<vmem>> -> memref<1x128x16xf32, #tpu.memory_space<vmem>>
          %dma_wait3A_400 = tpu.memref_squeeze %dma_wait3A_399 : memref<1x128x16xf32, #tpu.memory_space<vmem>> -> memref<128x16xf32, #tpu.memory_space<vmem>>
          %dma_wait3A_401 = arith.constant 0 : i32
          %dma_wait3A_402 = tpu.memref_slice %arg8[%dma_wait3A_396, %dma_wait3A_401] : memref<6x128xi32, #tpu.memory_space<vmem>> -> memref<1x128xi32, #tpu.memory_space<vmem>>
          %dma_wait3A_403 = tpu.memref_squeeze %dma_wait3A_402 : memref<1x128xi32, #tpu.memory_space<vmem>> -> memref<128xi32, #tpu.memory_space<vmem>>
          %dma_wait3A_404 = arith.constant 0 : i32
          %dma_wait3A_405 = arith.constant 0 : i32
          %dma_wait3A_406 = tpu.memref_slice %arg12[%dma_wait3A_404, %dma_wait3A_405] : memref<100352x16xf32, #tpu.memory_space<vmem_shared>> -> memref<100352x16xf32, #tpu.memory_space<vmem_shared>>
          tpu.wait_indirect_dma semaphore(%arg15 : memref<!tpu.dma_semaphore, #tpu.memory_space<semaphore_mem>>) src(%dma_wait3A_400 : memref<128x16xf32, #tpu.memory_space<vmem>>) dst(%dma_wait3A_406 : memref<100352x16xf32, #tpu.memory_space<vmem_shared>>)
          %dma_wait3A_407 = arith.constant 1 : i32
          %dma_wait3A_408 = arith.constant 1 : i32
          %dma_wait3A_409 = arith.constant 0 : i32
          %dma_wait3A_410 = arith.constant 0 : i32
          %dma_wait3A_411 = tpu.memref_slice %arg10[%dma_wait3A_407, %dma_wait3A_409, %dma_wait3A_410] : memref<6x128x16xf32, #tpu.memory_space<vmem>> -> memref<1x128x16xf32, #tpu.memory_space<vmem>>
          %dma_wait3A_412 = tpu.memref_squeeze %dma_wait3A_411 : memref<1x128x16xf32, #tpu.memory_space<vmem>> -> memref<128x16xf32, #tpu.memory_space<vmem>>
          %dma_wait3A_413 = arith.constant 0 : i32
          %dma_wait3A_414 = tpu.memref_slice %arg8[%dma_wait3A_408, %dma_wait3A_413] : memref<6x128xi32, #tpu.memory_space<vmem>> -> memref<1x128xi32, #tpu.memory_space<vmem>>
          %dma_wait3A_415 = tpu.memref_squeeze %dma_wait3A_414 : memref<1x128xi32, #tpu.memory_space<vmem>> -> memref<128xi32, #tpu.memory_space<vmem>>
          %dma_wait3A_416 = arith.constant 0 : i32
          %dma_wait3A_417 = arith.constant 0 : i32
          %dma_wait3A_418 = tpu.memref_slice %arg12[%dma_wait3A_416, %dma_wait3A_417] : memref<100352x16xf32, #tpu.memory_space<vmem_shared>> -> memref<100352x16xf32, #tpu.memory_space<vmem_shared>>
          tpu.wait_indirect_dma semaphore(%arg15 : memref<!tpu.dma_semaphore, #tpu.memory_space<semaphore_mem>>) src(%dma_wait3A_412 : memref<128x16xf32, #tpu.memory_space<vmem>>) dst(%dma_wait3A_418 : memref<100352x16xf32, #tpu.memory_space<vmem_shared>>)
          %dma_wait3A_419 = arith.constant 2 : i32
          %dma_wait3A_420 = arith.constant 2 : i32
          %dma_wait3A_421 = arith.constant 0 : i32
          %dma_wait3A_422 = arith.constant 0 : i32
          %dma_wait3A_423 = tpu.memref_slice %arg10[%dma_wait3A_419, %dma_wait3A_421, %dma_wait3A_422] : memref<6x128x16xf32, #tpu.memory_space<vmem>> -> memref<1x128x16xf32, #tpu.memory_space<vmem>>
          %dma_wait3A_424 = tpu.memref_squeeze %dma_wait3A_423 : memref<1x128x16xf32, #tpu.memory_space<vmem>> -> memref<128x16xf32, #tpu.memory_space<vmem>>
          %dma_wait3A_425 = arith.constant 0 : i32
          %dma_wait3A_426 = tpu.memref_slice %arg8[%dma_wait3A_420, %dma_wait3A_425] : memref<6x128xi32, #tpu.memory_space<vmem>> -> memref<1x128xi32, #tpu.memory_space<vmem>>
          %dma_wait3A_427 = tpu.memref_squeeze %dma_wait3A_426 : memref<1x128xi32, #tpu.memory_space<vmem>> -> memref<128xi32, #tpu.memory_space<vmem>>
          %dma_wait3A_428 = arith.constant 0 : i32
          %dma_wait3A_429 = arith.constant 0 : i32
          %dma_wait3A_430 = tpu.memref_slice %arg12[%dma_wait3A_428, %dma_wait3A_429] : memref<100352x16xf32, #tpu.memory_space<vmem_shared>> -> memref<100352x16xf32, #tpu.memory_space<vmem_shared>>
          tpu.wait_indirect_dma semaphore(%arg15 : memref<!tpu.dma_semaphore, #tpu.memory_space<semaphore_mem>>) src(%dma_wait3A_424 : memref<128x16xf32, #tpu.memory_space<vmem>>) dst(%dma_wait3A_430 : memref<100352x16xf32, #tpu.memory_space<vmem_shared>>)
          %dma_wait3A_431 = arith.constant 3 : i32
          %dma_wait3A_432 = arith.constant 3 : i32
          %dma_wait3A_433 = arith.constant 0 : i32
          %dma_wait3A_434 = arith.constant 0 : i32
          %dma_wait3A_435 = tpu.memref_slice %arg10[%dma_wait3A_431, %dma_wait3A_433, %dma_wait3A_434] : memref<6x128x16xf32, #tpu.memory_space<vmem>> -> memref<1x128x16xf32, #tpu.memory_space<vmem>>
          %dma_wait3A_436 = tpu.memref_squeeze %dma_wait3A_435 : memref<1x128x16xf32, #tpu.memory_space<vmem>> -> memref<128x16xf32, #tpu.memory_space<vmem>>
          %dma_wait3A_437 = arith.constant 0 : i32
          %dma_wait3A_438 = tpu.memref_slice %arg8[%dma_wait3A_432, %dma_wait3A_437] : memref<6x128xi32, #tpu.memory_space<vmem>> -> memref<1x128xi32, #tpu.memory_space<vmem>>
          %dma_wait3A_439 = tpu.memref_squeeze %dma_wait3A_438 : memref<1x128xi32, #tpu.memory_space<vmem>> -> memref<128xi32, #tpu.memory_space<vmem>>
          %dma_wait3A_440 = arith.constant 0 : i32
          %dma_wait3A_441 = arith.constant 0 : i32
          %dma_wait3A_442 = tpu.memref_slice %arg12[%dma_wait3A_440, %dma_wait3A_441] : memref<100352x16xf32, #tpu.memory_space<vmem_shared>> -> memref<100352x16xf32, #tpu.memory_space<vmem_shared>>
          tpu.wait_indirect_dma semaphore(%arg15 : memref<!tpu.dma_semaphore, #tpu.memory_space<semaphore_mem>>) src(%dma_wait3A_436 : memref<128x16xf32, #tpu.memory_space<vmem>>) dst(%dma_wait3A_442 : memref<100352x16xf32, #tpu.memory_space<vmem_shared>>)
          %dma_wait3A_443 = arith.constant 4 : i32
          %dma_wait3A_444 = arith.constant 4 : i32
          %dma_wait3A_445 = arith.constant 0 : i32
          %dma_wait3A_446 = arith.constant 0 : i32
          %dma_wait3A_447 = tpu.memref_slice %arg10[%dma_wait3A_443, %dma_wait3A_445, %dma_wait3A_446] : memref<6x128x16xf32, #tpu.memory_space<vmem>> -> memref<1x128x16xf32, #tpu.memory_space<vmem>>
          %dma_wait3A_448 = tpu.memref_squeeze %dma_wait3A_447 : memref<1x128x16xf32, #tpu.memory_space<vmem>> -> memref<128x16xf32, #tpu.memory_space<vmem>>
          %dma_wait3A_449 = arith.constant 0 : i32
          %dma_wait3A_450 = tpu.memref_slice %arg8[%dma_wait3A_444, %dma_wait3A_449] : memref<6x128xi32, #tpu.memory_space<vmem>> -> memref<1x128xi32, #tpu.memory_space<vmem>>
          %dma_wait3A_451 = tpu.memref_squeeze %dma_wait3A_450 : memref<1x128xi32, #tpu.memory_space<vmem>> -> memref<128xi32, #tpu.memory_space<vmem>>
          %dma_wait3A_452 = arith.constant 0 : i32
          %dma_wait3A_453 = arith.constant 0 : i32
          %dma_wait3A_454 = tpu.memref_slice %arg12[%dma_wait3A_452, %dma_wait3A_453] : memref<100352x16xf32, #tpu.memory_space<vmem_shared>> -> memref<100352x16xf32, #tpu.memory_space<vmem_shared>>
          tpu.wait_indirect_dma semaphore(%arg15 : memref<!tpu.dma_semaphore, #tpu.memory_space<semaphore_mem>>) src(%dma_wait3A_448 : memref<128x16xf32, #tpu.memory_space<vmem>>) dst(%dma_wait3A_454 : memref<100352x16xf32, #tpu.memory_space<vmem_shared>>)
          %dma_wait3A_455 = arith.constant 5 : i32
          %dma_wait3A_456 = arith.constant 5 : i32
          %dma_wait3A_457 = arith.constant 0 : i32
          %dma_wait3A_458 = arith.constant 0 : i32
          %dma_wait3A_459 = tpu.memref_slice %arg10[%dma_wait3A_455, %dma_wait3A_457, %dma_wait3A_458] : memref<6x128x16xf32, #tpu.memory_space<vmem>> -> memref<1x128x16xf32, #tpu.memory_space<vmem>>
          %dma_wait3A_460 = tpu.memref_squeeze %dma_wait3A_459 : memref<1x128x16xf32, #tpu.memory_space<vmem>> -> memref<128x16xf32, #tpu.memory_space<vmem>>
          %dma_wait3A_461 = arith.constant 0 : i32
          %dma_wait3A_462 = tpu.memref_slice %arg8[%dma_wait3A_456, %dma_wait3A_461] : memref<6x128xi32, #tpu.memory_space<vmem>> -> memref<1x128xi32, #tpu.memory_space<vmem>>
          %dma_wait3A_463 = tpu.memref_squeeze %dma_wait3A_462 : memref<1x128xi32, #tpu.memory_space<vmem>> -> memref<128xi32, #tpu.memory_space<vmem>>
          %dma_wait3A_464 = arith.constant 0 : i32
          %dma_wait3A_465 = arith.constant 0 : i32
          %dma_wait3A_466 = tpu.memref_slice %arg12[%dma_wait3A_464, %dma_wait3A_465] : memref<100352x16xf32, #tpu.memory_space<vmem_shared>> -> memref<100352x16xf32, #tpu.memory_space<vmem_shared>>
          tpu.wait_indirect_dma semaphore(%arg15 : memref<!tpu.dma_semaphore, #tpu.memory_space<semaphore_mem>>) src(%dma_wait3A_460 : memref<128x16xf32, #tpu.memory_space<vmem>>) dst(%dma_wait3A_466 : memref<100352x16xf32, #tpu.memory_space<vmem_shared>>)
        } else {
        }
        %add3A_233 = arith.constant 1 : i32
        %add3A_234 = arith.addi %scan3A_195, %add3A_233 : i32
        %lt3A_235 = arith.constant 132 : i32
        %lt3A_236 = arith.cmpi slt, %add3A_234, %lt3A_235 : i32
        %convert_element_type3A_237 = arith.extui %lt3A_236 : i1 to i32
        %cond3A_238 = arith.constant 0 : i32
        %cond3A_239 = arith.cmpi ne, %convert_element_type3A_237, %cond3A_238 : i32
        scf.if %cond3A_239 {
          %add3A_395 = arith.constant 1 : i32
          %add3A_396 = arith.addi %scan3A_195, %add3A_395 : i32
          %mul3A_397 = arith.constant 6 : i32
          %mul3A_398 = arith.muli %add3A_396, %mul3A_397 : i32
          %add3A_399 = arith.addi %mul3A_2, %mul3A_398 : i32
          %dma_start3A_400 = arith.constant 0 : i32
          %dma_start3A_401 = tpu.memref_slice %arg3[%add3A_399, %dma_start3A_400] : memref<25344x128xi32, #tpu.memory_space<hbm>> -> memref<6x128xi32, #tpu.memory_space<hbm>>
          %dma_start3A_402 = arith.constant 0 : i32
          %dma_start3A_403 = tpu.memref_slice %arg3[%add3A_399, %dma_start3A_402] : memref<25344x128xi32, #tpu.memory_space<hbm>> -> memref<6x128xi32, #tpu.memory_space<hbm>>
          tpu.enqueue_dma source(%dma_start3A_403 : memref<6x128xi32, #tpu.memory_space<hbm>>) target(%arg8 : memref<6x128xi32, #tpu.memory_space<vmem>>) target_semaphore(%arg19 : memref<!tpu.dma_semaphore, #tpu.memory_space<semaphore_mem>>)
          %dma_wait3A_404 = arith.constant 0 : i32
          %dma_wait3A_405 = tpu.memref_slice %arg2[%mul3A_2, %dma_wait3A_404] : memref<25344x128xi32, #tpu.memory_space<hbm>> -> memref<6x128xi32, #tpu.memory_space<hbm>>
          %dma_wait3A_406 = arith.constant 0 : i32
          %dma_wait3A_407 = tpu.memref_slice %arg2[%mul3A_2, %dma_wait3A_406] : memref<25344x128xi32, #tpu.memory_space<hbm>> -> memref<6x128xi32, #tpu.memory_space<hbm>>
          tpu.wait_dma2 semaphore(%arg17 : memref<!tpu.dma_semaphore, #tpu.memory_space<semaphore_mem>>) src(%dma_wait3A_407 : memref<6x128xi32, #tpu.memory_space<hbm>>) dst(%arg6 : memref<6x128xi32, #tpu.memory_space<vmem>>)
          %dma_start3A_408 = arith.constant 0 : i32
          %dma_start3A_409 = arith.constant 0 : i32
          %dma_start3A_410 = arith.constant 0 : i32
          %dma_start3A_411 = arith.constant 0 : i32
          %dma_start3A_412 = tpu.memref_slice %arg10[%dma_start3A_409, %dma_start3A_410, %dma_start3A_411] : memref<6x128x16xf32, #tpu.memory_space<vmem>> -> memref<1x128x16xf32, #tpu.memory_space<vmem>>
          %dma_start3A_413 = tpu.memref_squeeze %dma_start3A_412 : memref<1x128x16xf32, #tpu.memory_space<vmem>> -> memref<128x16xf32, #tpu.memory_space<vmem>>
          %dma_start3A_414 = arith.constant 0 : i32
          %dma_start3A_415 = tpu.memref_slice %arg6[%dma_start3A_408, %dma_start3A_414] : memref<6x128xi32, #tpu.memory_space<vmem>> -> memref<1x128xi32, #tpu.memory_space<vmem>>
          %dma_start3A_416 = tpu.memref_squeeze %dma_start3A_415 : memref<1x128xi32, #tpu.memory_space<vmem>> -> memref<128xi32, #tpu.memory_space<vmem>>
          %dma_start3A_417 = arith.constant 0 : i32
          %dma_start3A_418 = arith.constant 0 : i32
          %dma_start3A_419 = tpu.memref_slice %arg4[%dma_start3A_417, %dma_start3A_418] : memref<100352x16xf32, #tpu.memory_space<hbm>> -> memref<100352x16xf32, #tpu.memory_space<hbm>>
          tpu.enqueue_indirect_dma source(%dma_start3A_419 : memref<100352x16xf32, #tpu.memory_space<hbm>>) target(%dma_start3A_413 : memref<128x16xf32, #tpu.memory_space<vmem>>) offsets(%dma_start3A_416 : memref<128xi32, #tpu.memory_space<vmem>>) semaphore(%arg13 : memref<!tpu.dma_semaphore, #tpu.memory_space<semaphore_mem>>)
          %dma_start3A_420 = arith.constant 1 : i32
          %dma_start3A_421 = arith.constant 1 : i32
          %dma_start3A_422 = arith.constant 0 : i32
          %dma_start3A_423 = arith.constant 0 : i32
          %dma_start3A_424 = tpu.memref_slice %arg10[%dma_start3A_421, %dma_start3A_422, %dma_start3A_423] : memref<6x128x16xf32, #tpu.memory_space<vmem>> -> memref<1x128x16xf32, #tpu.memory_space<vmem>>
          %dma_start3A_425 = tpu.memref_squeeze %dma_start3A_424 : memref<1x128x16xf32, #tpu.memory_space<vmem>> -> memref<128x16xf32, #tpu.memory_space<vmem>>
          %dma_start3A_426 = arith.constant 0 : i32
          %dma_start3A_427 = tpu.memref_slice %arg6[%dma_start3A_420, %dma_start3A_426] : memref<6x128xi32, #tpu.memory_space<vmem>> -> memref<1x128xi32, #tpu.memory_space<vmem>>
          %dma_start3A_428 = tpu.memref_squeeze %dma_start3A_427 : memref<1x128xi32, #tpu.memory_space<vmem>> -> memref<128xi32, #tpu.memory_space<vmem>>
          %dma_start3A_429 = arith.constant 0 : i32
          %dma_start3A_430 = arith.constant 0 : i32
          %dma_start3A_431 = tpu.memref_slice %arg4[%dma_start3A_429, %dma_start3A_430] : memref<100352x16xf32, #tpu.memory_space<hbm>> -> memref<100352x16xf32, #tpu.memory_space<hbm>>
          tpu.enqueue_indirect_dma source(%dma_start3A_431 : memref<100352x16xf32, #tpu.memory_space<hbm>>) target(%dma_start3A_425 : memref<128x16xf32, #tpu.memory_space<vmem>>) offsets(%dma_start3A_428 : memref<128xi32, #tpu.memory_space<vmem>>) semaphore(%arg13 : memref<!tpu.dma_semaphore, #tpu.memory_space<semaphore_mem>>)
          %dma_start3A_432 = arith.constant 2 : i32
          %dma_start3A_433 = arith.constant 2 : i32
          %dma_start3A_434 = arith.constant 0 : i32
          %dma_start3A_435 = arith.constant 0 : i32
          %dma_start3A_436 = tpu.memref_slice %arg10[%dma_start3A_433, %dma_start3A_434, %dma_start3A_435] : memref<6x128x16xf32, #tpu.memory_space<vmem>> -> memref<1x128x16xf32, #tpu.memory_space<vmem>>
          %dma_start3A_437 = tpu.memref_squeeze %dma_start3A_436 : memref<1x128x16xf32, #tpu.memory_space<vmem>> -> memref<128x16xf32, #tpu.memory_space<vmem>>
          %dma_start3A_438 = arith.constant 0 : i32
          %dma_start3A_439 = tpu.memref_slice %arg6[%dma_start3A_432, %dma_start3A_438] : memref<6x128xi32, #tpu.memory_space<vmem>> -> memref<1x128xi32, #tpu.memory_space<vmem>>
          %dma_start3A_440 = tpu.memref_squeeze %dma_start3A_439 : memref<1x128xi32, #tpu.memory_space<vmem>> -> memref<128xi32, #tpu.memory_space<vmem>>
          %dma_start3A_441 = arith.constant 0 : i32
          %dma_start3A_442 = arith.constant 0 : i32
          %dma_start3A_443 = tpu.memref_slice %arg4[%dma_start3A_441, %dma_start3A_442] : memref<100352x16xf32, #tpu.memory_space<hbm>> -> memref<100352x16xf32, #tpu.memory_space<hbm>>
          tpu.enqueue_indirect_dma source(%dma_start3A_443 : memref<100352x16xf32, #tpu.memory_space<hbm>>) target(%dma_start3A_437 : memref<128x16xf32, #tpu.memory_space<vmem>>) offsets(%dma_start3A_440 : memref<128xi32, #tpu.memory_space<vmem>>) semaphore(%arg13 : memref<!tpu.dma_semaphore, #tpu.memory_space<semaphore_mem>>)
          %dma_start3A_444 = arith.constant 3 : i32
          %dma_start3A_445 = arith.constant 3 : i32
          %dma_start3A_446 = arith.constant 0 : i32
          %dma_start3A_447 = arith.constant 0 : i32
          %dma_start3A_448 = tpu.memref_slice %arg10[%dma_start3A_445, %dma_start3A_446, %dma_start3A_447] : memref<6x128x16xf32, #tpu.memory_space<vmem>> -> memref<1x128x16xf32, #tpu.memory_space<vmem>>
          %dma_start3A_449 = tpu.memref_squeeze %dma_start3A_448 : memref<1x128x16xf32, #tpu.memory_space<vmem>> -> memref<128x16xf32, #tpu.memory_space<vmem>>
          %dma_start3A_450 = arith.constant 0 : i32
          %dma_start3A_451 = tpu.memref_slice %arg6[%dma_start3A_444, %dma_start3A_450] : memref<6x128xi32, #tpu.memory_space<vmem>> -> memref<1x128xi32, #tpu.memory_space<vmem>>
          %dma_start3A_452 = tpu.memref_squeeze %dma_start3A_451 : memref<1x128xi32, #tpu.memory_space<vmem>> -> memref<128xi32, #tpu.memory_space<vmem>>
          %dma_start3A_453 = arith.constant 0 : i32
          %dma_start3A_454 = arith.constant 0 : i32
          %dma_start3A_455 = tpu.memref_slice %arg4[%dma_start3A_453, %dma_start3A_454] : memref<100352x16xf32, #tpu.memory_space<hbm>> -> memref<100352x16xf32, #tpu.memory_space<hbm>>
          tpu.enqueue_indirect_dma source(%dma_start3A_455 : memref<100352x16xf32, #tpu.memory_space<hbm>>) target(%dma_start3A_449 : memref<128x16xf32, #tpu.memory_space<vmem>>) offsets(%dma_start3A_452 : memref<128xi32, #tpu.memory_space<vmem>>) semaphore(%arg13 : memref<!tpu.dma_semaphore, #tpu.memory_space<semaphore_mem>>)
          %dma_start3A_456 = arith.constant 4 : i32
          %dma_start3A_457 = arith.constant 4 : i32
          %dma_start3A_458 = arith.constant 0 : i32
          %dma_start3A_459 = arith.constant 0 : i32
          %dma_start3A_460 = tpu.memref_slice %arg10[%dma_start3A_457, %dma_start3A_458, %dma_start3A_459] : memref<6x128x16xf32, #tpu.memory_space<vmem>> -> memref<1x128x16xf32, #tpu.memory_space<vmem>>
          %dma_start3A_461 = tpu.memref_squeeze %dma_start3A_460 : memref<1x128x16xf32, #tpu.memory_space<vmem>> -> memref<128x16xf32, #tpu.memory_space<vmem>>
          %dma_start3A_462 = arith.constant 0 : i32
          %dma_start3A_463 = tpu.memref_slice %arg6[%dma_start3A_456, %dma_start3A_462] : memref<6x128xi32, #tpu.memory_space<vmem>> -> memref<1x128xi32, #tpu.memory_space<vmem>>
          %dma_start3A_464 = tpu.memref_squeeze %dma_start3A_463 : memref<1x128xi32, #tpu.memory_space<vmem>> -> memref<128xi32, #tpu.memory_space<vmem>>
          %dma_start3A_465 = arith.constant 0 : i32
          %dma_start3A_466 = arith.constant 0 : i32
          %dma_start3A_467 = tpu.memref_slice %arg4[%dma_start3A_465, %dma_start3A_466] : memref<100352x16xf32, #tpu.memory_space<hbm>> -> memref<100352x16xf32, #tpu.memory_space<hbm>>
          tpu.enqueue_indirect_dma source(%dma_start3A_467 : memref<100352x16xf32, #tpu.memory_space<hbm>>) target(%dma_start3A_461 : memref<128x16xf32, #tpu.memory_space<vmem>>) offsets(%dma_start3A_464 : memref<128xi32, #tpu.memory_space<vmem>>) semaphore(%arg13 : memref<!tpu.dma_semaphore, #tpu.memory_space<semaphore_mem>>)
          %dma_start3A_468 = arith.constant 5 : i32
          %dma_start3A_469 = arith.constant 5 : i32
          %dma_start3A_470 = arith.constant 0 : i32
          %dma_start3A_471 = arith.constant 0 : i32
          %dma_start3A_472 = tpu.memref_slice %arg10[%dma_start3A_469, %dma_start3A_470, %dma_start3A_471] : memref<6x128x16xf32, #tpu.memory_space<vmem>> -> memref<1x128x16xf32, #tpu.memory_space<vmem>>
          %dma_start3A_473 = tpu.memref_squeeze %dma_start3A_472 : memref<1x128x16xf32, #tpu.memory_space<vmem>> -> memref<128x16xf32, #tpu.memory_space<vmem>>
          %dma_start3A_474 = arith.constant 0 : i32
          %dma_start3A_475 = tpu.memref_slice %arg6[%dma_start3A_468, %dma_start3A_474] : memref<6x128xi32, #tpu.memory_space<vmem>> -> memref<1x128xi32, #tpu.memory_space<vmem>>
          %dma_start3A_476 = tpu.memref_squeeze %dma_start3A_475 : memref<1x128xi32, #tpu.memory_space<vmem>> -> memref<128xi32, #tpu.memory_space<vmem>>
          %dma_start3A_477 = arith.constant 0 : i32
          %dma_start3A_478 = arith.constant 0 : i32
          %dma_start3A_479 = tpu.memref_slice %arg4[%dma_start3A_477, %dma_start3A_478] : memref<100352x16xf32, #tpu.memory_space<hbm>> -> memref<100352x16xf32, #tpu.memory_space<hbm>>
          tpu.enqueue_indirect_dma source(%dma_start3A_479 : memref<100352x16xf32, #tpu.memory_space<hbm>>) target(%dma_start3A_473 : memref<128x16xf32, #tpu.memory_space<vmem>>) offsets(%dma_start3A_476 : memref<128xi32, #tpu.memory_space<vmem>>) semaphore(%arg13 : memref<!tpu.dma_semaphore, #tpu.memory_space<semaphore_mem>>)
        } else {
        }
        %dma_wait3A_240 = arith.constant 0 : i32
        %dma_wait3A_241 = tpu.memref_slice %arg3[%mul3A_2, %dma_wait3A_240] : memref<25344x128xi32, #tpu.memory_space<hbm>> -> memref<6x128xi32, #tpu.memory_space<hbm>>
        %dma_wait3A_242 = arith.constant 0 : i32
        %dma_wait3A_243 = tpu.memref_slice %arg3[%mul3A_2, %dma_wait3A_242] : memref<25344x128xi32, #tpu.memory_space<hbm>> -> memref<6x128xi32, #tpu.memory_space<hbm>>
        tpu.wait_dma2 semaphore(%arg20 : memref<!tpu.dma_semaphore, #tpu.memory_space<semaphore_mem>>) src(%dma_wait3A_243 : memref<6x128xi32, #tpu.memory_space<hbm>>) dst(%arg9 : memref<6x128xi32, #tpu.memory_space<vmem>>)
        %dma_wait3A_244 = arith.constant 0 : i32
        %dma_wait3A_245 = arith.constant 0 : i32
        %dma_wait3A_246 = arith.constant 0 : i32
        %dma_wait3A_247 = arith.constant 0 : i32
        %dma_wait3A_248 = tpu.memref_slice %arg11[%dma_wait3A_245, %dma_wait3A_246, %dma_wait3A_247] : memref<6x128x16xf32, #tpu.memory_space<vmem>> -> memref<1x128x16xf32, #tpu.memory_space<vmem>>
        %dma_wait3A_249 = tpu.memref_squeeze %dma_wait3A_248 : memref<1x128x16xf32, #tpu.memory_space<vmem>> -> memref<128x16xf32, #tpu.memory_space<vmem>>
        %dma_wait3A_250 = arith.constant 0 : i32
        %dma_wait3A_251 = tpu.memref_slice %arg7[%dma_wait3A_244, %dma_wait3A_250] : memref<6x128xi32, #tpu.memory_space<vmem>> -> memref<1x128xi32, #tpu.memory_space<vmem>>
        %dma_wait3A_252 = tpu.memref_squeeze %dma_wait3A_251 : memref<1x128xi32, #tpu.memory_space<vmem>> -> memref<128xi32, #tpu.memory_space<vmem>>
        %dma_wait3A_253 = arith.constant 0 : i32
        %dma_wait3A_254 = arith.constant 0 : i32
        %dma_wait3A_255 = tpu.memref_slice %arg4[%dma_wait3A_253, %dma_wait3A_254] : memref<100352x16xf32, #tpu.memory_space<hbm>> -> memref<100352x16xf32, #tpu.memory_space<hbm>>
        tpu.wait_indirect_dma semaphore(%arg14 : memref<!tpu.dma_semaphore, #tpu.memory_space<semaphore_mem>>) src(%dma_wait3A_255 : memref<100352x16xf32, #tpu.memory_space<hbm>>) dst(%dma_wait3A_249 : memref<128x16xf32, #tpu.memory_space<vmem>>)
        %dma_start3A_256 = arith.constant 0 : i32
        %dma_start3A_257 = arith.constant 0 : i32
        %dma_start3A_258 = arith.constant 0 : i32
        %dma_start3A_259 = arith.constant 0 : i32
        %dma_start3A_260 = tpu.memref_slice %arg11[%dma_start3A_256, %dma_start3A_258, %dma_start3A_259] : memref<6x128x16xf32, #tpu.memory_space<vmem>> -> memref<1x128x16xf32, #tpu.memory_space<vmem>>
        %dma_start3A_261 = tpu.memref_squeeze %dma_start3A_260 : memref<1x128x16xf32, #tpu.memory_space<vmem>> -> memref<128x16xf32, #tpu.memory_space<vmem>>
        %dma_start3A_262 = arith.constant 0 : i32
        %dma_start3A_263 = tpu.memref_slice %arg9[%dma_start3A_257, %dma_start3A_262] : memref<6x128xi32, #tpu.memory_space<vmem>> -> memref<1x128xi32, #tpu.memory_space<vmem>>
        %dma_start3A_264 = tpu.memref_squeeze %dma_start3A_263 : memref<1x128xi32, #tpu.memory_space<vmem>> -> memref<128xi32, #tpu.memory_space<vmem>>
        %dma_start3A_265 = arith.constant 0 : i32
        %dma_start3A_266 = arith.constant 0 : i32
        %dma_start3A_267 = tpu.memref_slice %arg12[%dma_start3A_265, %dma_start3A_266] : memref<100352x16xf32, #tpu.memory_space<vmem_shared>> -> memref<100352x16xf32, #tpu.memory_space<vmem_shared>>
        tpu.enqueue_indirect_dma source(%dma_start3A_261 : memref<128x16xf32, #tpu.memory_space<vmem>>) target(%dma_start3A_267 : memref<100352x16xf32, #tpu.memory_space<vmem_shared>>) offsets(%dma_start3A_264 : memref<128xi32, #tpu.memory_space<vmem>>) semaphore(%arg16 : memref<!tpu.dma_semaphore, #tpu.memory_space<semaphore_mem>>) {add = true}
        %dma_wait3A_268 = arith.constant 1 : i32
        %dma_wait3A_269 = arith.constant 1 : i32
        %dma_wait3A_270 = arith.constant 0 : i32
        %dma_wait3A_271 = arith.constant 0 : i32
        %dma_wait3A_272 = tpu.memref_slice %arg11[%dma_wait3A_269, %dma_wait3A_270, %dma_wait3A_271] : memref<6x128x16xf32, #tpu.memory_space<vmem>> -> memref<1x128x16xf32, #tpu.memory_space<vmem>>
        %dma_wait3A_273 = tpu.memref_squeeze %dma_wait3A_272 : memref<1x128x16xf32, #tpu.memory_space<vmem>> -> memref<128x16xf32, #tpu.memory_space<vmem>>
        %dma_wait3A_274 = arith.constant 0 : i32
        %dma_wait3A_275 = tpu.memref_slice %arg7[%dma_wait3A_268, %dma_wait3A_274] : memref<6x128xi32, #tpu.memory_space<vmem>> -> memref<1x128xi32, #tpu.memory_space<vmem>>
        %dma_wait3A_276 = tpu.memref_squeeze %dma_wait3A_275 : memref<1x128xi32, #tpu.memory_space<vmem>> -> memref<128xi32, #tpu.memory_space<vmem>>
        %dma_wait3A_277 = arith.constant 0 : i32
        %dma_wait3A_278 = arith.constant 0 : i32
        %dma_wait3A_279 = tpu.memref_slice %arg4[%dma_wait3A_277, %dma_wait3A_278] : memref<100352x16xf32, #tpu.memory_space<hbm>> -> memref<100352x16xf32, #tpu.memory_space<hbm>>
        tpu.wait_indirect_dma semaphore(%arg14 : memref<!tpu.dma_semaphore, #tpu.memory_space<semaphore_mem>>) src(%dma_wait3A_279 : memref<100352x16xf32, #tpu.memory_space<hbm>>) dst(%dma_wait3A_273 : memref<128x16xf32, #tpu.memory_space<vmem>>)
        %dma_start3A_280 = arith.constant 1 : i32
        %dma_start3A_281 = arith.constant 1 : i32
        %dma_start3A_282 = arith.constant 0 : i32
        %dma_start3A_283 = arith.constant 0 : i32
        %dma_start3A_284 = tpu.memref_slice %arg11[%dma_start3A_280, %dma_start3A_282, %dma_start3A_283] : memref<6x128x16xf32, #tpu.memory_space<vmem>> -> memref<1x128x16xf32, #tpu.memory_space<vmem>>
        %dma_start3A_285 = tpu.memref_squeeze %dma_start3A_284 : memref<1x128x16xf32, #tpu.memory_space<vmem>> -> memref<128x16xf32, #tpu.memory_space<vmem>>
        %dma_start3A_286 = arith.constant 0 : i32
        %dma_start3A_287 = tpu.memref_slice %arg9[%dma_start3A_281, %dma_start3A_286] : memref<6x128xi32, #tpu.memory_space<vmem>> -> memref<1x128xi32, #tpu.memory_space<vmem>>
        %dma_start3A_288 = tpu.memref_squeeze %dma_start3A_287 : memref<1x128xi32, #tpu.memory_space<vmem>> -> memref<128xi32, #tpu.memory_space<vmem>>
        %dma_start3A_289 = arith.constant 0 : i32
        %dma_start3A_290 = arith.constant 0 : i32
        %dma_start3A_291 = tpu.memref_slice %arg12[%dma_start3A_289, %dma_start3A_290] : memref<100352x16xf32, #tpu.memory_space<vmem_shared>> -> memref<100352x16xf32, #tpu.memory_space<vmem_shared>>
        tpu.enqueue_indirect_dma source(%dma_start3A_285 : memref<128x16xf32, #tpu.memory_space<vmem>>) target(%dma_start3A_291 : memref<100352x16xf32, #tpu.memory_space<vmem_shared>>) offsets(%dma_start3A_288 : memref<128xi32, #tpu.memory_space<vmem>>) semaphore(%arg16 : memref<!tpu.dma_semaphore, #tpu.memory_space<semaphore_mem>>) {add = true}
        %dma_wait3A_292 = arith.constant 2 : i32
        %dma_wait3A_293 = arith.constant 2 : i32
        %dma_wait3A_294 = arith.constant 0 : i32
        %dma_wait3A_295 = arith.constant 0 : i32
        %dma_wait3A_296 = tpu.memref_slice %arg11[%dma_wait3A_293, %dma_wait3A_294, %dma_wait3A_295] : memref<6x128x16xf32, #tpu.memory_space<vmem>> -> memref<1x128x16xf32, #tpu.memory_space<vmem>>
        %dma_wait3A_297 = tpu.memref_squeeze %dma_wait3A_296 : memref<1x128x16xf32, #tpu.memory_space<vmem>> -> memref<128x16xf32, #tpu.memory_space<vmem>>
        %dma_wait3A_298 = arith.constant 0 : i32
        %dma_wait3A_299 = tpu.memref_slice %arg7[%dma_wait3A_292, %dma_wait3A_298] : memref<6x128xi32, #tpu.memory_space<vmem>> -> memref<1x128xi32, #tpu.memory_space<vmem>>
        %dma_wait3A_300 = tpu.memref_squeeze %dma_wait3A_299 : memref<1x128xi32, #tpu.memory_space<vmem>> -> memref<128xi32, #tpu.memory_space<vmem>>
        %dma_wait3A_301 = arith.constant 0 : i32
        %dma_wait3A_302 = arith.constant 0 : i32
        %dma_wait3A_303 = tpu.memref_slice %arg4[%dma_wait3A_301, %dma_wait3A_302] : memref<100352x16xf32, #tpu.memory_space<hbm>> -> memref<100352x16xf32, #tpu.memory_space<hbm>>
        tpu.wait_indirect_dma semaphore(%arg14 : memref<!tpu.dma_semaphore, #tpu.memory_space<semaphore_mem>>) src(%dma_wait3A_303 : memref<100352x16xf32, #tpu.memory_space<hbm>>) dst(%dma_wait3A_297 : memref<128x16xf32, #tpu.memory_space<vmem>>)
        %dma_start3A_304 = arith.constant 2 : i32
        %dma_start3A_305 = arith.constant 2 : i32
        %dma_start3A_306 = arith.constant 0 : i32
        %dma_start3A_307 = arith.constant 0 : i32
        %dma_start3A_308 = tpu.memref_slice %arg11[%dma_start3A_304, %dma_start3A_306, %dma_start3A_307] : memref<6x128x16xf32, #tpu.memory_space<vmem>> -> memref<1x128x16xf32, #tpu.memory_space<vmem>>
        %dma_start3A_309 = tpu.memref_squeeze %dma_start3A_308 : memref<1x128x16xf32, #tpu.memory_space<vmem>> -> memref<128x16xf32, #tpu.memory_space<vmem>>
        %dma_start3A_310 = arith.constant 0 : i32
        %dma_start3A_311 = tpu.memref_slice %arg9[%dma_start3A_305, %dma_start3A_310] : memref<6x128xi32, #tpu.memory_space<vmem>> -> memref<1x128xi32, #tpu.memory_space<vmem>>
        %dma_start3A_312 = tpu.memref_squeeze %dma_start3A_311 : memref<1x128xi32, #tpu.memory_space<vmem>> -> memref<128xi32, #tpu.memory_space<vmem>>
        %dma_start3A_313 = arith.constant 0 : i32
        %dma_start3A_314 = arith.constant 0 : i32
        %dma_start3A_315 = tpu.memref_slice %arg12[%dma_start3A_313, %dma_start3A_314] : memref<100352x16xf32, #tpu.memory_space<vmem_shared>> -> memref<100352x16xf32, #tpu.memory_space<vmem_shared>>
        tpu.enqueue_indirect_dma source(%dma_start3A_309 : memref<128x16xf32, #tpu.memory_space<vmem>>) target(%dma_start3A_315 : memref<100352x16xf32, #tpu.memory_space<vmem_shared>>) offsets(%dma_start3A_312 : memref<128xi32, #tpu.memory_space<vmem>>) semaphore(%arg16 : memref<!tpu.dma_semaphore, #tpu.memory_space<semaphore_mem>>) {add = true}
        %dma_wait3A_316 = arith.constant 3 : i32
        %dma_wait3A_317 = arith.constant 3 : i32
        %dma_wait3A_318 = arith.constant 0 : i32
        %dma_wait3A_319 = arith.constant 0 : i32
        %dma_wait3A_320 = tpu.memref_slice %arg11[%dma_wait3A_317, %dma_wait3A_318, %dma_wait3A_319] : memref<6x128x16xf32, #tpu.memory_space<vmem>> -> memref<1x128x16xf32, #tpu.memory_space<vmem>>
        %dma_wait3A_321 = tpu.memref_squeeze %dma_wait3A_320 : memref<1x128x16xf32, #tpu.memory_space<vmem>> -> memref<128x16xf32, #tpu.memory_space<vmem>>
        %dma_wait3A_322 = arith.constant 0 : i32
        %dma_wait3A_323 = tpu.memref_slice %arg7[%dma_wait3A_316, %dma_wait3A_322] : memref<6x128xi32, #tpu.memory_space<vmem>> -> memref<1x128xi32, #tpu.memory_space<vmem>>
        %dma_wait3A_324 = tpu.memref_squeeze %dma_wait3A_323 : memref<1x128xi32, #tpu.memory_space<vmem>> -> memref<128xi32, #tpu.memory_space<vmem>>
        %dma_wait3A_325 = arith.constant 0 : i32
        %dma_wait3A_326 = arith.constant 0 : i32
        %dma_wait3A_327 = tpu.memref_slice %arg4[%dma_wait3A_325, %dma_wait3A_326] : memref<100352x16xf32, #tpu.memory_space<hbm>> -> memref<100352x16xf32, #tpu.memory_space<hbm>>
        tpu.wait_indirect_dma semaphore(%arg14 : memref<!tpu.dma_semaphore, #tpu.memory_space<semaphore_mem>>) src(%dma_wait3A_327 : memref<100352x16xf32, #tpu.memory_space<hbm>>) dst(%dma_wait3A_321 : memref<128x16xf32, #tpu.memory_space<vmem>>)
        %dma_start3A_328 = arith.constant 3 : i32
        %dma_start3A_329 = arith.constant 3 : i32
        %dma_start3A_330 = arith.constant 0 : i32
        %dma_start3A_331 = arith.constant 0 : i32
        %dma_start3A_332 = tpu.memref_slice %arg11[%dma_start3A_328, %dma_start3A_330, %dma_start3A_331] : memref<6x128x16xf32, #tpu.memory_space<vmem>> -> memref<1x128x16xf32, #tpu.memory_space<vmem>>
        %dma_start3A_333 = tpu.memref_squeeze %dma_start3A_332 : memref<1x128x16xf32, #tpu.memory_space<vmem>> -> memref<128x16xf32, #tpu.memory_space<vmem>>
        %dma_start3A_334 = arith.constant 0 : i32
        %dma_start3A_335 = tpu.memref_slice %arg9[%dma_start3A_329, %dma_start3A_334] : memref<6x128xi32, #tpu.memory_space<vmem>> -> memref<1x128xi32, #tpu.memory_space<vmem>>
        %dma_start3A_336 = tpu.memref_squeeze %dma_start3A_335 : memref<1x128xi32, #tpu.memory_space<vmem>> -> memref<128xi32, #tpu.memory_space<vmem>>
        %dma_start3A_337 = arith.constant 0 : i32
        %dma_start3A_338 = arith.constant 0 : i32
        %dma_start3A_339 = tpu.memref_slice %arg12[%dma_start3A_337, %dma_start3A_338] : memref<100352x16xf32, #tpu.memory_space<vmem_shared>> -> memref<100352x16xf32, #tpu.memory_space<vmem_shared>>
        tpu.enqueue_indirect_dma source(%dma_start3A_333 : memref<128x16xf32, #tpu.memory_space<vmem>>) target(%dma_start3A_339 : memref<100352x16xf32, #tpu.memory_space<vmem_shared>>) offsets(%dma_start3A_336 : memref<128xi32, #tpu.memory_space<vmem>>) semaphore(%arg16 : memref<!tpu.dma_semaphore, #tpu.memory_space<semaphore_mem>>) {add = true}
        %dma_wait3A_340 = arith.constant 4 : i32
        %dma_wait3A_341 = arith.constant 4 : i32
        %dma_wait3A_342 = arith.constant 0 : i32
        %dma_wait3A_343 = arith.constant 0 : i32
        %dma_wait3A_344 = tpu.memref_slice %arg11[%dma_wait3A_341, %dma_wait3A_342, %dma_wait3A_343] : memref<6x128x16xf32, #tpu.memory_space<vmem>> -> memref<1x128x16xf32, #tpu.memory_space<vmem>>
        %dma_wait3A_345 = tpu.memref_squeeze %dma_wait3A_344 : memref<1x128x16xf32, #tpu.memory_space<vmem>> -> memref<128x16xf32, #tpu.memory_space<vmem>>
        %dma_wait3A_346 = arith.constant 0 : i32
        %dma_wait3A_347 = tpu.memref_slice %arg7[%dma_wait3A_340, %dma_wait3A_346] : memref<6x128xi32, #tpu.memory_space<vmem>> -> memref<1x128xi32, #tpu.memory_space<vmem>>
        %dma_wait3A_348 = tpu.memref_squeeze %dma_wait3A_347 : memref<1x128xi32, #tpu.memory_space<vmem>> -> memref<128xi32, #tpu.memory_space<vmem>>
        %dma_wait3A_349 = arith.constant 0 : i32
        %dma_wait3A_350 = arith.constant 0 : i32
        %dma_wait3A_351 = tpu.memref_slice %arg4[%dma_wait3A_349, %dma_wait3A_350] : memref<100352x16xf32, #tpu.memory_space<hbm>> -> memref<100352x16xf32, #tpu.memory_space<hbm>>
        tpu.wait_indirect_dma semaphore(%arg14 : memref<!tpu.dma_semaphore, #tpu.memory_space<semaphore_mem>>) src(%dma_wait3A_351 : memref<100352x16xf32, #tpu.memory_space<hbm>>) dst(%dma_wait3A_345 : memref<128x16xf32, #tpu.memory_space<vmem>>)
        %dma_start3A_352 = arith.constant 4 : i32
        %dma_start3A_353 = arith.constant 4 : i32
        %dma_start3A_354 = arith.constant 0 : i32
        %dma_start3A_355 = arith.constant 0 : i32
        %dma_start3A_356 = tpu.memref_slice %arg11[%dma_start3A_352, %dma_start3A_354, %dma_start3A_355] : memref<6x128x16xf32, #tpu.memory_space<vmem>> -> memref<1x128x16xf32, #tpu.memory_space<vmem>>
        %dma_start3A_357 = tpu.memref_squeeze %dma_start3A_356 : memref<1x128x16xf32, #tpu.memory_space<vmem>> -> memref<128x16xf32, #tpu.memory_space<vmem>>
        %dma_start3A_358 = arith.constant 0 : i32
        %dma_start3A_359 = tpu.memref_slice %arg9[%dma_start3A_353, %dma_start3A_358] : memref<6x128xi32, #tpu.memory_space<vmem>> -> memref<1x128xi32, #tpu.memory_space<vmem>>
        %dma_start3A_360 = tpu.memref_squeeze %dma_start3A_359 : memref<1x128xi32, #tpu.memory_space<vmem>> -> memref<128xi32, #tpu.memory_space<vmem>>
        %dma_start3A_361 = arith.constant 0 : i32
        %dma_start3A_362 = arith.constant 0 : i32
        %dma_start3A_363 = tpu.memref_slice %arg12[%dma_start3A_361, %dma_start3A_362] : memref<100352x16xf32, #tpu.memory_space<vmem_shared>> -> memref<100352x16xf32, #tpu.memory_space<vmem_shared>>
        tpu.enqueue_indirect_dma source(%dma_start3A_357 : memref<128x16xf32, #tpu.memory_space<vmem>>) target(%dma_start3A_363 : memref<100352x16xf32, #tpu.memory_space<vmem_shared>>) offsets(%dma_start3A_360 : memref<128xi32, #tpu.memory_space<vmem>>) semaphore(%arg16 : memref<!tpu.dma_semaphore, #tpu.memory_space<semaphore_mem>>) {add = true}
        %dma_wait3A_364 = arith.constant 5 : i32
        %dma_wait3A_365 = arith.constant 5 : i32
        %dma_wait3A_366 = arith.constant 0 : i32
        %dma_wait3A_367 = arith.constant 0 : i32
        %dma_wait3A_368 = tpu.memref_slice %arg11[%dma_wait3A_365, %dma_wait3A_366, %dma_wait3A_367] : memref<6x128x16xf32, #tpu.memory_space<vmem>> -> memref<1x128x16xf32, #tpu.memory_space<vmem>>
        %dma_wait3A_369 = tpu.memref_squeeze %dma_wait3A_368 : memref<1x128x16xf32, #tpu.memory_space<vmem>> -> memref<128x16xf32, #tpu.memory_space<vmem>>
        %dma_wait3A_370 = arith.constant 0 : i32
        %dma_wait3A_371 = tpu.memref_slice %arg7[%dma_wait3A_364, %dma_wait3A_370] : memref<6x128xi32, #tpu.memory_space<vmem>> -> memref<1x128xi32, #tpu.memory_space<vmem>>
        %dma_wait3A_372 = tpu.memref_squeeze %dma_wait3A_371 : memref<1x128xi32, #tpu.memory_space<vmem>> -> memref<128xi32, #tpu.memory_space<vmem>>
        %dma_wait3A_373 = arith.constant 0 : i32
        %dma_wait3A_374 = arith.constant 0 : i32
        %dma_wait3A_375 = tpu.memref_slice %arg4[%dma_wait3A_373, %dma_wait3A_374] : memref<100352x16xf32, #tpu.memory_space<hbm>> -> memref<100352x16xf32, #tpu.memory_space<hbm>>
        tpu.wait_indirect_dma semaphore(%arg14 : memref<!tpu.dma_semaphore, #tpu.memory_space<semaphore_mem>>) src(%dma_wait3A_375 : memref<100352x16xf32, #tpu.memory_space<hbm>>) dst(%dma_wait3A_369 : memref<128x16xf32, #tpu.memory_space<vmem>>)
        %dma_start3A_376 = arith.constant 5 : i32
        %dma_start3A_377 = arith.constant 5 : i32
        %dma_start3A_378 = arith.constant 0 : i32
        %dma_start3A_379 = arith.constant 0 : i32
        %dma_start3A_380 = tpu.memref_slice %arg11[%dma_start3A_376, %dma_start3A_378, %dma_start3A_379] : memref<6x128x16xf32, #tpu.memory_space<vmem>> -> memref<1x128x16xf32, #tpu.memory_space<vmem>>
        %dma_start3A_381 = tpu.memref_squeeze %dma_start3A_380 : memref<1x128x16xf32, #tpu.memory_space<vmem>> -> memref<128x16xf32, #tpu.memory_space<vmem>>
        %dma_start3A_382 = arith.constant 0 : i32
        %dma_start3A_383 = tpu.memref_slice %arg9[%dma_start3A_377, %dma_start3A_382] : memref<6x128xi32, #tpu.memory_space<vmem>> -> memref<1x128xi32, #tpu.memory_space<vmem>>
        %dma_start3A_384 = tpu.memref_squeeze %dma_start3A_383 : memref<1x128xi32, #tpu.memory_space<vmem>> -> memref<128xi32, #tpu.memory_space<vmem>>
        %dma_start3A_385 = arith.constant 0 : i32
        %dma_start3A_386 = arith.constant 0 : i32
        %dma_start3A_387 = tpu.memref_slice %arg12[%dma_start3A_385, %dma_start3A_386] : memref<100352x16xf32, #tpu.memory_space<vmem_shared>> -> memref<100352x16xf32, #tpu.memory_space<vmem_shared>>
        tpu.enqueue_indirect_dma source(%dma_start3A_381 : memref<128x16xf32, #tpu.memory_space<vmem>>) target(%dma_start3A_387 : memref<100352x16xf32, #tpu.memory_space<vmem_shared>>) offsets(%dma_start3A_384 : memref<128xi32, #tpu.memory_space<vmem>>) semaphore(%arg16 : memref<!tpu.dma_semaphore, #tpu.memory_space<semaphore_mem>>) {add = true}
        %add3A_388 = arith.constant 2 : i32
        %add3A_389 = arith.addi %scan3A_195, %add3A_388 : i32
        %lt3A_390 = arith.constant 132 : i32
        %lt3A_391 = arith.cmpi slt, %add3A_389, %lt3A_390 : i32
        %convert_element_type3A_392 = arith.extui %lt3A_391 : i1 to i32
        %cond3A_393 = arith.constant 0 : i32
        %cond3A_394 = arith.cmpi ne, %convert_element_type3A_392, %cond3A_393 : i32
        scf.if %cond3A_394 {
          %add3A_395 = arith.constant 2 : i32
          %add3A_396 = arith.addi %scan3A_195, %add3A_395 : i32
          %mul3A_397 = arith.constant 6 : i32
          %mul3A_398 = arith.muli %add3A_396, %mul3A_397 : i32
          %add3A_399 = arith.addi %mul3A_2, %mul3A_398 : i32
          %dma_start3A_400 = arith.constant 0 : i32
          %dma_start3A_401 = tpu.memref_slice %arg2[%add3A_399, %dma_start3A_400] : memref<25344x128xi32, #tpu.memory_space<hbm>> -> memref<6x128xi32, #tpu.memory_space<hbm>>
          %dma_start3A_402 = arith.constant 0 : i32
          %dma_start3A_403 = tpu.memref_slice %arg2[%add3A_399, %dma_start3A_402] : memref<25344x128xi32, #tpu.memory_space<hbm>> -> memref<6x128xi32, #tpu.memory_space<hbm>>
          tpu.enqueue_dma source(%dma_start3A_403 : memref<6x128xi32, #tpu.memory_space<hbm>>) target(%arg7 : memref<6x128xi32, #tpu.memory_space<vmem>>) target_semaphore(%arg18 : memref<!tpu.dma_semaphore, #tpu.memory_space<semaphore_mem>>)
        } else {
        }
      } else {
      }
    }
    %scan3A_117 = arith.constant 132 : i32
    %dma_wait3A_118 = arith.constant 0 : i32
    %dma_wait3A_119 = arith.constant 0 : i32
    %dma_wait3A_120 = arith.constant 0 : i32
    %dma_wait3A_121 = arith.constant 0 : i32
    %dma_wait3A_122 = tpu.memref_slice %arg11[%dma_wait3A_118, %dma_wait3A_120, %dma_wait3A_121] : memref<6x128x16xf32, #tpu.memory_space<vmem>> -> memref<1x128x16xf32, #tpu.memory_space<vmem>>
    %dma_wait3A_123 = tpu.memref_squeeze %dma_wait3A_122 : memref<1x128x16xf32, #tpu.memory_space<vmem>> -> memref<128x16xf32, #tpu.memory_space<vmem>>
    %dma_wait3A_124 = arith.constant 0 : i32
    %dma_wait3A_125 = tpu.memref_slice %arg9[%dma_wait3A_119, %dma_wait3A_124] : memref<6x128xi32, #tpu.memory_space<vmem>> -> memref<1x128xi32, #tpu.memory_space<vmem>>
    %dma_wait3A_126 = tpu.memref_squeeze %dma_wait3A_125 : memref<1x128xi32, #tpu.memory_space<vmem>> -> memref<128xi32, #tpu.memory_space<vmem>>
    %dma_wait3A_127 = arith.constant 0 : i32
    %dma_wait3A_128 = arith.constant 0 : i32
    %dma_wait3A_129 = tpu.memref_slice %arg12[%dma_wait3A_127, %dma_wait3A_128] : memref<100352x16xf32, #tpu.memory_space<vmem_shared>> -> memref<100352x16xf32, #tpu.memory_space<vmem_shared>>
    tpu.wait_indirect_dma semaphore(%arg16 : memref<!tpu.dma_semaphore, #tpu.memory_space<semaphore_mem>>) src(%dma_wait3A_123 : memref<128x16xf32, #tpu.memory_space<vmem>>) dst(%dma_wait3A_129 : memref<100352x16xf32, #tpu.memory_space<vmem_shared>>)
    %dma_wait3A_130 = arith.constant 1 : i32
    %dma_wait3A_131 = arith.constant 1 : i32
    %dma_wait3A_132 = arith.constant 0 : i32
    %dma_wait3A_133 = arith.constant 0 : i32
    %dma_wait3A_134 = tpu.memref_slice %arg11[%dma_wait3A_130, %dma_wait3A_132, %dma_wait3A_133] : memref<6x128x16xf32, #tpu.memory_space<vmem>> -> memref<1x128x16xf32, #tpu.memory_space<vmem>>
    %dma_wait3A_135 = tpu.memref_squeeze %dma_wait3A_134 : memref<1x128x16xf32, #tpu.memory_space<vmem>> -> memref<128x16xf32, #tpu.memory_space<vmem>>
    %dma_wait3A_136 = arith.constant 0 : i32
    %dma_wait3A_137 = tpu.memref_slice %arg9[%dma_wait3A_131, %dma_wait3A_136] : memref<6x128xi32, #tpu.memory_space<vmem>> -> memref<1x128xi32, #tpu.memory_space<vmem>>
    %dma_wait3A_138 = tpu.memref_squeeze %dma_wait3A_137 : memref<1x128xi32, #tpu.memory_space<vmem>> -> memref<128xi32, #tpu.memory_space<vmem>>
    %dma_wait3A_139 = arith.constant 0 : i32
    %dma_wait3A_140 = arith.constant 0 : i32
    %dma_wait3A_141 = tpu.memref_slice %arg12[%dma_wait3A_139, %dma_wait3A_140] : memref<100352x16xf32, #tpu.memory_space<vmem_shared>> -> memref<100352x16xf32, #tpu.memory_space<vmem_shared>>
    tpu.wait_indirect_dma semaphore(%arg16 : memref<!tpu.dma_semaphore, #tpu.memory_space<semaphore_mem>>) src(%dma_wait3A_135 : memref<128x16xf32, #tpu.memory_space<vmem>>) dst(%dma_wait3A_141 : memref<100352x16xf32, #tpu.memory_space<vmem_shared>>)
    %dma_wait3A_142 = arith.constant 2 : i32
    %dma_wait3A_143 = arith.constant 2 : i32
    %dma_wait3A_144 = arith.constant 0 : i32
    %dma_wait3A_145 = arith.constant 0 : i32
    %dma_wait3A_146 = tpu.memref_slice %arg11[%dma_wait3A_142, %dma_wait3A_144, %dma_wait3A_145] : memref<6x128x16xf32, #tpu.memory_space<vmem>> -> memref<1x128x16xf32, #tpu.memory_space<vmem>>
    %dma_wait3A_147 = tpu.memref_squeeze %dma_wait3A_146 : memref<1x128x16xf32, #tpu.memory_space<vmem>> -> memref<128x16xf32, #tpu.memory_space<vmem>>
    %dma_wait3A_148 = arith.constant 0 : i32
    %dma_wait3A_149 = tpu.memref_slice %arg9[%dma_wait3A_143, %dma_wait3A_148] : memref<6x128xi32, #tpu.memory_space<vmem>> -> memref<1x128xi32, #tpu.memory_space<vmem>>
    %dma_wait3A_150 = tpu.memref_squeeze %dma_wait3A_149 : memref<1x128xi32, #tpu.memory_space<vmem>> -> memref<128xi32, #tpu.memory_space<vmem>>
    %dma_wait3A_151 = arith.constant 0 : i32
    %dma_wait3A_152 = arith.constant 0 : i32
    %dma_wait3A_153 = tpu.memref_slice %arg12[%dma_wait3A_151, %dma_wait3A_152] : memref<100352x16xf32, #tpu.memory_space<vmem_shared>> -> memref<100352x16xf32, #tpu.memory_space<vmem_shared>>
    tpu.wait_indirect_dma semaphore(%arg16 : memref<!tpu.dma_semaphore, #tpu.memory_space<semaphore_mem>>) src(%dma_wait3A_147 : memref<128x16xf32, #tpu.memory_space<vmem>>) dst(%dma_wait3A_153 : memref<100352x16xf32, #tpu.memory_space<vmem_shared>>)
    %dma_wait3A_154 = arith.constant 3 : i32
    %dma_wait3A_155 = arith.constant 3 : i32
    %dma_wait3A_156 = arith.constant 0 : i32
    %dma_wait3A_157 = arith.constant 0 : i32
    %dma_wait3A_158 = tpu.memref_slice %arg11[%dma_wait3A_154, %dma_wait3A_156, %dma_wait3A_157] : memref<6x128x16xf32, #tpu.memory_space<vmem>> -> memref<1x128x16xf32, #tpu.memory_space<vmem>>
    %dma_wait3A_159 = tpu.memref_squeeze %dma_wait3A_158 : memref<1x128x16xf32, #tpu.memory_space<vmem>> -> memref<128x16xf32, #tpu.memory_space<vmem>>
    %dma_wait3A_160 = arith.constant 0 : i32
    %dma_wait3A_161 = tpu.memref_slice %arg9[%dma_wait3A_155, %dma_wait3A_160] : memref<6x128xi32, #tpu.memory_space<vmem>> -> memref<1x128xi32, #tpu.memory_space<vmem>>
    %dma_wait3A_162 = tpu.memref_squeeze %dma_wait3A_161 : memref<1x128xi32, #tpu.memory_space<vmem>> -> memref<128xi32, #tpu.memory_space<vmem>>
    %dma_wait3A_163 = arith.constant 0 : i32
    %dma_wait3A_164 = arith.constant 0 : i32
    %dma_wait3A_165 = tpu.memref_slice %arg12[%dma_wait3A_163, %dma_wait3A_164] : memref<100352x16xf32, #tpu.memory_space<vmem_shared>> -> memref<100352x16xf32, #tpu.memory_space<vmem_shared>>
    tpu.wait_indirect_dma semaphore(%arg16 : memref<!tpu.dma_semaphore, #tpu.memory_space<semaphore_mem>>) src(%dma_wait3A_159 : memref<128x16xf32, #tpu.memory_space<vmem>>) dst(%dma_wait3A_165 : memref<100352x16xf32, #tpu.memory_space<vmem_shared>>)
    %dma_wait3A_166 = arith.constant 4 : i32
    %dma_wait3A_167 = arith.constant 4 : i32
    %dma_wait3A_168 = arith.constant 0 : i32
    %dma_wait3A_169 = arith.constant 0 : i32
    %dma_wait3A_170 = tpu.memref_slice %arg11[%dma_wait3A_166, %dma_wait3A_168, %dma_wait3A_169] : memref<6x128x16xf32, #tpu.memory_space<vmem>> -> memref<1x128x16xf32, #tpu.memory_space<vmem>>
    %dma_wait3A_171 = tpu.memref_squeeze %dma_wait3A_170 : memref<1x128x16xf32, #tpu.memory_space<vmem>> -> memref<128x16xf32, #tpu.memory_space<vmem>>
    %dma_wait3A_172 = arith.constant 0 : i32
    %dma_wait3A_173 = tpu.memref_slice %arg9[%dma_wait3A_167, %dma_wait3A_172] : memref<6x128xi32, #tpu.memory_space<vmem>> -> memref<1x128xi32, #tpu.memory_space<vmem>>
    %dma_wait3A_174 = tpu.memref_squeeze %dma_wait3A_173 : memref<1x128xi32, #tpu.memory_space<vmem>> -> memref<128xi32, #tpu.memory_space<vmem>>
    %dma_wait3A_175 = arith.constant 0 : i32
    %dma_wait3A_176 = arith.constant 0 : i32
    %dma_wait3A_177 = tpu.memref_slice %arg12[%dma_wait3A_175, %dma_wait3A_176] : memref<100352x16xf32, #tpu.memory_space<vmem_shared>> -> memref<100352x16xf32, #tpu.memory_space<vmem_shared>>
    tpu.wait_indirect_dma semaphore(%arg16 : memref<!tpu.dma_semaphore, #tpu.memory_space<semaphore_mem>>) src(%dma_wait3A_171 : memref<128x16xf32, #tpu.memory_space<vmem>>) dst(%dma_wait3A_177 : memref<100352x16xf32, #tpu.memory_space<vmem_shared>>)
    %dma_wait3A_178 = arith.constant 5 : i32
    %dma_wait3A_179 = arith.constant 5 : i32
    %dma_wait3A_180 = arith.constant 0 : i32
    %dma_wait3A_181 = arith.constant 0 : i32
    %dma_wait3A_182 = tpu.memref_slice %arg11[%dma_wait3A_178, %dma_wait3A_180, %dma_wait3A_181] : memref<6x128x16xf32, #tpu.memory_space<vmem>> -> memref<1x128x16xf32, #tpu.memory_space<vmem>>
    %dma_wait3A_183 = tpu.memref_squeeze %dma_wait3A_182 : memref<1x128x16xf32, #tpu.memory_space<vmem>> -> memref<128x16xf32, #tpu.memory_space<vmem>>
    %dma_wait3A_184 = arith.constant 0 : i32
    %dma_wait3A_185 = tpu.memref_slice %arg9[%dma_wait3A_179, %dma_wait3A_184] : memref<6x128xi32, #tpu.memory_space<vmem>> -> memref<1x128xi32, #tpu.memory_space<vmem>>
    %dma_wait3A_186 = tpu.memref_squeeze %dma_wait3A_185 : memref<1x128xi32, #tpu.memory_space<vmem>> -> memref<128xi32, #tpu.memory_space<vmem>>
    %dma_wait3A_187 = arith.constant 0 : i32
    %dma_wait3A_188 = arith.constant 0 : i32
    %dma_wait3A_189 = tpu.memref_slice %arg12[%dma_wait3A_187, %dma_wait3A_188] : memref<100352x16xf32, #tpu.memory_space<vmem_shared>> -> memref<100352x16xf32, #tpu.memory_space<vmem_shared>>
    tpu.wait_indirect_dma semaphore(%arg16 : memref<!tpu.dma_semaphore, #tpu.memory_space<semaphore_mem>>) src(%dma_wait3A_183 : memref<128x16xf32, #tpu.memory_space<vmem>>) dst(%dma_wait3A_189 : memref<100352x16xf32, #tpu.memory_space<vmem_shared>>)
    %barrier3A_190 = arith.constant 0 : index
    tpu.barrier barrier_id(%barrier3A_190)
    %mul3A_191 = arith.constant 6272 : i32
    %mul3A_192 = arith.muli %arg1, %mul3A_191 : i32
    %mul3A_193 = arith.constant 6272 : i32
    %mul3A_194 = arith.muli %arg1, %mul3A_193 : i32
    "tpu.region"() ({
      %run_scoped3A = tpu.sem_alloc : memref<!tpu.dma_semaphore, #tpu.memory_space<semaphore_mem>>
      %dma_start3A_195 = arith.constant 0 : i32
      %dma_start3A_196 = tpu.memref_slice %arg5[%arg0, %mul3A_194, %dma_start3A_195] : memref<2x100352x16xf32, #tpu.memory_space<hbm>> -> memref<1x6272x16xf32, #tpu.memory_space<hbm>>
      %dma_start3A_197 = tpu.memref_squeeze %dma_start3A_196 : memref<1x6272x16xf32, #tpu.memory_space<hbm>> -> memref<6272x16xf32, #tpu.memory_space<hbm>>
      %dma_start3A_198 = arith.constant 0 : i32
      %dma_start3A_199 = tpu.memref_slice %arg12[%mul3A_192, %dma_start3A_198] : memref<100352x16xf32, #tpu.memory_space<vmem_shared>> -> memref<6272x16xf32, #tpu.memory_space<vmem_shared>>
      tpu.enqueue_dma source(%dma_start3A_199 : memref<6272x16xf32, #tpu.memory_space<vmem_shared>>) target(%dma_start3A_197 : memref<6272x16xf32, #tpu.memory_space<hbm>>) target_semaphore(%run_scoped3A : memref<!tpu.dma_semaphore, #tpu.memory_space<semaphore_mem>>)
      %dma_wait3A_200 = arith.constant 0 : i32
      %dma_wait3A_201 = tpu.memref_slice %arg5[%arg0, %mul3A_194, %dma_wait3A_200] : memref<2x100352x16xf32, #tpu.memory_space<hbm>> -> memref<1x6272x16xf32, #tpu.memory_space<hbm>>
      %dma_wait3A_202 = tpu.memref_squeeze %dma_wait3A_201 : memref<1x6272x16xf32, #tpu.memory_space<hbm>> -> memref<6272x16xf32, #tpu.memory_space<hbm>>
      %dma_wait3A_203 = arith.constant 0 : i32
      %dma_wait3A_204 = tpu.memref_slice %arg12[%mul3A_192, %dma_wait3A_203] : memref<100352x16xf32, #tpu.memory_space<vmem_shared>> -> memref<6272x16xf32, #tpu.memory_space<vmem_shared>>
      tpu.wait_dma2 semaphore(%run_scoped3A : memref<!tpu.dma_semaphore, #tpu.memory_space<semaphore_mem>>) src(%dma_wait3A_204 : memref<6272x16xf32, #tpu.memory_space<vmem_shared>>) dst(%dma_wait3A_202 : memref<6272x16xf32, #tpu.memory_space<hbm>>)
      tpu.yield
    }) : () -> ()
    return
  }
}

#map = affine_map<(d0, d1) -> (0, 0)>
#map1 = affine_map<(d0, d1) -> (0, 0, 0)>
module attributes {stable_mosaic.version = 14 : i64} {
  func.func @_agg_body(%arg0: i32, %arg1: i32, %arg2: memref<25344x128xi32, #tpu.memory_space<hbm>>, %arg3: memref<25344x128xi32, #tpu.memory_space<hbm>>, %arg4: memref<100352x16xf32, #tpu.memory_space<hbm>>, %arg5: memref<2x100352x16xf32, #tpu.memory_space<hbm>>, %arg6: memref<6x128xi32, #tpu.memory_space<vmem>>, %arg7: memref<6x128xi32, #tpu.memory_space<vmem>>, %arg8: memref<6x128xi32, #tpu.memory_space<vmem>>, %arg9: memref<6x128xi32, #tpu.memory_space<vmem>>, %arg10: memref<6x128x16xf32, #tpu.memory_space<vmem>>, %arg11: memref<6x128x16xf32, #tpu.memory_space<vmem>>, %arg12: memref<100352x16xf32, #tpu.memory_space<vmem_shared>>, %arg13: memref<!tpu.dma_semaphore, #tpu.memory_space<semaphore_mem>>, %arg14: memref<!tpu.dma_semaphore, #tpu.memory_space<semaphore_mem>>, %arg15: memref<!tpu.dma_semaphore, #tpu.memory_space<semaphore_mem>>, %arg16: memref<!tpu.dma_semaphore, #tpu.memory_space<semaphore_mem>>, %arg17: memref<!tpu.dma_semaphore, #tpu.memory_space<semaphore_mem>>, %arg18: memref<!tpu.dma_semaphore, #tpu.memory_space<semaphore_mem>>, %arg19: memref<!tpu.dma_semaphore, #tpu.memory_space<semaphore_mem>>, %arg20: memref<!tpu.dma_semaphore, #tpu.memory_space<semaphore_mem>>, %arg21: memref<!tpu.dma_semaphore, #tpu.memory_space<semaphore_mem>>) attributes {dimension_semantics = [#tpu.dimension_semantics<core_parallel>, #tpu.dimension_semantics<subcore_parallel>], iteration_bounds = array<i64: 2, 16>, scalar_prefetch = 0 : i64, scratch_operands = 16 : i64, tpu.core_type = #tpu.core_type<sc_vector_subcore>, window_params = [{transform_indices = #map}, {transform_indices = #map}, {transform_indices = #map}, {transform_indices = #map1}]} {
    %mul3A = arith.constant 16 : i32
    %mul3A_0 = arith.muli %arg0, %mul3A : i32
    %add3A = arith.addi %mul3A_0, %arg1 : i32
    %mul3A_1 = arith.constant 792 : i32
    %mul3A_2 = arith.muli %add3A, %mul3A_1 : i32
    %add3A_3 = arith.constant 0 : i32
    %add3A_4 = arith.addi %mul3A_2, %add3A_3 : i32
    %dma_start3A = arith.constant 0 : i32
    %dma_start3A_5 = tpu.memref_slice %arg2[%add3A_4, %dma_start3A] : memref<25344x128xi32, #tpu.memory_space<hbm>> -> memref<6x128xi32, #tpu.memory_space<hbm>>
    %dma_start3A_6 = arith.constant 0 : i32
    %dma_start3A_7 = tpu.memref_slice %arg2[%add3A_4, %dma_start3A_6] : memref<25344x128xi32, #tpu.memory_space<hbm>> -> memref<6x128xi32, #tpu.memory_space<hbm>>
    tpu.enqueue_dma source(%dma_start3A_7 : memref<6x128xi32, #tpu.memory_space<hbm>>) target(%arg6 : memref<6x128xi32, #tpu.memory_space<vmem>>) target_semaphore(%arg17 : memref<!tpu.dma_semaphore, #tpu.memory_space<semaphore_mem>>)
    %add3A_8 = arith.constant 6 : i32
    %add3A_9 = arith.addi %mul3A_2, %add3A_8 : i32
    %dma_start3A_10 = arith.constant 0 : i32
    %dma_start3A_11 = tpu.memref_slice %arg2[%add3A_9, %dma_start3A_10] : memref<25344x128xi32, #tpu.memory_space<hbm>> -> memref<6x128xi32, #tpu.memory_space<hbm>>
    %dma_start3A_12 = arith.constant 0 : i32
    %dma_start3A_13 = tpu.memref_slice %arg2[%add3A_9, %dma_start3A_12] : memref<25344x128xi32, #tpu.memory_space<hbm>> -> memref<6x128xi32, #tpu.memory_space<hbm>>
    tpu.enqueue_dma source(%dma_start3A_13 : memref<6x128xi32, #tpu.memory_space<hbm>>) target(%arg7 : memref<6x128xi32, #tpu.memory_space<vmem>>) target_semaphore(%arg18 : memref<!tpu.dma_semaphore, #tpu.memory_space<semaphore_mem>>)
    %add3A_14 = arith.constant 0 : i32
    %add3A_15 = arith.addi %mul3A_2, %add3A_14 : i32
    %dma_start3A_16 = arith.constant 0 : i32
    %dma_start3A_17 = tpu.memref_slice %arg3[%add3A_15, %dma_start3A_16] : memref<25344x128xi32, #tpu.memory_space<hbm>> -> memref<6x128xi32, #tpu.memory_space<hbm>>
    %dma_start3A_18 = arith.constant 0 : i32
    %dma_start3A_19 = tpu.memref_slice %arg3[%add3A_15, %dma_start3A_18] : memref<25344x128xi32, #tpu.memory_space<hbm>> -> memref<6x128xi32, #tpu.memory_space<hbm>>
    tpu.enqueue_dma source(%dma_start3A_19 : memref<6x128xi32, #tpu.memory_space<hbm>>) target(%arg8 : memref<6x128xi32, #tpu.memory_space<vmem>>) target_semaphore(%arg19 : memref<!tpu.dma_semaphore, #tpu.memory_space<semaphore_mem>>)
    %scan3A = arith.constant 0 : i32
    %scan3A_20 = arith.constant 0 : i32
    %scan3A_21 = arith.constant 128 : i32
    %scan3A_22 = arith.addi %scan3A_20, %scan3A_21 : i32
    %scan3A_23 = arith.constant 1 : i32
    scf.for %scan3A_195 = %scan3A_20 to %scan3A_22 step %scan3A_23  : i32 {
      %broadcast_in_dim3A = arith.constant 0.000000e+00 : f32
      %broadcast_in_dim3A_196 = vector.broadcast %broadcast_in_dim3A : f32 to vector<16xf32>
      %swap3A = arith.constant 0 : i32
      %swap3A_197 = arith.index_cast %swap3A : i32 to index
      %swap3A_198 = arith.index_cast %scan3A_195 : i32 to index
      %swap3A_199 = arith.constant 0 : index
      %swap3A_200 = tpu.vector_load %arg10[%swap3A_197, %swap3A_198, %swap3A_199] {strides = array<i32>} : memref<6x128x16xf32, #tpu.memory_space<vmem>>, vector<1x1x16xf32>,
      %swap3A_201 = vector.shape_cast %swap3A_200 : vector<1x1x16xf32> to vector<16xf32>
      %swap3A_202 = vector.shape_cast %broadcast_in_dim3A_196 : vector<16xf32> to vector<1x1x16xf32>
      tpu.vector_store %arg10[%swap3A_197, %swap3A_198, %swap3A_199], %swap3A_202 {strides = array<i32>} : memref<6x128x16xf32, #tpu.memory_space<vmem>>, vector<1x1x16xf32>,
    }
    %scan3A_24 = arith.constant 128 : i32
    %scan3A_25 = arith.constant 0 : i32
    %scan3A_26 = arith.constant 0 : i32
    %scan3A_27 = arith.constant 49 : i32
    %scan3A_28 = arith.addi %scan3A_26, %scan3A_27 : i32
    %scan3A_29 = arith.constant 1 : i32
    scf.for %scan3A_195 = %scan3A_26 to %scan3A_28 step %scan3A_29  : i32 {
      %mul3A_196 = arith.constant 6272 : i32
      %mul3A_197 = arith.muli %arg1, %mul3A_196 : i32
      %mul3A_198 = arith.constant 128 : i32
      %mul3A_199 = arith.muli %scan3A_195, %mul3A_198 : i32
      %add3A_200 = arith.addi %mul3A_197, %mul3A_199 : i32
      %dma_start3A_201 = arith.constant 0 : i32
      %dma_start3A_202 = arith.constant 0 : i32
      %dma_start3A_203 = arith.constant 0 : i32
      %dma_start3A_204 = tpu.memref_slice %arg10[%dma_start3A_201, %dma_start3A_202, %dma_start3A_203] : memref<6x128x16xf32, #tpu.memory_space<vmem>> -> memref<1x128x16xf32, #tpu.memory_space<vmem>>
      %dma_start3A_205 = tpu.memref_squeeze %dma_start3A_204 : memref<1x128x16xf32, #tpu.memory_space<vmem>> -> memref<128x16xf32, #tpu.memory_space<vmem>>
      %dma_start3A_206 = arith.constant 0 : i32
      %dma_start3A_207 = tpu.memref_slice %arg12[%add3A_200, %dma_start3A_206] : memref<100352x16xf32, #tpu.memory_space<vmem_shared>> -> memref<128x16xf32, #tpu.memory_space<vmem_shared>>
      %dma_start3A_208 = arith.constant 0 : i32
      %dma_start3A_209 = tpu.memref_slice %arg12[%add3A_200, %dma_start3A_208] : memref<100352x16xf32, #tpu.memory_space<vmem_shared>> -> memref<128x16xf32, #tpu.memory_space<vmem_shared>>
      %dma_start3A_210 = arith.constant 0 : i32
      %dma_start3A_211 = arith.constant 0 : i32
      %dma_start3A_212 = tpu.memref_slice %arg10[%dma_start3A_201, %dma_start3A_210, %dma_start3A_211] : memref<6x128x16xf32, #tpu.memory_space<vmem>> -> memref<1x128x16xf32, #tpu.memory_space<vmem>>
      %dma_start3A_213 = tpu.memref_squeeze %dma_start3A_212 : memref<1x128x16xf32, #tpu.memory_space<vmem>> -> memref<128x16xf32, #tpu.memory_space<vmem>>
      tpu.enqueue_dma source(%dma_start3A_213 : memref<128x16xf32, #tpu.memory_space<vmem>>) target(%dma_start3A_209 : memref<128x16xf32, #tpu.memory_space<vmem_shared>>) target_semaphore(%arg21 : memref<!tpu.dma_semaphore, #tpu.memory_space<semaphore_mem>>)
    }
    %scan3A_30 = arith.constant 49 : i32
    %scan3A_31 = arith.constant 0 : i32
    %scan3A_32 = arith.constant 0 : i32
    %scan3A_33 = arith.constant 49 : i32
    %scan3A_34 = arith.addi %scan3A_32, %scan3A_33 : i32
    %scan3A_35 = arith.constant 1 : i32
    scf.for %scan3A_195 = %scan3A_32 to %scan3A_34 step %scan3A_35  : i32 {
      %mul3A_196 = arith.constant 6272 : i32
      %mul3A_197 = arith.muli %arg1, %mul3A_196 : i32
      %mul3A_198 = arith.constant 128 : i32
      %mul3A_199 = arith.muli %scan3A_195, %mul3A_198 : i32
      %add3A_200 = arith.addi %mul3A_197, %mul3A_199 : i32
      %dma_wait3A_201 = arith.constant 0 : i32
      %dma_wait3A_202 = arith.constant 0 : i32
      %dma_wait3A_203 = arith.constant 0 : i32
      %dma_wait3A_204 = tpu.memref_slice %arg10[%dma_wait3A_201, %dma_wait3A_202, %dma_wait3A_203] : memref<6x128x16xf32, #tpu.memory_space<vmem>> -> memref<1x128x16xf32, #tpu.memory_space<vmem>>
      %dma_wait3A_205 = tpu.memref_squeeze %dma_wait3A_204 : memref<1x128x16xf32, #tpu.memory_space<vmem>> -> memref<128x16xf32, #tpu.memory_space<vmem>>
      %dma_wait3A_206 = arith.constant 0 : i32
      %dma_wait3A_207 = tpu.memref_slice %arg12[%add3A_200, %dma_wait3A_206] : memref<100352x16xf32, #tpu.memory_space<vmem_shared>> -> memref<128x16xf32, #tpu.memory_space<vmem_shared>>
      %dma_wait3A_208 = arith.constant 0 : i32
      %dma_wait3A_209 = tpu.memref_slice %arg12[%add3A_200, %dma_wait3A_208] : memref<100352x16xf32, #tpu.memory_space<vmem_shared>> -> memref<128x16xf32, #tpu.memory_space<vmem_shared>>
      %dma_wait3A_210 = arith.constant 0 : i32
      %dma_wait3A_211 = arith.constant 0 : i32
      %dma_wait3A_212 = tpu.memref_slice %arg10[%dma_wait3A_201, %dma_wait3A_210, %dma_wait3A_211] : memref<6x128x16xf32, #tpu.memory_space<vmem>> -> memref<1x128x16xf32, #tpu.memory_space<vmem>>
      %dma_wait3A_213 = tpu.memref_squeeze %dma_wait3A_212 : memref<1x128x16xf32, #tpu.memory_space<vmem>> -> memref<128x16xf32, #tpu.memory_space<vmem>>
      tpu.wait_dma2 semaphore(%arg21 : memref<!tpu.dma_semaphore, #tpu.memory_space<semaphore_mem>>) src(%dma_wait3A_213 : memref<128x16xf32, #tpu.memory_space<vmem>>) dst(%dma_wait3A_209 : memref<128x16xf32, #tpu.memory_space<vmem_shared>>)
    }
    %scan3A_36 = arith.constant 49 : i32
    %dma_wait3A = arith.constant 0 : i32
    %dma_wait3A_37 = tpu.memref_slice %arg2[%mul3A_2, %dma_wait3A] : memref<25344x128xi32, #tpu.memory_space<hbm>> -> memref<6x128xi32, #tpu.memory_space<hbm>>
    %dma_wait3A_38 = arith.constant 0 : i32
    %dma_wait3A_39 = tpu.memref_slice %arg2[%mul3A_2, %dma_wait3A_38] : memref<25344x128xi32, #tpu.memory_space<hbm>> -> memref<6x128xi32, #tpu.memory_space<hbm>>
    tpu.wait_dma2 semaphore(%arg17 : memref<!tpu.dma_semaphore, #tpu.memory_space<semaphore_mem>>) src(%dma_wait3A_39 : memref<6x128xi32, #tpu.memory_space<hbm>>) dst(%arg6 : memref<6x128xi32, #tpu.memory_space<vmem>>)
    %dma_start3A_40 = arith.constant 0 : i32
    %dma_start3A_41 = arith.constant 0 : i32
    %dma_start3A_42 = arith.constant 0 : i32
    %dma_start3A_43 = arith.constant 0 : i32
    %dma_start3A_44 = tpu.memref_slice %arg10[%dma_start3A_41, %dma_start3A_42, %dma_start3A_43] : memref<6x128x16xf32, #tpu.memory_space<vmem>> -> memref<1x128x16xf32, #tpu.memory_space<vmem>>
    %dma_start3A_45 = tpu.memref_squeeze %dma_start3A_44 : memref<1x128x16xf32, #tpu.memory_space<vmem>> -> memref<128x16xf32, #tpu.memory_space<vmem>>
    %dma_start3A_46 = arith.constant 0 : i32
    %dma_start3A_47 = tpu.memref_slice %arg6[%dma_start3A_40, %dma_start3A_46] : memref<6x128xi32, #tpu.memory_space<vmem>> -> memref<1x128xi32, #tpu.memory_space<vmem>>
    %dma_start3A_48 = tpu.memref_squeeze %dma_start3A_47 : memref<1x128xi32, #tpu.memory_space<vmem>> -> memref<128xi32, #tpu.memory_space<vmem>>
    %dma_start3A_49 = arith.constant 0 : i32
    %dma_start3A_50 = arith.constant 0 : i32
    %dma_start3A_51 = tpu.memref_slice %arg4[%dma_start3A_49, %dma_start3A_50] : memref<100352x16xf32, #tpu.memory_space<hbm>> -> memref<100352x16xf32, #tpu.memory_space<hbm>>
    tpu.enqueue_indirect_dma source(%dma_start3A_51 : memref<100352x16xf32, #tpu.memory_space<hbm>>) target(%dma_start3A_45 : memref<128x16xf32, #tpu.memory_space<vmem>>) offsets(%dma_start3A_48 : memref<128xi32, #tpu.memory_space<vmem>>) semaphore(%arg13 : memref<!tpu.dma_semaphore, #tpu.memory_space<semaphore_mem>>)
    %dma_start3A_52 = arith.constant 1 : i32
    %dma_start3A_53 = arith.constant 1 : i32
    %dma_start3A_54 = arith.constant 0 : i32
    %dma_start3A_55 = arith.constant 0 : i32
    %dma_start3A_56 = tpu.memref_slice %arg10[%dma_start3A_53, %dma_start3A_54, %dma_start3A_55] : memref<6x128x16xf32, #tpu.memory_space<vmem>> -> memref<1x128x16xf32, #tpu.memory_space<vmem>>
    %dma_start3A_57 = tpu.memref_squeeze %dma_start3A_56 : memref<1x128x16xf32, #tpu.memory_space<vmem>> -> memref<128x16xf32, #tpu.memory_space<vmem>>
    %dma_start3A_58 = arith.constant 0 : i32
    %dma_start3A_59 = tpu.memref_slice %arg6[%dma_start3A_52, %dma_start3A_58] : memref<6x128xi32, #tpu.memory_space<vmem>> -> memref<1x128xi32, #tpu.memory_space<vmem>>
    %dma_start3A_60 = tpu.memref_squeeze %dma_start3A_59 : memref<1x128xi32, #tpu.memory_space<vmem>> -> memref<128xi32, #tpu.memory_space<vmem>>
    %dma_start3A_61 = arith.constant 0 : i32
    %dma_start3A_62 = arith.constant 0 : i32
    %dma_start3A_63 = tpu.memref_slice %arg4[%dma_start3A_61, %dma_start3A_62] : memref<100352x16xf32, #tpu.memory_space<hbm>> -> memref<100352x16xf32, #tpu.memory_space<hbm>>
    tpu.enqueue_indirect_dma source(%dma_start3A_63 : memref<100352x16xf32, #tpu.memory_space<hbm>>) target(%dma_start3A_57 : memref<128x16xf32, #tpu.memory_space<vmem>>) offsets(%dma_start3A_60 : memref<128xi32, #tpu.memory_space<vmem>>) semaphore(%arg13 : memref<!tpu.dma_semaphore, #tpu.memory_space<semaphore_mem>>)
    %dma_start3A_64 = arith.constant 2 : i32
    %dma_start3A_65 = arith.constant 2 : i32
    %dma_start3A_66 = arith.constant 0 : i32
    %dma_start3A_67 = arith.constant 0 : i32
    %dma_start3A_68 = tpu.memref_slice %arg10[%dma_start3A_65, %dma_start3A_66, %dma_start3A_67] : memref<6x128x16xf32, #tpu.memory_space<vmem>> -> memref<1x128x16xf32, #tpu.memory_space<vmem>>
    %dma_start3A_69 = tpu.memref_squeeze %dma_start3A_68 : memref<1x128x16xf32, #tpu.memory_space<vmem>> -> memref<128x16xf32, #tpu.memory_space<vmem>>
    %dma_start3A_70 = arith.constant 0 : i32
    %dma_start3A_71 = tpu.memref_slice %arg6[%dma_start3A_64, %dma_start3A_70] : memref<6x128xi32, #tpu.memory_space<vmem>> -> memref<1x128xi32, #tpu.memory_space<vmem>>
    %dma_start3A_72 = tpu.memref_squeeze %dma_start3A_71 : memref<1x128xi32, #tpu.memory_space<vmem>> -> memref<128xi32, #tpu.memory_space<vmem>>
    %dma_start3A_73 = arith.constant 0 : i32
    %dma_start3A_74 = arith.constant 0 : i32
    %dma_start3A_75 = tpu.memref_slice %arg4[%dma_start3A_73, %dma_start3A_74] : memref<100352x16xf32, #tpu.memory_space<hbm>> -> memref<100352x16xf32, #tpu.memory_space<hbm>>
    tpu.enqueue_indirect_dma source(%dma_start3A_75 : memref<100352x16xf32, #tpu.memory_space<hbm>>) target(%dma_start3A_69 : memref<128x16xf32, #tpu.memory_space<vmem>>) offsets(%dma_start3A_72 : memref<128xi32, #tpu.memory_space<vmem>>) semaphore(%arg13 : memref<!tpu.dma_semaphore, #tpu.memory_space<semaphore_mem>>)
    %dma_start3A_76 = arith.constant 3 : i32
    %dma_start3A_77 = arith.constant 3 : i32
    %dma_start3A_78 = arith.constant 0 : i32
    %dma_start3A_79 = arith.constant 0 : i32
    %dma_start3A_80 = tpu.memref_slice %arg10[%dma_start3A_77, %dma_start3A_78, %dma_start3A_79] : memref<6x128x16xf32, #tpu.memory_space<vmem>> -> memref<1x128x16xf32, #tpu.memory_space<vmem>>
    %dma_start3A_81 = tpu.memref_squeeze %dma_start3A_80 : memref<1x128x16xf32, #tpu.memory_space<vmem>> -> memref<128x16xf32, #tpu.memory_space<vmem>>
    %dma_start3A_82 = arith.constant 0 : i32
    %dma_start3A_83 = tpu.memref_slice %arg6[%dma_start3A_76, %dma_start3A_82] : memref<6x128xi32, #tpu.memory_space<vmem>> -> memref<1x128xi32, #tpu.memory_space<vmem>>
    %dma_start3A_84 = tpu.memref_squeeze %dma_start3A_83 : memref<1x128xi32, #tpu.memory_space<vmem>> -> memref<128xi32, #tpu.memory_space<vmem>>
    %dma_start3A_85 = arith.constant 0 : i32
    %dma_start3A_86 = arith.constant 0 : i32
    %dma_start3A_87 = tpu.memref_slice %arg4[%dma_start3A_85, %dma_start3A_86] : memref<100352x16xf32, #tpu.memory_space<hbm>> -> memref<100352x16xf32, #tpu.memory_space<hbm>>
    tpu.enqueue_indirect_dma source(%dma_start3A_87 : memref<100352x16xf32, #tpu.memory_space<hbm>>) target(%dma_start3A_81 : memref<128x16xf32, #tpu.memory_space<vmem>>) offsets(%dma_start3A_84 : memref<128xi32, #tpu.memory_space<vmem>>) semaphore(%arg13 : memref<!tpu.dma_semaphore, #tpu.memory_space<semaphore_mem>>)
    %dma_start3A_88 = arith.constant 4 : i32
    %dma_start3A_89 = arith.constant 4 : i32
    %dma_start3A_90 = arith.constant 0 : i32
    %dma_start3A_91 = arith.constant 0 : i32
    %dma_start3A_92 = tpu.memref_slice %arg10[%dma_start3A_89, %dma_start3A_90, %dma_start3A_91] : memref<6x128x16xf32, #tpu.memory_space<vmem>> -> memref<1x128x16xf32, #tpu.memory_space<vmem>>
    %dma_start3A_93 = tpu.memref_squeeze %dma_start3A_92 : memref<1x128x16xf32, #tpu.memory_space<vmem>> -> memref<128x16xf32, #tpu.memory_space<vmem>>
    %dma_start3A_94 = arith.constant 0 : i32
    %dma_start3A_95 = tpu.memref_slice %arg6[%dma_start3A_88, %dma_start3A_94] : memref<6x128xi32, #tpu.memory_space<vmem>> -> memref<1x128xi32, #tpu.memory_space<vmem>>
    %dma_start3A_96 = tpu.memref_squeeze %dma_start3A_95 : memref<1x128xi32, #tpu.memory_space<vmem>> -> memref<128xi32, #tpu.memory_space<vmem>>
    %dma_start3A_97 = arith.constant 0 : i32
    %dma_start3A_98 = arith.constant 0 : i32
    %dma_start3A_99 = tpu.memref_slice %arg4[%dma_start3A_97, %dma_start3A_98] : memref<100352x16xf32, #tpu.memory_space<hbm>> -> memref<100352x16xf32, #tpu.memory_space<hbm>>
    tpu.enqueue_indirect_dma source(%dma_start3A_99 : memref<100352x16xf32, #tpu.memory_space<hbm>>) target(%dma_start3A_93 : memref<128x16xf32, #tpu.memory_space<vmem>>) offsets(%dma_start3A_96 : memref<128xi32, #tpu.memory_space<vmem>>) semaphore(%arg13 : memref<!tpu.dma_semaphore, #tpu.memory_space<semaphore_mem>>)
    %dma_start3A_100 = arith.constant 5 : i32
    %dma_start3A_101 = arith.constant 5 : i32
    %dma_start3A_102 = arith.constant 0 : i32
    %dma_start3A_103 = arith.constant 0 : i32
    %dma_start3A_104 = tpu.memref_slice %arg10[%dma_start3A_101, %dma_start3A_102, %dma_start3A_103] : memref<6x128x16xf32, #tpu.memory_space<vmem>> -> memref<1x128x16xf32, #tpu.memory_space<vmem>>
    %dma_start3A_105 = tpu.memref_squeeze %dma_start3A_104 : memref<1x128x16xf32, #tpu.memory_space<vmem>> -> memref<128x16xf32, #tpu.memory_space<vmem>>
    %dma_start3A_106 = arith.constant 0 : i32
    %dma_start3A_107 = tpu.memref_slice %arg6[%dma_start3A_100, %dma_start3A_106] : memref<6x128xi32, #tpu.memory_space<vmem>> -> memref<1x128xi32, #tpu.memory_space<vmem>>
    %dma_start3A_108 = tpu.memref_squeeze %dma_start3A_107 : memref<1x128xi32, #tpu.memory_space<vmem>> -> memref<128xi32, #tpu.memory_space<vmem>>
    %dma_start3A_109 = arith.constant 0 : i32
    %dma_start3A_110 = arith.constant 0 : i32
    %dma_start3A_111 = tpu.memref_slice %arg4[%dma_start3A_109, %dma_start3A_110] : memref<100352x16xf32, #tpu.memory_space<hbm>> -> memref<100352x16xf32, #tpu.memory_space<hbm>>
    tpu.enqueue_indirect_dma source(%dma_start3A_111 : memref<100352x16xf32, #tpu.memory_space<hbm>>) target(%dma_start3A_105 : memref<128x16xf32, #tpu.memory_space<vmem>>) offsets(%dma_start3A_108 : memref<128xi32, #tpu.memory_space<vmem>>) semaphore(%arg13 : memref<!tpu.dma_semaphore, #tpu.memory_space<semaphore_mem>>)
    %barrier3A = arith.constant 0 : index
    tpu.barrier barrier_id(%barrier3A)
    %scan3A_112 = arith.constant 0 : i32
    %scan3A_113 = arith.constant 0 : i32
    %scan3A_114 = arith.constant 132 : i32
    %scan3A_115 = arith.addi %scan3A_113, %scan3A_114 : i32
    %scan3A_116 = arith.constant 1 : i32
    scf.for %scan3A_195 = %scan3A_113 to %scan3A_115 step %scan3A_116  : i32 {
      %jit3A = arith.constant 2 : i32
      %eq3A = arith.constant 0 : i32
      %eq3A_196 = arith.cmpi eq, %jit3A, %eq3A : i32
      %jit3A_197 = arith.constant 1 : i32
      %select_n3A = arith.select %eq3A_196, %jit3A_197, %jit3A : i32
      %rem3A = arith.remsi %scan3A_195, %select_n3A : i32
      %ne3A = arith.constant 0 : i32
      %ne3A_198 = arith.cmpi ne, %rem3A, %ne3A : i32
      %lt3A = arith.constant 0 : i32
      %lt3A_199 = arith.cmpi slt, %rem3A, %lt3A : i32
      %lt3A_200 = arith.constant 0 : i32
      %lt3A_201 = arith.cmpi slt, %select_n3A, %lt3A_200 : i32
      %ne3A_202 = arith.xori %lt3A_199, %lt3A_201 : i1
      %and3A = arith.andi %ne3A_202, %ne3A_198 : i1
      %add3A_203 = arith.addi %rem3A, %select_n3A : i32
      %select_n3A_204 = arith.select %and3A, %add3A_203, %rem3A : i32
      %eq3A_205 = arith.constant 0 : i32
      %eq3A_206 = arith.cmpi eq, %select_n3A_204, %eq3A_205 : i32
      %convert_element_type3A = arith.extui %eq3A_206 : i1 to i32
      %cond3A = arith.constant 0 : i32
      %cond3A_207 = arith.cmpi ne, %convert_element_type3A, %cond3A : i32
      scf.if %cond3A_207 {
        %ge3A = arith.constant 1 : i32
        %ge3A_229 = arith.cmpi sge, %scan3A_195, %ge3A : i32
        %convert_element_type3A_230 = arith.extui %ge3A_229 : i1 to i32
        %cond3A_231 = arith.constant 0 : i32
        %cond3A_232 = arith.cmpi ne, %convert_element_type3A_230, %cond3A_231 : i32
        scf.if %cond3A_232 {
          %dma_wait3A_395 = arith.constant 0 : i32
          %dma_wait3A_396 = arith.constant 0 : i32
          %dma_wait3A_397 = arith.constant 0 : i32
          %dma_wait3A_398 = arith.constant 0 : i32
          %dma_wait3A_399 = tpu.memref_slice %arg11[%dma_wait3A_395, %dma_wait3A_397, %dma_wait3A_398] : memref<6x128x16xf32, #tpu.memory_space<vmem>> -> memref<1x128x16xf32, #tpu.memory_space<vmem>>
          %dma_wait3A_400 = tpu.memref_squeeze %dma_wait3A_399 : memref<1x128x16xf32, #tpu.memory_space<vmem>> -> memref<128x16xf32, #tpu.memory_space<vmem>>
          %dma_wait3A_401 = arith.constant 0 : i32
          %dma_wait3A_402 = tpu.memref_slice %arg9[%dma_wait3A_396, %dma_wait3A_401] : memref<6x128xi32, #tpu.memory_space<vmem>> -> memref<1x128xi32, #tpu.memory_space<vmem>>
          %dma_wait3A_403 = tpu.memref_squeeze %dma_wait3A_402 : memref<1x128xi32, #tpu.memory_space<vmem>> -> memref<128xi32, #tpu.memory_space<vmem>>
          %dma_wait3A_404 = arith.constant 0 : i32
          %dma_wait3A_405 = arith.constant 0 : i32
          %dma_wait3A_406 = tpu.memref_slice %arg12[%dma_wait3A_404, %dma_wait3A_405] : memref<100352x16xf32, #tpu.memory_space<vmem_shared>> -> memref<100352x16xf32, #tpu.memory_space<vmem_shared>>
          tpu.wait_indirect_dma semaphore(%arg16 : memref<!tpu.dma_semaphore, #tpu.memory_space<semaphore_mem>>) src(%dma_wait3A_400 : memref<128x16xf32, #tpu.memory_space<vmem>>) dst(%dma_wait3A_406 : memref<100352x16xf32, #tpu.memory_space<vmem_shared>>)
          %dma_wait3A_407 = arith.constant 1 : i32
          %dma_wait3A_408 = arith.constant 1 : i32
          %dma_wait3A_409 = arith.constant 0 : i32
          %dma_wait3A_410 = arith.constant 0 : i32
          %dma_wait3A_411 = tpu.memref_slice %arg11[%dma_wait3A_407, %dma_wait3A_409, %dma_wait3A_410] : memref<6x128x16xf32, #tpu.memory_space<vmem>> -> memref<1x128x16xf32, #tpu.memory_space<vmem>>
          %dma_wait3A_412 = tpu.memref_squeeze %dma_wait3A_411 : memref<1x128x16xf32, #tpu.memory_space<vmem>> -> memref<128x16xf32, #tpu.memory_space<vmem>>
          %dma_wait3A_413 = arith.constant 0 : i32
          %dma_wait3A_414 = tpu.memref_slice %arg9[%dma_wait3A_408, %dma_wait3A_413] : memref<6x128xi32, #tpu.memory_space<vmem>> -> memref<1x128xi32, #tpu.memory_space<vmem>>
          %dma_wait3A_415 = tpu.memref_squeeze %dma_wait3A_414 : memref<1x128xi32, #tpu.memory_space<vmem>> -> memref<128xi32, #tpu.memory_space<vmem>>
          %dma_wait3A_416 = arith.constant 0 : i32
          %dma_wait3A_417 = arith.constant 0 : i32
          %dma_wait3A_418 = tpu.memref_slice %arg12[%dma_wait3A_416, %dma_wait3A_417] : memref<100352x16xf32, #tpu.memory_space<vmem_shared>> -> memref<100352x16xf32, #tpu.memory_space<vmem_shared>>
          tpu.wait_indirect_dma semaphore(%arg16 : memref<!tpu.dma_semaphore, #tpu.memory_space<semaphore_mem>>) src(%dma_wait3A_412 : memref<128x16xf32, #tpu.memory_space<vmem>>) dst(%dma_wait3A_418 : memref<100352x16xf32, #tpu.memory_space<vmem_shared>>)
          %dma_wait3A_419 = arith.constant 2 : i32
          %dma_wait3A_420 = arith.constant 2 : i32
          %dma_wait3A_421 = arith.constant 0 : i32
          %dma_wait3A_422 = arith.constant 0 : i32
          %dma_wait3A_423 = tpu.memref_slice %arg11[%dma_wait3A_419, %dma_wait3A_421, %dma_wait3A_422] : memref<6x128x16xf32, #tpu.memory_space<vmem>> -> memref<1x128x16xf32, #tpu.memory_space<vmem>>
          %dma_wait3A_424 = tpu.memref_squeeze %dma_wait3A_423 : memref<1x128x16xf32, #tpu.memory_space<vmem>> -> memref<128x16xf32, #tpu.memory_space<vmem>>
          %dma_wait3A_425 = arith.constant 0 : i32
          %dma_wait3A_426 = tpu.memref_slice %arg9[%dma_wait3A_420, %dma_wait3A_425] : memref<6x128xi32, #tpu.memory_space<vmem>> -> memref<1x128xi32, #tpu.memory_space<vmem>>
          %dma_wait3A_427 = tpu.memref_squeeze %dma_wait3A_426 : memref<1x128xi32, #tpu.memory_space<vmem>> -> memref<128xi32, #tpu.memory_space<vmem>>
          %dma_wait3A_428 = arith.constant 0 : i32
          %dma_wait3A_429 = arith.constant 0 : i32
          %dma_wait3A_430 = tpu.memref_slice %arg12[%dma_wait3A_428, %dma_wait3A_429] : memref<100352x16xf32, #tpu.memory_space<vmem_shared>> -> memref<100352x16xf32, #tpu.memory_space<vmem_shared>>
          tpu.wait_indirect_dma semaphore(%arg16 : memref<!tpu.dma_semaphore, #tpu.memory_space<semaphore_mem>>) src(%dma_wait3A_424 : memref<128x16xf32, #tpu.memory_space<vmem>>) dst(%dma_wait3A_430 : memref<100352x16xf32, #tpu.memory_space<vmem_shared>>)
          %dma_wait3A_431 = arith.constant 3 : i32
          %dma_wait3A_432 = arith.constant 3 : i32
          %dma_wait3A_433 = arith.constant 0 : i32
          %dma_wait3A_434 = arith.constant 0 : i32
          %dma_wait3A_435 = tpu.memref_slice %arg11[%dma_wait3A_431, %dma_wait3A_433, %dma_wait3A_434] : memref<6x128x16xf32, #tpu.memory_space<vmem>> -> memref<1x128x16xf32, #tpu.memory_space<vmem>>
          %dma_wait3A_436 = tpu.memref_squeeze %dma_wait3A_435 : memref<1x128x16xf32, #tpu.memory_space<vmem>> -> memref<128x16xf32, #tpu.memory_space<vmem>>
          %dma_wait3A_437 = arith.constant 0 : i32
          %dma_wait3A_438 = tpu.memref_slice %arg9[%dma_wait3A_432, %dma_wait3A_437] : memref<6x128xi32, #tpu.memory_space<vmem>> -> memref<1x128xi32, #tpu.memory_space<vmem>>
          %dma_wait3A_439 = tpu.memref_squeeze %dma_wait3A_438 : memref<1x128xi32, #tpu.memory_space<vmem>> -> memref<128xi32, #tpu.memory_space<vmem>>
          %dma_wait3A_440 = arith.constant 0 : i32
          %dma_wait3A_441 = arith.constant 0 : i32
          %dma_wait3A_442 = tpu.memref_slice %arg12[%dma_wait3A_440, %dma_wait3A_441] : memref<100352x16xf32, #tpu.memory_space<vmem_shared>> -> memref<100352x16xf32, #tpu.memory_space<vmem_shared>>
          tpu.wait_indirect_dma semaphore(%arg16 : memref<!tpu.dma_semaphore, #tpu.memory_space<semaphore_mem>>) src(%dma_wait3A_436 : memref<128x16xf32, #tpu.memory_space<vmem>>) dst(%dma_wait3A_442 : memref<100352x16xf32, #tpu.memory_space<vmem_shared>>)
          %dma_wait3A_443 = arith.constant 4 : i32
          %dma_wait3A_444 = arith.constant 4 : i32
          %dma_wait3A_445 = arith.constant 0 : i32
          %dma_wait3A_446 = arith.constant 0 : i32
          %dma_wait3A_447 = tpu.memref_slice %arg11[%dma_wait3A_443, %dma_wait3A_445, %dma_wait3A_446] : memref<6x128x16xf32, #tpu.memory_space<vmem>> -> memref<1x128x16xf32, #tpu.memory_space<vmem>>
          %dma_wait3A_448 = tpu.memref_squeeze %dma_wait3A_447 : memref<1x128x16xf32, #tpu.memory_space<vmem>> -> memref<128x16xf32, #tpu.memory_space<vmem>>
          %dma_wait3A_449 = arith.constant 0 : i32
          %dma_wait3A_450 = tpu.memref_slice %arg9[%dma_wait3A_444, %dma_wait3A_449] : memref<6x128xi32, #tpu.memory_space<vmem>> -> memref<1x128xi32, #tpu.memory_space<vmem>>
          %dma_wait3A_451 = tpu.memref_squeeze %dma_wait3A_450 : memref<1x128xi32, #tpu.memory_space<vmem>> -> memref<128xi32, #tpu.memory_space<vmem>>
          %dma_wait3A_452 = arith.constant 0 : i32
          %dma_wait3A_453 = arith.constant 0 : i32
          %dma_wait3A_454 = tpu.memref_slice %arg12[%dma_wait3A_452, %dma_wait3A_453] : memref<100352x16xf32, #tpu.memory_space<vmem_shared>> -> memref<100352x16xf32, #tpu.memory_space<vmem_shared>>
          tpu.wait_indirect_dma semaphore(%arg16 : memref<!tpu.dma_semaphore, #tpu.memory_space<semaphore_mem>>) src(%dma_wait3A_448 : memref<128x16xf32, #tpu.memory_space<vmem>>) dst(%dma_wait3A_454 : memref<100352x16xf32, #tpu.memory_space<vmem_shared>>)
          %dma_wait3A_455 = arith.constant 5 : i32
          %dma_wait3A_456 = arith.constant 5 : i32
          %dma_wait3A_457 = arith.constant 0 : i32
          %dma_wait3A_458 = arith.constant 0 : i32
          %dma_wait3A_459 = tpu.memref_slice %arg11[%dma_wait3A_455, %dma_wait3A_457, %dma_wait3A_458] : memref<6x128x16xf32, #tpu.memory_space<vmem>> -> memref<1x128x16xf32, #tpu.memory_space<vmem>>
          %dma_wait3A_460 = tpu.memref_squeeze %dma_wait3A_459 : memref<1x128x16xf32, #tpu.memory_space<vmem>> -> memref<128x16xf32, #tpu.memory_space<vmem>>
          %dma_wait3A_461 = arith.constant 0 : i32
          %dma_wait3A_462 = tpu.memref_slice %arg9[%dma_wait3A_456, %dma_wait3A_461] : memref<6x128xi32, #tpu.memory_space<vmem>> -> memref<1x128xi32, #tpu.memory_space<vmem>>
          %dma_wait3A_463 = tpu.memref_squeeze %dma_wait3A_462 : memref<1x128xi32, #tpu.memory_space<vmem>> -> memref<128xi32, #tpu.memory_space<vmem>>
          %dma_wait3A_464 = arith.constant 0 : i32
          %dma_wait3A_465 = arith.constant 0 : i32
          %dma_wait3A_466 = tpu.memref_slice %arg12[%dma_wait3A_464, %dma_wait3A_465] : memref<100352x16xf32, #tpu.memory_space<vmem_shared>> -> memref<100352x16xf32, #tpu.memory_space<vmem_shared>>
          tpu.wait_indirect_dma semaphore(%arg16 : memref<!tpu.dma_semaphore, #tpu.memory_space<semaphore_mem>>) src(%dma_wait3A_460 : memref<128x16xf32, #tpu.memory_space<vmem>>) dst(%dma_wait3A_466 : memref<100352x16xf32, #tpu.memory_space<vmem_shared>>)
        } else {
        }
        %add3A_233 = arith.constant 1 : i32
        %add3A_234 = arith.addi %scan3A_195, %add3A_233 : i32
        %lt3A_235 = arith.constant 132 : i32
        %lt3A_236 = arith.cmpi slt, %add3A_234, %lt3A_235 : i32
        %convert_element_type3A_237 = arith.extui %lt3A_236 : i1 to i32
        %cond3A_238 = arith.constant 0 : i32
        %cond3A_239 = arith.cmpi ne, %convert_element_type3A_237, %cond3A_238 : i32
        scf.if %cond3A_239 {
          %add3A_395 = arith.constant 1 : i32
          %add3A_396 = arith.addi %scan3A_195, %add3A_395 : i32
          %mul3A_397 = arith.constant 6 : i32
          %mul3A_398 = arith.muli %add3A_396, %mul3A_397 : i32
          %add3A_399 = arith.addi %mul3A_2, %mul3A_398 : i32
          %dma_start3A_400 = arith.constant 0 : i32
          %dma_start3A_401 = tpu.memref_slice %arg3[%add3A_399, %dma_start3A_400] : memref<25344x128xi32, #tpu.memory_space<hbm>> -> memref<6x128xi32, #tpu.memory_space<hbm>>
          %dma_start3A_402 = arith.constant 0 : i32
          %dma_start3A_403 = tpu.memref_slice %arg3[%add3A_399, %dma_start3A_402] : memref<25344x128xi32, #tpu.memory_space<hbm>> -> memref<6x128xi32, #tpu.memory_space<hbm>>
          tpu.enqueue_dma source(%dma_start3A_403 : memref<6x128xi32, #tpu.memory_space<hbm>>) target(%arg9 : memref<6x128xi32, #tpu.memory_space<vmem>>) target_semaphore(%arg20 : memref<!tpu.dma_semaphore, #tpu.memory_space<semaphore_mem>>)
          %dma_wait3A_404 = arith.constant 0 : i32
          %dma_wait3A_405 = tpu.memref_slice %arg2[%mul3A_2, %dma_wait3A_404] : memref<25344x128xi32, #tpu.memory_space<hbm>> -> memref<6x128xi32, #tpu.memory_space<hbm>>
          %dma_wait3A_406 = arith.constant 0 : i32
          %dma_wait3A_407 = tpu.memref_slice %arg2[%mul3A_2, %dma_wait3A_406] : memref<25344x128xi32, #tpu.memory_space<hbm>> -> memref<6x128xi32, #tpu.memory_space<hbm>>
          tpu.wait_dma2 semaphore(%arg18 : memref<!tpu.dma_semaphore, #tpu.memory_space<semaphore_mem>>) src(%dma_wait3A_407 : memref<6x128xi32, #tpu.memory_space<hbm>>) dst(%arg7 : memref<6x128xi32, #tpu.memory_space<vmem>>)
          %dma_start3A_408 = arith.constant 0 : i32
          %dma_start3A_409 = arith.constant 0 : i32
          %dma_start3A_410 = arith.constant 0 : i32
          %dma_start3A_411 = arith.constant 0 : i32
          %dma_start3A_412 = tpu.memref_slice %arg11[%dma_start3A_409, %dma_start3A_410, %dma_start3A_411] : memref<6x128x16xf32, #tpu.memory_space<vmem>> -> memref<1x128x16xf32, #tpu.memory_space<vmem>>
          %dma_start3A_413 = tpu.memref_squeeze %dma_start3A_412 : memref<1x128x16xf32, #tpu.memory_space<vmem>> -> memref<128x16xf32, #tpu.memory_space<vmem>>
          %dma_start3A_414 = arith.constant 0 : i32
          %dma_start3A_415 = tpu.memref_slice %arg7[%dma_start3A_408, %dma_start3A_414] : memref<6x128xi32, #tpu.memory_space<vmem>> -> memref<1x128xi32, #tpu.memory_space<vmem>>
          %dma_start3A_416 = tpu.memref_squeeze %dma_start3A_415 : memref<1x128xi32, #tpu.memory_space<vmem>> -> memref<128xi32, #tpu.memory_space<vmem>>
          %dma_start3A_417 = arith.constant 0 : i32
          %dma_start3A_418 = arith.constant 0 : i32
          %dma_start3A_419 = tpu.memref_slice %arg4[%dma_start3A_417, %dma_start3A_418] : memref<100352x16xf32, #tpu.memory_space<hbm>> -> memref<100352x16xf32, #tpu.memory_space<hbm>>
          tpu.enqueue_indirect_dma source(%dma_start3A_419 : memref<100352x16xf32, #tpu.memory_space<hbm>>) target(%dma_start3A_413 : memref<128x16xf32, #tpu.memory_space<vmem>>) offsets(%dma_start3A_416 : memref<128xi32, #tpu.memory_space<vmem>>) semaphore(%arg14 : memref<!tpu.dma_semaphore, #tpu.memory_space<semaphore_mem>>)
          %dma_start3A_420 = arith.constant 1 : i32
          %dma_start3A_421 = arith.constant 1 : i32
          %dma_start3A_422 = arith.constant 0 : i32
          %dma_start3A_423 = arith.constant 0 : i32
          %dma_start3A_424 = tpu.memref_slice %arg11[%dma_start3A_421, %dma_start3A_422, %dma_start3A_423] : memref<6x128x16xf32, #tpu.memory_space<vmem>> -> memref<1x128x16xf32, #tpu.memory_space<vmem>>
          %dma_start3A_425 = tpu.memref_squeeze %dma_start3A_424 : memref<1x128x16xf32, #tpu.memory_space<vmem>> -> memref<128x16xf32, #tpu.memory_space<vmem>>
          %dma_start3A_426 = arith.constant 0 : i32
          %dma_start3A_427 = tpu.memref_slice %arg7[%dma_start3A_420, %dma_start3A_426] : memref<6x128xi32, #tpu.memory_space<vmem>> -> memref<1x128xi32, #tpu.memory_space<vmem>>
          %dma_start3A_428 = tpu.memref_squeeze %dma_start3A_427 : memref<1x128xi32, #tpu.memory_space<vmem>> -> memref<128xi32, #tpu.memory_space<vmem>>
          %dma_start3A_429 = arith.constant 0 : i32
          %dma_start3A_430 = arith.constant 0 : i32
          %dma_start3A_431 = tpu.memref_slice %arg4[%dma_start3A_429, %dma_start3A_430] : memref<100352x16xf32, #tpu.memory_space<hbm>> -> memref<100352x16xf32, #tpu.memory_space<hbm>>
          tpu.enqueue_indirect_dma source(%dma_start3A_431 : memref<100352x16xf32, #tpu.memory_space<hbm>>) target(%dma_start3A_425 : memref<128x16xf32, #tpu.memory_space<vmem>>) offsets(%dma_start3A_428 : memref<128xi32, #tpu.memory_space<vmem>>) semaphore(%arg14 : memref<!tpu.dma_semaphore, #tpu.memory_space<semaphore_mem>>)
          %dma_start3A_432 = arith.constant 2 : i32
          %dma_start3A_433 = arith.constant 2 : i32
          %dma_start3A_434 = arith.constant 0 : i32
          %dma_start3A_435 = arith.constant 0 : i32
          %dma_start3A_436 = tpu.memref_slice %arg11[%dma_start3A_433, %dma_start3A_434, %dma_start3A_435] : memref<6x128x16xf32, #tpu.memory_space<vmem>> -> memref<1x128x16xf32, #tpu.memory_space<vmem>>
          %dma_start3A_437 = tpu.memref_squeeze %dma_start3A_436 : memref<1x128x16xf32, #tpu.memory_space<vmem>> -> memref<128x16xf32, #tpu.memory_space<vmem>>
          %dma_start3A_438 = arith.constant 0 : i32
          %dma_start3A_439 = tpu.memref_slice %arg7[%dma_start3A_432, %dma_start3A_438] : memref<6x128xi32, #tpu.memory_space<vmem>> -> memref<1x128xi32, #tpu.memory_space<vmem>>
          %dma_start3A_440 = tpu.memref_squeeze %dma_start3A_439 : memref<1x128xi32, #tpu.memory_space<vmem>> -> memref<128xi32, #tpu.memory_space<vmem>>
          %dma_start3A_441 = arith.constant 0 : i32
          %dma_start3A_442 = arith.constant 0 : i32
          %dma_start3A_443 = tpu.memref_slice %arg4[%dma_start3A_441, %dma_start3A_442] : memref<100352x16xf32, #tpu.memory_space<hbm>> -> memref<100352x16xf32, #tpu.memory_space<hbm>>
          tpu.enqueue_indirect_dma source(%dma_start3A_443 : memref<100352x16xf32, #tpu.memory_space<hbm>>) target(%dma_start3A_437 : memref<128x16xf32, #tpu.memory_space<vmem>>) offsets(%dma_start3A_440 : memref<128xi32, #tpu.memory_space<vmem>>) semaphore(%arg14 : memref<!tpu.dma_semaphore, #tpu.memory_space<semaphore_mem>>)
          %dma_start3A_444 = arith.constant 3 : i32
          %dma_start3A_445 = arith.constant 3 : i32
          %dma_start3A_446 = arith.constant 0 : i32
          %dma_start3A_447 = arith.constant 0 : i32
          %dma_start3A_448 = tpu.memref_slice %arg11[%dma_start3A_445, %dma_start3A_446, %dma_start3A_447] : memref<6x128x16xf32, #tpu.memory_space<vmem>> -> memref<1x128x16xf32, #tpu.memory_space<vmem>>
          %dma_start3A_449 = tpu.memref_squeeze %dma_start3A_448 : memref<1x128x16xf32, #tpu.memory_space<vmem>> -> memref<128x16xf32, #tpu.memory_space<vmem>>
          %dma_start3A_450 = arith.constant 0 : i32
          %dma_start3A_451 = tpu.memref_slice %arg7[%dma_start3A_444, %dma_start3A_450] : memref<6x128xi32, #tpu.memory_space<vmem>> -> memref<1x128xi32, #tpu.memory_space<vmem>>
          %dma_start3A_452 = tpu.memref_squeeze %dma_start3A_451 : memref<1x128xi32, #tpu.memory_space<vmem>> -> memref<128xi32, #tpu.memory_space<vmem>>
          %dma_start3A_453 = arith.constant 0 : i32
          %dma_start3A_454 = arith.constant 0 : i32
          %dma_start3A_455 = tpu.memref_slice %arg4[%dma_start3A_453, %dma_start3A_454] : memref<100352x16xf32, #tpu.memory_space<hbm>> -> memref<100352x16xf32, #tpu.memory_space<hbm>>
          tpu.enqueue_indirect_dma source(%dma_start3A_455 : memref<100352x16xf32, #tpu.memory_space<hbm>>) target(%dma_start3A_449 : memref<128x16xf32, #tpu.memory_space<vmem>>) offsets(%dma_start3A_452 : memref<128xi32, #tpu.memory_space<vmem>>) semaphore(%arg14 : memref<!tpu.dma_semaphore, #tpu.memory_space<semaphore_mem>>)
          %dma_start3A_456 = arith.constant 4 : i32
          %dma_start3A_457 = arith.constant 4 : i32
          %dma_start3A_458 = arith.constant 0 : i32
          %dma_start3A_459 = arith.constant 0 : i32
          %dma_start3A_460 = tpu.memref_slice %arg11[%dma_start3A_457, %dma_start3A_458, %dma_start3A_459] : memref<6x128x16xf32, #tpu.memory_space<vmem>> -> memref<1x128x16xf32, #tpu.memory_space<vmem>>
          %dma_start3A_461 = tpu.memref_squeeze %dma_start3A_460 : memref<1x128x16xf32, #tpu.memory_space<vmem>> -> memref<128x16xf32, #tpu.memory_space<vmem>>
          %dma_start3A_462 = arith.constant 0 : i32
          %dma_start3A_463 = tpu.memref_slice %arg7[%dma_start3A_456, %dma_start3A_462] : memref<6x128xi32, #tpu.memory_space<vmem>> -> memref<1x128xi32, #tpu.memory_space<vmem>>
          %dma_start3A_464 = tpu.memref_squeeze %dma_start3A_463 : memref<1x128xi32, #tpu.memory_space<vmem>> -> memref<128xi32, #tpu.memory_space<vmem>>
          %dma_start3A_465 = arith.constant 0 : i32
          %dma_start3A_466 = arith.constant 0 : i32
          %dma_start3A_467 = tpu.memref_slice %arg4[%dma_start3A_465, %dma_start3A_466] : memref<100352x16xf32, #tpu.memory_space<hbm>> -> memref<100352x16xf32, #tpu.memory_space<hbm>>
          tpu.enqueue_indirect_dma source(%dma_start3A_467 : memref<100352x16xf32, #tpu.memory_space<hbm>>) target(%dma_start3A_461 : memref<128x16xf32, #tpu.memory_space<vmem>>) offsets(%dma_start3A_464 : memref<128xi32, #tpu.memory_space<vmem>>) semaphore(%arg14 : memref<!tpu.dma_semaphore, #tpu.memory_space<semaphore_mem>>)
          %dma_start3A_468 = arith.constant 5 : i32
          %dma_start3A_469 = arith.constant 5 : i32
          %dma_start3A_470 = arith.constant 0 : i32
          %dma_start3A_471 = arith.constant 0 : i32
          %dma_start3A_472 = tpu.memref_slice %arg11[%dma_start3A_469, %dma_start3A_470, %dma_start3A_471] : memref<6x128x16xf32, #tpu.memory_space<vmem>> -> memref<1x128x16xf32, #tpu.memory_space<vmem>>
          %dma_start3A_473 = tpu.memref_squeeze %dma_start3A_472 : memref<1x128x16xf32, #tpu.memory_space<vmem>> -> memref<128x16xf32, #tpu.memory_space<vmem>>
          %dma_start3A_474 = arith.constant 0 : i32
          %dma_start3A_475 = tpu.memref_slice %arg7[%dma_start3A_468, %dma_start3A_474] : memref<6x128xi32, #tpu.memory_space<vmem>> -> memref<1x128xi32, #tpu.memory_space<vmem>>
          %dma_start3A_476 = tpu.memref_squeeze %dma_start3A_475 : memref<1x128xi32, #tpu.memory_space<vmem>> -> memref<128xi32, #tpu.memory_space<vmem>>
          %dma_start3A_477 = arith.constant 0 : i32
          %dma_start3A_478 = arith.constant 0 : i32
          %dma_start3A_479 = tpu.memref_slice %arg4[%dma_start3A_477, %dma_start3A_478] : memref<100352x16xf32, #tpu.memory_space<hbm>> -> memref<100352x16xf32, #tpu.memory_space<hbm>>
          tpu.enqueue_indirect_dma source(%dma_start3A_479 : memref<100352x16xf32, #tpu.memory_space<hbm>>) target(%dma_start3A_473 : memref<128x16xf32, #tpu.memory_space<vmem>>) offsets(%dma_start3A_476 : memref<128xi32, #tpu.memory_space<vmem>>) semaphore(%arg14 : memref<!tpu.dma_semaphore, #tpu.memory_space<semaphore_mem>>)
        } else {
        }
        %dma_wait3A_240 = arith.constant 0 : i32
        %dma_wait3A_241 = tpu.memref_slice %arg3[%mul3A_2, %dma_wait3A_240] : memref<25344x128xi32, #tpu.memory_space<hbm>> -> memref<6x128xi32, #tpu.memory_space<hbm>>
        %dma_wait3A_242 = arith.constant 0 : i32
        %dma_wait3A_243 = tpu.memref_slice %arg3[%mul3A_2, %dma_wait3A_242] : memref<25344x128xi32, #tpu.memory_space<hbm>> -> memref<6x128xi32, #tpu.memory_space<hbm>>
        tpu.wait_dma2 semaphore(%arg19 : memref<!tpu.dma_semaphore, #tpu.memory_space<semaphore_mem>>) src(%dma_wait3A_243 : memref<6x128xi32, #tpu.memory_space<hbm>>) dst(%arg8 : memref<6x128xi32, #tpu.memory_space<vmem>>)
        %dma_wait3A_244 = arith.constant 0 : i32
        %dma_wait3A_245 = arith.constant 0 : i32
        %dma_wait3A_246 = arith.constant 0 : i32
        %dma_wait3A_247 = arith.constant 0 : i32
        %dma_wait3A_248 = tpu.memref_slice %arg10[%dma_wait3A_245, %dma_wait3A_246, %dma_wait3A_247] : memref<6x128x16xf32, #tpu.memory_space<vmem>> -> memref<1x128x16xf32, #tpu.memory_space<vmem>>
        %dma_wait3A_249 = tpu.memref_squeeze %dma_wait3A_248 : memref<1x128x16xf32, #tpu.memory_space<vmem>> -> memref<128x16xf32, #tpu.memory_space<vmem>>
        %dma_wait3A_250 = arith.constant 0 : i32
        %dma_wait3A_251 = tpu.memref_slice %arg6[%dma_wait3A_244, %dma_wait3A_250] : memref<6x128xi32, #tpu.memory_space<vmem>> -> memref<1x128xi32, #tpu.memory_space<vmem>>
        %dma_wait3A_252 = tpu.memref_squeeze %dma_wait3A_251 : memref<1x128xi32, #tpu.memory_space<vmem>> -> memref<128xi32, #tpu.memory_space<vmem>>
        %dma_wait3A_253 = arith.constant 0 : i32
        %dma_wait3A_254 = arith.constant 0 : i32
        %dma_wait3A_255 = tpu.memref_slice %arg4[%dma_wait3A_253, %dma_wait3A_254] : memref<100352x16xf32, #tpu.memory_space<hbm>> -> memref<100352x16xf32, #tpu.memory_space<hbm>>
        tpu.wait_indirect_dma semaphore(%arg13 : memref<!tpu.dma_semaphore, #tpu.memory_space<semaphore_mem>>) src(%dma_wait3A_255 : memref<100352x16xf32, #tpu.memory_space<hbm>>) dst(%dma_wait3A_249 : memref<128x16xf32, #tpu.memory_space<vmem>>)
        %dma_start3A_256 = arith.constant 0 : i32
        %dma_start3A_257 = arith.constant 0 : i32
        %dma_start3A_258 = arith.constant 0 : i32
        %dma_start3A_259 = arith.constant 0 : i32
        %dma_start3A_260 = tpu.memref_slice %arg10[%dma_start3A_256, %dma_start3A_258, %dma_start3A_259] : memref<6x128x16xf32, #tpu.memory_space<vmem>> -> memref<1x128x16xf32, #tpu.memory_space<vmem>>
        %dma_start3A_261 = tpu.memref_squeeze %dma_start3A_260 : memref<1x128x16xf32, #tpu.memory_space<vmem>> -> memref<128x16xf32, #tpu.memory_space<vmem>>
        %dma_start3A_262 = arith.constant 0 : i32
        %dma_start3A_263 = tpu.memref_slice %arg8[%dma_start3A_257, %dma_start3A_262] : memref<6x128xi32, #tpu.memory_space<vmem>> -> memref<1x128xi32, #tpu.memory_space<vmem>>
        %dma_start3A_264 = tpu.memref_squeeze %dma_start3A_263 : memref<1x128xi32, #tpu.memory_space<vmem>> -> memref<128xi32, #tpu.memory_space<vmem>>
        %dma_start3A_265 = arith.constant 0 : i32
        %dma_start3A_266 = arith.constant 0 : i32
        %dma_start3A_267 = tpu.memref_slice %arg12[%dma_start3A_265, %dma_start3A_266] : memref<100352x16xf32, #tpu.memory_space<vmem_shared>> -> memref<100352x16xf32, #tpu.memory_space<vmem_shared>>
        tpu.enqueue_indirect_dma source(%dma_start3A_261 : memref<128x16xf32, #tpu.memory_space<vmem>>) target(%dma_start3A_267 : memref<100352x16xf32, #tpu.memory_space<vmem_shared>>) offsets(%dma_start3A_264 : memref<128xi32, #tpu.memory_space<vmem>>) semaphore(%arg15 : memref<!tpu.dma_semaphore, #tpu.memory_space<semaphore_mem>>) {add = true}
        %dma_wait3A_268 = arith.constant 1 : i32
        %dma_wait3A_269 = arith.constant 1 : i32
        %dma_wait3A_270 = arith.constant 0 : i32
        %dma_wait3A_271 = arith.constant 0 : i32
        %dma_wait3A_272 = tpu.memref_slice %arg10[%dma_wait3A_269, %dma_wait3A_270, %dma_wait3A_271] : memref<6x128x16xf32, #tpu.memory_space<vmem>> -> memref<1x128x16xf32, #tpu.memory_space<vmem>>
        %dma_wait3A_273 = tpu.memref_squeeze %dma_wait3A_272 : memref<1x128x16xf32, #tpu.memory_space<vmem>> -> memref<128x16xf32, #tpu.memory_space<vmem>>
        %dma_wait3A_274 = arith.constant 0 : i32
        %dma_wait3A_275 = tpu.memref_slice %arg6[%dma_wait3A_268, %dma_wait3A_274] : memref<6x128xi32, #tpu.memory_space<vmem>> -> memref<1x128xi32, #tpu.memory_space<vmem>>
        %dma_wait3A_276 = tpu.memref_squeeze %dma_wait3A_275 : memref<1x128xi32, #tpu.memory_space<vmem>> -> memref<128xi32, #tpu.memory_space<vmem>>
        %dma_wait3A_277 = arith.constant 0 : i32
        %dma_wait3A_278 = arith.constant 0 : i32
        %dma_wait3A_279 = tpu.memref_slice %arg4[%dma_wait3A_277, %dma_wait3A_278] : memref<100352x16xf32, #tpu.memory_space<hbm>> -> memref<100352x16xf32, #tpu.memory_space<hbm>>
        tpu.wait_indirect_dma semaphore(%arg13 : memref<!tpu.dma_semaphore, #tpu.memory_space<semaphore_mem>>) src(%dma_wait3A_279 : memref<100352x16xf32, #tpu.memory_space<hbm>>) dst(%dma_wait3A_273 : memref<128x16xf32, #tpu.memory_space<vmem>>)
        %dma_start3A_280 = arith.constant 1 : i32
        %dma_start3A_281 = arith.constant 1 : i32
        %dma_start3A_282 = arith.constant 0 : i32
        %dma_start3A_283 = arith.constant 0 : i32
        %dma_start3A_284 = tpu.memref_slice %arg10[%dma_start3A_280, %dma_start3A_282, %dma_start3A_283] : memref<6x128x16xf32, #tpu.memory_space<vmem>> -> memref<1x128x16xf32, #tpu.memory_space<vmem>>
        %dma_start3A_285 = tpu.memref_squeeze %dma_start3A_284 : memref<1x128x16xf32, #tpu.memory_space<vmem>> -> memref<128x16xf32, #tpu.memory_space<vmem>>
        %dma_start3A_286 = arith.constant 0 : i32
        %dma_start3A_287 = tpu.memref_slice %arg8[%dma_start3A_281, %dma_start3A_286] : memref<6x128xi32, #tpu.memory_space<vmem>> -> memref<1x128xi32, #tpu.memory_space<vmem>>
        %dma_start3A_288 = tpu.memref_squeeze %dma_start3A_287 : memref<1x128xi32, #tpu.memory_space<vmem>> -> memref<128xi32, #tpu.memory_space<vmem>>
        %dma_start3A_289 = arith.constant 0 : i32
        %dma_start3A_290 = arith.constant 0 : i32
        %dma_start3A_291 = tpu.memref_slice %arg12[%dma_start3A_289, %dma_start3A_290] : memref<100352x16xf32, #tpu.memory_space<vmem_shared>> -> memref<100352x16xf32, #tpu.memory_space<vmem_shared>>
        tpu.enqueue_indirect_dma source(%dma_start3A_285 : memref<128x16xf32, #tpu.memory_space<vmem>>) target(%dma_start3A_291 : memref<100352x16xf32, #tpu.memory_space<vmem_shared>>) offsets(%dma_start3A_288 : memref<128xi32, #tpu.memory_space<vmem>>) semaphore(%arg15 : memref<!tpu.dma_semaphore, #tpu.memory_space<semaphore_mem>>) {add = true}
        %dma_wait3A_292 = arith.constant 2 : i32
        %dma_wait3A_293 = arith.constant 2 : i32
        %dma_wait3A_294 = arith.constant 0 : i32
        %dma_wait3A_295 = arith.constant 0 : i32
        %dma_wait3A_296 = tpu.memref_slice %arg10[%dma_wait3A_293, %dma_wait3A_294, %dma_wait3A_295] : memref<6x128x16xf32, #tpu.memory_space<vmem>> -> memref<1x128x16xf32, #tpu.memory_space<vmem>>
        %dma_wait3A_297 = tpu.memref_squeeze %dma_wait3A_296 : memref<1x128x16xf32, #tpu.memory_space<vmem>> -> memref<128x16xf32, #tpu.memory_space<vmem>>
        %dma_wait3A_298 = arith.constant 0 : i32
        %dma_wait3A_299 = tpu.memref_slice %arg6[%dma_wait3A_292, %dma_wait3A_298] : memref<6x128xi32, #tpu.memory_space<vmem>> -> memref<1x128xi32, #tpu.memory_space<vmem>>
        %dma_wait3A_300 = tpu.memref_squeeze %dma_wait3A_299 : memref<1x128xi32, #tpu.memory_space<vmem>> -> memref<128xi32, #tpu.memory_space<vmem>>
        %dma_wait3A_301 = arith.constant 0 : i32
        %dma_wait3A_302 = arith.constant 0 : i32
        %dma_wait3A_303 = tpu.memref_slice %arg4[%dma_wait3A_301, %dma_wait3A_302] : memref<100352x16xf32, #tpu.memory_space<hbm>> -> memref<100352x16xf32, #tpu.memory_space<hbm>>
        tpu.wait_indirect_dma semaphore(%arg13 : memref<!tpu.dma_semaphore, #tpu.memory_space<semaphore_mem>>) src(%dma_wait3A_303 : memref<100352x16xf32, #tpu.memory_space<hbm>>) dst(%dma_wait3A_297 : memref<128x16xf32, #tpu.memory_space<vmem>>)
        %dma_start3A_304 = arith.constant 2 : i32
        %dma_start3A_305 = arith.constant 2 : i32
        %dma_start3A_306 = arith.constant 0 : i32
        %dma_start3A_307 = arith.constant 0 : i32
        %dma_start3A_308 = tpu.memref_slice %arg10[%dma_start3A_304, %dma_start3A_306, %dma_start3A_307] : memref<6x128x16xf32, #tpu.memory_space<vmem>> -> memref<1x128x16xf32, #tpu.memory_space<vmem>>
        %dma_start3A_309 = tpu.memref_squeeze %dma_start3A_308 : memref<1x128x16xf32, #tpu.memory_space<vmem>> -> memref<128x16xf32, #tpu.memory_space<vmem>>
        %dma_start3A_310 = arith.constant 0 : i32
        %dma_start3A_311 = tpu.memref_slice %arg8[%dma_start3A_305, %dma_start3A_310] : memref<6x128xi32, #tpu.memory_space<vmem>> -> memref<1x128xi32, #tpu.memory_space<vmem>>
        %dma_start3A_312 = tpu.memref_squeeze %dma_start3A_311 : memref<1x128xi32, #tpu.memory_space<vmem>> -> memref<128xi32, #tpu.memory_space<vmem>>
        %dma_start3A_313 = arith.constant 0 : i32
        %dma_start3A_314 = arith.constant 0 : i32
        %dma_start3A_315 = tpu.memref_slice %arg12[%dma_start3A_313, %dma_start3A_314] : memref<100352x16xf32, #tpu.memory_space<vmem_shared>> -> memref<100352x16xf32, #tpu.memory_space<vmem_shared>>
        tpu.enqueue_indirect_dma source(%dma_start3A_309 : memref<128x16xf32, #tpu.memory_space<vmem>>) target(%dma_start3A_315 : memref<100352x16xf32, #tpu.memory_space<vmem_shared>>) offsets(%dma_start3A_312 : memref<128xi32, #tpu.memory_space<vmem>>) semaphore(%arg15 : memref<!tpu.dma_semaphore, #tpu.memory_space<semaphore_mem>>) {add = true}
        %dma_wait3A_316 = arith.constant 3 : i32
        %dma_wait3A_317 = arith.constant 3 : i32
        %dma_wait3A_318 = arith.constant 0 : i32
        %dma_wait3A_319 = arith.constant 0 : i32
        %dma_wait3A_320 = tpu.memref_slice %arg10[%dma_wait3A_317, %dma_wait3A_318, %dma_wait3A_319] : memref<6x128x16xf32, #tpu.memory_space<vmem>> -> memref<1x128x16xf32, #tpu.memory_space<vmem>>
        %dma_wait3A_321 = tpu.memref_squeeze %dma_wait3A_320 : memref<1x128x16xf32, #tpu.memory_space<vmem>> -> memref<128x16xf32, #tpu.memory_space<vmem>>
        %dma_wait3A_322 = arith.constant 0 : i32
        %dma_wait3A_323 = tpu.memref_slice %arg6[%dma_wait3A_316, %dma_wait3A_322] : memref<6x128xi32, #tpu.memory_space<vmem>> -> memref<1x128xi32, #tpu.memory_space<vmem>>
        %dma_wait3A_324 = tpu.memref_squeeze %dma_wait3A_323 : memref<1x128xi32, #tpu.memory_space<vmem>> -> memref<128xi32, #tpu.memory_space<vmem>>
        %dma_wait3A_325 = arith.constant 0 : i32
        %dma_wait3A_326 = arith.constant 0 : i32
        %dma_wait3A_327 = tpu.memref_slice %arg4[%dma_wait3A_325, %dma_wait3A_326] : memref<100352x16xf32, #tpu.memory_space<hbm>> -> memref<100352x16xf32, #tpu.memory_space<hbm>>
        tpu.wait_indirect_dma semaphore(%arg13 : memref<!tpu.dma_semaphore, #tpu.memory_space<semaphore_mem>>) src(%dma_wait3A_327 : memref<100352x16xf32, #tpu.memory_space<hbm>>) dst(%dma_wait3A_321 : memref<128x16xf32, #tpu.memory_space<vmem>>)
        %dma_start3A_328 = arith.constant 3 : i32
        %dma_start3A_329 = arith.constant 3 : i32
        %dma_start3A_330 = arith.constant 0 : i32
        %dma_start3A_331 = arith.constant 0 : i32
        %dma_start3A_332 = tpu.memref_slice %arg10[%dma_start3A_328, %dma_start3A_330, %dma_start3A_331] : memref<6x128x16xf32, #tpu.memory_space<vmem>> -> memref<1x128x16xf32, #tpu.memory_space<vmem>>
        %dma_start3A_333 = tpu.memref_squeeze %dma_start3A_332 : memref<1x128x16xf32, #tpu.memory_space<vmem>> -> memref<128x16xf32, #tpu.memory_space<vmem>>
        %dma_start3A_334 = arith.constant 0 : i32
        %dma_start3A_335 = tpu.memref_slice %arg8[%dma_start3A_329, %dma_start3A_334] : memref<6x128xi32, #tpu.memory_space<vmem>> -> memref<1x128xi32, #tpu.memory_space<vmem>>
        %dma_start3A_336 = tpu.memref_squeeze %dma_start3A_335 : memref<1x128xi32, #tpu.memory_space<vmem>> -> memref<128xi32, #tpu.memory_space<vmem>>
        %dma_start3A_337 = arith.constant 0 : i32
        %dma_start3A_338 = arith.constant 0 : i32
        %dma_start3A_339 = tpu.memref_slice %arg12[%dma_start3A_337, %dma_start3A_338] : memref<100352x16xf32, #tpu.memory_space<vmem_shared>> -> memref<100352x16xf32, #tpu.memory_space<vmem_shared>>
        tpu.enqueue_indirect_dma source(%dma_start3A_333 : memref<128x16xf32, #tpu.memory_space<vmem>>) target(%dma_start3A_339 : memref<100352x16xf32, #tpu.memory_space<vmem_shared>>) offsets(%dma_start3A_336 : memref<128xi32, #tpu.memory_space<vmem>>) semaphore(%arg15 : memref<!tpu.dma_semaphore, #tpu.memory_space<semaphore_mem>>) {add = true}
        %dma_wait3A_340 = arith.constant 4 : i32
        %dma_wait3A_341 = arith.constant 4 : i32
        %dma_wait3A_342 = arith.constant 0 : i32
        %dma_wait3A_343 = arith.constant 0 : i32
        %dma_wait3A_344 = tpu.memref_slice %arg10[%dma_wait3A_341, %dma_wait3A_342, %dma_wait3A_343] : memref<6x128x16xf32, #tpu.memory_space<vmem>> -> memref<1x128x16xf32, #tpu.memory_space<vmem>>
        %dma_wait3A_345 = tpu.memref_squeeze %dma_wait3A_344 : memref<1x128x16xf32, #tpu.memory_space<vmem>> -> memref<128x16xf32, #tpu.memory_space<vmem>>
        %dma_wait3A_346 = arith.constant 0 : i32
        %dma_wait3A_347 = tpu.memref_slice %arg6[%dma_wait3A_340, %dma_wait3A_346] : memref<6x128xi32, #tpu.memory_space<vmem>> -> memref<1x128xi32, #tpu.memory_space<vmem>>
        %dma_wait3A_348 = tpu.memref_squeeze %dma_wait3A_347 : memref<1x128xi32, #tpu.memory_space<vmem>> -> memref<128xi32, #tpu.memory_space<vmem>>
        %dma_wait3A_349 = arith.constant 0 : i32
        %dma_wait3A_350 = arith.constant 0 : i32
        %dma_wait3A_351 = tpu.memref_slice %arg4[%dma_wait3A_349, %dma_wait3A_350] : memref<100352x16xf32, #tpu.memory_space<hbm>> -> memref<100352x16xf32, #tpu.memory_space<hbm>>
        tpu.wait_indirect_dma semaphore(%arg13 : memref<!tpu.dma_semaphore, #tpu.memory_space<semaphore_mem>>) src(%dma_wait3A_351 : memref<100352x16xf32, #tpu.memory_space<hbm>>) dst(%dma_wait3A_345 : memref<128x16xf32, #tpu.memory_space<vmem>>)
        %dma_start3A_352 = arith.constant 4 : i32
        %dma_start3A_353 = arith.constant 4 : i32
        %dma_start3A_354 = arith.constant 0 : i32
        %dma_start3A_355 = arith.constant 0 : i32
        %dma_start3A_356 = tpu.memref_slice %arg10[%dma_start3A_352, %dma_start3A_354, %dma_start3A_355] : memref<6x128x16xf32, #tpu.memory_space<vmem>> -> memref<1x128x16xf32, #tpu.memory_space<vmem>>
        %dma_start3A_357 = tpu.memref_squeeze %dma_start3A_356 : memref<1x128x16xf32, #tpu.memory_space<vmem>> -> memref<128x16xf32, #tpu.memory_space<vmem>>
        %dma_start3A_358 = arith.constant 0 : i32
        %dma_start3A_359 = tpu.memref_slice %arg8[%dma_start3A_353, %dma_start3A_358] : memref<6x128xi32, #tpu.memory_space<vmem>> -> memref<1x128xi32, #tpu.memory_space<vmem>>
        %dma_start3A_360 = tpu.memref_squeeze %dma_start3A_359 : memref<1x128xi32, #tpu.memory_space<vmem>> -> memref<128xi32, #tpu.memory_space<vmem>>
        %dma_start3A_361 = arith.constant 0 : i32
        %dma_start3A_362 = arith.constant 0 : i32
        %dma_start3A_363 = tpu.memref_slice %arg12[%dma_start3A_361, %dma_start3A_362] : memref<100352x16xf32, #tpu.memory_space<vmem_shared>> -> memref<100352x16xf32, #tpu.memory_space<vmem_shared>>
        tpu.enqueue_indirect_dma source(%dma_start3A_357 : memref<128x16xf32, #tpu.memory_space<vmem>>) target(%dma_start3A_363 : memref<100352x16xf32, #tpu.memory_space<vmem_shared>>) offsets(%dma_start3A_360 : memref<128xi32, #tpu.memory_space<vmem>>) semaphore(%arg15 : memref<!tpu.dma_semaphore, #tpu.memory_space<semaphore_mem>>) {add = true}
        %dma_wait3A_364 = arith.constant 5 : i32
        %dma_wait3A_365 = arith.constant 5 : i32
        %dma_wait3A_366 = arith.constant 0 : i32
        %dma_wait3A_367 = arith.constant 0 : i32
        %dma_wait3A_368 = tpu.memref_slice %arg10[%dma_wait3A_365, %dma_wait3A_366, %dma_wait3A_367] : memref<6x128x16xf32, #tpu.memory_space<vmem>> -> memref<1x128x16xf32, #tpu.memory_space<vmem>>
        %dma_wait3A_369 = tpu.memref_squeeze %dma_wait3A_368 : memref<1x128x16xf32, #tpu.memory_space<vmem>> -> memref<128x16xf32, #tpu.memory_space<vmem>>
        %dma_wait3A_370 = arith.constant 0 : i32
        %dma_wait3A_371 = tpu.memref_slice %arg6[%dma_wait3A_364, %dma_wait3A_370] : memref<6x128xi32, #tpu.memory_space<vmem>> -> memref<1x128xi32, #tpu.memory_space<vmem>>
        %dma_wait3A_372 = tpu.memref_squeeze %dma_wait3A_371 : memref<1x128xi32, #tpu.memory_space<vmem>> -> memref<128xi32, #tpu.memory_space<vmem>>
        %dma_wait3A_373 = arith.constant 0 : i32
        %dma_wait3A_374 = arith.constant 0 : i32
        %dma_wait3A_375 = tpu.memref_slice %arg4[%dma_wait3A_373, %dma_wait3A_374] : memref<100352x16xf32, #tpu.memory_space<hbm>> -> memref<100352x16xf32, #tpu.memory_space<hbm>>
        tpu.wait_indirect_dma semaphore(%arg13 : memref<!tpu.dma_semaphore, #tpu.memory_space<semaphore_mem>>) src(%dma_wait3A_375 : memref<100352x16xf32, #tpu.memory_space<hbm>>) dst(%dma_wait3A_369 : memref<128x16xf32, #tpu.memory_space<vmem>>)
        %dma_start3A_376 = arith.constant 5 : i32
        %dma_start3A_377 = arith.constant 5 : i32
        %dma_start3A_378 = arith.constant 0 : i32
        %dma_start3A_379 = arith.constant 0 : i32
        %dma_start3A_380 = tpu.memref_slice %arg10[%dma_start3A_376, %dma_start3A_378, %dma_start3A_379] : memref<6x128x16xf32, #tpu.memory_space<vmem>> -> memref<1x128x16xf32, #tpu.memory_space<vmem>>
        %dma_start3A_381 = tpu.memref_squeeze %dma_start3A_380 : memref<1x128x16xf32, #tpu.memory_space<vmem>> -> memref<128x16xf32, #tpu.memory_space<vmem>>
        %dma_start3A_382 = arith.constant 0 : i32
        %dma_start3A_383 = tpu.memref_slice %arg8[%dma_start3A_377, %dma_start3A_382] : memref<6x128xi32, #tpu.memory_space<vmem>> -> memref<1x128xi32, #tpu.memory_space<vmem>>
        %dma_start3A_384 = tpu.memref_squeeze %dma_start3A_383 : memref<1x128xi32, #tpu.memory_space<vmem>> -> memref<128xi32, #tpu.memory_space<vmem>>
        %dma_start3A_385 = arith.constant 0 : i32
        %dma_start3A_386 = arith.constant 0 : i32
        %dma_start3A_387 = tpu.memref_slice %arg12[%dma_start3A_385, %dma_start3A_386] : memref<100352x16xf32, #tpu.memory_space<vmem_shared>> -> memref<100352x16xf32, #tpu.memory_space<vmem_shared>>
        tpu.enqueue_indirect_dma source(%dma_start3A_381 : memref<128x16xf32, #tpu.memory_space<vmem>>) target(%dma_start3A_387 : memref<100352x16xf32, #tpu.memory_space<vmem_shared>>) offsets(%dma_start3A_384 : memref<128xi32, #tpu.memory_space<vmem>>) semaphore(%arg15 : memref<!tpu.dma_semaphore, #tpu.memory_space<semaphore_mem>>) {add = true}
        %add3A_388 = arith.constant 2 : i32
        %add3A_389 = arith.addi %scan3A_195, %add3A_388 : i32
        %lt3A_390 = arith.constant 132 : i32
        %lt3A_391 = arith.cmpi slt, %add3A_389, %lt3A_390 : i32
        %convert_element_type3A_392 = arith.extui %lt3A_391 : i1 to i32
        %cond3A_393 = arith.constant 0 : i32
        %cond3A_394 = arith.cmpi ne, %convert_element_type3A_392, %cond3A_393 : i32
        scf.if %cond3A_394 {
          %add3A_395 = arith.constant 2 : i32
          %add3A_396 = arith.addi %scan3A_195, %add3A_395 : i32
          %mul3A_397 = arith.constant 6 : i32
          %mul3A_398 = arith.muli %add3A_396, %mul3A_397 : i32
          %add3A_399 = arith.addi %mul3A_2, %mul3A_398 : i32
          %dma_start3A_400 = arith.constant 0 : i32
          %dma_start3A_401 = tpu.memref_slice %arg2[%add3A_399, %dma_start3A_400] : memref<25344x128xi32, #tpu.memory_space<hbm>> -> memref<6x128xi32, #tpu.memory_space<hbm>>
          %dma_start3A_402 = arith.constant 0 : i32
          %dma_start3A_403 = tpu.memref_slice %arg2[%add3A_399, %dma_start3A_402] : memref<25344x128xi32, #tpu.memory_space<hbm>> -> memref<6x128xi32, #tpu.memory_space<hbm>>
          tpu.enqueue_dma source(%dma_start3A_403 : memref<6x128xi32, #tpu.memory_space<hbm>>) target(%arg6 : memref<6x128xi32, #tpu.memory_space<vmem>>) target_semaphore(%arg17 : memref<!tpu.dma_semaphore, #tpu.memory_space<semaphore_mem>>)
        } else {
        }
      } else {
      }
      %jit3A_208 = arith.constant 2 : i32
      %eq3A_209 = arith.constant 0 : i32
      %eq3A_210 = arith.cmpi eq, %jit3A_208, %eq3A_209 : i32
      %jit3A_211 = arith.constant 1 : i32
      %select_n3A_212 = arith.select %eq3A_210, %jit3A_211, %jit3A_208 : i32
      %rem3A_213 = arith.remsi %scan3A_195, %select_n3A_212 : i32
      %ne3A_214 = arith.constant 0 : i32
      %ne3A_215 = arith.cmpi ne, %rem3A_213, %ne3A_214 : i32
      %lt3A_216 = arith.constant 0 : i32
      %lt3A_217 = arith.cmpi slt, %rem3A_213, %lt3A_216 : i32
      %lt3A_218 = arith.constant 0 : i32
      %lt3A_219 = arith.cmpi slt, %select_n3A_212, %lt3A_218 : i32
      %ne3A_220 = arith.xori %lt3A_217, %lt3A_219 : i1
      %and3A_221 = arith.andi %ne3A_220, %ne3A_215 : i1
      %add3A_222 = arith.addi %rem3A_213, %select_n3A_212 : i32
      %select_n3A_223 = arith.select %and3A_221, %add3A_222, %rem3A_213 : i32
      %eq3A_224 = arith.constant 1 : i32
      %eq3A_225 = arith.cmpi eq, %select_n3A_223, %eq3A_224 : i32
      %convert_element_type3A_226 = arith.extui %eq3A_225 : i1 to i32
      %cond3A_227 = arith.constant 0 : i32
      %cond3A_228 = arith.cmpi ne, %convert_element_type3A_226, %cond3A_227 : i32
      scf.if %cond3A_228 {
        %ge3A = arith.constant 1 : i32
        %ge3A_229 = arith.cmpi sge, %scan3A_195, %ge3A : i32
        %convert_element_type3A_230 = arith.extui %ge3A_229 : i1 to i32
        %cond3A_231 = arith.constant 0 : i32
        %cond3A_232 = arith.cmpi ne, %convert_element_type3A_230, %cond3A_231 : i32
        scf.if %cond3A_232 {
          %dma_wait3A_395 = arith.constant 0 : i32
          %dma_wait3A_396 = arith.constant 0 : i32
          %dma_wait3A_397 = arith.constant 0 : i32
          %dma_wait3A_398 = arith.constant 0 : i32
          %dma_wait3A_399 = tpu.memref_slice %arg10[%dma_wait3A_395, %dma_wait3A_397, %dma_wait3A_398] : memref<6x128x16xf32, #tpu.memory_space<vmem>> -> memref<1x128x16xf32, #tpu.memory_space<vmem>>
          %dma_wait3A_400 = tpu.memref_squeeze %dma_wait3A_399 : memref<1x128x16xf32, #tpu.memory_space<vmem>> -> memref<128x16xf32, #tpu.memory_space<vmem>>
          %dma_wait3A_401 = arith.constant 0 : i32
          %dma_wait3A_402 = tpu.memref_slice %arg8[%dma_wait3A_396, %dma_wait3A_401] : memref<6x128xi32, #tpu.memory_space<vmem>> -> memref<1x128xi32, #tpu.memory_space<vmem>>
          %dma_wait3A_403 = tpu.memref_squeeze %dma_wait3A_402 : memref<1x128xi32, #tpu.memory_space<vmem>> -> memref<128xi32, #tpu.memory_space<vmem>>
          %dma_wait3A_404 = arith.constant 0 : i32
          %dma_wait3A_405 = arith.constant 0 : i32
          %dma_wait3A_406 = tpu.memref_slice %arg12[%dma_wait3A_404, %dma_wait3A_405] : memref<100352x16xf32, #tpu.memory_space<vmem_shared>> -> memref<100352x16xf32, #tpu.memory_space<vmem_shared>>
          tpu.wait_indirect_dma semaphore(%arg15 : memref<!tpu.dma_semaphore, #tpu.memory_space<semaphore_mem>>) src(%dma_wait3A_400 : memref<128x16xf32, #tpu.memory_space<vmem>>) dst(%dma_wait3A_406 : memref<100352x16xf32, #tpu.memory_space<vmem_shared>>)
          %dma_wait3A_407 = arith.constant 1 : i32
          %dma_wait3A_408 = arith.constant 1 : i32
          %dma_wait3A_409 = arith.constant 0 : i32
          %dma_wait3A_410 = arith.constant 0 : i32
          %dma_wait3A_411 = tpu.memref_slice %arg10[%dma_wait3A_407, %dma_wait3A_409, %dma_wait3A_410] : memref<6x128x16xf32, #tpu.memory_space<vmem>> -> memref<1x128x16xf32, #tpu.memory_space<vmem>>
          %dma_wait3A_412 = tpu.memref_squeeze %dma_wait3A_411 : memref<1x128x16xf32, #tpu.memory_space<vmem>> -> memref<128x16xf32, #tpu.memory_space<vmem>>
          %dma_wait3A_413 = arith.constant 0 : i32
          %dma_wait3A_414 = tpu.memref_slice %arg8[%dma_wait3A_408, %dma_wait3A_413] : memref<6x128xi32, #tpu.memory_space<vmem>> -> memref<1x128xi32, #tpu.memory_space<vmem>>
          %dma_wait3A_415 = tpu.memref_squeeze %dma_wait3A_414 : memref<1x128xi32, #tpu.memory_space<vmem>> -> memref<128xi32, #tpu.memory_space<vmem>>
          %dma_wait3A_416 = arith.constant 0 : i32
          %dma_wait3A_417 = arith.constant 0 : i32
          %dma_wait3A_418 = tpu.memref_slice %arg12[%dma_wait3A_416, %dma_wait3A_417] : memref<100352x16xf32, #tpu.memory_space<vmem_shared>> -> memref<100352x16xf32, #tpu.memory_space<vmem_shared>>
          tpu.wait_indirect_dma semaphore(%arg15 : memref<!tpu.dma_semaphore, #tpu.memory_space<semaphore_mem>>) src(%dma_wait3A_412 : memref<128x16xf32, #tpu.memory_space<vmem>>) dst(%dma_wait3A_418 : memref<100352x16xf32, #tpu.memory_space<vmem_shared>>)
          %dma_wait3A_419 = arith.constant 2 : i32
          %dma_wait3A_420 = arith.constant 2 : i32
          %dma_wait3A_421 = arith.constant 0 : i32
          %dma_wait3A_422 = arith.constant 0 : i32
          %dma_wait3A_423 = tpu.memref_slice %arg10[%dma_wait3A_419, %dma_wait3A_421, %dma_wait3A_422] : memref<6x128x16xf32, #tpu.memory_space<vmem>> -> memref<1x128x16xf32, #tpu.memory_space<vmem>>
          %dma_wait3A_424 = tpu.memref_squeeze %dma_wait3A_423 : memref<1x128x16xf32, #tpu.memory_space<vmem>> -> memref<128x16xf32, #tpu.memory_space<vmem>>
          %dma_wait3A_425 = arith.constant 0 : i32
          %dma_wait3A_426 = tpu.memref_slice %arg8[%dma_wait3A_420, %dma_wait3A_425] : memref<6x128xi32, #tpu.memory_space<vmem>> -> memref<1x128xi32, #tpu.memory_space<vmem>>
          %dma_wait3A_427 = tpu.memref_squeeze %dma_wait3A_426 : memref<1x128xi32, #tpu.memory_space<vmem>> -> memref<128xi32, #tpu.memory_space<vmem>>
          %dma_wait3A_428 = arith.constant 0 : i32
          %dma_wait3A_429 = arith.constant 0 : i32
          %dma_wait3A_430 = tpu.memref_slice %arg12[%dma_wait3A_428, %dma_wait3A_429] : memref<100352x16xf32, #tpu.memory_space<vmem_shared>> -> memref<100352x16xf32, #tpu.memory_space<vmem_shared>>
          tpu.wait_indirect_dma semaphore(%arg15 : memref<!tpu.dma_semaphore, #tpu.memory_space<semaphore_mem>>) src(%dma_wait3A_424 : memref<128x16xf32, #tpu.memory_space<vmem>>) dst(%dma_wait3A_430 : memref<100352x16xf32, #tpu.memory_space<vmem_shared>>)
          %dma_wait3A_431 = arith.constant 3 : i32
          %dma_wait3A_432 = arith.constant 3 : i32
          %dma_wait3A_433 = arith.constant 0 : i32
          %dma_wait3A_434 = arith.constant 0 : i32
          %dma_wait3A_435 = tpu.memref_slice %arg10[%dma_wait3A_431, %dma_wait3A_433, %dma_wait3A_434] : memref<6x128x16xf32, #tpu.memory_space<vmem>> -> memref<1x128x16xf32, #tpu.memory_space<vmem>>
          %dma_wait3A_436 = tpu.memref_squeeze %dma_wait3A_435 : memref<1x128x16xf32, #tpu.memory_space<vmem>> -> memref<128x16xf32, #tpu.memory_space<vmem>>
          %dma_wait3A_437 = arith.constant 0 : i32
          %dma_wait3A_438 = tpu.memref_slice %arg8[%dma_wait3A_432, %dma_wait3A_437] : memref<6x128xi32, #tpu.memory_space<vmem>> -> memref<1x128xi32, #tpu.memory_space<vmem>>
          %dma_wait3A_439 = tpu.memref_squeeze %dma_wait3A_438 : memref<1x128xi32, #tpu.memory_space<vmem>> -> memref<128xi32, #tpu.memory_space<vmem>>
          %dma_wait3A_440 = arith.constant 0 : i32
          %dma_wait3A_441 = arith.constant 0 : i32
          %dma_wait3A_442 = tpu.memref_slice %arg12[%dma_wait3A_440, %dma_wait3A_441] : memref<100352x16xf32, #tpu.memory_space<vmem_shared>> -> memref<100352x16xf32, #tpu.memory_space<vmem_shared>>
          tpu.wait_indirect_dma semaphore(%arg15 : memref<!tpu.dma_semaphore, #tpu.memory_space<semaphore_mem>>) src(%dma_wait3A_436 : memref<128x16xf32, #tpu.memory_space<vmem>>) dst(%dma_wait3A_442 : memref<100352x16xf32, #tpu.memory_space<vmem_shared>>)
          %dma_wait3A_443 = arith.constant 4 : i32
          %dma_wait3A_444 = arith.constant 4 : i32
          %dma_wait3A_445 = arith.constant 0 : i32
          %dma_wait3A_446 = arith.constant 0 : i32
          %dma_wait3A_447 = tpu.memref_slice %arg10[%dma_wait3A_443, %dma_wait3A_445, %dma_wait3A_446] : memref<6x128x16xf32, #tpu.memory_space<vmem>> -> memref<1x128x16xf32, #tpu.memory_space<vmem>>
          %dma_wait3A_448 = tpu.memref_squeeze %dma_wait3A_447 : memref<1x128x16xf32, #tpu.memory_space<vmem>> -> memref<128x16xf32, #tpu.memory_space<vmem>>
          %dma_wait3A_449 = arith.constant 0 : i32
          %dma_wait3A_450 = tpu.memref_slice %arg8[%dma_wait3A_444, %dma_wait3A_449] : memref<6x128xi32, #tpu.memory_space<vmem>> -> memref<1x128xi32, #tpu.memory_space<vmem>>
          %dma_wait3A_451 = tpu.memref_squeeze %dma_wait3A_450 : memref<1x128xi32, #tpu.memory_space<vmem>> -> memref<128xi32, #tpu.memory_space<vmem>>
          %dma_wait3A_452 = arith.constant 0 : i32
          %dma_wait3A_453 = arith.constant 0 : i32
          %dma_wait3A_454 = tpu.memref_slice %arg12[%dma_wait3A_452, %dma_wait3A_453] : memref<100352x16xf32, #tpu.memory_space<vmem_shared>> -> memref<100352x16xf32, #tpu.memory_space<vmem_shared>>
          tpu.wait_indirect_dma semaphore(%arg15 : memref<!tpu.dma_semaphore, #tpu.memory_space<semaphore_mem>>) src(%dma_wait3A_448 : memref<128x16xf32, #tpu.memory_space<vmem>>) dst(%dma_wait3A_454 : memref<100352x16xf32, #tpu.memory_space<vmem_shared>>)
          %dma_wait3A_455 = arith.constant 5 : i32
          %dma_wait3A_456 = arith.constant 5 : i32
          %dma_wait3A_457 = arith.constant 0 : i32
          %dma_wait3A_458 = arith.constant 0 : i32
          %dma_wait3A_459 = tpu.memref_slice %arg10[%dma_wait3A_455, %dma_wait3A_457, %dma_wait3A_458] : memref<6x128x16xf32, #tpu.memory_space<vmem>> -> memref<1x128x16xf32, #tpu.memory_space<vmem>>
          %dma_wait3A_460 = tpu.memref_squeeze %dma_wait3A_459 : memref<1x128x16xf32, #tpu.memory_space<vmem>> -> memref<128x16xf32, #tpu.memory_space<vmem>>
          %dma_wait3A_461 = arith.constant 0 : i32
          %dma_wait3A_462 = tpu.memref_slice %arg8[%dma_wait3A_456, %dma_wait3A_461] : memref<6x128xi32, #tpu.memory_space<vmem>> -> memref<1x128xi32, #tpu.memory_space<vmem>>
          %dma_wait3A_463 = tpu.memref_squeeze %dma_wait3A_462 : memref<1x128xi32, #tpu.memory_space<vmem>> -> memref<128xi32, #tpu.memory_space<vmem>>
          %dma_wait3A_464 = arith.constant 0 : i32
          %dma_wait3A_465 = arith.constant 0 : i32
          %dma_wait3A_466 = tpu.memref_slice %arg12[%dma_wait3A_464, %dma_wait3A_465] : memref<100352x16xf32, #tpu.memory_space<vmem_shared>> -> memref<100352x16xf32, #tpu.memory_space<vmem_shared>>
          tpu.wait_indirect_dma semaphore(%arg15 : memref<!tpu.dma_semaphore, #tpu.memory_space<semaphore_mem>>) src(%dma_wait3A_460 : memref<128x16xf32, #tpu.memory_space<vmem>>) dst(%dma_wait3A_466 : memref<100352x16xf32, #tpu.memory_space<vmem_shared>>)
        } else {
        }
        %add3A_233 = arith.constant 1 : i32
        %add3A_234 = arith.addi %scan3A_195, %add3A_233 : i32
        %lt3A_235 = arith.constant 132 : i32
        %lt3A_236 = arith.cmpi slt, %add3A_234, %lt3A_235 : i32
        %convert_element_type3A_237 = arith.extui %lt3A_236 : i1 to i32
        %cond3A_238 = arith.constant 0 : i32
        %cond3A_239 = arith.cmpi ne, %convert_element_type3A_237, %cond3A_238 : i32
        scf.if %cond3A_239 {
          %add3A_395 = arith.constant 1 : i32
          %add3A_396 = arith.addi %scan3A_195, %add3A_395 : i32
          %mul3A_397 = arith.constant 6 : i32
          %mul3A_398 = arith.muli %add3A_396, %mul3A_397 : i32
          %add3A_399 = arith.addi %mul3A_2, %mul3A_398 : i32
          %dma_start3A_400 = arith.constant 0 : i32
          %dma_start3A_401 = tpu.memref_slice %arg3[%add3A_399, %dma_start3A_400] : memref<25344x128xi32, #tpu.memory_space<hbm>> -> memref<6x128xi32, #tpu.memory_space<hbm>>
          %dma_start3A_402 = arith.constant 0 : i32
          %dma_start3A_403 = tpu.memref_slice %arg3[%add3A_399, %dma_start3A_402] : memref<25344x128xi32, #tpu.memory_space<hbm>> -> memref<6x128xi32, #tpu.memory_space<hbm>>
          tpu.enqueue_dma source(%dma_start3A_403 : memref<6x128xi32, #tpu.memory_space<hbm>>) target(%arg8 : memref<6x128xi32, #tpu.memory_space<vmem>>) target_semaphore(%arg19 : memref<!tpu.dma_semaphore, #tpu.memory_space<semaphore_mem>>)
          %dma_wait3A_404 = arith.constant 0 : i32
          %dma_wait3A_405 = tpu.memref_slice %arg2[%mul3A_2, %dma_wait3A_404] : memref<25344x128xi32, #tpu.memory_space<hbm>> -> memref<6x128xi32, #tpu.memory_space<hbm>>
          %dma_wait3A_406 = arith.constant 0 : i32
          %dma_wait3A_407 = tpu.memref_slice %arg2[%mul3A_2, %dma_wait3A_406] : memref<25344x128xi32, #tpu.memory_space<hbm>> -> memref<6x128xi32, #tpu.memory_space<hbm>>
          tpu.wait_dma2 semaphore(%arg17 : memref<!tpu.dma_semaphore, #tpu.memory_space<semaphore_mem>>) src(%dma_wait3A_407 : memref<6x128xi32, #tpu.memory_space<hbm>>) dst(%arg6 : memref<6x128xi32, #tpu.memory_space<vmem>>)
          %dma_start3A_408 = arith.constant 0 : i32
          %dma_start3A_409 = arith.constant 0 : i32
          %dma_start3A_410 = arith.constant 0 : i32
          %dma_start3A_411 = arith.constant 0 : i32
          %dma_start3A_412 = tpu.memref_slice %arg10[%dma_start3A_409, %dma_start3A_410, %dma_start3A_411] : memref<6x128x16xf32, #tpu.memory_space<vmem>> -> memref<1x128x16xf32, #tpu.memory_space<vmem>>
          %dma_start3A_413 = tpu.memref_squeeze %dma_start3A_412 : memref<1x128x16xf32, #tpu.memory_space<vmem>> -> memref<128x16xf32, #tpu.memory_space<vmem>>
          %dma_start3A_414 = arith.constant 0 : i32
          %dma_start3A_415 = tpu.memref_slice %arg6[%dma_start3A_408, %dma_start3A_414] : memref<6x128xi32, #tpu.memory_space<vmem>> -> memref<1x128xi32, #tpu.memory_space<vmem>>
          %dma_start3A_416 = tpu.memref_squeeze %dma_start3A_415 : memref<1x128xi32, #tpu.memory_space<vmem>> -> memref<128xi32, #tpu.memory_space<vmem>>
          %dma_start3A_417 = arith.constant 0 : i32
          %dma_start3A_418 = arith.constant 0 : i32
          %dma_start3A_419 = tpu.memref_slice %arg4[%dma_start3A_417, %dma_start3A_418] : memref<100352x16xf32, #tpu.memory_space<hbm>> -> memref<100352x16xf32, #tpu.memory_space<hbm>>
          tpu.enqueue_indirect_dma source(%dma_start3A_419 : memref<100352x16xf32, #tpu.memory_space<hbm>>) target(%dma_start3A_413 : memref<128x16xf32, #tpu.memory_space<vmem>>) offsets(%dma_start3A_416 : memref<128xi32, #tpu.memory_space<vmem>>) semaphore(%arg13 : memref<!tpu.dma_semaphore, #tpu.memory_space<semaphore_mem>>)
          %dma_start3A_420 = arith.constant 1 : i32
          %dma_start3A_421 = arith.constant 1 : i32
          %dma_start3A_422 = arith.constant 0 : i32
          %dma_start3A_423 = arith.constant 0 : i32
          %dma_start3A_424 = tpu.memref_slice %arg10[%dma_start3A_421, %dma_start3A_422, %dma_start3A_423] : memref<6x128x16xf32, #tpu.memory_space<vmem>> -> memref<1x128x16xf32, #tpu.memory_space<vmem>>
          %dma_start3A_425 = tpu.memref_squeeze %dma_start3A_424 : memref<1x128x16xf32, #tpu.memory_space<vmem>> -> memref<128x16xf32, #tpu.memory_space<vmem>>
          %dma_start3A_426 = arith.constant 0 : i32
          %dma_start3A_427 = tpu.memref_slice %arg6[%dma_start3A_420, %dma_start3A_426] : memref<6x128xi32, #tpu.memory_space<vmem>> -> memref<1x128xi32, #tpu.memory_space<vmem>>
          %dma_start3A_428 = tpu.memref_squeeze %dma_start3A_427 : memref<1x128xi32, #tpu.memory_space<vmem>> -> memref<128xi32, #tpu.memory_space<vmem>>
          %dma_start3A_429 = arith.constant 0 : i32
          %dma_start3A_430 = arith.constant 0 : i32
          %dma_start3A_431 = tpu.memref_slice %arg4[%dma_start3A_429, %dma_start3A_430] : memref<100352x16xf32, #tpu.memory_space<hbm>> -> memref<100352x16xf32, #tpu.memory_space<hbm>>
          tpu.enqueue_indirect_dma source(%dma_start3A_431 : memref<100352x16xf32, #tpu.memory_space<hbm>>) target(%dma_start3A_425 : memref<128x16xf32, #tpu.memory_space<vmem>>) offsets(%dma_start3A_428 : memref<128xi32, #tpu.memory_space<vmem>>) semaphore(%arg13 : memref<!tpu.dma_semaphore, #tpu.memory_space<semaphore_mem>>)
          %dma_start3A_432 = arith.constant 2 : i32
          %dma_start3A_433 = arith.constant 2 : i32
          %dma_start3A_434 = arith.constant 0 : i32
          %dma_start3A_435 = arith.constant 0 : i32
          %dma_start3A_436 = tpu.memref_slice %arg10[%dma_start3A_433, %dma_start3A_434, %dma_start3A_435] : memref<6x128x16xf32, #tpu.memory_space<vmem>> -> memref<1x128x16xf32, #tpu.memory_space<vmem>>
          %dma_start3A_437 = tpu.memref_squeeze %dma_start3A_436 : memref<1x128x16xf32, #tpu.memory_space<vmem>> -> memref<128x16xf32, #tpu.memory_space<vmem>>
          %dma_start3A_438 = arith.constant 0 : i32
          %dma_start3A_439 = tpu.memref_slice %arg6[%dma_start3A_432, %dma_start3A_438] : memref<6x128xi32, #tpu.memory_space<vmem>> -> memref<1x128xi32, #tpu.memory_space<vmem>>
          %dma_start3A_440 = tpu.memref_squeeze %dma_start3A_439 : memref<1x128xi32, #tpu.memory_space<vmem>> -> memref<128xi32, #tpu.memory_space<vmem>>
          %dma_start3A_441 = arith.constant 0 : i32
          %dma_start3A_442 = arith.constant 0 : i32
          %dma_start3A_443 = tpu.memref_slice %arg4[%dma_start3A_441, %dma_start3A_442] : memref<100352x16xf32, #tpu.memory_space<hbm>> -> memref<100352x16xf32, #tpu.memory_space<hbm>>
          tpu.enqueue_indirect_dma source(%dma_start3A_443 : memref<100352x16xf32, #tpu.memory_space<hbm>>) target(%dma_start3A_437 : memref<128x16xf32, #tpu.memory_space<vmem>>) offsets(%dma_start3A_440 : memref<128xi32, #tpu.memory_space<vmem>>) semaphore(%arg13 : memref<!tpu.dma_semaphore, #tpu.memory_space<semaphore_mem>>)
          %dma_start3A_444 = arith.constant 3 : i32
          %dma_start3A_445 = arith.constant 3 : i32
          %dma_start3A_446 = arith.constant 0 : i32
          %dma_start3A_447 = arith.constant 0 : i32
          %dma_start3A_448 = tpu.memref_slice %arg10[%dma_start3A_445, %dma_start3A_446, %dma_start3A_447] : memref<6x128x16xf32, #tpu.memory_space<vmem>> -> memref<1x128x16xf32, #tpu.memory_space<vmem>>
          %dma_start3A_449 = tpu.memref_squeeze %dma_start3A_448 : memref<1x128x16xf32, #tpu.memory_space<vmem>> -> memref<128x16xf32, #tpu.memory_space<vmem>>
          %dma_start3A_450 = arith.constant 0 : i32
          %dma_start3A_451 = tpu.memref_slice %arg6[%dma_start3A_444, %dma_start3A_450] : memref<6x128xi32, #tpu.memory_space<vmem>> -> memref<1x128xi32, #tpu.memory_space<vmem>>
          %dma_start3A_452 = tpu.memref_squeeze %dma_start3A_451 : memref<1x128xi32, #tpu.memory_space<vmem>> -> memref<128xi32, #tpu.memory_space<vmem>>
          %dma_start3A_453 = arith.constant 0 : i32
          %dma_start3A_454 = arith.constant 0 : i32
          %dma_start3A_455 = tpu.memref_slice %arg4[%dma_start3A_453, %dma_start3A_454] : memref<100352x16xf32, #tpu.memory_space<hbm>> -> memref<100352x16xf32, #tpu.memory_space<hbm>>
          tpu.enqueue_indirect_dma source(%dma_start3A_455 : memref<100352x16xf32, #tpu.memory_space<hbm>>) target(%dma_start3A_449 : memref<128x16xf32, #tpu.memory_space<vmem>>) offsets(%dma_start3A_452 : memref<128xi32, #tpu.memory_space<vmem>>) semaphore(%arg13 : memref<!tpu.dma_semaphore, #tpu.memory_space<semaphore_mem>>)
          %dma_start3A_456 = arith.constant 4 : i32
          %dma_start3A_457 = arith.constant 4 : i32
          %dma_start3A_458 = arith.constant 0 : i32
          %dma_start3A_459 = arith.constant 0 : i32
          %dma_start3A_460 = tpu.memref_slice %arg10[%dma_start3A_457, %dma_start3A_458, %dma_start3A_459] : memref<6x128x16xf32, #tpu.memory_space<vmem>> -> memref<1x128x16xf32, #tpu.memory_space<vmem>>
          %dma_start3A_461 = tpu.memref_squeeze %dma_start3A_460 : memref<1x128x16xf32, #tpu.memory_space<vmem>> -> memref<128x16xf32, #tpu.memory_space<vmem>>
          %dma_start3A_462 = arith.constant 0 : i32
          %dma_start3A_463 = tpu.memref_slice %arg6[%dma_start3A_456, %dma_start3A_462] : memref<6x128xi32, #tpu.memory_space<vmem>> -> memref<1x128xi32, #tpu.memory_space<vmem>>
          %dma_start3A_464 = tpu.memref_squeeze %dma_start3A_463 : memref<1x128xi32, #tpu.memory_space<vmem>> -> memref<128xi32, #tpu.memory_space<vmem>>
          %dma_start3A_465 = arith.constant 0 : i32
          %dma_start3A_466 = arith.constant 0 : i32
          %dma_start3A_467 = tpu.memref_slice %arg4[%dma_start3A_465, %dma_start3A_466] : memref<100352x16xf32, #tpu.memory_space<hbm>> -> memref<100352x16xf32, #tpu.memory_space<hbm>>
          tpu.enqueue_indirect_dma source(%dma_start3A_467 : memref<100352x16xf32, #tpu.memory_space<hbm>>) target(%dma_start3A_461 : memref<128x16xf32, #tpu.memory_space<vmem>>) offsets(%dma_start3A_464 : memref<128xi32, #tpu.memory_space<vmem>>) semaphore(%arg13 : memref<!tpu.dma_semaphore, #tpu.memory_space<semaphore_mem>>)
          %dma_start3A_468 = arith.constant 5 : i32
          %dma_start3A_469 = arith.constant 5 : i32
          %dma_start3A_470 = arith.constant 0 : i32
          %dma_start3A_471 = arith.constant 0 : i32
          %dma_start3A_472 = tpu.memref_slice %arg10[%dma_start3A_469, %dma_start3A_470, %dma_start3A_471] : memref<6x128x16xf32, #tpu.memory_space<vmem>> -> memref<1x128x16xf32, #tpu.memory_space<vmem>>
          %dma_start3A_473 = tpu.memref_squeeze %dma_start3A_472 : memref<1x128x16xf32, #tpu.memory_space<vmem>> -> memref<128x16xf32, #tpu.memory_space<vmem>>
          %dma_start3A_474 = arith.constant 0 : i32
          %dma_start3A_475 = tpu.memref_slice %arg6[%dma_start3A_468, %dma_start3A_474] : memref<6x128xi32, #tpu.memory_space<vmem>> -> memref<1x128xi32, #tpu.memory_space<vmem>>
          %dma_start3A_476 = tpu.memref_squeeze %dma_start3A_475 : memref<1x128xi32, #tpu.memory_space<vmem>> -> memref<128xi32, #tpu.memory_space<vmem>>
          %dma_start3A_477 = arith.constant 0 : i32
          %dma_start3A_478 = arith.constant 0 : i32
          %dma_start3A_479 = tpu.memref_slice %arg4[%dma_start3A_477, %dma_start3A_478] : memref<100352x16xf32, #tpu.memory_space<hbm>> -> memref<100352x16xf32, #tpu.memory_space<hbm>>
          tpu.enqueue_indirect_dma source(%dma_start3A_479 : memref<100352x16xf32, #tpu.memory_space<hbm>>) target(%dma_start3A_473 : memref<128x16xf32, #tpu.memory_space<vmem>>) offsets(%dma_start3A_476 : memref<128xi32, #tpu.memory_space<vmem>>) semaphore(%arg13 : memref<!tpu.dma_semaphore, #tpu.memory_space<semaphore_mem>>)
        } else {
        }
        %dma_wait3A_240 = arith.constant 0 : i32
        %dma_wait3A_241 = tpu.memref_slice %arg3[%mul3A_2, %dma_wait3A_240] : memref<25344x128xi32, #tpu.memory_space<hbm>> -> memref<6x128xi32, #tpu.memory_space<hbm>>
        %dma_wait3A_242 = arith.constant 0 : i32
        %dma_wait3A_243 = tpu.memref_slice %arg3[%mul3A_2, %dma_wait3A_242] : memref<25344x128xi32, #tpu.memory_space<hbm>> -> memref<6x128xi32, #tpu.memory_space<hbm>>
        tpu.wait_dma2 semaphore(%arg20 : memref<!tpu.dma_semaphore, #tpu.memory_space<semaphore_mem>>) src(%dma_wait3A_243 : memref<6x128xi32, #tpu.memory_space<hbm>>) dst(%arg9 : memref<6x128xi32, #tpu.memory_space<vmem>>)
        %dma_wait3A_244 = arith.constant 0 : i32
        %dma_wait3A_245 = arith.constant 0 : i32
        %dma_wait3A_246 = arith.constant 0 : i32
        %dma_wait3A_247 = arith.constant 0 : i32
        %dma_wait3A_248 = tpu.memref_slice %arg11[%dma_wait3A_245, %dma_wait3A_246, %dma_wait3A_247] : memref<6x128x16xf32, #tpu.memory_space<vmem>> -> memref<1x128x16xf32, #tpu.memory_space<vmem>>
        %dma_wait3A_249 = tpu.memref_squeeze %dma_wait3A_248 : memref<1x128x16xf32, #tpu.memory_space<vmem>> -> memref<128x16xf32, #tpu.memory_space<vmem>>
        %dma_wait3A_250 = arith.constant 0 : i32
        %dma_wait3A_251 = tpu.memref_slice %arg7[%dma_wait3A_244, %dma_wait3A_250] : memref<6x128xi32, #tpu.memory_space<vmem>> -> memref<1x128xi32, #tpu.memory_space<vmem>>
        %dma_wait3A_252 = tpu.memref_squeeze %dma_wait3A_251 : memref<1x128xi32, #tpu.memory_space<vmem>> -> memref<128xi32, #tpu.memory_space<vmem>>
        %dma_wait3A_253 = arith.constant 0 : i32
        %dma_wait3A_254 = arith.constant 0 : i32
        %dma_wait3A_255 = tpu.memref_slice %arg4[%dma_wait3A_253, %dma_wait3A_254] : memref<100352x16xf32, #tpu.memory_space<hbm>> -> memref<100352x16xf32, #tpu.memory_space<hbm>>
        tpu.wait_indirect_dma semaphore(%arg14 : memref<!tpu.dma_semaphore, #tpu.memory_space<semaphore_mem>>) src(%dma_wait3A_255 : memref<100352x16xf32, #tpu.memory_space<hbm>>) dst(%dma_wait3A_249 : memref<128x16xf32, #tpu.memory_space<vmem>>)
        %dma_start3A_256 = arith.constant 0 : i32
        %dma_start3A_257 = arith.constant 0 : i32
        %dma_start3A_258 = arith.constant 0 : i32
        %dma_start3A_259 = arith.constant 0 : i32
        %dma_start3A_260 = tpu.memref_slice %arg11[%dma_start3A_256, %dma_start3A_258, %dma_start3A_259] : memref<6x128x16xf32, #tpu.memory_space<vmem>> -> memref<1x128x16xf32, #tpu.memory_space<vmem>>
        %dma_start3A_261 = tpu.memref_squeeze %dma_start3A_260 : memref<1x128x16xf32, #tpu.memory_space<vmem>> -> memref<128x16xf32, #tpu.memory_space<vmem>>
        %dma_start3A_262 = arith.constant 0 : i32
        %dma_start3A_263 = tpu.memref_slice %arg9[%dma_start3A_257, %dma_start3A_262] : memref<6x128xi32, #tpu.memory_space<vmem>> -> memref<1x128xi32, #tpu.memory_space<vmem>>
        %dma_start3A_264 = tpu.memref_squeeze %dma_start3A_263 : memref<1x128xi32, #tpu.memory_space<vmem>> -> memref<128xi32, #tpu.memory_space<vmem>>
        %dma_start3A_265 = arith.constant 0 : i32
        %dma_start3A_266 = arith.constant 0 : i32
        %dma_start3A_267 = tpu.memref_slice %arg12[%dma_start3A_265, %dma_start3A_266] : memref<100352x16xf32, #tpu.memory_space<vmem_shared>> -> memref<100352x16xf32, #tpu.memory_space<vmem_shared>>
        tpu.enqueue_indirect_dma source(%dma_start3A_261 : memref<128x16xf32, #tpu.memory_space<vmem>>) target(%dma_start3A_267 : memref<100352x16xf32, #tpu.memory_space<vmem_shared>>) offsets(%dma_start3A_264 : memref<128xi32, #tpu.memory_space<vmem>>) semaphore(%arg16 : memref<!tpu.dma_semaphore, #tpu.memory_space<semaphore_mem>>) {add = true}
        %dma_wait3A_268 = arith.constant 1 : i32
        %dma_wait3A_269 = arith.constant 1 : i32
        %dma_wait3A_270 = arith.constant 0 : i32
        %dma_wait3A_271 = arith.constant 0 : i32
        %dma_wait3A_272 = tpu.memref_slice %arg11[%dma_wait3A_269, %dma_wait3A_270, %dma_wait3A_271] : memref<6x128x16xf32, #tpu.memory_space<vmem>> -> memref<1x128x16xf32, #tpu.memory_space<vmem>>
        %dma_wait3A_273 = tpu.memref_squeeze %dma_wait3A_272 : memref<1x128x16xf32, #tpu.memory_space<vmem>> -> memref<128x16xf32, #tpu.memory_space<vmem>>
        %dma_wait3A_274 = arith.constant 0 : i32
        %dma_wait3A_275 = tpu.memref_slice %arg7[%dma_wait3A_268, %dma_wait3A_274] : memref<6x128xi32, #tpu.memory_space<vmem>> -> memref<1x128xi32, #tpu.memory_space<vmem>>
        %dma_wait3A_276 = tpu.memref_squeeze %dma_wait3A_275 : memref<1x128xi32, #tpu.memory_space<vmem>> -> memref<128xi32, #tpu.memory_space<vmem>>
        %dma_wait3A_277 = arith.constant 0 : i32
        %dma_wait3A_278 = arith.constant 0 : i32
        %dma_wait3A_279 = tpu.memref_slice %arg4[%dma_wait3A_277, %dma_wait3A_278] : memref<100352x16xf32, #tpu.memory_space<hbm>> -> memref<100352x16xf32, #tpu.memory_space<hbm>>
        tpu.wait_indirect_dma semaphore(%arg14 : memref<!tpu.dma_semaphore, #tpu.memory_space<semaphore_mem>>) src(%dma_wait3A_279 : memref<100352x16xf32, #tpu.memory_space<hbm>>) dst(%dma_wait3A_273 : memref<128x16xf32, #tpu.memory_space<vmem>>)
        %dma_start3A_280 = arith.constant 1 : i32
        %dma_start3A_281 = arith.constant 1 : i32
        %dma_start3A_282 = arith.constant 0 : i32
        %dma_start3A_283 = arith.constant 0 : i32
        %dma_start3A_284 = tpu.memref_slice %arg11[%dma_start3A_280, %dma_start3A_282, %dma_start3A_283] : memref<6x128x16xf32, #tpu.memory_space<vmem>> -> memref<1x128x16xf32, #tpu.memory_space<vmem>>
        %dma_start3A_285 = tpu.memref_squeeze %dma_start3A_284 : memref<1x128x16xf32, #tpu.memory_space<vmem>> -> memref<128x16xf32, #tpu.memory_space<vmem>>
        %dma_start3A_286 = arith.constant 0 : i32
        %dma_start3A_287 = tpu.memref_slice %arg9[%dma_start3A_281, %dma_start3A_286] : memref<6x128xi32, #tpu.memory_space<vmem>> -> memref<1x128xi32, #tpu.memory_space<vmem>>
        %dma_start3A_288 = tpu.memref_squeeze %dma_start3A_287 : memref<1x128xi32, #tpu.memory_space<vmem>> -> memref<128xi32, #tpu.memory_space<vmem>>
        %dma_start3A_289 = arith.constant 0 : i32
        %dma_start3A_290 = arith.constant 0 : i32
        %dma_start3A_291 = tpu.memref_slice %arg12[%dma_start3A_289, %dma_start3A_290] : memref<100352x16xf32, #tpu.memory_space<vmem_shared>> -> memref<100352x16xf32, #tpu.memory_space<vmem_shared>>
        tpu.enqueue_indirect_dma source(%dma_start3A_285 : memref<128x16xf32, #tpu.memory_space<vmem>>) target(%dma_start3A_291 : memref<100352x16xf32, #tpu.memory_space<vmem_shared>>) offsets(%dma_start3A_288 : memref<128xi32, #tpu.memory_space<vmem>>) semaphore(%arg16 : memref<!tpu.dma_semaphore, #tpu.memory_space<semaphore_mem>>) {add = true}
        %dma_wait3A_292 = arith.constant 2 : i32
        %dma_wait3A_293 = arith.constant 2 : i32
        %dma_wait3A_294 = arith.constant 0 : i32
        %dma_wait3A_295 = arith.constant 0 : i32
        %dma_wait3A_296 = tpu.memref_slice %arg11[%dma_wait3A_293, %dma_wait3A_294, %dma_wait3A_295] : memref<6x128x16xf32, #tpu.memory_space<vmem>> -> memref<1x128x16xf32, #tpu.memory_space<vmem>>
        %dma_wait3A_297 = tpu.memref_squeeze %dma_wait3A_296 : memref<1x128x16xf32, #tpu.memory_space<vmem>> -> memref<128x16xf32, #tpu.memory_space<vmem>>
        %dma_wait3A_298 = arith.constant 0 : i32
        %dma_wait3A_299 = tpu.memref_slice %arg7[%dma_wait3A_292, %dma_wait3A_298] : memref<6x128xi32, #tpu.memory_space<vmem>> -> memref<1x128xi32, #tpu.memory_space<vmem>>
        %dma_wait3A_300 = tpu.memref_squeeze %dma_wait3A_299 : memref<1x128xi32, #tpu.memory_space<vmem>> -> memref<128xi32, #tpu.memory_space<vmem>>
        %dma_wait3A_301 = arith.constant 0 : i32
        %dma_wait3A_302 = arith.constant 0 : i32
        %dma_wait3A_303 = tpu.memref_slice %arg4[%dma_wait3A_301, %dma_wait3A_302] : memref<100352x16xf32, #tpu.memory_space<hbm>> -> memref<100352x16xf32, #tpu.memory_space<hbm>>
        tpu.wait_indirect_dma semaphore(%arg14 : memref<!tpu.dma_semaphore, #tpu.memory_space<semaphore_mem>>) src(%dma_wait3A_303 : memref<100352x16xf32, #tpu.memory_space<hbm>>) dst(%dma_wait3A_297 : memref<128x16xf32, #tpu.memory_space<vmem>>)
        %dma_start3A_304 = arith.constant 2 : i32
        %dma_start3A_305 = arith.constant 2 : i32
        %dma_start3A_306 = arith.constant 0 : i32
        %dma_start3A_307 = arith.constant 0 : i32
        %dma_start3A_308 = tpu.memref_slice %arg11[%dma_start3A_304, %dma_start3A_306, %dma_start3A_307] : memref<6x128x16xf32, #tpu.memory_space<vmem>> -> memref<1x128x16xf32, #tpu.memory_space<vmem>>
        %dma_start3A_309 = tpu.memref_squeeze %dma_start3A_308 : memref<1x128x16xf32, #tpu.memory_space<vmem>> -> memref<128x16xf32, #tpu.memory_space<vmem>>
        %dma_start3A_310 = arith.constant 0 : i32
        %dma_start3A_311 = tpu.memref_slice %arg9[%dma_start3A_305, %dma_start3A_310] : memref<6x128xi32, #tpu.memory_space<vmem>> -> memref<1x128xi32, #tpu.memory_space<vmem>>
        %dma_start3A_312 = tpu.memref_squeeze %dma_start3A_311 : memref<1x128xi32, #tpu.memory_space<vmem>> -> memref<128xi32, #tpu.memory_space<vmem>>
        %dma_start3A_313 = arith.constant 0 : i32
        %dma_start3A_314 = arith.constant 0 : i32
        %dma_start3A_315 = tpu.memref_slice %arg12[%dma_start3A_313, %dma_start3A_314] : memref<100352x16xf32, #tpu.memory_space<vmem_shared>> -> memref<100352x16xf32, #tpu.memory_space<vmem_shared>>
        tpu.enqueue_indirect_dma source(%dma_start3A_309 : memref<128x16xf32, #tpu.memory_space<vmem>>) target(%dma_start3A_315 : memref<100352x16xf32, #tpu.memory_space<vmem_shared>>) offsets(%dma_start3A_312 : memref<128xi32, #tpu.memory_space<vmem>>) semaphore(%arg16 : memref<!tpu.dma_semaphore, #tpu.memory_space<semaphore_mem>>) {add = true}
        %dma_wait3A_316 = arith.constant 3 : i32
        %dma_wait3A_317 = arith.constant 3 : i32
        %dma_wait3A_318 = arith.constant 0 : i32
        %dma_wait3A_319 = arith.constant 0 : i32
        %dma_wait3A_320 = tpu.memref_slice %arg11[%dma_wait3A_317, %dma_wait3A_318, %dma_wait3A_319] : memref<6x128x16xf32, #tpu.memory_space<vmem>> -> memref<1x128x16xf32, #tpu.memory_space<vmem>>
        %dma_wait3A_321 = tpu.memref_squeeze %dma_wait3A_320 : memref<1x128x16xf32, #tpu.memory_space<vmem>> -> memref<128x16xf32, #tpu.memory_space<vmem>>
        %dma_wait3A_322 = arith.constant 0 : i32
        %dma_wait3A_323 = tpu.memref_slice %arg7[%dma_wait3A_316, %dma_wait3A_322] : memref<6x128xi32, #tpu.memory_space<vmem>> -> memref<1x128xi32, #tpu.memory_space<vmem>>
        %dma_wait3A_324 = tpu.memref_squeeze %dma_wait3A_323 : memref<1x128xi32, #tpu.memory_space<vmem>> -> memref<128xi32, #tpu.memory_space<vmem>>
        %dma_wait3A_325 = arith.constant 0 : i32
        %dma_wait3A_326 = arith.constant 0 : i32
        %dma_wait3A_327 = tpu.memref_slice %arg4[%dma_wait3A_325, %dma_wait3A_326] : memref<100352x16xf32, #tpu.memory_space<hbm>> -> memref<100352x16xf32, #tpu.memory_space<hbm>>
        tpu.wait_indirect_dma semaphore(%arg14 : memref<!tpu.dma_semaphore, #tpu.memory_space<semaphore_mem>>) src(%dma_wait3A_327 : memref<100352x16xf32, #tpu.memory_space<hbm>>) dst(%dma_wait3A_321 : memref<128x16xf32, #tpu.memory_space<vmem>>)
        %dma_start3A_328 = arith.constant 3 : i32
        %dma_start3A_329 = arith.constant 3 : i32
        %dma_start3A_330 = arith.constant 0 : i32
        %dma_start3A_331 = arith.constant 0 : i32
        %dma_start3A_332 = tpu.memref_slice %arg11[%dma_start3A_328, %dma_start3A_330, %dma_start3A_331] : memref<6x128x16xf32, #tpu.memory_space<vmem>> -> memref<1x128x16xf32, #tpu.memory_space<vmem>>
        %dma_start3A_333 = tpu.memref_squeeze %dma_start3A_332 : memref<1x128x16xf32, #tpu.memory_space<vmem>> -> memref<128x16xf32, #tpu.memory_space<vmem>>
        %dma_start3A_334 = arith.constant 0 : i32
        %dma_start3A_335 = tpu.memref_slice %arg9[%dma_start3A_329, %dma_start3A_334] : memref<6x128xi32, #tpu.memory_space<vmem>> -> memref<1x128xi32, #tpu.memory_space<vmem>>
        %dma_start3A_336 = tpu.memref_squeeze %dma_start3A_335 : memref<1x128xi32, #tpu.memory_space<vmem>> -> memref<128xi32, #tpu.memory_space<vmem>>
        %dma_start3A_337 = arith.constant 0 : i32
        %dma_start3A_338 = arith.constant 0 : i32
        %dma_start3A_339 = tpu.memref_slice %arg12[%dma_start3A_337, %dma_start3A_338] : memref<100352x16xf32, #tpu.memory_space<vmem_shared>> -> memref<100352x16xf32, #tpu.memory_space<vmem_shared>>
        tpu.enqueue_indirect_dma source(%dma_start3A_333 : memref<128x16xf32, #tpu.memory_space<vmem>>) target(%dma_start3A_339 : memref<100352x16xf32, #tpu.memory_space<vmem_shared>>) offsets(%dma_start3A_336 : memref<128xi32, #tpu.memory_space<vmem>>) semaphore(%arg16 : memref<!tpu.dma_semaphore, #tpu.memory_space<semaphore_mem>>) {add = true}
        %dma_wait3A_340 = arith.constant 4 : i32
        %dma_wait3A_341 = arith.constant 4 : i32
        %dma_wait3A_342 = arith.constant 0 : i32
        %dma_wait3A_343 = arith.constant 0 : i32
        %dma_wait3A_344 = tpu.memref_slice %arg11[%dma_wait3A_341, %dma_wait3A_342, %dma_wait3A_343] : memref<6x128x16xf32, #tpu.memory_space<vmem>> -> memref<1x128x16xf32, #tpu.memory_space<vmem>>
        %dma_wait3A_345 = tpu.memref_squeeze %dma_wait3A_344 : memref<1x128x16xf32, #tpu.memory_space<vmem>> -> memref<128x16xf32, #tpu.memory_space<vmem>>
        %dma_wait3A_346 = arith.constant 0 : i32
        %dma_wait3A_347 = tpu.memref_slice %arg7[%dma_wait3A_340, %dma_wait3A_346] : memref<6x128xi32, #tpu.memory_space<vmem>> -> memref<1x128xi32, #tpu.memory_space<vmem>>
        %dma_wait3A_348 = tpu.memref_squeeze %dma_wait3A_347 : memref<1x128xi32, #tpu.memory_space<vmem>> -> memref<128xi32, #tpu.memory_space<vmem>>
        %dma_wait3A_349 = arith.constant 0 : i32
        %dma_wait3A_350 = arith.constant 0 : i32
        %dma_wait3A_351 = tpu.memref_slice %arg4[%dma_wait3A_349, %dma_wait3A_350] : memref<100352x16xf32, #tpu.memory_space<hbm>> -> memref<100352x16xf32, #tpu.memory_space<hbm>>
        tpu.wait_indirect_dma semaphore(%arg14 : memref<!tpu.dma_semaphore, #tpu.memory_space<semaphore_mem>>) src(%dma_wait3A_351 : memref<100352x16xf32, #tpu.memory_space<hbm>>) dst(%dma_wait3A_345 : memref<128x16xf32, #tpu.memory_space<vmem>>)
        %dma_start3A_352 = arith.constant 4 : i32
        %dma_start3A_353 = arith.constant 4 : i32
        %dma_start3A_354 = arith.constant 0 : i32
        %dma_start3A_355 = arith.constant 0 : i32
        %dma_start3A_356 = tpu.memref_slice %arg11[%dma_start3A_352, %dma_start3A_354, %dma_start3A_355] : memref<6x128x16xf32, #tpu.memory_space<vmem>> -> memref<1x128x16xf32, #tpu.memory_space<vmem>>
        %dma_start3A_357 = tpu.memref_squeeze %dma_start3A_356 : memref<1x128x16xf32, #tpu.memory_space<vmem>> -> memref<128x16xf32, #tpu.memory_space<vmem>>
        %dma_start3A_358 = arith.constant 0 : i32
        %dma_start3A_359 = tpu.memref_slice %arg9[%dma_start3A_353, %dma_start3A_358] : memref<6x128xi32, #tpu.memory_space<vmem>> -> memref<1x128xi32, #tpu.memory_space<vmem>>
        %dma_start3A_360 = tpu.memref_squeeze %dma_start3A_359 : memref<1x128xi32, #tpu.memory_space<vmem>> -> memref<128xi32, #tpu.memory_space<vmem>>
        %dma_start3A_361 = arith.constant 0 : i32
        %dma_start3A_362 = arith.constant 0 : i32
        %dma_start3A_363 = tpu.memref_slice %arg12[%dma_start3A_361, %dma_start3A_362] : memref<100352x16xf32, #tpu.memory_space<vmem_shared>> -> memref<100352x16xf32, #tpu.memory_space<vmem_shared>>
        tpu.enqueue_indirect_dma source(%dma_start3A_357 : memref<128x16xf32, #tpu.memory_space<vmem>>) target(%dma_start3A_363 : memref<100352x16xf32, #tpu.memory_space<vmem_shared>>) offsets(%dma_start3A_360 : memref<128xi32, #tpu.memory_space<vmem>>) semaphore(%arg16 : memref<!tpu.dma_semaphore, #tpu.memory_space<semaphore_mem>>) {add = true}
        %dma_wait3A_364 = arith.constant 5 : i32
        %dma_wait3A_365 = arith.constant 5 : i32
        %dma_wait3A_366 = arith.constant 0 : i32
        %dma_wait3A_367 = arith.constant 0 : i32
        %dma_wait3A_368 = tpu.memref_slice %arg11[%dma_wait3A_365, %dma_wait3A_366, %dma_wait3A_367] : memref<6x128x16xf32, #tpu.memory_space<vmem>> -> memref<1x128x16xf32, #tpu.memory_space<vmem>>
        %dma_wait3A_369 = tpu.memref_squeeze %dma_wait3A_368 : memref<1x128x16xf32, #tpu.memory_space<vmem>> -> memref<128x16xf32, #tpu.memory_space<vmem>>
        %dma_wait3A_370 = arith.constant 0 : i32
        %dma_wait3A_371 = tpu.memref_slice %arg7[%dma_wait3A_364, %dma_wait3A_370] : memref<6x128xi32, #tpu.memory_space<vmem>> -> memref<1x128xi32, #tpu.memory_space<vmem>>
        %dma_wait3A_372 = tpu.memref_squeeze %dma_wait3A_371 : memref<1x128xi32, #tpu.memory_space<vmem>> -> memref<128xi32, #tpu.memory_space<vmem>>
        %dma_wait3A_373 = arith.constant 0 : i32
        %dma_wait3A_374 = arith.constant 0 : i32
        %dma_wait3A_375 = tpu.memref_slice %arg4[%dma_wait3A_373, %dma_wait3A_374] : memref<100352x16xf32, #tpu.memory_space<hbm>> -> memref<100352x16xf32, #tpu.memory_space<hbm>>
        tpu.wait_indirect_dma semaphore(%arg14 : memref<!tpu.dma_semaphore, #tpu.memory_space<semaphore_mem>>) src(%dma_wait3A_375 : memref<100352x16xf32, #tpu.memory_space<hbm>>) dst(%dma_wait3A_369 : memref<128x16xf32, #tpu.memory_space<vmem>>)
        %dma_start3A_376 = arith.constant 5 : i32
        %dma_start3A_377 = arith.constant 5 : i32
        %dma_start3A_378 = arith.constant 0 : i32
        %dma_start3A_379 = arith.constant 0 : i32
        %dma_start3A_380 = tpu.memref_slice %arg11[%dma_start3A_376, %dma_start3A_378, %dma_start3A_379] : memref<6x128x16xf32, #tpu.memory_space<vmem>> -> memref<1x128x16xf32, #tpu.memory_space<vmem>>
        %dma_start3A_381 = tpu.memref_squeeze %dma_start3A_380 : memref<1x128x16xf32, #tpu.memory_space<vmem>> -> memref<128x16xf32, #tpu.memory_space<vmem>>
        %dma_start3A_382 = arith.constant 0 : i32
        %dma_start3A_383 = tpu.memref_slice %arg9[%dma_start3A_377, %dma_start3A_382] : memref<6x128xi32, #tpu.memory_space<vmem>> -> memref<1x128xi32, #tpu.memory_space<vmem>>
        %dma_start3A_384 = tpu.memref_squeeze %dma_start3A_383 : memref<1x128xi32, #tpu.memory_space<vmem>> -> memref<128xi32, #tpu.memory_space<vmem>>
        %dma_start3A_385 = arith.constant 0 : i32
        %dma_start3A_386 = arith.constant 0 : i32
        %dma_start3A_387 = tpu.memref_slice %arg12[%dma_start3A_385, %dma_start3A_386] : memref<100352x16xf32, #tpu.memory_space<vmem_shared>> -> memref<100352x16xf32, #tpu.memory_space<vmem_shared>>
        tpu.enqueue_indirect_dma source(%dma_start3A_381 : memref<128x16xf32, #tpu.memory_space<vmem>>) target(%dma_start3A_387 : memref<100352x16xf32, #tpu.memory_space<vmem_shared>>) offsets(%dma_start3A_384 : memref<128xi32, #tpu.memory_space<vmem>>) semaphore(%arg16 : memref<!tpu.dma_semaphore, #tpu.memory_space<semaphore_mem>>) {add = true}
        %add3A_388 = arith.constant 2 : i32
        %add3A_389 = arith.addi %scan3A_195, %add3A_388 : i32
        %lt3A_390 = arith.constant 132 : i32
        %lt3A_391 = arith.cmpi slt, %add3A_389, %lt3A_390 : i32
        %convert_element_type3A_392 = arith.extui %lt3A_391 : i1 to i32
        %cond3A_393 = arith.constant 0 : i32
        %cond3A_394 = arith.cmpi ne, %convert_element_type3A_392, %cond3A_393 : i32
        scf.if %cond3A_394 {
          %add3A_395 = arith.constant 2 : i32
          %add3A_396 = arith.addi %scan3A_195, %add3A_395 : i32
          %mul3A_397 = arith.constant 6 : i32
          %mul3A_398 = arith.muli %add3A_396, %mul3A_397 : i32
          %add3A_399 = arith.addi %mul3A_2, %mul3A_398 : i32
          %dma_start3A_400 = arith.constant 0 : i32
          %dma_start3A_401 = tpu.memref_slice %arg2[%add3A_399, %dma_start3A_400] : memref<25344x128xi32, #tpu.memory_space<hbm>> -> memref<6x128xi32, #tpu.memory_space<hbm>>
          %dma_start3A_402 = arith.constant 0 : i32
          %dma_start3A_403 = tpu.memref_slice %arg2[%add3A_399, %dma_start3A_402] : memref<25344x128xi32, #tpu.memory_space<hbm>> -> memref<6x128xi32, #tpu.memory_space<hbm>>
          tpu.enqueue_dma source(%dma_start3A_403 : memref<6x128xi32, #tpu.memory_space<hbm>>) target(%arg7 : memref<6x128xi32, #tpu.memory_space<vmem>>) target_semaphore(%arg18 : memref<!tpu.dma_semaphore, #tpu.memory_space<semaphore_mem>>)
        } else {
        }
      } else {
      }
    }
    %scan3A_117 = arith.constant 132 : i32
    %dma_wait3A_118 = arith.constant 0 : i32
    %dma_wait3A_119 = arith.constant 0 : i32
    %dma_wait3A_120 = arith.constant 0 : i32
    %dma_wait3A_121 = arith.constant 0 : i32
    %dma_wait3A_122 = tpu.memref_slice %arg11[%dma_wait3A_118, %dma_wait3A_120, %dma_wait3A_121] : memref<6x128x16xf32, #tpu.memory_space<vmem>> -> memref<1x128x16xf32, #tpu.memory_space<vmem>>
    %dma_wait3A_123 = tpu.memref_squeeze %dma_wait3A_122 : memref<1x128x16xf32, #tpu.memory_space<vmem>> -> memref<128x16xf32, #tpu.memory_space<vmem>>
    %dma_wait3A_124 = arith.constant 0 : i32
    %dma_wait3A_125 = tpu.memref_slice %arg9[%dma_wait3A_119, %dma_wait3A_124] : memref<6x128xi32, #tpu.memory_space<vmem>> -> memref<1x128xi32, #tpu.memory_space<vmem>>
    %dma_wait3A_126 = tpu.memref_squeeze %dma_wait3A_125 : memref<1x128xi32, #tpu.memory_space<vmem>> -> memref<128xi32, #tpu.memory_space<vmem>>
    %dma_wait3A_127 = arith.constant 0 : i32
    %dma_wait3A_128 = arith.constant 0 : i32
    %dma_wait3A_129 = tpu.memref_slice %arg12[%dma_wait3A_127, %dma_wait3A_128] : memref<100352x16xf32, #tpu.memory_space<vmem_shared>> -> memref<100352x16xf32, #tpu.memory_space<vmem_shared>>
    tpu.wait_indirect_dma semaphore(%arg16 : memref<!tpu.dma_semaphore, #tpu.memory_space<semaphore_mem>>) src(%dma_wait3A_123 : memref<128x16xf32, #tpu.memory_space<vmem>>) dst(%dma_wait3A_129 : memref<100352x16xf32, #tpu.memory_space<vmem_shared>>)
    %dma_wait3A_130 = arith.constant 1 : i32
    %dma_wait3A_131 = arith.constant 1 : i32
    %dma_wait3A_132 = arith.constant 0 : i32
    %dma_wait3A_133 = arith.constant 0 : i32
    %dma_wait3A_134 = tpu.memref_slice %arg11[%dma_wait3A_130, %dma_wait3A_132, %dma_wait3A_133] : memref<6x128x16xf32, #tpu.memory_space<vmem>> -> memref<1x128x16xf32, #tpu.memory_space<vmem>>
    %dma_wait3A_135 = tpu.memref_squeeze %dma_wait3A_134 : memref<1x128x16xf32, #tpu.memory_space<vmem>> -> memref<128x16xf32, #tpu.memory_space<vmem>>
    %dma_wait3A_136 = arith.constant 0 : i32
    %dma_wait3A_137 = tpu.memref_slice %arg9[%dma_wait3A_131, %dma_wait3A_136] : memref<6x128xi32, #tpu.memory_space<vmem>> -> memref<1x128xi32, #tpu.memory_space<vmem>>
    %dma_wait3A_138 = tpu.memref_squeeze %dma_wait3A_137 : memref<1x128xi32, #tpu.memory_space<vmem>> -> memref<128xi32, #tpu.memory_space<vmem>>
    %dma_wait3A_139 = arith.constant 0 : i32
    %dma_wait3A_140 = arith.constant 0 : i32
    %dma_wait3A_141 = tpu.memref_slice %arg12[%dma_wait3A_139, %dma_wait3A_140] : memref<100352x16xf32, #tpu.memory_space<vmem_shared>> -> memref<100352x16xf32, #tpu.memory_space<vmem_shared>>
    tpu.wait_indirect_dma semaphore(%arg16 : memref<!tpu.dma_semaphore, #tpu.memory_space<semaphore_mem>>) src(%dma_wait3A_135 : memref<128x16xf32, #tpu.memory_space<vmem>>) dst(%dma_wait3A_141 : memref<100352x16xf32, #tpu.memory_space<vmem_shared>>)
    %dma_wait3A_142 = arith.constant 2 : i32
    %dma_wait3A_143 = arith.constant 2 : i32
    %dma_wait3A_144 = arith.constant 0 : i32
    %dma_wait3A_145 = arith.constant 0 : i32
    %dma_wait3A_146 = tpu.memref_slice %arg11[%dma_wait3A_142, %dma_wait3A_144, %dma_wait3A_145] : memref<6x128x16xf32, #tpu.memory_space<vmem>> -> memref<1x128x16xf32, #tpu.memory_space<vmem>>
    %dma_wait3A_147 = tpu.memref_squeeze %dma_wait3A_146 : memref<1x128x16xf32, #tpu.memory_space<vmem>> -> memref<128x16xf32, #tpu.memory_space<vmem>>
    %dma_wait3A_148 = arith.constant 0 : i32
    %dma_wait3A_149 = tpu.memref_slice %arg9[%dma_wait3A_143, %dma_wait3A_148] : memref<6x128xi32, #tpu.memory_space<vmem>> -> memref<1x128xi32, #tpu.memory_space<vmem>>
    %dma_wait3A_150 = tpu.memref_squeeze %dma_wait3A_149 : memref<1x128xi32, #tpu.memory_space<vmem>> -> memref<128xi32, #tpu.memory_space<vmem>>
    %dma_wait3A_151 = arith.constant 0 : i32
    %dma_wait3A_152 = arith.constant 0 : i32
    %dma_wait3A_153 = tpu.memref_slice %arg12[%dma_wait3A_151, %dma_wait3A_152] : memref<100352x16xf32, #tpu.memory_space<vmem_shared>> -> memref<100352x16xf32, #tpu.memory_space<vmem_shared>>
    tpu.wait_indirect_dma semaphore(%arg16 : memref<!tpu.dma_semaphore, #tpu.memory_space<semaphore_mem>>) src(%dma_wait3A_147 : memref<128x16xf32, #tpu.memory_space<vmem>>) dst(%dma_wait3A_153 : memref<100352x16xf32, #tpu.memory_space<vmem_shared>>)
    %dma_wait3A_154 = arith.constant 3 : i32
    %dma_wait3A_155 = arith.constant 3 : i32
    %dma_wait3A_156 = arith.constant 0 : i32
    %dma_wait3A_157 = arith.constant 0 : i32
    %dma_wait3A_158 = tpu.memref_slice %arg11[%dma_wait3A_154, %dma_wait3A_156, %dma_wait3A_157] : memref<6x128x16xf32, #tpu.memory_space<vmem>> -> memref<1x128x16xf32, #tpu.memory_space<vmem>>
    %dma_wait3A_159 = tpu.memref_squeeze %dma_wait3A_158 : memref<1x128x16xf32, #tpu.memory_space<vmem>> -> memref<128x16xf32, #tpu.memory_space<vmem>>
    %dma_wait3A_160 = arith.constant 0 : i32
    %dma_wait3A_161 = tpu.memref_slice %arg9[%dma_wait3A_155, %dma_wait3A_160] : memref<6x128xi32, #tpu.memory_space<vmem>> -> memref<1x128xi32, #tpu.memory_space<vmem>>
    %dma_wait3A_162 = tpu.memref_squeeze %dma_wait3A_161 : memref<1x128xi32, #tpu.memory_space<vmem>> -> memref<128xi32, #tpu.memory_space<vmem>>
    %dma_wait3A_163 = arith.constant 0 : i32
    %dma_wait3A_164 = arith.constant 0 : i32
    %dma_wait3A_165 = tpu.memref_slice %arg12[%dma_wait3A_163, %dma_wait3A_164] : memref<100352x16xf32, #tpu.memory_space<vmem_shared>> -> memref<100352x16xf32, #tpu.memory_space<vmem_shared>>
    tpu.wait_indirect_dma semaphore(%arg16 : memref<!tpu.dma_semaphore, #tpu.memory_space<semaphore_mem>>) src(%dma_wait3A_159 : memref<128x16xf32, #tpu.memory_space<vmem>>) dst(%dma_wait3A_165 : memref<100352x16xf32, #tpu.memory_space<vmem_shared>>)
    %dma_wait3A_166 = arith.constant 4 : i32
    %dma_wait3A_167 = arith.constant 4 : i32
    %dma_wait3A_168 = arith.constant 0 : i32
    %dma_wait3A_169 = arith.constant 0 : i32
    %dma_wait3A_170 = tpu.memref_slice %arg11[%dma_wait3A_166, %dma_wait3A_168, %dma_wait3A_169] : memref<6x128x16xf32, #tpu.memory_space<vmem>> -> memref<1x128x16xf32, #tpu.memory_space<vmem>>
    %dma_wait3A_171 = tpu.memref_squeeze %dma_wait3A_170 : memref<1x128x16xf32, #tpu.memory_space<vmem>> -> memref<128x16xf32, #tpu.memory_space<vmem>>
    %dma_wait3A_172 = arith.constant 0 : i32
    %dma_wait3A_173 = tpu.memref_slice %arg9[%dma_wait3A_167, %dma_wait3A_172] : memref<6x128xi32, #tpu.memory_space<vmem>> -> memref<1x128xi32, #tpu.memory_space<vmem>>
    %dma_wait3A_174 = tpu.memref_squeeze %dma_wait3A_173 : memref<1x128xi32, #tpu.memory_space<vmem>> -> memref<128xi32, #tpu.memory_space<vmem>>
    %dma_wait3A_175 = arith.constant 0 : i32
    %dma_wait3A_176 = arith.constant 0 : i32
    %dma_wait3A_177 = tpu.memref_slice %arg12[%dma_wait3A_175, %dma_wait3A_176] : memref<100352x16xf32, #tpu.memory_space<vmem_shared>> -> memref<100352x16xf32, #tpu.memory_space<vmem_shared>>
    tpu.wait_indirect_dma semaphore(%arg16 : memref<!tpu.dma_semaphore, #tpu.memory_space<semaphore_mem>>) src(%dma_wait3A_171 : memref<128x16xf32, #tpu.memory_space<vmem>>) dst(%dma_wait3A_177 : memref<100352x16xf32, #tpu.memory_space<vmem_shared>>)
    %dma_wait3A_178 = arith.constant 5 : i32
    %dma_wait3A_179 = arith.constant 5 : i32
    %dma_wait3A_180 = arith.constant 0 : i32
    %dma_wait3A_181 = arith.constant 0 : i32
    %dma_wait3A_182 = tpu.memref_slice %arg11[%dma_wait3A_178, %dma_wait3A_180, %dma_wait3A_181] : memref<6x128x16xf32, #tpu.memory_space<vmem>> -> memref<1x128x16xf32, #tpu.memory_space<vmem>>
    %dma_wait3A_183 = tpu.memref_squeeze %dma_wait3A_182 : memref<1x128x16xf32, #tpu.memory_space<vmem>> -> memref<128x16xf32, #tpu.memory_space<vmem>>
    %dma_wait3A_184 = arith.constant 0 : i32
    %dma_wait3A_185 = tpu.memref_slice %arg9[%dma_wait3A_179, %dma_wait3A_184] : memref<6x128xi32, #tpu.memory_space<vmem>> -> memref<1x128xi32, #tpu.memory_space<vmem>>
    %dma_wait3A_186 = tpu.memref_squeeze %dma_wait3A_185 : memref<1x128xi32, #tpu.memory_space<vmem>> -> memref<128xi32, #tpu.memory_space<vmem>>
    %dma_wait3A_187 = arith.constant 0 : i32
    %dma_wait3A_188 = arith.constant 0 : i32
    %dma_wait3A_189 = tpu.memref_slice %arg12[%dma_wait3A_187, %dma_wait3A_188] : memref<100352x16xf32, #tpu.memory_space<vmem_shared>> -> memref<100352x16xf32, #tpu.memory_space<vmem_shared>>
    tpu.wait_indirect_dma semaphore(%arg16 : memref<!tpu.dma_semaphore, #tpu.memory_space<semaphore_mem>>) src(%dma_wait3A_183 : memref<128x16xf32, #tpu.memory_space<vmem>>) dst(%dma_wait3A_189 : memref<100352x16xf32, #tpu.memory_space<vmem_shared>>)
    %barrier3A_190 = arith.constant 0 : index
    tpu.barrier barrier_id(%barrier3A_190)
    %mul3A_191 = arith.constant 6272 : i32
    %mul3A_192 = arith.muli %arg1, %mul3A_191 : i32
    %mul3A_193 = arith.constant 6272 : i32
    %mul3A_194 = arith.muli %arg1, %mul3A_193 : i32
    "tpu.region"() ({
      %run_scoped3A = tpu.sem_alloc : memref<!tpu.dma_semaphore, #tpu.memory_space<semaphore_mem>>
      %dma_start3A_195 = arith.constant 0 : i32
      %dma_start3A_196 = tpu.memref_slice %arg5[%arg0, %mul3A_194, %dma_start3A_195] : memref<2x100352x16xf32, #tpu.memory_space<hbm>> -> memref<1x6272x16xf32, #tpu.memory_space<hbm>>
      %dma_start3A_197 = tpu.memref_squeeze %dma_start3A_196 : memref<1x6272x16xf32, #tpu.memory_space<hbm>> -> memref<6272x16xf32, #tpu.memory_space<hbm>>
      %dma_start3A_198 = arith.constant 0 : i32
      %dma_start3A_199 = tpu.memref_slice %arg12[%mul3A_192, %dma_start3A_198] : memref<100352x16xf32, #tpu.memory_space<vmem_shared>> -> memref<6272x16xf32, #tpu.memory_space<vmem_shared>>
      tpu.enqueue_dma source(%dma_start3A_199 : memref<6272x16xf32, #tpu.memory_space<vmem_shared>>) target(%dma_start3A_197 : memref<6272x16xf32, #tpu.memory_space<hbm>>) target_semaphore(%run_scoped3A : memref<!tpu.dma_semaphore, #tpu.memory_space<semaphore_mem>>)
      %dma_wait3A_200 = arith.constant 0 : i32
      %dma_wait3A_201 = tpu.memref_slice %arg5[%arg0, %mul3A_194, %dma_wait3A_200] : memref<2x100352x16xf32, #tpu.memory_space<hbm>> -> memref<1x6272x16xf32, #tpu.memory_space<hbm>>
      %dma_wait3A_202 = tpu.memref_squeeze %dma_wait3A_201 : memref<1x6272x16xf32, #tpu.memory_space<hbm>> -> memref<6272x16xf32, #tpu.memory_space<hbm>>
      %dma_wait3A_203 = arith.constant 0 : i32
      %dma_wait3A_204 = tpu.memref_slice %arg12[%mul3A_192, %dma_wait3A_203] : memref<100352x16xf32, #tpu.memory_space<vmem_shared>> -> memref<6272x16xf32, #tpu.memory_space<vmem_shared>>
      tpu.wait_dma2 semaphore(%run_scoped3A : memref<!tpu.dma_semaphore, #tpu.memory_space<semaphore_mem>>) src(%dma_wait3A_204 : memref<6272x16xf32, #tpu.memory_space<vmem_shared>>) dst(%dma_wait3A_202 : memref<6272x16xf32, #tpu.memory_space<hbm>>)
      tpu.yield
    }) : () -> ()
    return
  }
}

module attributes {stable_mosaic.version = 14 : i64} {
  func.func @_tc0_body(%arg0: i32, %arg1: memref<2x448x128xf32, #tpu.memory_space<vmem>>, %arg2: memref<448x128xf32, #tpu.memory_space<vmem>>, %arg3: memref<448x128xf32, #tpu.memory_space<vmem>>, %arg4: memref<448x128xf32, #tpu.memory_space<vmem>>) attributes {dimension_semantics = [#tpu.dimension_semantics<arbitrary>], iteration_bounds = array<i64: 28>, scalar_prefetch = 0 : i64, scratch_operands = 0 : i64, tpu.core_type = #tpu.core_type<tc>, window_params = [{transform_indices = @transform_0, window_bounds = array<i64: 2, 448, 128>}, {transform_indices = @transform_1, window_bounds = array<i64: 448, 128>}, {transform_indices = @transform_2, window_bounds = array<i64: 448, 128>}, {transform_indices = @transform_3, window_bounds = array<i64: 448, 128>}]} {
    %get3A = arith.constant 0 : index
    %get3A_0 = arith.constant 0 : index
    %get3A_1 = arith.constant 0 : index
    %get3A_2 = vector.load %arg1[%get3A, %get3A_0, %get3A_1] : memref<2x448x128xf32, #tpu.memory_space<vmem>>, vector<1x448x128xf32>
    %get3A_3 = vector.shape_cast %get3A_2 : vector<1x448x128xf32> to vector<448x128xf32>
    %get3A_4 = arith.constant 1 : index
    %get3A_5 = arith.constant 0 : index
    %get3A_6 = arith.constant 0 : index
    %get3A_7 = vector.load %arg1[%get3A_4, %get3A_5, %get3A_6] : memref<2x448x128xf32, #tpu.memory_space<vmem>>, vector<1x448x128xf32>
    %get3A_8 = vector.shape_cast %get3A_7 : vector<1x448x128xf32> to vector<448x128xf32>
    %add3A = arith.addf %get3A_3, %get3A_8 : vector<448x128xf32>
    %add3A_9 = arith.constant 1.000000e+00 : f32
    %add3A_10 = vector.broadcast %add3A_9 : f32 to vector<448x128xf32>
    %add3A_11 = arith.addf %add3A, %add3A_10 : vector<448x128xf32>
    %rsqrt3A = math.rsqrt %add3A_11 : vector<448x128xf32>
    %swap3A = arith.constant 0 : index
    %swap3A_12 = arith.constant 0 : index
    %swap3A_13 = vector.load %arg3[%swap3A, %swap3A_12] : memref<448x128xf32, #tpu.memory_space<vmem>>, vector<448x128xf32>
    tpu.vector_store %arg3[%swap3A, %swap3A_12], %rsqrt3A {strides = array<i32>} : memref<448x128xf32, #tpu.memory_space<vmem>>, vector<448x128xf32>,
    %get3A_14 = arith.constant 0 : index
    %get3A_15 = arith.constant 0 : index
    %get3A_16 = vector.load %arg2[%get3A_14, %get3A_15] : memref<448x128xf32, #tpu.memory_space<vmem>>, vector<448x128xf32>
    %mul3A = arith.mulf %get3A_16, %rsqrt3A : vector<448x128xf32>
    %swap3A_17 = arith.constant 0 : index
    %swap3A_18 = arith.constant 0 : index
    %swap3A_19 = vector.load %arg4[%swap3A_17, %swap3A_18] : memref<448x128xf32, #tpu.memory_space<vmem>>, vector<448x128xf32>
    tpu.vector_store %arg4[%swap3A_17, %swap3A_18], %mul3A {strides = array<i32>} : memref<448x128xf32, #tpu.memory_space<vmem>>, vector<448x128xf32>,
    return
  }
  func.func @transform_0(%arg0: i32) -> (i32, i32, i32) {
    %c0_i32 = arith.constant 0 : i32
    %c0_i32_0 = arith.constant 0 : i32
    %c0_i32_1 = arith.constant 0 : i32
    return %c0_i32, %arg0, %c0_i32_0 : i32, i32, i32
  }
  func.func @transform_1(%arg0: i32) -> (i32, i32) {
    %c0_i32 = arith.constant 0 : i32
    %c0_i32_0 = arith.constant 0 : i32
    return %arg0, %c0_i32 : i32, i32
  }
  func.func @transform_2(%arg0: i32) -> (i32, i32) {
    %c0_i32 = arith.constant 0 : i32
    %c0_i32_0 = arith.constant 0 : i32
    return %arg0, %c0_i32 : i32, i32
  }
  func.func @transform_3(%arg0: i32) -> (i32, i32) {
    %c0_i32 = arith.constant 0 : i32
    %c0_i32_0 = arith.constant 0 : i32
    return %arg0, %c0_i32 : i32, i32
  }
}

module attributes {stable_mosaic.version = 14 : i64} {
  func.func @_tc1_body(%arg0: i32, %arg1: memref<2x448x128xf32, #tpu.memory_space<vmem>>, %arg2: memref<448x128xf32, #tpu.memory_space<vmem>>, %arg3: memref<448x128xf32, #tpu.memory_space<vmem>>, %arg4: memref<128x1024xf32, #tpu.memory_space<vmem>>, %arg5: memref<1x1024xf32, #tpu.memory_space<vmem>>, %arg6: memref<1024x128xf32, #tpu.memory_space<vmem>>, %arg7: memref<448x128xf32, #tpu.memory_space<vmem>>) attributes {dimension_semantics = [#tpu.dimension_semantics<arbitrary>], iteration_bounds = array<i64: 28>, scalar_prefetch = 0 : i64, scratch_operands = 0 : i64, tpu.core_type = #tpu.core_type<tc>, window_params = [{transform_indices = @transform_0, window_bounds = array<i64: 2, 448, 128>}, {transform_indices = @transform_1, window_bounds = array<i64: 448, 128>}, {transform_indices = @transform_2, window_bounds = array<i64: 448, 128>}, {pipeline_mode = #tpu.pipeline_mode<synchronous>, transform_indices = @transform_3, window_bounds = array<i64: 128, 1024>}, {pipeline_mode = #tpu.pipeline_mode<synchronous>, transform_indices = @transform_4, window_bounds = array<i64: 1, 1024>}, {pipeline_mode = #tpu.pipeline_mode<synchronous>, transform_indices = @transform_5, window_bounds = array<i64: 1024, 128>}, {transform_indices = @transform_6, window_bounds = array<i64: 448, 128>}]} {
    %get3A = arith.constant 0 : index
    %get3A_0 = arith.constant 0 : index
    %get3A_1 = vector.load %arg3[%get3A, %get3A_0] : memref<448x128xf32, #tpu.memory_space<vmem>>, vector<448x128xf32>
    %get3A_2 = arith.constant 0 : index
    %get3A_3 = arith.constant 0 : index
    %get3A_4 = arith.constant 0 : index
    %get3A_5 = vector.load %arg1[%get3A_2, %get3A_3, %get3A_4] : memref<2x448x128xf32, #tpu.memory_space<vmem>>, vector<1x448x128xf32>
    %get3A_6 = vector.shape_cast %get3A_5 : vector<1x448x128xf32> to vector<448x128xf32>
    %get3A_7 = arith.constant 1 : index
    %get3A_8 = arith.constant 0 : index
    %get3A_9 = arith.constant 0 : index
    %get3A_10 = vector.load %arg1[%get3A_7, %get3A_8, %get3A_9] : memref<2x448x128xf32, #tpu.memory_space<vmem>>, vector<1x448x128xf32>
    %get3A_11 = vector.shape_cast %get3A_10 : vector<1x448x128xf32> to vector<448x128xf32>
    %add3A = arith.addf %get3A_6, %get3A_11 : vector<448x128xf32>
    %get3A_12 = arith.constant 0 : index
    %get3A_13 = arith.constant 0 : index
    %get3A_14 = vector.load %arg2[%get3A_12, %get3A_13] : memref<448x128xf32, #tpu.memory_space<vmem>>, vector<448x128xf32>
    %add3A_15 = arith.addf %add3A, %get3A_14 : vector<448x128xf32>
    %mul3A = arith.mulf %add3A_15, %get3A_1 : vector<448x128xf32>
    %get3A_16 = arith.constant 0 : index
    %get3A_17 = arith.constant 0 : index
    %get3A_18 = vector.load %arg4[%get3A_16, %get3A_17] : memref<128x1024xf32, #tpu.memory_space<vmem>>, vector<128x1024xf32>
    %dot_general3A = arith.constant dense<0.000000e+00> : vector<448x1024xf32>
    %dot_general3A_19 = tpu.matmul %mul3A, %get3A_18, %dot_general3A {dimension_numbers = #tpu.dot_dimension_numbers<[1], [0], [0], [1], [0, 0, 1, 1], [], []>, transpose_lhs_hint = false} : vector<448x128xf32>, vector<128x1024xf32>, vector<448x1024xf32> -> vector<448x1024xf32>
    %get3A_20 = arith.constant 0 : index
    %get3A_21 = arith.constant 0 : index
    %get3A_22 = vector.load %arg5[%get3A_20, %get3A_21] : memref<1x1024xf32, #tpu.memory_space<vmem>>, vector<1x1024xf32>
    %add3A_23 = vector.broadcast %get3A_22 : vector<1x1024xf32> to vector<448x1024xf32>
    %add3A_24 = arith.addf %dot_general3A_19, %add3A_23 : vector<448x1024xf32>
    %max3A = arith.constant 0.000000e+00 : f32
    %max3A_25 = vector.broadcast %max3A : f32 to vector<448x1024xf32>
    %max3A_26 = arith.maximumf %add3A_24, %max3A_25 : vector<448x1024xf32>
    %get3A_27 = arith.constant 0 : index
    %get3A_28 = arith.constant 0 : index
    %get3A_29 = vector.load %arg6[%get3A_27, %get3A_28] : memref<1024x128xf32, #tpu.memory_space<vmem>>, vector<1024x128xf32>
    %dot_general3A_30 = arith.constant dense<0.000000e+00> : vector<448x128xf32>
    %dot_general3A_31 = tpu.matmul %max3A_26, %get3A_29, %dot_general3A_30 {dimension_numbers = #tpu.dot_dimension_numbers<[1], [0], [0], [1], [0, 0, 1, 1], [], []>, transpose_lhs_hint = false} : vector<448x1024xf32>, vector<1024x128xf32>, vector<448x128xf32> -> vector<448x128xf32>
    %mul3A_32 = arith.mulf %dot_general3A_31, %get3A_1 : vector<448x128xf32>
    %swap3A = arith.constant 0 : index
    %swap3A_33 = arith.constant 0 : index
    %swap3A_34 = vector.load %arg7[%swap3A, %swap3A_33] : memref<448x128xf32, #tpu.memory_space<vmem>>, vector<448x128xf32>
    tpu.vector_store %arg7[%swap3A, %swap3A_33], %mul3A_32 {strides = array<i32>} : memref<448x128xf32, #tpu.memory_space<vmem>>, vector<448x128xf32>,
    return
  }
  func.func @transform_0(%arg0: i32) -> (i32, i32, i32) {
    %c0_i32 = arith.constant 0 : i32
    %c0_i32_0 = arith.constant 0 : i32
    %c0_i32_1 = arith.constant 0 : i32
    return %c0_i32, %arg0, %c0_i32_0 : i32, i32, i32
  }
  func.func @transform_1(%arg0: i32) -> (i32, i32) {
    %c0_i32 = arith.constant 0 : i32
    %c0_i32_0 = arith.constant 0 : i32
    return %arg0, %c0_i32 : i32, i32
  }
  func.func @transform_2(%arg0: i32) -> (i32, i32) {
    %c0_i32 = arith.constant 0 : i32
    %c0_i32_0 = arith.constant 0 : i32
    return %arg0, %c0_i32 : i32, i32
  }
  func.func @transform_3(%arg0: i32) -> (i32, i32) {
    %c0_i32 = arith.constant 0 : i32
    %c0_i32_0 = arith.constant 0 : i32
    %c0_i32_1 = arith.constant 0 : i32
    return %c0_i32, %c0_i32_0 : i32, i32
  }
  func.func @transform_4(%arg0: i32) -> (i32, i32) {
    %c0_i32 = arith.constant 0 : i32
    %c0_i32_0 = arith.constant 0 : i32
    %c0_i32_1 = arith.constant 0 : i32
    return %c0_i32, %c0_i32_0 : i32, i32
  }
  func.func @transform_5(%arg0: i32) -> (i32, i32) {
    %c0_i32 = arith.constant 0 : i32
    %c0_i32_0 = arith.constant 0 : i32
    %c0_i32_1 = arith.constant 0 : i32
    return %c0_i32, %c0_i32_0 : i32, i32
  }
  func.func @transform_6(%arg0: i32) -> (i32, i32) {
    %c0_i32 = arith.constant 0 : i32
    %c0_i32_0 = arith.constant 0 : i32
    return %arg0, %c0_i32 : i32, i32
  }
}

module attributes {stable_mosaic.version = 14 : i64} {
  func.func @_tc2_body(%arg0: i32, %arg1: memref<2x448x128xf32, #tpu.memory_space<vmem>>, %arg2: memref<448x128xf32, #tpu.memory_space<vmem>>, %arg3: memref<448x128xf32, #tpu.memory_space<vmem>>, %arg4: memref<1x128xf32, #tpu.memory_space<vmem>>, %arg5: memref<448x128xf32, #tpu.memory_space<vmem>>) attributes {dimension_semantics = [#tpu.dimension_semantics<arbitrary>], iteration_bounds = array<i64: 28>, scalar_prefetch = 0 : i64, scratch_operands = 0 : i64, tpu.core_type = #tpu.core_type<tc>, window_params = [{transform_indices = @transform_0, window_bounds = array<i64: 2, 448, 128>}, {transform_indices = @transform_1, window_bounds = array<i64: 448, 128>}, {transform_indices = @transform_2, window_bounds = array<i64: 448, 128>}, {pipeline_mode = #tpu.pipeline_mode<synchronous>, transform_indices = @transform_3, window_bounds = array<i64: 1, 128>}, {transform_indices = @transform_4, window_bounds = array<i64: 448, 128>}]} {
    %get3A = arith.constant 0 : index
    %get3A_0 = arith.constant 0 : index
    %get3A_1 = arith.constant 0 : index
    %get3A_2 = vector.load %arg1[%get3A, %get3A_0, %get3A_1] : memref<2x448x128xf32, #tpu.memory_space<vmem>>, vector<1x448x128xf32>
    %get3A_3 = vector.shape_cast %get3A_2 : vector<1x448x128xf32> to vector<448x128xf32>
    %get3A_4 = arith.constant 1 : index
    %get3A_5 = arith.constant 0 : index
    %get3A_6 = arith.constant 0 : index
    %get3A_7 = vector.load %arg1[%get3A_4, %get3A_5, %get3A_6] : memref<2x448x128xf32, #tpu.memory_space<vmem>>, vector<1x448x128xf32>
    %get3A_8 = vector.shape_cast %get3A_7 : vector<1x448x128xf32> to vector<448x128xf32>
    %add3A = arith.addf %get3A_3, %get3A_8 : vector<448x128xf32>
    %get3A_9 = arith.constant 0 : index
    %get3A_10 = arith.constant 0 : index
    %get3A_11 = vector.load %arg2[%get3A_9, %get3A_10] : memref<448x128xf32, #tpu.memory_space<vmem>>, vector<448x128xf32>
    %add3A_12 = arith.addf %add3A, %get3A_11 : vector<448x128xf32>
    %get3A_13 = arith.constant 0 : index
    %get3A_14 = arith.constant 0 : index
    %get3A_15 = vector.load %arg3[%get3A_13, %get3A_14] : memref<448x128xf32, #tpu.memory_space<vmem>>, vector<448x128xf32>
    %mul3A = arith.mulf %add3A_12, %get3A_15 : vector<448x128xf32>
    %get3A_16 = arith.constant 0 : index
    %get3A_17 = arith.constant 0 : index
    %get3A_18 = vector.load %arg4[%get3A_16, %get3A_17] : memref<1x128xf32, #tpu.memory_space<vmem>>, vector<1x128xf32>
    %add3A_19 = vector.broadcast %get3A_18 : vector<1x128xf32> to vector<448x128xf32>
    %add3A_20 = arith.addf %mul3A, %add3A_19 : vector<448x128xf32>
    %swap3A = arith.constant 0 : index
    %swap3A_21 = arith.constant 0 : index
    %swap3A_22 = vector.load %arg5[%swap3A, %swap3A_21] : memref<448x128xf32, #tpu.memory_space<vmem>>, vector<448x128xf32>
    tpu.vector_store %arg5[%swap3A, %swap3A_21], %add3A_20 {strides = array<i32>} : memref<448x128xf32, #tpu.memory_space<vmem>>, vector<448x128xf32>,
    return
  }
  func.func @transform_0(%arg0: i32) -> (i32, i32, i32) {
    %c0_i32 = arith.constant 0 : i32
    %c0_i32_0 = arith.constant 0 : i32
    %c0_i32_1 = arith.constant 0 : i32
    return %c0_i32, %arg0, %c0_i32_0 : i32, i32, i32
  }
  func.func @transform_1(%arg0: i32) -> (i32, i32) {
    %c0_i32 = arith.constant 0 : i32
    %c0_i32_0 = arith.constant 0 : i32
    return %arg0, %c0_i32 : i32, i32
  }
  func.func @transform_2(%arg0: i32) -> (i32, i32) {
    %c0_i32 = arith.constant 0 : i32
    %c0_i32_0 = arith.constant 0 : i32
    return %arg0, %c0_i32 : i32, i32
  }
  func.func @transform_3(%arg0: i32) -> (i32, i32) {
    %c0_i32 = arith.constant 0 : i32
    %c0_i32_0 = arith.constant 0 : i32
    %c0_i32_1 = arith.constant 0 : i32
    return %c0_i32, %c0_i32_0 : i32, i32
  }
  func.func @transform_4(%arg0: i32) -> (i32, i32) {
    %c0_i32 = arith.constant 0 : i32
    %c0_i32_0 = arith.constant 0 : i32
    return %arg0, %c0_i32 : i32, i32
  }
}

</mosaic_0001>

<sc_bundles>
// kernel: kernel.11.cloned.1.call-start
scs
__scs_entry_jumppad:
0x0: {  	(pc) =	sbr.rel $0x88, $3  }
0x1: {  	(tag) =	ssettag $0x0;
	lr =	simm.s32 $0x1  }
0x2: {  	[smem:$0x3F9B] =	sst lr;
	_ =	strace $0xD0000000  }
0x3: {  	_ = 	snop  }
0x4: {  	_ = 	snop  }
0x5: {  	_ = 	snop  }
0x6: {  	_ = 	snop  }
0x7: {  	_ = 	snop  }
__scs_overlays_trampoline_lowered:
0x8: {  	[smem:$0x3FAA] =	sst s0  }
0x9: {  	[smem:$0x3FAB] =	sst s1  }
0xa: {  	[smem:$0x3FAC] =	sst s2  }
0xb: {  	[smem:$0x3FAD] =	sst s3  }
0xc: {  	[smem:$0x3FAE] =	sst s4  }
0xd: {  	[smem:$0x3FAF] =	sst s5  }
0xe: {  	[smem:$0x3FB0] =	sst s6  }
0xf: {  	[smem:$0x3FB1] =	sst s7  }
0x10: {  	[smem:$0x3FB2] =	sst s8  }
0x11: {  	[smem:$0x3FB3] =	sst s9;
	s0 =	simm.s32 @!p0 $0x0  }
0x12: {  	s1 =	sld [smem:$0x3F99];
	s0 =	simm.s32 @p0 $0x1  }
0x13: {  	[smem:$0x3FB4] =	sst s0;
	s0 =	simm.s32 @!p1 $0x0  }
0x14: {  	s2 =	sld [smem:$0x3F98];
	s0 =	simm.s32 @p1 $0x1  }
0x15: {  	[smem:$0x3FB5] =	sst s0;
	s0 =	simm.s32 @!p2 $0x0  }
0x16: {  	s3 =	sld [smem:$0x3FDB];
	s0 =	simm.s32 @p2 $0x1  }
0x17: {  	s4 =	simm.s32 $0x1BF5;
	[smem:$0x3FB7] =	sst s0  }
0x18: {  	s0 =	sld [smem:$0x3F9A];
	_ =	swait.ge [sflag:s4], $0x0  }
0x19: {  	s7 =	sld [smem:$0x3F9B]  }
0x1a: {  	s8 =	sadd.s32 $0xFFFFE003, lr  }
0x1b: {  	s9 =	sadd.s32 $0xFFFFFEF7, lr;
	s5 =	simm.s32 $0xFFFFFFFF;
	p2 =	slt.u32 s8, $0xFFFFF086  }
0x1c: {  	p1 =	slt.u32 s9, $0xF7A;
	s5 =	simm.s32 @!p2 $0x0  }
0x1d: {  	s5 =	simm.s32 @p1 $0x1;
	p0 =	seq.s32 s7, s2  }
0x1e: {  	s7 =	smul.u32 @!p0 $0xF7A, s2;
	p2 =	seq.s32 @!p0 s5, $0x0  }
0x1f: {  	s9 =	smul.u32 $0xF7A, s1;
	s8 =	simm.s32 @!p0 $0x1BF5;
	p2 =	por !p2, p0  }
0x20: {  	[sflag:s8] =	ssyncset.s32 @!p0 $0xFFFFF086;
	s6 =	sadd.s32 @!p0 s3, s7;
	s7 =	simm.s32 @!p0 $0x108  }
0x21: {  	s3 =	sadd.s32 s3, s9;
	s6 =	sadd.s32 @!p0 $0x88, s6;
	s7 =	simm.s32 @p2 $0x1082  }
0x22: {  	[simem:s7], [sflag:s8] =	dma.local @!p0 [hbm:s6], $0xF7A  }
0x23: {  	s9 =	sor.u32 $0xD0000000, s2;
	s6 =	simm.s32 $0x108;
	_ =	swait.ge @!p0 [sflag:s8], $0x0  }
0x24: {  	s3 =	sadd.s32 $0x88, s3;
	s6 =	simm.s32 @!p1 $0x1082;
	[sflag:s4] =	ssyncset.s32 $0xFFFFF086  }
0x25: {  	[simem:s6], [sflag:s4] =	dma.local [hbm:s3], $0xF7A  }
0x26: {  	[smem:$0x3F9B] =	sst s1;
	(tag) =	ssettag s2;
	_ =	strace s9  }
0x27: {  	s1 =	sld [smem:$0x3FAB]  }
0x28: {  	s2 =	sld [smem:$0x3FAC]  }
0x29: {  	s4 =	sld [smem:$0x3FAE]  }
0x2a: {  	p0 =	seq.s32 s5, $0x0;
	s5 =	sld [smem:$0x3FAF]  }
0x2b: {  	s6 =	sld [smem:$0x3FB0]  }
0x2c: {  	s7 =	sld [smem:$0x3FB1]  }
0x2d: {  	s3 =	simm.s32 $0x108;
	s8 =	sld [smem:$0x3FB2]  }
0x2e: {  	s3 =	simm.s32 @!p0 $0x1082;
	s9 =	sld [smem:$0x3FB3]  }
0x2f: {  	lr =	sadd.s32 s0, s3;
	s0 =	sld [smem:$0x3FAA]  }
0x30: {  	s3 =	sld [smem:$0x3FAD]  }
0x31: {  	[smem:$0x3FB6] =	sst s10  }
0x32: {  	s10 =	sld [smem:$0x3FB4];
	_ =	sdelay $0x3  }
0x33: {  	p0 =	seq.s32 s10, $0x1;
	s10 =	sld [smem:$0x3FB6];
	_ =	sdelay $0x3  }
0x34: {  	[smem:$0x3FB6] =	sst s10  }
0x35: {  	s10 =	sld [smem:$0x3FB5];
	_ =	sdelay $0x3  }
0x36: {  	p1 =	seq.s32 s10, $0x1;
	s10 =	sld [smem:$0x3FB6];
	_ =	sdelay $0x3  }
0x37: {  	[smem:$0x3FB6] =	sst s10  }
0x38: {  	s10 =	sld [smem:$0x3FB7]  }
0x39: {  	_ = 	snop;
	(pc) =	sbr.ind lr, $3  }
0x3a: {  	_ = 	snop  }
0x3b: {  	_ = 	snop  }
0x3c: {  	p2 =	seq.s32 s10, $0x1;
	s10 =	sld [smem:$0x3FB6]  }
0x3d: {  	_ =	shalt  }
0x3e: {  	_ =	shalt  }
0x3f: {  	_ =	shalt  }
0x40: {  	_ =	shalt  }
0x41: {  	_ =	shalt  }
0x42: {  	_ =	shalt  }
0x43: {  	_ =	shalt  }
0x44: {  	_ =	shalt  }
0x45: {  	_ =	shalt  }
0x46: {  	_ =	shalt  }
0x47: {  	_ =	shalt  }
0x48: {  	_ =	shalt  }
0x49: {  	_ =	shalt  }
0x4a: {  	_ =	shalt  }
0x4b: {  	_ =	shalt  }
0x4c: {  	_ =	shalt  }
0x4d: {  	_ =	shalt  }
0x4e: {  	_ =	shalt  }
0x4f: {  	_ =	shalt  }
0x50: {  	_ =	shalt  }
0x51: {  	_ =	shalt  }
0x52: {  	_ =	shalt  }
0x53: {  	_ =	shalt  }
0x54: {  	_ =	shalt  }
0x55: {  	_ =	shalt  }
0x56: {  	_ =	shalt  }
0x57: {  	_ =	shalt  }
0x58: {  	_ =	shalt  }
0x59: {  	_ =	shalt  }
0x5a: {  	_ =	shalt  }
0x5b: {  	_ =	shalt  }
0x5c: {  	_ =	shalt  }
0x5d: {  	_ =	shalt  }
0x5e: {  	_ =	shalt  }
0x5f: {  	_ =	shalt  }
0x60: {  	_ =	shalt  }
0x61: {  	_ =	shalt  }
0x62: {  	_ =	shalt  }
0x63: {  	_ =	shalt  }
0x64: {  	_ =	shalt  }
0x65: {  	_ =	shalt  }
0x66: {  	_ =	shalt  }
0x67: {  	_ =	shalt  }
0x68: {  	_ =	shalt  }
0x69: {  	_ =	shalt  }
0x6a: {  	_ =	shalt  }
0x6b: {  	_ =	shalt  }
0x6c: {  	_ =	shalt  }
0x6d: {  	_ =	shalt  }
0x6e: {  	_ =	shalt  }
0x6f: {  	_ =	shalt  }
0x70: {  	_ =	shalt  }
0x71: {  	_ =	shalt  }
0x72: {  	_ =	shalt  }
0x73: {  	_ =	shalt  }
0x74: {  	_ =	shalt  }
0x75: {  	_ =	shalt  }
0x76: {  	_ =	shalt  }
0x77: {  	_ =	shalt  }
0x78: {  	_ =	shalt  }
0x79: {  	_ =	shalt  }
0x7a: {  	_ =	shalt  }
0x7b: {  	_ =	shalt  }
0x7c: {  	_ =	shalt  }
0x7d: {  	_ =	shalt  }
0x7e: {  	_ =	shalt  }
0x7f: {  	_ =	shalt  }
0x80: {  	_ =	shalt  }
0x81: {  	_ =	shalt  }
0x82: {  	_ =	shalt  }
0x83: {  	_ =	shalt  }
0x84: {  	_ =	shalt  }
0x85: {  	_ =	shalt  }
0x86: {  	_ =	shalt  }
0x87: {  	_ =	shalt  }
.Lfunc_end0:
.L_simem_size_0:
called_computation.1_lowered:
.L_overlay_start_0:
0x88: {  	s2 =	sld [smem:$0x3FD9]  }
0x89: {  	s3 =	sld [smem:$0x3FFE];
	_ =	sdelay $0x1  }
0x8a: {  	s1 =	srdreg.scid  }
0x8b: {  	s0 =	sand.u32 $0x1, s1  }
0x8c: {  	s16 =	sshll.u32 s0, $0xA;
	s2 =	sadd.s32 s3, s2  }
0x8d: {  	s2 =	sadd.s32 s2, s16  }
0x8e: {  	[smem:$0x3FC2] =	sst s2  }
0x8f: {  	_ = 	snop  }
0x90: {  	(tm) =	ssettm $0x1  }
0x91: {  	s17 =	sld [smem:$0x3FFB];
	_ =	sdelay $0x3  }
0x92: {  	_ =	strace s17  }
0x93: {  	s2 =	sld [smem:$0x3FFC];
	_ =	sdelay $0x3  }
0x94: {  	_ =	strace s2  }
0x95: {  	s2 =	sld [smem:$0x3FFD];
	_ =	sdelay $0x3  }
0x96: {  	_ =	strace s2  }
0x97: {  	_ =	strace $0x8FFFFFFF  }
0x98: {  	s18 =	sld [smem:$0x3FDB];
	_ =	sdelay $0x1  }
0x99: {  	s19 =	simm.s32 $_scs_section_size  }
0x9a: {  	s4 =	simm.s32 $_size__tile_overlayer_lowered;
	s5 =	simm.s32 $_tile_overlayer_lowered  }
0x9b: {  	s22 =	simm.s32 $0x1BFF;
	s21 =	sshll.u32 s5, $0x1;
	s2 =	sadd.s32 s19, s18  }
0x9c: {  	s6 =	simm.s32 $0x0;
	s20 =	sshll.u32 s4, $0x1;
	s4 =	sadd.s32 s21, s2  }
0x9d: {  	[timem:s6], [sflag:s22] =	dma.local [hbm:s4], s20  }
0x9e: {  	_ =	swait.ge [sflag:s22], s20  }
0x9f: {  	s3 =	ssub.s32 $0x0, s20;
	[sflag:s22] =	ssyncset.done $0x0  }
0xa0: {  	[sflag:s22] =	ssyncadd.s32 s3;
	_ =	sdelay $0x1  }
0xa1: {  	s23 =	simm.s32 $0x1B8B  }
0xa2: {  	_ =	swait.ge [sflag:s23], $0x1  }
0xa3: {  	[sflag:s23] =	ssyncset.done $0x0  }
0xa4: {  	s25 =	simm.s32 $0x1B8E;
	s24 =	sld [smem:$0x3FFE];
	[sflag:s23] =	ssyncadd.s32 $0xFFFFFFFF  }
0xa5: {  	s26 =	simm.s32 $execute0_lowered;
	[smem:$0x3FD2] =	sst s25  }
0xa6: {  	s4 =	sshll.u32 s26, $0x1;
	_ =	strace $0x80000049;
	[dreg:$0x1] =	wrdreg $0xFFFFFFFF  }
0xa7: {  	s28 =	simm.s32 $_size_execute0_lowered;
	s2 =	sadd.s32 s2, s4;
	[dreg:$0x0] =	wrdreg $0x0  }
0xa8: {  	s4 =	sshll.u32 s28, $0x1;
	[dreg:$0x2] =	wrdreg s2  }
0xa9: {  	[dreg:$0x3] =	wrdreg s4  }
0xaa: {  	[dreg:$0x4] =	wrdreg $0xC0  }
0xab: {  	_ =	task [dreg:s6], $0x5FFFF  }
0xac: {  	[dreg:$0x1] =	wrdreg $0xFFFFFFFF  }
0xad: {  	[dreg:$0x0] =	wrdreg $0x60  }
0xae: {  	[dreg:$0x2] =	wrdreg s24  }
0xaf: {  	[dreg:$0x3] =	wrdreg $0x6C000  }
0xb0: {  	[dreg:$0x4] =	wrdreg $0x9  }
0xb1: {  	_ =	task.clear_ibuf [dreg:s6], $0x5FFFF;
	_ =	strace $0x90000049  }
0xb2: {  	s29 =	simm.s32 $0x9;
	_ =	strace $0x8000004B  }
0xb3: {  	_ =	swait.ge [sflag:s29], $0x1  }
0xb4: {  	[sflag:s29] =	ssyncadd.s32 $0xFFFFFFFF  }
0xb5: {  	_ =	strace $0x9000004B  }
0xb6: {  	_ =	sfence  }
0xb7: {  	s30 =	sld [smem:$0x0];
	_ =	sdelay $0x2  }
0xb8: {  	s31 =	sshll.u32 s1, $0xD;
	s1 =	sshrl.u32 s1, $0x2  }
0xb9: {  	s3 =	sand.u32 $0x4000, s31;
	s1 =	sadd.s32 s1, s30  }
0xba: {  	s0 =	sor.u32 s3, s0;
	s1 =	sshll.u32 s1, $0x11  }
0xbb: {  	s0 =	sor.u32 s1, s0  }
0xbc: {  	s0 =	sadd.s32 $0x8F2B, s0  }
0xbd: {  	[sflag:s0] =	ssyncadd.remote.s32 $0x1  }
0xbe: {  	_ =	sfence.sel $0xFFFF  }
0xbf: {  	[dreg:$0x0] =	wrdreg $0xFFFFFFFF;
	(pc) =	sbr.abs _section_cstart, $3  }
0xc0: {  	[dreg:$0x1] =	wrdreg $0xFFFFFFFF  }
0xc1: {  	_ =	task.clear_ibuf [dreg:s6], $0x2FFFF;
	_ =	strace $0x9FFFFFFF  }
0xc2: {  	(tm) =	ssettm $0x7FFFFFFF  }
0xc3: {  	_ =	shalt  }
tec
execute0_lowered:
.L_overlay_start_1:
0x0: {  	(tag) =	ssettag $0x1  }
0x1: {  	s0 =	rddreg [dreg:$0x0]  }
0x2: {  	s2 =	srdreg.scid;
	s11 =	stileid.u32  }
0x3: {  	s1 =	rddreg [dreg:$0x1];
	s2 =	sand.u32 $0x1, s2;
	s6 =	smul.u32 $0x18800, s11  }
0x4: {  	s3 =	simm.s32 $0x0;
	s10 =	smul.u32 $0x62000, s11;
	s5 =	sshll.u32 s2, $0x4  }
0x5: {  	[smem:$0x7FF] =	sst s3;
	s25 =	smul.u32 $0x188000, s2;
	s8 =	sor.u32 s11, s5  }
0x6: {  	s4 =	sadd.s32 $0xC7800, s0;
	s7 =	sadd.s32 $0x2800, s0;
	s8 =	smul.u32 $0x3180, s8  }
0x7: {  	_ =	strace $0x8000004A;
	s9 =	ssub.s32 $0x2, s2;
	s5 =	sadd.s32 $0x65800, s0  }
0x8: {  	s26 =	sshrl.u32 s9, $0x1;
	s3 =	sadd.s32 s6, s25;
	s12 =	sadd.s32 s4, s8  }
0x9: {  	s3 =	sshrl.u32 s3, $0x3;
	s8 =	sadd.s32 s7, s8;
	[dreg:$0x3] =	wrdreg s12  }
0xa: {  	s0 =	sadd.s32 s3, s0;
	s28 =	sadd.s32 $0x60, s12;
	[dreg:$0x5] =	wrdreg s8  }
0xb: {  	s3 =	ssub.s32 s9, s26;
	s0 =	sadd.s32 $0x12A800, s0;
	[dreg:$0x4] =	wrdreg s28  }
0xc: {  	s13 =	sadd.s32 s6, s1;
	s3 =	smax.u32 s3, $0x1;
	[dreg:$0x7] =	wrdreg s0  }
0xd: {  	s12 =	sshrl.u32 s10, $0x2;
	[dreg:$0x8] =	wrdreg s3;
	s0 =	sshrl.u32 s13, $0x3  }
0xe: {  	s9 =	sadd.s32 s12, s1;
	[dreg:$0x13] =	wrdreg s0  }
0xf: {  	s15 =	sadd.s32 $0x800, s9;
	[dreg:$0x6] =	wrdreg s9  }
0x10: {  	s16 =	sadd.s32 $0x1000, s9;
	[dreg:$0x9] =	wrdreg s15  }
0x11: {  	s18 =	sadd.s32 $0x1800, s9;
	[dreg:$0xa] =	wrdreg s16  }
0x12: {  	s19 =	sadd.s32 $0x2000, s9;
	[dreg:$0xb] =	wrdreg s18  }
0x13: {  	s20 =	sadd.s32 $0x2800, s9;
	[dreg:$0xc] =	wrdreg s19  }
0x14: {  	s21 =	sadd.s32 $0x3000, s9;
	[dreg:$0xd] =	wrdreg s20  }
0x15: {  	s23 =	sadd.s32 $0x3800, s9;
	[dreg:$0xe] =	wrdreg s21  }
0x16: {  	s24 =	sadd.s32 $0x4000, s9;
	[dreg:$0xf] =	wrdreg s23  }
0x17: {  	s25 =	sadd.s32 $0x4800, s9;
	[dreg:$0x10] =	wrdreg s24  }
0x18: {  	s26 =	sadd.s32 $0x5000, s9;
	[dreg:$0x11] =	wrdreg s25  }
0x19: {  	s6 =	sadd.s32 $0x5800, s9;
	[dreg:$0x12] =	wrdreg s26  }
0x1a: {  	s8 =	sadd.s32 $0x6800, s9;
	[dreg:$0x14] =	wrdreg s6  }
0x1b: {  	s17 =	smul.u32 $0x318, s11;
	s10 =	sadd.s32 $0x7000, s9;
	[dreg:$0x16] =	wrdreg s8  }
0x1c: {  	s22 =	smul.u32 $0x3180, s11;
	s11 =	sadd.s32 $0x7800, s9;
	[dreg:$0x17] =	wrdreg s10  }
0x1d: {  	s14 =	smul.u32 $0x3180, s2;
	s12 =	sadd.s32 $0x8000, s9;
	[dreg:$0x18] =	wrdreg s11  }
0x1e: {  	s13 =	sadd.s32 $0x8800, s9;
	[dreg:$0x19] =	wrdreg s12  }
0x1f: {  	s3 =	sadd.s32 s17, s14;
	s14 =	sadd.s32 $0x9000, s9;
	[dreg:$0x1a] =	wrdreg s13  }
0x20: {  	s3 =	sshll.u32 s3, $0x4;
	s17 =	sadd.s32 $0xA800, s9;
	[dreg:$0x1b] =	wrdreg s14  }
0x21: {  	s28 =	sadd.s32 s3, s7;
	s7 =	sadd.s32 $0x6000, s9;
	[dreg:$0x1e] =	wrdreg s17  }
0x22: {  	s15 =	sadd.s32 $0x9800, s9;
	[dreg:$0x15] =	wrdreg s7  }
0x23: {  	s16 =	sadd.s32 $0xA000, s9;
	[dreg:$0x1c] =	wrdreg s15  }
0x24: {  	s18 =	sadd.s32 $0xB000, s9;
	[dreg:$0x1d] =	wrdreg s16  }
0x25: {  	s19 =	sadd.s32 $0xB800, s9;
	[dreg:$0x1f] =	wrdreg s18  }
0x26: {  	s20 =	sadd.s32 $0xC000, s9;
	[smem:$0x7E4] =	sst s19  }
0x27: {  	s2 =	smul.u32 $0x31800, s2;
	s21 =	sadd.s32 $0xC800, s9;
	[smem:$0x7E5] =	sst s20  }
0x28: {  	s25 =	sadd.s32 $0xD000, s9;
	[smem:$0x7E6] =	sst s21  }
0x29: {  	s2 =	sadd.s32 s22, s2;
	s26 =	sadd.s32 $0xD800, s9;
	[smem:$0x7E7] =	sst s25  }
0x2a: {  	s24 =	sadd.s32 $0xC0, s2;
	s2 =	sadd.s32 $0xE800, s9;
	[smem:$0x7E8] =	sst s26  }
0x2b: {  	s6 =	sadd.s32 $0xF800, s9;
	[smem:$0x7EA] =	sst s2  }
0x2c: {  	s8 =	sadd.s32 $0x10800, s9;
	[smem:$0x7EC] =	sst s6  }
0x2d: {  	s10 =	sadd.s32 $0x11000, s9;
	[smem:$0x7EE] =	sst s8  }
0x2e: {  	s11 =	sadd.s32 $0x11800, s9;
	[smem:$0x7EF] =	sst s10  }
0x2f: {  	s12 =	sadd.s32 $0x12000, s9;
	[smem:$0x7F0] =	sst s11  }
0x30: {  	s29 =	simm.s32 $0x3C00;
	s13 =	sadd.s32 $0x12800, s9;
	[smem:$0x7F1] =	sst s12  }
0x31: {  	s30 =	simm.s32 $0x980;
	s14 =	sadd.s32 $0x13000, s9;
	[smem:$0x7F2] =	sst s13  }
0x32: {  	s3 =	sadd.s32 s4, s3;
	s17 =	sadd.s32 $0x14800, s9;
	[smem:$0x7F3] =	sst s14  }
0x33: {  	s23 =	sadd.s32 $0x60, s28;
	s28 =	sadd.s32 $0xE000, s9;
	[smem:$0x7F6] =	sst s17  }
0x34: {  	s22 =	sadd.s32 $0xC0, s3;
	s3 =	sadd.s32 $0xF000, s9;
	[smem:$0x7E9] =	sst s28  }
0x35: {  	s31 =	simm.s32 $0x4400;
	s7 =	sadd.s32 $0x10000, s9;
	[smem:$0x7EB] =	sst s3  }
0x36: {  	s0 =	simm.s32 $0xA00;
	s15 =	sadd.s32 $0x13800, s9;
	[smem:$0x7ED] =	sst s7  }
0x37: {  	s16 =	sadd.s32 $0x14000, s9;
	s18 =	sadd.s32 $0x15000, s9;
	[smem:$0x7F4] =	sst s15  }
0x38: {  	s19 =	sadd.s32 $0x15800, s9;
	s20 =	sadd.s32 $0x16000, s9;
	[smem:$0x7F5] =	sst s16  }
0x39: {  	s21 =	sadd.s32 $0x16800, s9;
	s25 =	sadd.s32 $0x17000, s9;
	[smem:$0x7F7] =	sst s18  }
0x3a: {  	s26 =	sadd.s32 $0x17800, s9;
	s2 =	simm.s32 $0x4C00;
	[smem:$0x7F8] =	sst s19  }
0x3b: {  	s8 =	simm.s32 $0x5400;
	s10 =	simm.s32 $0xB00;
	[smem:$0x7F9] =	sst s20  }
0x3c: {  	s11 =	simm.s32 $0x5C00;
	s12 =	simm.s32 $0xB80;
	[smem:$0x7FA] =	sst s21  }
.Ltmp0:
0x3d: {  	s13 =	simm.s32 $0x6400;
	[smem:$0x7FB] =	sst s25;
	(pc) =	sbr.rel .LBB2_1-.Ltmp0, $4  }
0x3e: {  	[smem:$0x7FC] =	sst s26;
	s28 =	sadd.s32 $0x18000, s9;
	s15 =	simm.s32 $0xC00  }
0x3f: {  	s16 =	simm.s32 $0x9;
	s18 =	simm.s32 $0x80;
	s19 =	simm.s32 $0x4  }
0x40: {  	s21 =	simm.s32 $0x3;
	s25 =	simm.s32 $0x8;
	s26 =	simm.s32 $0x2  }
0x41: {  	v0 =	vimm.f32 $0.0e+00;
	s7 =	simm.s32 $0xA80;
	s9 =	simm.s32 $0x0;
	[smem:$0x7FD] =	sst s28  }
.LBB2_9:
0x42: {  	_ =	swait.ge [sflag:s19], $0x800  }
0x43: {  	[sflag:s19] =	ssyncset.done $0x0  }
0x44: {  	[sflag:s19] =	ssyncadd.s32 $0xFFFFF800  }
0x45: {  	_ =	swait.ge [sflag:s19], $0x800  }
0x46: {  	[sflag:s19] =	ssyncset.done $0x0  }
0x47: {  	[sflag:s19] =	ssyncadd.s32 $0xFFFFF800  }
0x48: {  	_ =	swait.ge [sflag:s19], $0x800  }
0x49: {  	[sflag:s19] =	ssyncset.done $0x0  }
0x4a: {  	[sflag:s19] =	ssyncadd.s32 $0xFFFFF800  }
0x4b: {  	_ =	swait.ge [sflag:s19], $0x800  }
0x4c: {  	[sflag:s19] =	ssyncset.done $0x0  }
0x4d: {  	[sflag:s19] =	ssyncadd.s32 $0xFFFFF800  }
0x4e: {  	_ =	swait.ge [sflag:s19], $0x800  }
0x4f: {  	[sflag:s19] =	ssyncset.done $0x0  }
0x50: {  	[sflag:s19] =	ssyncadd.s32 $0xFFFFF800  }
0x51: {  	_ =	swait.ge [sflag:s19], $0x800  }
0x52: {  	[sflag:s19] =	ssyncset.done $0x0  }
0x53: {  	[sflag:s19] =	ssyncadd.s32 $0xFFFFF800  }
0x54: {  	s3 =	stileid.u32;
	[bflag:$0x0] =	sbarrier.arrive $0xFFFF  }
0x55: {  	s3 =	sshll.u32 s3, $0x6;
	s6 =	rddreg [dreg:$0x7]  }
0x56: {  	s17 =	simm.s32 $0xA;
	s3 =	sor.u32 $0x1C0A, s3;
	s9 =	rddreg [dreg:$0x13]  }
0x57: {  	[hbm:s6], [sflag:s3] =	dma.local [spmem:s9], $0x3100  }
0x58: {  	_ =	swait.ge [sflag:s17], $0x3100  }
0x59: {  	s20 =	sld [smem:$0x7E3];
	_ =	sdelay $0x2  }
0x5a: {  	s28 =	rddreg [dreg:$0x8];
	s9 =	sadd.s32 $0x1, s20  }
0x5b: {  	p0 =	sne.s32 s9, s28  }
.Ltmp1:
0x5c: {  	_ = 	snop;
	(pc) =	sbr.rel @!p0 .LBB2_10-.Ltmp1, $3  }
0x5d: {  	_ =	sdelay $0x1  }
0x5e: {  	[sflag:s17] =	ssyncset.done $0x0  }
0x5f: {  	[sflag:s17] =	ssyncadd.s32 $0xFFFFCF00  }
.LBB2_1:
0x60: {  	s3 =	simm.s32 $0x0;
	s6 =	rddreg [dreg:$0x3]  }
0x61: {  	[tilespmem:s3], [sflag:$0x5] =	stream.linear.gather [hbm4b:s6+s3], $0x300, $0x38;
	[tilespmem:$0x1F400] =	vst v63  }
0x62: {  	s14 =	rddreg [dreg:$0x4];
	s17 =	simm.s32 $0x300  }
0x63: {  	[tilespmem:s17], [sflag:$0x6] =	stream.linear.gather [hbm4b:s14+s3], $0x300, $0x38;
	[tilespmem:$0x1F400] =	vst v63  }
0x64: {  	s20 =	rddreg [dreg:$0x5];
	s28 =	simm.s32 $0x600  }
0x65: {  	[tilespmem:s28], [sflag:$0x7] =	stream.linear.gather [hbm4b:s20+s3], $0x300, $0x38;
	[tilespmem:$0x1F400] =	vst v63  }
0x66: {  	[smem:$0x7E3] =	sst s9;
	s6 =	simm.s32 $0x0;
	s3 =	simm.s32 $0x40  }
.LBB2_2:
0x67: {  	p0 =	sne.s32 s3, $0x1FC0;
	[tilespmem:s6+$0xC00] =	vst v0;
	s6 =	smov.u32 s3;
	s3 =	sadd.s32 $0x40, s3  }
.Ltmp2:
0x68: {  	(pc) =	sbr.rel @p0 .LBB2_2-.Ltmp2, $2  }
0x69: {  	_ =	sdelay $0x2  }
0x6a: {  	s6 =	sshra.s32 s6, $0x2  }
0x6b: {  	s3 =	rddreg [dreg:$0x6]  }
0x6c: {  	[tilespmem:s6+$0xC00] =	vst v0;
	s6 =	rddreg [dreg:$0x9]  }
0x6d: {  	[spmem:s3] =	stream.linear.scatter [tilespmem:s15], [sflag:$0x9], $0x800, $0x38;
	[tilespmem:$0x1F400] =	vst v63  }
0x6e: {  	s9 =	rddreg [dreg:$0xa]  }
0x6f: {  	[spmem:s6] =	stream.linear.scatter [tilespmem:s15], [sflag:$0x9], $0x800, $0x38;
	[tilespmem:$0x1F400] =	vst v63  }
0x70: {  	s14 =	rddreg [dreg:$0xb]  }
0x71: {  	[spmem:s9] =	stream.linear.scatter [tilespmem:s15], [sflag:$0x9], $0x800, $0x38;
	[tilespmem:$0x1F400] =	vst v63  }
0x72: {  	s17 =	rddreg [dreg:$0xc]  }
0x73: {  	[spmem:s14] =	stream.linear.scatter [tilespmem:s15], [sflag:$0x9], $0x800, $0x38;
	[tilespmem:$0x1F400] =	vst v63  }
0x74: {  	s20 =	rddreg [dreg:$0xd]  }
0x75: {  	[spmem:s17] =	stream.linear.scatter [tilespmem:s15], [sflag:$0x9], $0x800, $0x38;
	[tilespmem:$0x1F400] =	vst v63  }
0x76: {  	s28 =	rddreg [dreg:$0xe]  }
0x77: {  	[spmem:s20] =	stream.linear.scatter [tilespmem:s15], [sflag:$0x9], $0x800, $0x38;
	[tilespmem:$0x1F400] =	vst v63  }
0x78: {  	s6 =	rddreg [dreg:$0xf]  }
0x79: {  	[spmem:s28] =	stream.linear.scatter [tilespmem:s15], [sflag:$0x9], $0x800, $0x38;
	[tilespmem:$0x1F400] =	vst v63  }
0x7a: {  	s9 =	rddreg [dreg:$0x10]  }
0x7b: {  	[spmem:s6] =	stream.linear.scatter [tilespmem:s15], [sflag:$0x9], $0x800, $0x38;
	[tilespmem:$0x1F400] =	vst v63  }
0x7c: {  	s14 =	rddreg [dreg:$0x11]  }
0x7d: {  	[spmem:s9] =	stream.linear.scatter [tilespmem:s15], [sflag:$0x9], $0x800, $0x38;
	[tilespmem:$0x1F400] =	vst v63  }
0x7e: {  	s17 =	rddreg [dreg:$0x12]  }
0x7f: {  	[spmem:s14] =	stream.linear.scatter [tilespmem:s15], [sflag:$0x9], $0x800, $0x38;
	[tilespmem:$0x1F400] =	vst v63  }
0x80: {  	s20 =	rddreg [dreg:$0x14]  }
0x81: {  	[spmem:s17] =	stream.linear.scatter [tilespmem:s15], [sflag:$0x9], $0x800, $0x38;
	[tilespmem:$0x1F400] =	vst v63  }
0x82: {  	s28 =	rddreg [dreg:$0x15]  }
0x83: {  	[spmem:s20] =	stream.linear.scatter [tilespmem:s15], [sflag:$0x9], $0x800, $0x38;
	[tilespmem:$0x1F400] =	vst v63  }
0x84: {  	s6 =	rddreg [dreg:$0x16]  }
0x85: {  	[spmem:s28] =	stream.linear.scatter [tilespmem:s15], [sflag:$0x9], $0x800, $0x38;
	[tilespmem:$0x1F400] =	vst v63  }
0x86: {  	s9 =	rddreg [dreg:$0x17]  }
0x87: {  	[spmem:s6] =	stream.linear.scatter [tilespmem:s15], [sflag:$0x9], $0x800, $0x38;
	[tilespmem:$0x1F400] =	vst v63  }
0x88: {  	s14 =	rddreg [dreg:$0x18]  }
0x89: {  	[spmem:s9] =	stream.linear.scatter [tilespmem:s15], [sflag:$0x9], $0x800, $0x38;
	[tilespmem:$0x1F400] =	vst v63  }
0x8a: {  	s17 =	rddreg [dreg:$0x19]  }
0x8b: {  	[spmem:s14] =	stream.linear.scatter [tilespmem:s15], [sflag:$0x9], $0x800, $0x38;
	[tilespmem:$0x1F400] =	vst v63  }
0x8c: {  	s20 =	rddreg [dreg:$0x1a]  }
0x8d: {  	[spmem:s17] =	stream.linear.scatter [tilespmem:s15], [sflag:$0x9], $0x800, $0x38;
	[tilespmem:$0x1F400] =	vst v63  }
0x8e: {  	s28 =	rddreg [dreg:$0x1b]  }
0x8f: {  	[spmem:s20] =	stream.linear.scatter [tilespmem:s15], [sflag:$0x9], $0x800, $0x38;
	[tilespmem:$0x1F400] =	vst v63  }
0x90: {  	s6 =	rddreg [dreg:$0x1c]  }
0x91: {  	[spmem:s28] =	stream.linear.scatter [tilespmem:s15], [sflag:$0x9], $0x800, $0x38;
	[tilespmem:$0x1F400] =	vst v63  }
0x92: {  	s9 =	rddreg [dreg:$0x1d]  }
0x93: {  	[spmem:s6] =	stream.linear.scatter [tilespmem:s15], [sflag:$0x9], $0x800, $0x38;
	[tilespmem:$0x1F400] =	vst v63  }
0x94: {  	s14 =	rddreg [dreg:$0x1e]  }
0x95: {  	[spmem:s9] =	stream.linear.scatter [tilespmem:s15], [sflag:$0x9], $0x800, $0x38;
	[tilespmem:$0x1F400] =	vst v63  }
0x96: {  	s17 =	rddreg [dreg:$0x1f]  }
0x97: {  	[spmem:s14] =	stream.linear.scatter [tilespmem:s15], [sflag:$0x9], $0x800, $0x38;
	[tilespmem:$0x1F400] =	vst v63  }
0x98: {  	s20 =	sld [smem:$0x7E4]  }
0x99: {  	[spmem:s17] =	stream.linear.scatter [tilespmem:s15], [sflag:$0x9], $0x800, $0x38;
	[tilespmem:$0x1F400] =	vst v63  }
0x9a: {  	s28 =	sld [smem:$0x7E5]  }
0x9b: {  	[spmem:s20] =	stream.linear.scatter [tilespmem:s15], [sflag:$0x9], $0x800, $0x38;
	[tilespmem:$0x1F400] =	vst v63  }
0x9c: {  	s6 =	sld [smem:$0x7E6]  }
0x9d: {  	[spmem:s28] =	stream.linear.scatter [tilespmem:s15], [sflag:$0x9], $0x800, $0x38;
	[tilespmem:$0x1F400] =	vst v63  }
0x9e: {  	s9 =	sld [smem:$0x7E7]  }
0x9f: {  	[spmem:s6] =	stream.linear.scatter [tilespmem:s15], [sflag:$0x9], $0x800, $0x38;
	[tilespmem:$0x1F400] =	vst v63  }
0xa0: {  	s14 =	sld [smem:$0x7E8]  }
0xa1: {  	[spmem:s9] =	stream.linear.scatter [tilespmem:s15], [sflag:$0x9], $0x800, $0x38;
	[tilespmem:$0x1F400] =	vst v63  }
0xa2: {  	s17 =	sld [smem:$0x7E9]  }
0xa3: {  	[spmem:s14] =	stream.linear.scatter [tilespmem:s15], [sflag:$0x9], $0x800, $0x38;
	[tilespmem:$0x1F400] =	vst v63  }
0xa4: {  	s20 =	sld [smem:$0x7EA]  }
0xa5: {  	[spmem:s17] =	stream.linear.scatter [tilespmem:s15], [sflag:$0x9], $0x800, $0x38;
	[tilespmem:$0x1F400] =	vst v63  }
0xa6: {  	s28 =	sld [smem:$0x7EB]  }
0xa7: {  	[spmem:s20] =	stream.linear.scatter [tilespmem:s15], [sflag:$0x9], $0x800, $0x38;
	[tilespmem:$0x1F400] =	vst v63  }
0xa8: {  	s6 =	sld [smem:$0x7EC]  }
0xa9: {  	[spmem:s28] =	stream.linear.scatter [tilespmem:s15], [sflag:$0x9], $0x800, $0x38;
	[tilespmem:$0x1F400] =	vst v63  }
0xaa: {  	s9 =	sld [smem:$0x7ED]  }
0xab: {  	[spmem:s6] =	stream.linear.scatter [tilespmem:s15], [sflag:$0x9], $0x800, $0x38;
	[tilespmem:$0x1F400] =	vst v63  }
0xac: {  	s14 =	sld [smem:$0x7EE]  }
0xad: {  	[spmem:s9] =	stream.linear.scatter [tilespmem:s15], [sflag:$0x9], $0x800, $0x38;
	[tilespmem:$0x1F400] =	vst v63  }
0xae: {  	s17 =	sld [smem:$0x7EF]  }
0xaf: {  	[spmem:s14] =	stream.linear.scatter [tilespmem:s15], [sflag:$0x9], $0x800, $0x38;
	[tilespmem:$0x1F400] =	vst v63  }
0xb0: {  	s20 =	sld [smem:$0x7F0]  }
0xb1: {  	[spmem:s17] =	stream.linear.scatter [tilespmem:s15], [sflag:$0x9], $0x800, $0x38;
	[tilespmem:$0x1F400] =	vst v63  }
0xb2: {  	s28 =	sld [smem:$0x7F1]  }
0xb3: {  	[spmem:s20] =	stream.linear.scatter [tilespmem:s15], [sflag:$0x9], $0x800, $0x38;
	[tilespmem:$0x1F400] =	vst v63  }
0xb4: {  	s6 =	sld [smem:$0x7F2]  }
0xb5: {  	[spmem:s28] =	stream.linear.scatter [tilespmem:s15], [sflag:$0x9], $0x800, $0x38;
	[tilespmem:$0x1F400] =	vst v63  }
0xb6: {  	s9 =	sld [smem:$0x7F3]  }
0xb7: {  	[spmem:s6] =	stream.linear.scatter [tilespmem:s15], [sflag:$0x9], $0x800, $0x38;
	[tilespmem:$0x1F400] =	vst v63  }
0xb8: {  	s14 =	sld [smem:$0x7F4]  }
0xb9: {  	[spmem:s9] =	stream.linear.scatter [tilespmem:s15], [sflag:$0x9], $0x800, $0x38;
	[tilespmem:$0x1F400] =	vst v63  }
0xba: {  	s17 =	sld [smem:$0x7F5]  }
0xbb: {  	[spmem:s14] =	stream.linear.scatter [tilespmem:s15], [sflag:$0x9], $0x800, $0x38;
	[tilespmem:$0x1F400] =	vst v63  }
0xbc: {  	s20 =	sld [smem:$0x7F6]  }
0xbd: {  	[spmem:s17] =	stream.linear.scatter [tilespmem:s15], [sflag:$0x9], $0x800, $0x38;
	[tilespmem:$0x1F400] =	vst v63  }
0xbe: {  	s28 =	sld [smem:$0x7F7]  }
0xbf: {  	[spmem:s20] =	stream.linear.scatter [tilespmem:s15], [sflag:$0x9], $0x800, $0x38;
	[tilespmem:$0x1F400] =	vst v63  }
0xc0: {  	s6 =	sld [smem:$0x7F8]  }
0xc1: {  	[spmem:s28] =	stream.linear.scatter [tilespmem:s15], [sflag:$0x9], $0x800, $0x38;
	[tilespmem:$0x1F400] =	vst v63  }
0xc2: {  	s9 =	sld [smem:$0x7F9]  }
0xc3: {  	[spmem:s6] =	stream.linear.scatter [tilespmem:s15], [sflag:$0x9], $0x800, $0x38;
	[tilespmem:$0x1F400] =	vst v63  }
0xc4: {  	s14 =	sld [smem:$0x7FA]  }
0xc5: {  	[spmem:s9] =	stream.linear.scatter [tilespmem:s15], [sflag:$0x9], $0x800, $0x38;
	[tilespmem:$0x1F400] =	vst v63  }
0xc6: {  	s17 =	sld [smem:$0x7FB]  }
0xc7: {  	[spmem:s14] =	stream.linear.scatter [tilespmem:s15], [sflag:$0x9], $0x800, $0x38;
	[tilespmem:$0x1F400] =	vst v63  }
0xc8: {  	s20 =	sld [smem:$0x7FC]  }
0xc9: {  	[spmem:s17] =	stream.linear.scatter [tilespmem:s15], [sflag:$0x9], $0x800, $0x38;
	[tilespmem:$0x1F400] =	vst v63  }
0xca: {  	s28 =	sld [smem:$0x7FD]  }
0xcb: {  	[spmem:s20] =	stream.linear.scatter [tilespmem:s15], [sflag:$0x9], $0x800, $0x38;
	[tilespmem:$0x1F400] =	vst v63  }
0xcc: {  	_ = 	snop  }
0xcd: {  	[spmem:s28] =	stream.linear.scatter [tilespmem:s15], [sflag:$0x9], $0x800, $0x38;
	[tilespmem:$0x1F400] =	vst v63  }
0xce: {  	_ =	swait.ge [sflag:s16], $0x800  }
0xcf: {  	s3 =	simm.s32 $0x30;
	[sflag:s16] =	ssyncset.done $0x0  }
.LBB2_4:
0xd0: {  	p0 =	sne.s32 s3, $0x1;
	s3 =	sadd.s32 $0xFFFFFFFF, s3;
	[sflag:s16] =	ssyncadd.s32 $0xFFFFF800  }
.Ltmp3:
0xd1: {  	(pc) =	sbr.rel @p0 .LBB2_4-.Ltmp3, $3  }
0xd2: {  	_ =	sdelay $0x1  }
0xd3: {  	_ =	swait.ge [sflag:s16], $0x800  }
0xd4: {  	[sflag:s16] =	ssyncset.done $0x0  }
0xd5: {  	[sflag:s16] =	ssyncadd.s32 $0xFFFFF800;
	s3 =	simm.s32 $0x5  }
0xd6: {  	_ =	swait.ge [sflag:s3], $0x300  }
0xd7: {  	[sflag:s3] =	ssyncset.done $0x0  }
0xd8: {  	s6 =	simm.s32 $0x0;
	[sflag:s3] =	ssyncadd.s32 $0xFFFFFD00  }
0xd9: {  	[tilespmem:s15], [sflag:$0x1] =	stream.indirect.gather [hbm4b:s5+s18], $0x10, s6, s18, $0xb8;
	[tilespmem:$0x1F400] =	vst v63  }
0xda: {  	s14 =	simm.s32 $0x1400  }
0xdb: {  	[tilespmem:s14], [sflag:$0x1] =	stream.indirect.gather [hbm4b:s5+s18], $0x10, s18, s18, $0xb8;
	[tilespmem:$0x1F400] =	vst v63  }
0xdc: {  	s17 =	simm.s32 $0x100;
	s9 =	simm.s32 $0x1C00  }
0xdd: {  	[tilespmem:s9], [sflag:$0x1] =	stream.indirect.gather [hbm4b:s5+s18], $0x10, s17, s18, $0xb8;
	[tilespmem:$0x1F400] =	vst v63  }
0xde: {  	s20 =	simm.s32 $0x180;
	s28 =	simm.s32 $0x2400  }
0xdf: {  	[tilespmem:s28], [sflag:$0x1] =	stream.indirect.gather [hbm4b:s5+s18], $0x10, s20, s18, $0xb8;
	[tilespmem:$0x1F400] =	vst v63  }
0xe0: {  	s14 =	simm.s32 $0x200;
	s17 =	simm.s32 $0x2C00  }
0xe1: {  	[tilespmem:s17], [sflag:$0x1] =	stream.indirect.gather [hbm4b:s5+s18], $0x10, s14, s18, $0xb8;
	[tilespmem:$0x1F400] =	vst v63  }
.Ltmp4:
0xe2: {  	_ = 	snop;
	(pc) =	sbr.rel .LBB2_6-.Ltmp4, $4  }
0xe3: {  	s20 =	simm.s32 $0x280;
	s28 =	simm.s32 $0x3400  }
0xe4: {  	[tilespmem:s28], [sflag:$0x1] =	stream.indirect.gather [hbm4b:s5+s18], $0x10, s20, s18, $0xb8;
	[tilespmem:$0x1F400] =	vst v63  }
0xe5: {  	[bflag:$0x0] =	sbarrier.arrive $0xFFFF  }
0xe6: {  	s3 =	simm.s32 $0x0  }
.LBB2_8:
0xe7: {  	s6 =	sadd.s32 $0x60, s6  }
0xe8: {  	p0 =	sne.s32 s6, $0x3180  }
.Ltmp5:
0xe9: {  	_ = 	snop;
	(pc) =	sbr.rel @!p0 .LBB2_9-.Ltmp5, $2  }
0xea: {  	_ =	sdelay $0x2  }
0xeb: {  	s3 =	sadd.s32 $0x1, s3  }
.LBB2_6:
0xec: {  	s17 =	sand.u32 $0x1, s3  }
0xed: {  	p0 =	seq.s32 s17, $0x1  }
0xee: {  	p1 =	seq.s32 @!p0 s6, $0x0  }
0xef: {  	p1 =	por p1, p0  }
0xf0: {  	s20 =	simm.s32 @!p1 $0x4  }
0xf1: {  	_ =	swait.ge @!p1 [sflag:s20], $0x800  }
0xf2: {  	[sflag:s20] =	ssyncset.done @!p1 $0x0  }
0xf3: {  	[sflag:s20] =	ssyncadd.s32 @!p1 $0xFFFFF800  }
0xf4: {  	_ =	swait.ge @!p1 [sflag:s20], $0x800  }
0xf5: {  	[sflag:s20] =	ssyncset.done @!p1 $0x0  }
0xf6: {  	[sflag:s20] =	ssyncadd.s32 @!p1 $0xFFFFF800  }
0xf7: {  	_ =	swait.ge @!p1 [sflag:s20], $0x800  }
0xf8: {  	[sflag:s20] =	ssyncset.done @!p1 $0x0  }
0xf9: {  	[sflag:s20] =	ssyncadd.s32 @!p1 $0xFFFFF800  }
0xfa: {  	_ =	swait.ge @!p1 [sflag:s20], $0x800  }
0xfb: {  	[sflag:s20] =	ssyncset.done @!p1 $0x0  }
0xfc: {  	[sflag:s20] =	ssyncadd.s32 @!p1 $0xFFFFF800  }
0xfd: {  	_ =	swait.ge @!p1 [sflag:s20], $0x800  }
0xfe: {  	[sflag:s20] =	ssyncset.done @!p1 $0x0  }
0xff: {  	[sflag:s20] =	ssyncadd.s32 @!p1 $0xFFFFF800  }
0x100: {  	_ =	swait.ge @!p1 [sflag:s20], $0x800  }
0x101: {  	s9 =	simm.s32 @!p0 $0x0;
	[sflag:s20] =	ssyncset.done @!p1 $0x0  }
0x102: {  	s14 =	simm.s32 @!p0 $0x900;
	[sflag:s20] =	ssyncadd.s32 @!p1 $0xFFFFF800;
	s20 =	sadd.s32 @!p0 s6, s23  }
0x103: {  	[tilespmem:s14], [sflag:$0x8] =	stream.linear.gather @!p0 [hbm4b:s20+s9], $0x300, $0x38;
	[tilespmem:$0x1F400] =	vst v63  }
0x104: {  	s9 =	simm.s32 @!p0 $0x6  }
0x105: {  	_ =	swait.ge @!p0 [sflag:s9], $0x300  }
0x106: {  	s14 =	simm.s32 @!p0 $0x300;
	[sflag:s9] =	ssyncset.done @!p0 $0x0  }
0x107: {  	s20 =	simm.s32 @!p0 $0x3C00;
	[sflag:s9] =	ssyncadd.s32 @!p0 $0xFFFFFD00;
	s9 =	simm.s32 @!p0 $0x80  }
0x108: {  	[tilespmem:s20], [sflag:$0x2] =	stream.indirect.gather @!p0 [hbm4b:s5+s9], $0x10, s14, s9, $0xb8;
	[tilespmem:$0x1F400] =	vst v63  }
0x109: {  	s14 =	simm.s32 @!p0 $0x380;
	s20 =	simm.s32 @!p0 $0x4400  }
0x10a: {  	[tilespmem:s20], [sflag:$0x2] =	stream.indirect.gather @!p0 [hbm4b:s5+s9], $0x10, s14, s9, $0xb8;
	[tilespmem:$0x1F400] =	vst v63  }
0x10b: {  	s14 =	simm.s32 @!p0 $0x400;
	s20 =	simm.s32 @!p0 $0x4C00  }
0x10c: {  	[tilespmem:s20], [sflag:$0x2] =	stream.indirect.gather @!p0 [hbm4b:s5+s9], $0x10, s14, s9, $0xb8;
	[tilespmem:$0x1F400] =	vst v63  }
0x10d: {  	s14 =	simm.s32 @!p0 $0x480;
	s20 =	simm.s32 @!p0 $0x5400  }
0x10e: {  	[tilespmem:s20], [sflag:$0x2] =	stream.indirect.gather @!p0 [hbm4b:s5+s9], $0x10, s14, s9, $0xb8;
	[tilespmem:$0x1F400] =	vst v63  }
0x10f: {  	s14 =	simm.s32 @!p0 $0x500;
	s20 =	simm.s32 @!p0 $0x5C00  }
0x110: {  	[tilespmem:s20], [sflag:$0x2] =	stream.indirect.gather @!p0 [hbm4b:s5+s9], $0x10, s14, s9, $0xb8;
	[tilespmem:$0x1F400] =	vst v63  }
0x111: {  	s14 =	simm.s32 @!p0 $0x580;
	s20 =	simm.s32 @!p0 $0x6400  }
0x112: {  	[tilespmem:s20], [sflag:$0x2] =	stream.indirect.gather @!p0 [hbm4b:s5+s9], $0x10, s14, s9, $0xb8;
	[tilespmem:$0x1F400] =	vst v63  }
0x113: {  	s14 =	simm.s32 @!p0 $0x7  }
0x114: {  	_ =	swait.ge @!p0 [sflag:s14], $0x300  }
0x115: {  	[sflag:s14] =	ssyncset.done @!p0 $0x0  }
0x116: {  	[sflag:s14] =	ssyncadd.s32 @!p0 $0xFFFFFD00;
	s14 =	simm.s32 @!p0 $0x1  }
0x117: {  	_ =	swait.ge @!p0 [sflag:s14], $0x800  }
0x118: {  	[sflag:s14] =	ssyncset.done @!p0 $0x0  }
0x119: {  	s28 =	simm.s32 @!p0 $0xC00;
	s20 =	simm.s32 @!p0 $0x600;
	[sflag:s14] =	ssyncadd.s32 @!p0 $0xFFFFF800  }
0x11a: {  	[spmem:s1] =	stream.indirect.scatter.add.f32 @!p0 [tilespmem:s28], [sflag:$0x3], $0x10, s20, s9, $0xb8;
	[tilespmem:$0x1F400] =	vst v63  }
0x11b: {  	_ =	swait.ge @!p0 [sflag:s14], $0x800  }
0x11c: {  	[sflag:s14] =	ssyncset.done @!p0 $0x0  }
0x11d: {  	s20 =	simm.s32 @!p0 $0x680;
	s28 =	simm.s32 @!p0 $0x1400;
	[sflag:s14] =	ssyncadd.s32 @!p0 $0xFFFFF800  }
0x11e: {  	[spmem:s1] =	stream.indirect.scatter.add.f32 @!p0 [tilespmem:s28], [sflag:$0x3], $0x10, s20, s9, $0xb8;
	[tilespmem:$0x1F400] =	vst v63  }
0x11f: {  	_ =	swait.ge @!p0 [sflag:s14], $0x800  }
0x120: {  	[sflag:s14] =	ssyncset.done @!p0 $0x0  }
0x121: {  	s20 =	simm.s32 @!p0 $0x700;
	s28 =	simm.s32 @!p0 $0x1C00;
	[sflag:s14] =	ssyncadd.s32 @!p0 $0xFFFFF800  }
0x122: {  	[spmem:s1] =	stream.indirect.scatter.add.f32 @!p0 [tilespmem:s28], [sflag:$0x3], $0x10, s20, s9, $0xb8;
	[tilespmem:$0x1F400] =	vst v63  }
0x123: {  	_ =	swait.ge @!p0 [sflag:s14], $0x800  }
0x124: {  	[sflag:s14] =	ssyncset.done @!p0 $0x0  }
0x125: {  	s20 =	simm.s32 @!p0 $0x780;
	s28 =	simm.s32 @!p0 $0x2400;
	[sflag:s14] =	ssyncadd.s32 @!p0 $0xFFFFF800  }
0x126: {  	[spmem:s1] =	stream.indirect.scatter.add.f32 @!p0 [tilespmem:s28], [sflag:$0x3], $0x10, s20, s9, $0xb8;
	[tilespmem:$0x1F400] =	vst v63  }
0x127: {  	_ =	swait.ge @!p0 [sflag:s14], $0x800  }
0x128: {  	[sflag:s14] =	ssyncset.done @!p0 $0x0  }
0x129: {  	s20 =	simm.s32 @!p0 $0x800;
	s28 =	simm.s32 @!p0 $0x2C00;
	[sflag:s14] =	ssyncadd.s32 @!p0 $0xFFFFF800  }
0x12a: {  	[spmem:s1] =	stream.indirect.scatter.add.f32 @!p0 [tilespmem:s28], [sflag:$0x3], $0x10, s20, s9, $0xb8;
	[tilespmem:$0x1F400] =	vst v63  }
0x12b: {  	p1 =	sgt.u32 @!p0 s3, $0x81;
	_ =	swait.ge @!p0 [sflag:s14], $0x800  }
0x12c: {  	p1 =	por p1, p0;
	[sflag:s14] =	ssyncset.done @!p0 $0x0  }
0x12d: {  	s20 =	simm.s32 @!p0 $0x3400;
	[sflag:s14] =	ssyncadd.s32 @!p0 $0xFFFFF800;
	s14 =	simm.s32 @!p0 $0x880  }
0x12e: {  	[spmem:s1] =	stream.indirect.scatter.add.f32 @!p0 [tilespmem:s20], [sflag:$0x3], $0x10, s14, s9, $0xb8;
	[tilespmem:$0x1F400] =	vst v63  }
0x12f: {  	s9 =	sadd.s32 @!p1 s6, s24  }
0x130: {  	s9 =	sand.u32 @!p1 $0x1FFFFFC0, s9  }
0x131: {  	s14 =	simm.s32 @!p1 $0x0;
	s9 =	sadd.s32 @!p1 s4, s9  }
0x132: {  	[tilespmem:s14], [sflag:$0x5] =	stream.linear.gather @!p1 [hbm4b:s9+s14], $0x300, $0x38;
	[tilespmem:$0x1F400] =	vst v63  }
0x133: {  	p1 =	seq.s32 @!p0 s17, $0x0  }
0x134: {  	p0 =	por p0, !p1  }
.Ltmp6:
0x135: {  	_ = 	snop;
	(pc) =	sbr.rel @!p0 .LBB2_8-.Ltmp6, $1  }
0x136: {  	_ =	sdelay $0x3  }
0x137: {  	_ =	swait.ge [sflag:s21], $0x800  }
0x138: {  	[sflag:s21] =	ssyncset.done $0x0  }
0x139: {  	[sflag:s21] =	ssyncadd.s32 $0xFFFFF800  }
0x13a: {  	_ =	swait.ge [sflag:s21], $0x800  }
0x13b: {  	[sflag:s21] =	ssyncset.done $0x0  }
0x13c: {  	[sflag:s21] =	ssyncadd.s32 $0xFFFFF800  }
0x13d: {  	_ =	swait.ge [sflag:s21], $0x800  }
0x13e: {  	[sflag:s21] =	ssyncset.done $0x0  }
0x13f: {  	[sflag:s21] =	ssyncadd.s32 $0xFFFFF800  }
0x140: {  	_ =	swait.ge [sflag:s21], $0x800  }
0x141: {  	[sflag:s21] =	ssyncset.done $0x0  }
0x142: {  	[sflag:s21] =	ssyncadd.s32 $0xFFFFF800  }
0x143: {  	_ =	swait.ge [sflag:s21], $0x800  }
0x144: {  	[sflag:s21] =	ssyncset.done $0x0  }
0x145: {  	[sflag:s21] =	ssyncadd.s32 $0xFFFFF800  }
0x146: {  	p0 =	seq.s32 s6, $0x3120;
	_ =	swait.ge [sflag:s21], $0x800  }
0x147: {  	s9 =	sadd.s32 @!p0 s6, s23;
	[sflag:s21] =	ssyncset.done $0x0  }
0x148: {  	s14 =	simm.s32 @!p0 $0x0;
	s17 =	simm.s32 @!p0 $0x600;
	[sflag:s21] =	ssyncadd.s32 $0xFFFFF800  }
0x149: {  	[tilespmem:s17], [sflag:$0x7] =	stream.linear.gather @!p0 [hbm4b:s9+s14], $0x300, $0x38;
	[tilespmem:$0x1F400] =	vst v63  }
0x14a: {  	s9 =	simm.s32 @!p0 $0x5  }
0x14b: {  	_ =	swait.ge @!p0 [sflag:s9], $0x300  }
0x14c: {  	[sflag:s9] =	ssyncset.done @!p0 $0x0  }
0x14d: {  	s17 =	simm.s32 @!p0 $0xC00;
	[sflag:s9] =	ssyncadd.s32 @!p0 $0xFFFFFD00;
	s9 =	simm.s32 @!p0 $0x80  }
0x14e: {  	[tilespmem:s17], [sflag:$0x1] =	stream.indirect.gather @!p0 [hbm4b:s5+s9], $0x10, s14, s9, $0xb8;
	[tilespmem:$0x1F400] =	vst v63  }
0x14f: {  	s14 =	simm.s32 @!p0 $0x1400  }
0x150: {  	[tilespmem:s14], [sflag:$0x1] =	stream.indirect.gather @!p0 [hbm4b:s5+s9], $0x10, s9, s9, $0xb8;
	[tilespmem:$0x1F400] =	vst v63  }
0x151: {  	s17 =	simm.s32 @!p0 $0x1C00;
	s14 =	simm.s32 @!p0 $0x100  }
0x152: {  	[tilespmem:s17], [sflag:$0x1] =	stream.indirect.gather @!p0 [hbm4b:s5+s9], $0x10, s14, s9, $0xb8;
	[tilespmem:$0x1F400] =	vst v63  }
0x153: {  	s14 =	simm.s32 @!p0 $0x180;
	s17 =	simm.s32 @!p0 $0x2400  }
0x154: {  	[tilespmem:s17], [sflag:$0x1] =	stream.indirect.gather @!p0 [hbm4b:s5+s9], $0x10, s14, s9, $0xb8;
	[tilespmem:$0x1F400] =	vst v63  }
0x155: {  	s14 =	simm.s32 @!p0 $0x200;
	s17 =	simm.s32 @!p0 $0x2C00  }
0x156: {  	[tilespmem:s17], [sflag:$0x1] =	stream.indirect.gather @!p0 [hbm4b:s5+s9], $0x10, s14, s9, $0xb8;
	[tilespmem:$0x1F400] =	vst v63  }
0x157: {  	s14 =	simm.s32 @!p0 $0x280;
	s17 =	simm.s32 @!p0 $0x3400  }
0x158: {  	[tilespmem:s17], [sflag:$0x1] =	stream.indirect.gather @!p0 [hbm4b:s5+s9], $0x10, s14, s9, $0xb8;
	[tilespmem:$0x1F400] =	vst v63  }
0x159: {  	_ =	swait.ge [sflag:s25], $0x300  }
0x15a: {  	[sflag:s25] =	ssyncset.done $0x0  }
0x15b: {  	[sflag:s25] =	ssyncadd.s32 $0xFFFFFD00  }
0x15c: {  	_ =	swait.ge [sflag:s26], $0x800  }
0x15d: {  	[sflag:s26] =	ssyncset.done $0x0  }
0x15e: {  	s28 =	simm.s32 $0x900;
	[sflag:s26] =	ssyncadd.s32 $0xFFFFF800  }
0x15f: {  	[spmem:s1] =	stream.indirect.scatter.add.f32 [tilespmem:s29], [sflag:$0x4], $0x10, s28, s18, $0xb8;
	[tilespmem:$0x1F400] =	vst v63  }
0x160: {  	_ =	swait.ge [sflag:s26], $0x800  }
0x161: {  	[sflag:s26] =	ssyncset.done $0x0  }
0x162: {  	[sflag:s26] =	ssyncadd.s32 $0xFFFFF800  }
0x163: {  	[spmem:s1] =	stream.indirect.scatter.add.f32 [tilespmem:s31], [sflag:$0x4], $0x10, s30, s18, $0xb8;
	[tilespmem:$0x1F400] =	vst v63  }
0x164: {  	_ =	swait.ge [sflag:s26], $0x800  }
0x165: {  	[sflag:s26] =	ssyncset.done $0x0  }
0x166: {  	[sflag:s26] =	ssyncadd.s32 $0xFFFFF800  }
0x167: {  	[spmem:s1] =	stream.indirect.scatter.add.f32 [tilespmem:s2], [sflag:$0x4], $0x10, s0, s18, $0xb8;
	[tilespmem:$0x1F400] =	vst v63  }
0x168: {  	_ =	swait.ge [sflag:s26], $0x800  }
0x169: {  	[sflag:s26] =	ssyncset.done $0x0  }
0x16a: {  	[sflag:s26] =	ssyncadd.s32 $0xFFFFF800  }
0x16b: {  	[spmem:s1] =	stream.indirect.scatter.add.f32 [tilespmem:s8], [sflag:$0x4], $0x10, s7, s18, $0xb8;
	[tilespmem:$0x1F400] =	vst v63  }
0x16c: {  	_ =	swait.ge [sflag:s26], $0x800  }
0x16d: {  	[sflag:s26] =	ssyncset.done $0x0  }
0x16e: {  	[sflag:s26] =	ssyncadd.s32 $0xFFFFF800  }
0x16f: {  	[spmem:s1] =	stream.indirect.scatter.add.f32 [tilespmem:s11], [sflag:$0x4], $0x10, s10, s18, $0xb8;
	[tilespmem:$0x1F400] =	vst v63  }
0x170: {  	_ =	swait.ge [sflag:s26], $0x800  }
.Ltmp7:
0x171: {  	[sflag:s26] =	ssyncset.done $0x0;
	(pc) =	sbr.rel .LBB2_8-.Ltmp7, $4  }
0x172: {  	p0 =	sgt.u32 s3, $0x81;
	[sflag:s26] =	ssyncadd.s32 $0xFFFFF800  }
0x173: {  	[spmem:s1] =	stream.indirect.scatter.add.f32 [tilespmem:s13], [sflag:$0x4], $0x10, s12, s18, $0xb8;
	[tilespmem:$0x1F400] =	vst v63  }
0x174: {  	s9 =	sadd.s32 @!p0 s6, s22;
	s14 =	simm.s32 @!p0 $0x0;
	s17 =	simm.s32 @!p0 $0x300  }
0x175: {  	[tilespmem:s17], [sflag:$0x6] =	stream.linear.gather @!p0 [hbm4b:s9+s14], $0x300, $0x38;
	[tilespmem:$0x1F400] =	vst v63  }
.LBB2_10:
0x176: {  	_ =	sfence.sel $0x180000  }
0x177: {  	[bflag:$0x0] =	sbarrier.arrive $0xFFFF  }
0x178: {  	_ =	strace $0x9000004A  }
0x179: {  	s0 =	stileid.u32;
	[bflag:$0x2] =	sbarrier.arrive $0xFFFF  }
0x17a: {  	p0 =	sne.s32 s0, $0x0;
	s0 =	rddreg [dreg:$0x2]  }
0x17b: {  	s0 =	sadd.s32 @!p0 $0x100000, s0  }
0x17c: {  	[sflag:s0] =	ssyncadd.tile.s32 @!p0 $0x1;
	_ =	shalt  }
.Lfunc_end2:
_tile_overlayer_lowered:
.L_overlay_start_2:
0x17d: {  	(tag) =	ssettag $0x2  }
0x17e: {  	s0 =	rddreg [dreg:$0x0];
	s2 =	stileid.u32  }
0x17f: {  	s1 =	rddreg [dreg:$0x1];
	p0 =	sne.s32 s2, $0x0  }
0x180: {  	s3 =	rddreg [dreg:$0x2];
	[bflag:$0x3] =	sbarrier.arrive $0xFFFF;
	s2 =	simm.s32 @!p0 $0x1C0A  }
0x181: {  	[timem:s3], [sflag:s2] =	dma.local @!p0 [hbm:s0], s1  }
0x182: {  	s0 =	simm.s32 @!p0 $0xA  }
0x183: {  	_ =	swait.ge @!p0 [sflag:s0], s1  }
0x184: {  	s1 =	ssub.s32 @!p0 $0x0, s1;
	[sflag:s0] =	ssyncset.done @!p0 $0x0  }
0x185: {  	[sflag:s0] =	ssyncadd.s32 @!p0 s1  }
0x186: {  	[bflag:$0x3] =	sbarrier.arrive $0xFFFF  }
0x187: {  	_ =	shalt  }

// kernel: kernel.14.cloned.1.call-start
scs
__scs_entry_jumppad:
0x0: {  	(pc) =	sbr.rel $0x88, $3  }
0x1: {  	(tag) =	ssettag $0x0;
	lr =	simm.s32 $0x1  }
0x2: {  	[smem:$0x3F9B] =	sst lr;
	_ =	strace $0xD0000000  }
0x3: {  	_ = 	snop  }
0x4: {  	_ = 	snop  }
0x5: {  	_ = 	snop  }
0x6: {  	_ = 	snop  }
0x7: {  	_ = 	snop  }
__scs_overlays_trampoline_lowered:
0x8: {  	[smem:$0x3FAA] =	sst s0  }
0x9: {  	[smem:$0x3FAB] =	sst s1  }
0xa: {  	[smem:$0x3FAC] =	sst s2  }
0xb: {  	[smem:$0x3FAD] =	sst s3  }
0xc: {  	[smem:$0x3FAE] =	sst s4  }
0xd: {  	[smem:$0x3FAF] =	sst s5  }
0xe: {  	[smem:$0x3FB0] =	sst s6  }
0xf: {  	[smem:$0x3FB1] =	sst s7  }
0x10: {  	[smem:$0x3FB2] =	sst s8  }
0x11: {  	[smem:$0x3FB3] =	sst s9;
	s0 =	simm.s32 @!p0 $0x0  }
0x12: {  	s1 =	sld [smem:$0x3F99];
	s0 =	simm.s32 @p0 $0x1  }
0x13: {  	[smem:$0x3FB4] =	sst s0;
	s0 =	simm.s32 @!p1 $0x0  }
0x14: {  	s2 =	sld [smem:$0x3F98];
	s0 =	simm.s32 @p1 $0x1  }
0x15: {  	[smem:$0x3FB5] =	sst s0;
	s0 =	simm.s32 @!p2 $0x0  }
0x16: {  	s3 =	sld [smem:$0x3FDB];
	s0 =	simm.s32 @p2 $0x1  }
0x17: {  	s4 =	simm.s32 $0x1BF5;
	[smem:$0x3FB7] =	sst s0  }
0x18: {  	s0 =	sld [smem:$0x3F9A];
	_ =	swait.ge [sflag:s4], $0x0  }
0x19: {  	s7 =	sld [smem:$0x3F9B]  }
0x1a: {  	s8 =	sadd.s32 $0xFFFFE003, lr  }
0x1b: {  	s9 =	sadd.s32 $0xFFFFFEF7, lr;
	s5 =	simm.s32 $0xFFFFFFFF;
	p2 =	slt.u32 s8, $0xFFFFF086  }
0x1c: {  	p1 =	slt.u32 s9, $0xF7A;
	s5 =	simm.s32 @!p2 $0x0  }
0x1d: {  	s5 =	simm.s32 @p1 $0x1;
	p0 =	seq.s32 s7, s2  }
0x1e: {  	s7 =	smul.u32 @!p0 $0xF7A, s2;
	p2 =	seq.s32 @!p0 s5, $0x0  }
0x1f: {  	s9 =	smul.u32 $0xF7A, s1;
	s8 =	simm.s32 @!p0 $0x1BF5;
	p2 =	por !p2, p0  }
0x20: {  	[sflag:s8] =	ssyncset.s32 @!p0 $0xFFFFF086;
	s6 =	sadd.s32 @!p0 s3, s7;
	s7 =	simm.s32 @!p0 $0x108  }
0x21: {  	s3 =	sadd.s32 s3, s9;
	s6 =	sadd.s32 @!p0 $0x88, s6;
	s7 =	simm.s32 @p2 $0x1082  }
0x22: {  	[simem:s7], [sflag:s8] =	dma.local @!p0 [hbm:s6], $0xF7A  }
0x23: {  	s9 =	sor.u32 $0xD0000000, s2;
	s6 =	simm.s32 $0x108;
	_ =	swait.ge @!p0 [sflag:s8], $0x0  }
0x24: {  	s3 =	sadd.s32 $0x88, s3;
	s6 =	simm.s32 @!p1 $0x1082;
	[sflag:s4] =	ssyncset.s32 $0xFFFFF086  }
0x25: {  	[simem:s6], [sflag:s4] =	dma.local [hbm:s3], $0xF7A  }
0x26: {  	[smem:$0x3F9B] =	sst s1;
	(tag) =	ssettag s2;
	_ =	strace s9  }
0x27: {  	s1 =	sld [smem:$0x3FAB]  }
0x28: {  	s2 =	sld [smem:$0x3FAC]  }
0x29: {  	s4 =	sld [smem:$0x3FAE]  }
0x2a: {  	p0 =	seq.s32 s5, $0x0;
	s5 =	sld [smem:$0x3FAF]  }
0x2b: {  	s6 =	sld [smem:$0x3FB0]  }
0x2c: {  	s7 =	sld [smem:$0x3FB1]  }
0x2d: {  	s3 =	simm.s32 $0x108;
	s8 =	sld [smem:$0x3FB2]  }
0x2e: {  	s3 =	simm.s32 @!p0 $0x1082;
	s9 =	sld [smem:$0x3FB3]  }
0x2f: {  	lr =	sadd.s32 s0, s3;
	s0 =	sld [smem:$0x3FAA]  }
0x30: {  	s3 =	sld [smem:$0x3FAD]  }
0x31: {  	[smem:$0x3FB6] =	sst s10  }
0x32: {  	s10 =	sld [smem:$0x3FB4];
	_ =	sdelay $0x3  }
0x33: {  	p0 =	seq.s32 s10, $0x1;
	s10 =	sld [smem:$0x3FB6];
	_ =	sdelay $0x3  }
0x34: {  	[smem:$0x3FB6] =	sst s10  }
0x35: {  	s10 =	sld [smem:$0x3FB5];
	_ =	sdelay $0x3  }
0x36: {  	p1 =	seq.s32 s10, $0x1;
	s10 =	sld [smem:$0x3FB6];
	_ =	sdelay $0x3  }
0x37: {  	[smem:$0x3FB6] =	sst s10  }
0x38: {  	s10 =	sld [smem:$0x3FB7]  }
0x39: {  	_ = 	snop;
	(pc) =	sbr.ind lr, $3  }
0x3a: {  	_ = 	snop  }
0x3b: {  	_ = 	snop  }
0x3c: {  	p2 =	seq.s32 s10, $0x1;
	s10 =	sld [smem:$0x3FB6]  }
0x3d: {  	_ =	shalt  }
0x3e: {  	_ =	shalt  }
0x3f: {  	_ =	shalt  }
0x40: {  	_ =	shalt  }
0x41: {  	_ =	shalt  }
0x42: {  	_ =	shalt  }
0x43: {  	_ =	shalt  }
0x44: {  	_ =	shalt  }
0x45: {  	_ =	shalt  }
0x46: {  	_ =	shalt  }
0x47: {  	_ =	shalt  }
0x48: {  	_ =	shalt  }
0x49: {  	_ =	shalt  }
0x4a: {  	_ =	shalt  }
0x4b: {  	_ =	shalt  }
0x4c: {  	_ =	shalt  }
0x4d: {  	_ =	shalt  }
0x4e: {  	_ =	shalt  }
0x4f: {  	_ =	shalt  }
0x50: {  	_ =	shalt  }
0x51: {  	_ =	shalt  }
0x52: {  	_ =	shalt  }
0x53: {  	_ =	shalt  }
0x54: {  	_ =	shalt  }
0x55: {  	_ =	shalt  }
0x56: {  	_ =	shalt  }
0x57: {  	_ =	shalt  }
0x58: {  	_ =	shalt  }
0x59: {  	_ =	shalt  }
0x5a: {  	_ =	shalt  }
0x5b: {  	_ =	shalt  }
0x5c: {  	_ =	shalt  }
0x5d: {  	_ =	shalt  }
0x5e: {  	_ =	shalt  }
0x5f: {  	_ =	shalt  }
0x60: {  	_ =	shalt  }
0x61: {  	_ =	shalt  }
0x62: {  	_ =	shalt  }
0x63: {  	_ =	shalt  }
0x64: {  	_ =	shalt  }
0x65: {  	_ =	shalt  }
0x66: {  	_ =	shalt  }
0x67: {  	_ =	shalt  }
0x68: {  	_ =	shalt  }
0x69: {  	_ =	shalt  }
0x6a: {  	_ =	shalt  }
0x6b: {  	_ =	shalt  }
0x6c: {  	_ =	shalt  }
0x6d: {  	_ =	shalt  }
0x6e: {  	_ =	shalt  }
0x6f: {  	_ =	shalt  }
0x70: {  	_ =	shalt  }
0x71: {  	_ =	shalt  }
0x72: {  	_ =	shalt  }
0x73: {  	_ =	shalt  }
0x74: {  	_ =	shalt  }
0x75: {  	_ =	shalt  }
0x76: {  	_ =	shalt  }
0x77: {  	_ =	shalt  }
0x78: {  	_ =	shalt  }
0x79: {  	_ =	shalt  }
0x7a: {  	_ =	shalt  }
0x7b: {  	_ =	shalt  }
0x7c: {  	_ =	shalt  }
0x7d: {  	_ =	shalt  }
0x7e: {  	_ =	shalt  }
0x7f: {  	_ =	shalt  }
0x80: {  	_ =	shalt  }
0x81: {  	_ =	shalt  }
0x82: {  	_ =	shalt  }
0x83: {  	_ =	shalt  }
0x84: {  	_ =	shalt  }
0x85: {  	_ =	shalt  }
0x86: {  	_ =	shalt  }
0x87: {  	_ =	shalt  }
.Lfunc_end0:
.L_simem_size_0:
called_computation.2_lowered:
.L_overlay_start_0:
0x88: {  	s2 =	sld [smem:$0x3FD9]  }
0x89: {  	s3 =	sld [smem:$0x3FFE];
	_ =	sdelay $0x1  }
0x8a: {  	s1 =	srdreg.scid  }
0x8b: {  	s0 =	sand.u32 $0x1, s1  }
0x8c: {  	s16 =	sshll.u32 s0, $0xA;
	s2 =	sadd.s32 s3, s2  }
0x8d: {  	s2 =	sadd.s32 s2, s16  }
0x8e: {  	[smem:$0x3FC2] =	sst s2  }
0x8f: {  	_ = 	snop  }
0x90: {  	(tm) =	ssettm $0x1  }
0x91: {  	s17 =	sld [smem:$0x3FFB];
	_ =	sdelay $0x3  }
0x92: {  	_ =	strace s17  }
0x93: {  	s2 =	sld [smem:$0x3FFC];
	_ =	sdelay $0x3  }
0x94: {  	_ =	strace s2  }
0x95: {  	s2 =	sld [smem:$0x3FFD];
	_ =	sdelay $0x3  }
0x96: {  	_ =	strace s2  }
0x97: {  	_ =	strace $0x8FFFFFFF  }
0x98: {  	s18 =	sld [smem:$0x3FDB];
	_ =	sdelay $0x1  }
0x99: {  	s19 =	simm.s32 $_scs_section_size  }
0x9a: {  	s4 =	simm.s32 $_size__tile_overlayer_lowered;
	s5 =	simm.s32 $_tile_overlayer_lowered  }
0x9b: {  	s22 =	simm.s32 $0x1BFF;
	s21 =	sshll.u32 s5, $0x1;
	s2 =	sadd.s32 s19, s18  }
0x9c: {  	s6 =	simm.s32 $0x0;
	s20 =	sshll.u32 s4, $0x1;
	s4 =	sadd.s32 s21, s2  }
0x9d: {  	[timem:s6], [sflag:s22] =	dma.local [hbm:s4], s20  }
0x9e: {  	_ =	swait.ge [sflag:s22], s20  }
0x9f: {  	s3 =	ssub.s32 $0x0, s20;
	[sflag:s22] =	ssyncset.done $0x0  }
0xa0: {  	[sflag:s22] =	ssyncadd.s32 s3;
	_ =	sdelay $0x1  }
0xa1: {  	s23 =	simm.s32 $0x1B8B  }
0xa2: {  	_ =	swait.ge [sflag:s23], $0x1  }
0xa3: {  	[sflag:s23] =	ssyncset.done $0x0  }
0xa4: {  	s25 =	simm.s32 $0x1B8E;
	s24 =	sld [smem:$0x3FFE];
	[sflag:s23] =	ssyncadd.s32 $0xFFFFFFFF  }
0xa5: {  	s26 =	simm.s32 $execute0_lowered;
	[smem:$0x3FD2] =	sst s25  }
0xa6: {  	s4 =	sshll.u32 s26, $0x1;
	_ =	strace $0x8000004C;
	[dreg:$0x1] =	wrdreg $0xFFFFFFFF  }
0xa7: {  	s28 =	simm.s32 $_size_execute0_lowered;
	s2 =	sadd.s32 s2, s4;
	[dreg:$0x0] =	wrdreg $0x0  }
0xa8: {  	s4 =	sshll.u32 s28, $0x1;
	[dreg:$0x2] =	wrdreg s2  }
0xa9: {  	[dreg:$0x3] =	wrdreg s4  }
0xaa: {  	[dreg:$0x4] =	wrdreg $0xC0  }
0xab: {  	_ =	task [dreg:s6], $0x5FFFF  }
0xac: {  	[dreg:$0x1] =	wrdreg $0xFFFFFFFF  }
0xad: {  	[dreg:$0x0] =	wrdreg $0x60  }
0xae: {  	[dreg:$0x2] =	wrdreg s24  }
0xaf: {  	[dreg:$0x3] =	wrdreg $0x6C000  }
0xb0: {  	[dreg:$0x4] =	wrdreg $0x9  }
0xb1: {  	_ =	task.clear_ibuf [dreg:s6], $0x5FFFF;
	_ =	strace $0x9000004C  }
0xb2: {  	s29 =	simm.s32 $0x9;
	_ =	strace $0x8000004E  }
0xb3: {  	_ =	swait.ge [sflag:s29], $0x1  }
0xb4: {  	[sflag:s29] =	ssyncadd.s32 $0xFFFFFFFF  }
0xb5: {  	_ =	strace $0x9000004E  }
0xb6: {  	_ =	sfence  }
0xb7: {  	s30 =	sld [smem:$0x0];
	_ =	sdelay $0x2  }
0xb8: {  	s31 =	sshll.u32 s1, $0xD;
	s1 =	sshrl.u32 s1, $0x2  }
0xb9: {  	s3 =	sand.u32 $0x4000, s31;
	s1 =	sadd.s32 s1, s30  }
0xba: {  	s0 =	sor.u32 s3, s0;
	s1 =	sshll.u32 s1, $0x11  }
0xbb: {  	s0 =	sor.u32 s1, s0  }
0xbc: {  	s0 =	sadd.s32 $0x8F2B, s0  }
0xbd: {  	[sflag:s0] =	ssyncadd.remote.s32 $0x1  }
0xbe: {  	_ =	sfence.sel $0xFFFF  }
0xbf: {  	[dreg:$0x0] =	wrdreg $0xFFFFFFFF;
	(pc) =	sbr.abs _section_cstart, $3  }
0xc0: {  	[dreg:$0x1] =	wrdreg $0xFFFFFFFF  }
0xc1: {  	_ =	task.clear_ibuf [dreg:s6], $0x2FFFF;
	_ =	strace $0x9FFFFFFF  }
0xc2: {  	(tm) =	ssettm $0x7FFFFFFF  }
0xc3: {  	_ =	shalt  }
tec
execute0_lowered:
.L_overlay_start_1:
0x0: {  	(tag) =	ssettag $0x1  }
0x1: {  	s0 =	rddreg [dreg:$0x0]  }
0x2: {  	s2 =	srdreg.scid;
	s11 =	stileid.u32  }
0x3: {  	s1 =	rddreg [dreg:$0x1];
	s2 =	sand.u32 $0x1, s2;
	s6 =	smul.u32 $0x18800, s11  }
0x4: {  	s3 =	simm.s32 $0x0;
	s10 =	smul.u32 $0x62000, s11;
	s5 =	sshll.u32 s2, $0x4  }
0x5: {  	[smem:$0x7FF] =	sst s3;
	s25 =	smul.u32 $0x188000, s2;
	s8 =	sor.u32 s11, s5  }
0x6: {  	s4 =	sadd.s32 $0xC7800, s0;
	s7 =	sadd.s32 $0x2800, s0;
	s8 =	smul.u32 $0x3180, s8  }
0x7: {  	_ =	strace $0x8000004D;
	s9 =	ssub.s32 $0x2, s2;
	s5 =	sadd.s32 $0x65800, s0  }
0x8: {  	s26 =	sshrl.u32 s9, $0x1;
	s3 =	sadd.s32 s6, s25;
	s12 =	sadd.s32 s4, s8  }
0x9: {  	s3 =	sshrl.u32 s3, $0x3;
	s8 =	sadd.s32 s7, s8;
	[dreg:$0x3] =	wrdreg s12  }
0xa: {  	s0 =	sadd.s32 s3, s0;
	s28 =	sadd.s32 $0x60, s12;
	[dreg:$0x5] =	wrdreg s8  }
0xb: {  	s3 =	ssub.s32 s9, s26;
	s0 =	sadd.s32 $0x12A800, s0;
	[dreg:$0x4] =	wrdreg s28  }
0xc: {  	s13 =	sadd.s32 s6, s1;
	s3 =	smax.u32 s3, $0x1;
	[dreg:$0x7] =	wrdreg s0  }
0xd: {  	s12 =	sshrl.u32 s10, $0x2;
	[dreg:$0x8] =	wrdreg s3;
	s0 =	sshrl.u32 s13, $0x3  }
0xe: {  	s9 =	sadd.s32 s12, s1;
	[dreg:$0x13] =	wrdreg s0  }
0xf: {  	s15 =	sadd.s32 $0x800, s9;
	[dreg:$0x6] =	wrdreg s9  }
0x10: {  	s16 =	sadd.s32 $0x1000, s9;
	[dreg:$0x9] =	wrdreg s15  }
0x11: {  	s18 =	sadd.s32 $0x1800, s9;
	[dreg:$0xa] =	wrdreg s16  }
0x12: {  	s19 =	sadd.s32 $0x2000, s9;
	[dreg:$0xb] =	wrdreg s18  }
0x13: {  	s20 =	sadd.s32 $0x2800, s9;
	[dreg:$0xc] =	wrdreg s19  }
0x14: {  	s21 =	sadd.s32 $0x3000, s9;
	[dreg:$0xd] =	wrdreg s20  }
0x15: {  	s23 =	sadd.s32 $0x3800, s9;
	[dreg:$0xe] =	wrdreg s21  }
0x16: {  	s24 =	sadd.s32 $0x4000, s9;
	[dreg:$0xf] =	wrdreg s23  }
0x17: {  	s25 =	sadd.s32 $0x4800, s9;
	[dreg:$0x10] =	wrdreg s24  }
0x18: {  	s26 =	sadd.s32 $0x5000, s9;
	[dreg:$0x11] =	wrdreg s25  }
0x19: {  	s6 =	sadd.s32 $0x5800, s9;
	[dreg:$0x12] =	wrdreg s26  }
0x1a: {  	s8 =	sadd.s32 $0x6800, s9;
	[dreg:$0x14] =	wrdreg s6  }
0x1b: {  	s17 =	smul.u32 $0x318, s11;
	s10 =	sadd.s32 $0x7000, s9;
	[dreg:$0x16] =	wrdreg s8  }
0x1c: {  	s22 =	smul.u32 $0x3180, s11;
	s11 =	sadd.s32 $0x7800, s9;
	[dreg:$0x17] =	wrdreg s10  }
0x1d: {  	s14 =	smul.u32 $0x3180, s2;
	s12 =	sadd.s32 $0x8000, s9;
	[dreg:$0x18] =	wrdreg s11  }
0x1e: {  	s13 =	sadd.s32 $0x8800, s9;
	[dreg:$0x19] =	wrdreg s12  }
0x1f: {  	s3 =	sadd.s32 s17, s14;
	s14 =	sadd.s32 $0x9000, s9;
	[dreg:$0x1a] =	wrdreg s13  }
0x20: {  	s3 =	sshll.u32 s3, $0x4;
	s17 =	sadd.s32 $0xA800, s9;
	[dreg:$0x1b] =	wrdreg s14  }
0x21: {  	s28 =	sadd.s32 s3, s7;
	s7 =	sadd.s32 $0x6000, s9;
	[dreg:$0x1e] =	wrdreg s17  }
0x22: {  	s15 =	sadd.s32 $0x9800, s9;
	[dreg:$0x15] =	wrdreg s7  }
0x23: {  	s16 =	sadd.s32 $0xA000, s9;
	[dreg:$0x1c] =	wrdreg s15  }
0x24: {  	s18 =	sadd.s32 $0xB000, s9;
	[dreg:$0x1d] =	wrdreg s16  }
0x25: {  	s19 =	sadd.s32 $0xB800, s9;
	[dreg:$0x1f] =	wrdreg s18  }
0x26: {  	s20 =	sadd.s32 $0xC000, s9;
	[smem:$0x7E4] =	sst s19  }
0x27: {  	s2 =	smul.u32 $0x31800, s2;
	s21 =	sadd.s32 $0xC800, s9;
	[smem:$0x7E5] =	sst s20  }
0x28: {  	s25 =	sadd.s32 $0xD000, s9;
	[smem:$0x7E6] =	sst s21  }
0x29: {  	s2 =	sadd.s32 s22, s2;
	s26 =	sadd.s32 $0xD800, s9;
	[smem:$0x7E7] =	sst s25  }
0x2a: {  	s24 =	sadd.s32 $0xC0, s2;
	s2 =	sadd.s32 $0xE800, s9;
	[smem:$0x7E8] =	sst s26  }
0x2b: {  	s6 =	sadd.s32 $0xF800, s9;
	[smem:$0x7EA] =	sst s2  }
0x2c: {  	s8 =	sadd.s32 $0x10800, s9;
	[smem:$0x7EC] =	sst s6  }
0x2d: {  	s10 =	sadd.s32 $0x11000, s9;
	[smem:$0x7EE] =	sst s8  }
0x2e: {  	s11 =	sadd.s32 $0x11800, s9;
	[smem:$0x7EF] =	sst s10  }
0x2f: {  	s12 =	sadd.s32 $0x12000, s9;
	[smem:$0x7F0] =	sst s11  }
0x30: {  	s29 =	simm.s32 $0x3C00;
	s13 =	sadd.s32 $0x12800, s9;
	[smem:$0x7F1] =	sst s12  }
0x31: {  	s30 =	simm.s32 $0x980;
	s14 =	sadd.s32 $0x13000, s9;
	[smem:$0x7F2] =	sst s13  }
0x32: {  	s3 =	sadd.s32 s4, s3;
	s17 =	sadd.s32 $0x14800, s9;
	[smem:$0x7F3] =	sst s14  }
0x33: {  	s23 =	sadd.s32 $0x60, s28;
	s28 =	sadd.s32 $0xE000, s9;
	[smem:$0x7F6] =	sst s17  }
0x34: {  	s22 =	sadd.s32 $0xC0, s3;
	s3 =	sadd.s32 $0xF000, s9;
	[smem:$0x7E9] =	sst s28  }
0x35: {  	s31 =	simm.s32 $0x4400;
	s7 =	sadd.s32 $0x10000, s9;
	[smem:$0x7EB] =	sst s3  }
0x36: {  	s0 =	simm.s32 $0xA00;
	s15 =	sadd.s32 $0x13800, s9;
	[smem:$0x7ED] =	sst s7  }
0x37: {  	s16 =	sadd.s32 $0x14000, s9;
	s18 =	sadd.s32 $0x15000, s9;
	[smem:$0x7F4] =	sst s15  }
0x38: {  	s19 =	sadd.s32 $0x15800, s9;
	s20 =	sadd.s32 $0x16000, s9;
	[smem:$0x7F5] =	sst s16  }
0x39: {  	s21 =	sadd.s32 $0x16800, s9;
	s25 =	sadd.s32 $0x17000, s9;
	[smem:$0x7F7] =	sst s18  }
0x3a: {  	s26 =	sadd.s32 $0x17800, s9;
	s2 =	simm.s32 $0x4C00;
	[smem:$0x7F8] =	sst s19  }
0x3b: {  	s8 =	simm.s32 $0x5400;
	s10 =	simm.s32 $0xB00;
	[smem:$0x7F9] =	sst s20  }
0x3c: {  	s11 =	simm.s32 $0x5C00;
	s12 =	simm.s32 $0xB80;
	[smem:$0x7FA] =	sst s21  }
.Ltmp0:
0x3d: {  	s13 =	simm.s32 $0x6400;
	[smem:$0x7FB] =	sst s25;
	(pc) =	sbr.rel .LBB2_1-.Ltmp0, $4  }
0x3e: {  	[smem:$0x7FC] =	sst s26;
	s28 =	sadd.s32 $0x18000, s9;
	s15 =	simm.s32 $0xC00  }
0x3f: {  	s16 =	simm.s32 $0x9;
	s18 =	simm.s32 $0x80;
	s19 =	simm.s32 $0x4  }
0x40: {  	s21 =	simm.s32 $0x3;
	s25 =	simm.s32 $0x8;
	s26 =	simm.s32 $0x2  }
0x41: {  	v0 =	vimm.f32 $0.0e+00;
	s7 =	simm.s32 $0xA80;
	s9 =	simm.s32 $0x0;
	[smem:$0x7FD] =	sst s28  }
.LBB2_9:
0x42: {  	_ =	swait.ge [sflag:s19], $0x800  }
0x43: {  	[sflag:s19] =	ssyncset.done $0x0  }
0x44: {  	[sflag:s19] =	ssyncadd.s32 $0xFFFFF800  }
0x45: {  	_ =	swait.ge [sflag:s19], $0x800  }
0x46: {  	[sflag:s19] =	ssyncset.done $0x0  }
0x47: {  	[sflag:s19] =	ssyncadd.s32 $0xFFFFF800  }
0x48: {  	_ =	swait.ge [sflag:s19], $0x800  }
0x49: {  	[sflag:s19] =	ssyncset.done $0x0  }
0x4a: {  	[sflag:s19] =	ssyncadd.s32 $0xFFFFF800  }
0x4b: {  	_ =	swait.ge [sflag:s19], $0x800  }
0x4c: {  	[sflag:s19] =	ssyncset.done $0x0  }
0x4d: {  	[sflag:s19] =	ssyncadd.s32 $0xFFFFF800  }
0x4e: {  	_ =	swait.ge [sflag:s19], $0x800  }
0x4f: {  	[sflag:s19] =	ssyncset.done $0x0  }
0x50: {  	[sflag:s19] =	ssyncadd.s32 $0xFFFFF800  }
0x51: {  	_ =	swait.ge [sflag:s19], $0x800  }
0x52: {  	[sflag:s19] =	ssyncset.done $0x0  }
0x53: {  	[sflag:s19] =	ssyncadd.s32 $0xFFFFF800  }
0x54: {  	s3 =	stileid.u32;
	[bflag:$0x0] =	sbarrier.arrive $0xFFFF  }
0x55: {  	s3 =	sshll.u32 s3, $0x6;
	s6 =	rddreg [dreg:$0x7]  }
0x56: {  	s17 =	simm.s32 $0xA;
	s3 =	sor.u32 $0x1C0A, s3;
	s9 =	rddreg [dreg:$0x13]  }
0x57: {  	[hbm:s6], [sflag:s3] =	dma.local [spmem:s9], $0x3100  }
0x58: {  	_ =	swait.ge [sflag:s17], $0x3100  }
0x59: {  	s20 =	sld [smem:$0x7E3];
	_ =	sdelay $0x2  }
0x5a: {  	s28 =	rddreg [dreg:$0x8];
	s9 =	sadd.s32 $0x1, s20  }
0x5b: {  	p0 =	sne.s32 s9, s28  }
.Ltmp1:
0x5c: {  	_ = 	snop;
	(pc) =	sbr.rel @!p0 .LBB2_10-.Ltmp1, $3  }
0x5d: {  	_ =	sdelay $0x1  }
0x5e: {  	[sflag:s17] =	ssyncset.done $0x0  }
0x5f: {  	[sflag:s17] =	ssyncadd.s32 $0xFFFFCF00  }
.LBB2_1:
0x60: {  	s3 =	simm.s32 $0x0;
	s6 =	rddreg [dreg:$0x3]  }
0x61: {  	[tilespmem:s3], [sflag:$0x5] =	stream.linear.gather [hbm4b:s6+s3], $0x300, $0x38;
	[tilespmem:$0x1F400] =	vst v63  }
0x62: {  	s14 =	rddreg [dreg:$0x4];
	s17 =	simm.s32 $0x300  }
0x63: {  	[tilespmem:s17], [sflag:$0x6] =	stream.linear.gather [hbm4b:s14+s3], $0x300, $0x38;
	[tilespmem:$0x1F400] =	vst v63  }
0x64: {  	s20 =	rddreg [dreg:$0x5];
	s28 =	simm.s32 $0x600  }
0x65: {  	[tilespmem:s28], [sflag:$0x7] =	stream.linear.gather [hbm4b:s20+s3], $0x300, $0x38;
	[tilespmem:$0x1F400] =	vst v63  }
0x66: {  	[smem:$0x7E3] =	sst s9;
	s6 =	simm.s32 $0x0;
	s3 =	simm.s32 $0x40  }
.LBB2_2:
0x67: {  	p0 =	sne.s32 s3, $0x1FC0;
	[tilespmem:s6+$0xC00] =	vst v0;
	s6 =	smov.u32 s3;
	s3 =	sadd.s32 $0x40, s3  }
.Ltmp2:
0x68: {  	(pc) =	sbr.rel @p0 .LBB2_2-.Ltmp2, $2  }
0x69: {  	_ =	sdelay $0x2  }
0x6a: {  	s6 =	sshra.s32 s6, $0x2  }
0x6b: {  	s3 =	rddreg [dreg:$0x6]  }
0x6c: {  	[tilespmem:s6+$0xC00] =	vst v0;
	s6 =	rddreg [dreg:$0x9]  }
0x6d: {  	[spmem:s3] =	stream.linear.scatter [tilespmem:s15], [sflag:$0x9], $0x800, $0x38;
	[tilespmem:$0x1F400] =	vst v63  }
0x6e: {  	s9 =	rddreg [dreg:$0xa]  }
0x6f: {  	[spmem:s6] =	stream.linear.scatter [tilespmem:s15], [sflag:$0x9], $0x800, $0x38;
	[tilespmem:$0x1F400] =	vst v63  }
0x70: {  	s14 =	rddreg [dreg:$0xb]  }
0x71: {  	[spmem:s9] =	stream.linear.scatter [tilespmem:s15], [sflag:$0x9], $0x800, $0x38;
	[tilespmem:$0x1F400] =	vst v63  }
0x72: {  	s17 =	rddreg [dreg:$0xc]  }
0x73: {  	[spmem:s14] =	stream.linear.scatter [tilespmem:s15], [sflag:$0x9], $0x800, $0x38;
	[tilespmem:$0x1F400] =	vst v63  }
0x74: {  	s20 =	rddreg [dreg:$0xd]  }
0x75: {  	[spmem:s17] =	stream.linear.scatter [tilespmem:s15], [sflag:$0x9], $0x800, $0x38;
	[tilespmem:$0x1F400] =	vst v63  }
0x76: {  	s28 =	rddreg [dreg:$0xe]  }
0x77: {  	[spmem:s20] =	stream.linear.scatter [tilespmem:s15], [sflag:$0x9], $0x800, $0x38;
	[tilespmem:$0x1F400] =	vst v63  }
0x78: {  	s6 =	rddreg [dreg:$0xf]  }
0x79: {  	[spmem:s28] =	stream.linear.scatter [tilespmem:s15], [sflag:$0x9], $0x800, $0x38;
	[tilespmem:$0x1F400] =	vst v63  }
0x7a: {  	s9 =	rddreg [dreg:$0x10]  }
0x7b: {  	[spmem:s6] =	stream.linear.scatter [tilespmem:s15], [sflag:$0x9], $0x800, $0x38;
	[tilespmem:$0x1F400] =	vst v63  }
0x7c: {  	s14 =	rddreg [dreg:$0x11]  }
0x7d: {  	[spmem:s9] =	stream.linear.scatter [tilespmem:s15], [sflag:$0x9], $0x800, $0x38;
	[tilespmem:$0x1F400] =	vst v63  }
0x7e: {  	s17 =	rddreg [dreg:$0x12]  }
0x7f: {  	[spmem:s14] =	stream.linear.scatter [tilespmem:s15], [sflag:$0x9], $0x800, $0x38;
	[tilespmem:$0x1F400] =	vst v63  }
0x80: {  	s20 =	rddreg [dreg:$0x14]  }
0x81: {  	[spmem:s17] =	stream.linear.scatter [tilespmem:s15], [sflag:$0x9], $0x800, $0x38;
	[tilespmem:$0x1F400] =	vst v63  }
0x82: {  	s28 =	rddreg [dreg:$0x15]  }
0x83: {  	[spmem:s20] =	stream.linear.scatter [tilespmem:s15], [sflag:$0x9], $0x800, $0x38;
	[tilespmem:$0x1F400] =	vst v63  }
0x84: {  	s6 =	rddreg [dreg:$0x16]  }
0x85: {  	[spmem:s28] =	stream.linear.scatter [tilespmem:s15], [sflag:$0x9], $0x800, $0x38;
	[tilespmem:$0x1F400] =	vst v63  }
0x86: {  	s9 =	rddreg [dreg:$0x17]  }
0x87: {  	[spmem:s6] =	stream.linear.scatter [tilespmem:s15], [sflag:$0x9], $0x800, $0x38;
	[tilespmem:$0x1F400] =	vst v63  }
0x88: {  	s14 =	rddreg [dreg:$0x18]  }
0x89: {  	[spmem:s9] =	stream.linear.scatter [tilespmem:s15], [sflag:$0x9], $0x800, $0x38;
	[tilespmem:$0x1F400] =	vst v63  }
0x8a: {  	s17 =	rddreg [dreg:$0x19]  }
0x8b: {  	[spmem:s14] =	stream.linear.scatter [tilespmem:s15], [sflag:$0x9], $0x800, $0x38;
	[tilespmem:$0x1F400] =	vst v63  }
0x8c: {  	s20 =	rddreg [dreg:$0x1a]  }
0x8d: {  	[spmem:s17] =	stream.linear.scatter [tilespmem:s15], [sflag:$0x9], $0x800, $0x38;
	[tilespmem:$0x1F400] =	vst v63  }
0x8e: {  	s28 =	rddreg [dreg:$0x1b]  }
0x8f: {  	[spmem:s20] =	stream.linear.scatter [tilespmem:s15], [sflag:$0x9], $0x800, $0x38;
	[tilespmem:$0x1F400] =	vst v63  }
0x90: {  	s6 =	rddreg [dreg:$0x1c]  }
0x91: {  	[spmem:s28] =	stream.linear.scatter [tilespmem:s15], [sflag:$0x9], $0x800, $0x38;
	[tilespmem:$0x1F400] =	vst v63  }
0x92: {  	s9 =	rddreg [dreg:$0x1d]  }
0x93: {  	[spmem:s6] =	stream.linear.scatter [tilespmem:s15], [sflag:$0x9], $0x800, $0x38;
	[tilespmem:$0x1F400] =	vst v63  }
0x94: {  	s14 =	rddreg [dreg:$0x1e]  }
0x95: {  	[spmem:s9] =	stream.linear.scatter [tilespmem:s15], [sflag:$0x9], $0x800, $0x38;
	[tilespmem:$0x1F400] =	vst v63  }
0x96: {  	s17 =	rddreg [dreg:$0x1f]  }
0x97: {  	[spmem:s14] =	stream.linear.scatter [tilespmem:s15], [sflag:$0x9], $0x800, $0x38;
	[tilespmem:$0x1F400] =	vst v63  }
0x98: {  	s20 =	sld [smem:$0x7E4]  }
0x99: {  	[spmem:s17] =	stream.linear.scatter [tilespmem:s15], [sflag:$0x9], $0x800, $0x38;
	[tilespmem:$0x1F400] =	vst v63  }
0x9a: {  	s28 =	sld [smem:$0x7E5]  }
0x9b: {  	[spmem:s20] =	stream.linear.scatter [tilespmem:s15], [sflag:$0x9], $0x800, $0x38;
	[tilespmem:$0x1F400] =	vst v63  }
0x9c: {  	s6 =	sld [smem:$0x7E6]  }
0x9d: {  	[spmem:s28] =	stream.linear.scatter [tilespmem:s15], [sflag:$0x9], $0x800, $0x38;
	[tilespmem:$0x1F400] =	vst v63  }
0x9e: {  	s9 =	sld [smem:$0x7E7]  }
0x9f: {  	[spmem:s6] =	stream.linear.scatter [tilespmem:s15], [sflag:$0x9], $0x800, $0x38;
	[tilespmem:$0x1F400] =	vst v63  }
0xa0: {  	s14 =	sld [smem:$0x7E8]  }
0xa1: {  	[spmem:s9] =	stream.linear.scatter [tilespmem:s15], [sflag:$0x9], $0x800, $0x38;
	[tilespmem:$0x1F400] =	vst v63  }
0xa2: {  	s17 =	sld [smem:$0x7E9]  }
0xa3: {  	[spmem:s14] =	stream.linear.scatter [tilespmem:s15], [sflag:$0x9], $0x800, $0x38;
	[tilespmem:$0x1F400] =	vst v63  }
0xa4: {  	s20 =	sld [smem:$0x7EA]  }
0xa5: {  	[spmem:s17] =	stream.linear.scatter [tilespmem:s15], [sflag:$0x9], $0x800, $0x38;
	[tilespmem:$0x1F400] =	vst v63  }
0xa6: {  	s28 =	sld [smem:$0x7EB]  }
0xa7: {  	[spmem:s20] =	stream.linear.scatter [tilespmem:s15], [sflag:$0x9], $0x800, $0x38;
	[tilespmem:$0x1F400] =	vst v63  }
0xa8: {  	s6 =	sld [smem:$0x7EC]  }
0xa9: {  	[spmem:s28] =	stream.linear.scatter [tilespmem:s15], [sflag:$0x9], $0x800, $0x38;
	[tilespmem:$0x1F400] =	vst v63  }
0xaa: {  	s9 =	sld [smem:$0x7ED]  }
0xab: {  	[spmem:s6] =	stream.linear.scatter [tilespmem:s15], [sflag:$0x9], $0x800, $0x38;
	[tilespmem:$0x1F400] =	vst v63  }
0xac: {  	s14 =	sld [smem:$0x7EE]  }
0xad: {  	[spmem:s9] =	stream.linear.scatter [tilespmem:s15], [sflag:$0x9], $0x800, $0x38;
	[tilespmem:$0x1F400] =	vst v63  }
0xae: {  	s17 =	sld [smem:$0x7EF]  }
0xaf: {  	[spmem:s14] =	stream.linear.scatter [tilespmem:s15], [sflag:$0x9], $0x800, $0x38;
	[tilespmem:$0x1F400] =	vst v63  }
0xb0: {  	s20 =	sld [smem:$0x7F0]  }
0xb1: {  	[spmem:s17] =	stream.linear.scatter [tilespmem:s15], [sflag:$0x9], $0x800, $0x38;
	[tilespmem:$0x1F400] =	vst v63  }
0xb2: {  	s28 =	sld [smem:$0x7F1]  }
0xb3: {  	[spmem:s20] =	stream.linear.scatter [tilespmem:s15], [sflag:$0x9], $0x800, $0x38;
	[tilespmem:$0x1F400] =	vst v63  }
0xb4: {  	s6 =	sld [smem:$0x7F2]  }
0xb5: {  	[spmem:s28] =	stream.linear.scatter [tilespmem:s15], [sflag:$0x9], $0x800, $0x38;
	[tilespmem:$0x1F400] =	vst v63  }
0xb6: {  	s9 =	sld [smem:$0x7F3]  }
0xb7: {  	[spmem:s6] =	stream.linear.scatter [tilespmem:s15], [sflag:$0x9], $0x800, $0x38;
	[tilespmem:$0x1F400] =	vst v63  }
0xb8: {  	s14 =	sld [smem:$0x7F4]  }
0xb9: {  	[spmem:s9] =	stream.linear.scatter [tilespmem:s15], [sflag:$0x9], $0x800, $0x38;
	[tilespmem:$0x1F400] =	vst v63  }
0xba: {  	s17 =	sld [smem:$0x7F5]  }
0xbb: {  	[spmem:s14] =	stream.linear.scatter [tilespmem:s15], [sflag:$0x9], $0x800, $0x38;
	[tilespmem:$0x1F400] =	vst v63  }
0xbc: {  	s20 =	sld [smem:$0x7F6]  }
0xbd: {  	[spmem:s17] =	stream.linear.scatter [tilespmem:s15], [sflag:$0x9], $0x800, $0x38;
	[tilespmem:$0x1F400] =	vst v63  }
0xbe: {  	s28 =	sld [smem:$0x7F7]  }
0xbf: {  	[spmem:s20] =	stream.linear.scatter [tilespmem:s15], [sflag:$0x9], $0x800, $0x38;
	[tilespmem:$0x1F400] =	vst v63  }
0xc0: {  	s6 =	sld [smem:$0x7F8]  }
0xc1: {  	[spmem:s28] =	stream.linear.scatter [tilespmem:s15], [sflag:$0x9], $0x800, $0x38;
	[tilespmem:$0x1F400] =	vst v63  }
0xc2: {  	s9 =	sld [smem:$0x7F9]  }
0xc3: {  	[spmem:s6] =	stream.linear.scatter [tilespmem:s15], [sflag:$0x9], $0x800, $0x38;
	[tilespmem:$0x1F400] =	vst v63  }
0xc4: {  	s14 =	sld [smem:$0x7FA]  }
0xc5: {  	[spmem:s9] =	stream.linear.scatter [tilespmem:s15], [sflag:$0x9], $0x800, $0x38;
	[tilespmem:$0x1F400] =	vst v63  }
0xc6: {  	s17 =	sld [smem:$0x7FB]  }
0xc7: {  	[spmem:s14] =	stream.linear.scatter [tilespmem:s15], [sflag:$0x9], $0x800, $0x38;
	[tilespmem:$0x1F400] =	vst v63  }
0xc8: {  	s20 =	sld [smem:$0x7FC]  }
0xc9: {  	[spmem:s17] =	stream.linear.scatter [tilespmem:s15], [sflag:$0x9], $0x800, $0x38;
	[tilespmem:$0x1F400] =	vst v63  }
0xca: {  	s28 =	sld [smem:$0x7FD]  }
0xcb: {  	[spmem:s20] =	stream.linear.scatter [tilespmem:s15], [sflag:$0x9], $0x800, $0x38;
	[tilespmem:$0x1F400] =	vst v63  }
0xcc: {  	_ = 	snop  }
0xcd: {  	[spmem:s28] =	stream.linear.scatter [tilespmem:s15], [sflag:$0x9], $0x800, $0x38;
	[tilespmem:$0x1F400] =	vst v63  }
0xce: {  	_ =	swait.ge [sflag:s16], $0x800  }
0xcf: {  	s3 =	simm.s32 $0x30;
	[sflag:s16] =	ssyncset.done $0x0  }
.LBB2_4:
0xd0: {  	p0 =	sne.s32 s3, $0x1;
	s3 =	sadd.s32 $0xFFFFFFFF, s3;
	[sflag:s16] =	ssyncadd.s32 $0xFFFFF800  }
.Ltmp3:
0xd1: {  	(pc) =	sbr.rel @p0 .LBB2_4-.Ltmp3, $3  }
0xd2: {  	_ =	sdelay $0x1  }
0xd3: {  	_ =	swait.ge [sflag:s16], $0x800  }
0xd4: {  	[sflag:s16] =	ssyncset.done $0x0  }
0xd5: {  	[sflag:s16] =	ssyncadd.s32 $0xFFFFF800;
	s3 =	simm.s32 $0x5  }
0xd6: {  	_ =	swait.ge [sflag:s3], $0x300  }
0xd7: {  	[sflag:s3] =	ssyncset.done $0x0  }
0xd8: {  	s6 =	simm.s32 $0x0;
	[sflag:s3] =	ssyncadd.s32 $0xFFFFFD00  }
0xd9: {  	[tilespmem:s15], [sflag:$0x1] =	stream.indirect.gather [hbm4b:s5+s18], $0x10, s6, s18, $0xb8;
	[tilespmem:$0x1F400] =	vst v63  }
0xda: {  	s14 =	simm.s32 $0x1400  }
0xdb: {  	[tilespmem:s14], [sflag:$0x1] =	stream.indirect.gather [hbm4b:s5+s18], $0x10, s18, s18, $0xb8;
	[tilespmem:$0x1F400] =	vst v63  }
0xdc: {  	s17 =	simm.s32 $0x100;
	s9 =	simm.s32 $0x1C00  }
0xdd: {  	[tilespmem:s9], [sflag:$0x1] =	stream.indirect.gather [hbm4b:s5+s18], $0x10, s17, s18, $0xb8;
	[tilespmem:$0x1F400] =	vst v63  }
0xde: {  	s20 =	simm.s32 $0x180;
	s28 =	simm.s32 $0x2400  }
0xdf: {  	[tilespmem:s28], [sflag:$0x1] =	stream.indirect.gather [hbm4b:s5+s18], $0x10, s20, s18, $0xb8;
	[tilespmem:$0x1F400] =	vst v63  }
0xe0: {  	s14 =	simm.s32 $0x200;
	s17 =	simm.s32 $0x2C00  }
0xe1: {  	[tilespmem:s17], [sflag:$0x1] =	stream.indirect.gather [hbm4b:s5+s18], $0x10, s14, s18, $0xb8;
	[tilespmem:$0x1F400] =	vst v63  }
.Ltmp4:
0xe2: {  	_ = 	snop;
	(pc) =	sbr.rel .LBB2_6-.Ltmp4, $4  }
0xe3: {  	s20 =	simm.s32 $0x280;
	s28 =	simm.s32 $0x3400  }
0xe4: {  	[tilespmem:s28], [sflag:$0x1] =	stream.indirect.gather [hbm4b:s5+s18], $0x10, s20, s18, $0xb8;
	[tilespmem:$0x1F400] =	vst v63  }
0xe5: {  	[bflag:$0x0] =	sbarrier.arrive $0xFFFF  }
0xe6: {  	s3 =	simm.s32 $0x0  }
.LBB2_8:
0xe7: {  	s6 =	sadd.s32 $0x60, s6  }
0xe8: {  	p0 =	sne.s32 s6, $0x3180  }
.Ltmp5:
0xe9: {  	_ = 	snop;
	(pc) =	sbr.rel @!p0 .LBB2_9-.Ltmp5, $2  }
0xea: {  	_ =	sdelay $0x2  }
0xeb: {  	s3 =	sadd.s32 $0x1, s3  }
.LBB2_6:
0xec: {  	s17 =	sand.u32 $0x1, s3  }
0xed: {  	p0 =	seq.s32 s17, $0x1  }
0xee: {  	p1 =	seq.s32 @!p0 s6, $0x0  }
0xef: {  	p1 =	por p1, p0  }
0xf0: {  	s20 =	simm.s32 @!p1 $0x4  }
0xf1: {  	_ =	swait.ge @!p1 [sflag:s20], $0x800  }
0xf2: {  	[sflag:s20] =	ssyncset.done @!p1 $0x0  }
0xf3: {  	[sflag:s20] =	ssyncadd.s32 @!p1 $0xFFFFF800  }
0xf4: {  	_ =	swait.ge @!p1 [sflag:s20], $0x800  }
0xf5: {  	[sflag:s20] =	ssyncset.done @!p1 $0x0  }
0xf6: {  	[sflag:s20] =	ssyncadd.s32 @!p1 $0xFFFFF800  }
0xf7: {  	_ =	swait.ge @!p1 [sflag:s20], $0x800  }
0xf8: {  	[sflag:s20] =	ssyncset.done @!p1 $0x0  }
0xf9: {  	[sflag:s20] =	ssyncadd.s32 @!p1 $0xFFFFF800  }
0xfa: {  	_ =	swait.ge @!p1 [sflag:s20], $0x800  }
0xfb: {  	[sflag:s20] =	ssyncset.done @!p1 $0x0  }
0xfc: {  	[sflag:s20] =	ssyncadd.s32 @!p1 $0xFFFFF800  }
0xfd: {  	_ =	swait.ge @!p1 [sflag:s20], $0x800  }
0xfe: {  	[sflag:s20] =	ssyncset.done @!p1 $0x0  }
0xff: {  	[sflag:s20] =	ssyncadd.s32 @!p1 $0xFFFFF800  }
0x100: {  	_ =	swait.ge @!p1 [sflag:s20], $0x800  }
0x101: {  	s9 =	simm.s32 @!p0 $0x0;
	[sflag:s20] =	ssyncset.done @!p1 $0x0  }
0x102: {  	s14 =	simm.s32 @!p0 $0x900;
	[sflag:s20] =	ssyncadd.s32 @!p1 $0xFFFFF800;
	s20 =	sadd.s32 @!p0 s6, s23  }
0x103: {  	[tilespmem:s14], [sflag:$0x8] =	stream.linear.gather @!p0 [hbm4b:s20+s9], $0x300, $0x38;
	[tilespmem:$0x1F400] =	vst v63  }
0x104: {  	s9 =	simm.s32 @!p0 $0x6  }
0x105: {  	_ =	swait.ge @!p0 [sflag:s9], $0x300  }
0x106: {  	s14 =	simm.s32 @!p0 $0x300;
	[sflag:s9] =	ssyncset.done @!p0 $0x0  }
0x107: {  	s20 =	simm.s32 @!p0 $0x3C00;
	[sflag:s9] =	ssyncadd.s32 @!p0 $0xFFFFFD00;
	s9 =	simm.s32 @!p0 $0x80  }
0x108: {  	[tilespmem:s20], [sflag:$0x2] =	stream.indirect.gather @!p0 [hbm4b:s5+s9], $0x10, s14, s9, $0xb8;
	[tilespmem:$0x1F400] =	vst v63  }
0x109: {  	s14 =	simm.s32 @!p0 $0x380;
	s20 =	simm.s32 @!p0 $0x4400  }
0x10a: {  	[tilespmem:s20], [sflag:$0x2] =	stream.indirect.gather @!p0 [hbm4b:s5+s9], $0x10, s14, s9, $0xb8;
	[tilespmem:$0x1F400] =	vst v63  }
0x10b: {  	s14 =	simm.s32 @!p0 $0x400;
	s20 =	simm.s32 @!p0 $0x4C00  }
0x10c: {  	[tilespmem:s20], [sflag:$0x2] =	stream.indirect.gather @!p0 [hbm4b:s5+s9], $0x10, s14, s9, $0xb8;
	[tilespmem:$0x1F400] =	vst v63  }
0x10d: {  	s14 =	simm.s32 @!p0 $0x480;
	s20 =	simm.s32 @!p0 $0x5400  }
0x10e: {  	[tilespmem:s20], [sflag:$0x2] =	stream.indirect.gather @!p0 [hbm4b:s5+s9], $0x10, s14, s9, $0xb8;
	[tilespmem:$0x1F400] =	vst v63  }
0x10f: {  	s14 =	simm.s32 @!p0 $0x500;
	s20 =	simm.s32 @!p0 $0x5C00  }
0x110: {  	[tilespmem:s20], [sflag:$0x2] =	stream.indirect.gather @!p0 [hbm4b:s5+s9], $0x10, s14, s9, $0xb8;
	[tilespmem:$0x1F400] =	vst v63  }
0x111: {  	s14 =	simm.s32 @!p0 $0x580;
	s20 =	simm.s32 @!p0 $0x6400  }
0x112: {  	[tilespmem:s20], [sflag:$0x2] =	stream.indirect.gather @!p0 [hbm4b:s5+s9], $0x10, s14, s9, $0xb8;
	[tilespmem:$0x1F400] =	vst v63  }
0x113: {  	s14 =	simm.s32 @!p0 $0x7  }
0x114: {  	_ =	swait.ge @!p0 [sflag:s14], $0x300  }
0x115: {  	[sflag:s14] =	ssyncset.done @!p0 $0x0  }
0x116: {  	[sflag:s14] =	ssyncadd.s32 @!p0 $0xFFFFFD00;
	s14 =	simm.s32 @!p0 $0x1  }
0x117: {  	_ =	swait.ge @!p0 [sflag:s14], $0x800  }
0x118: {  	[sflag:s14] =	ssyncset.done @!p0 $0x0  }
0x119: {  	s28 =	simm.s32 @!p0 $0xC00;
	s20 =	simm.s32 @!p0 $0x600;
	[sflag:s14] =	ssyncadd.s32 @!p0 $0xFFFFF800  }
0x11a: {  	[spmem:s1] =	stream.indirect.scatter.add.f32 @!p0 [tilespmem:s28], [sflag:$0x3], $0x10, s20, s9, $0xb8;
	[tilespmem:$0x1F400] =	vst v63  }
0x11b: {  	_ =	swait.ge @!p0 [sflag:s14], $0x800  }
0x11c: {  	[sflag:s14] =	ssyncset.done @!p0 $0x0  }
0x11d: {  	s20 =	simm.s32 @!p0 $0x680;
	s28 =	simm.s32 @!p0 $0x1400;
	[sflag:s14] =	ssyncadd.s32 @!p0 $0xFFFFF800  }
0x11e: {  	[spmem:s1] =	stream.indirect.scatter.add.f32 @!p0 [tilespmem:s28], [sflag:$0x3], $0x10, s20, s9, $0xb8;
	[tilespmem:$0x1F400] =	vst v63  }
0x11f: {  	_ =	swait.ge @!p0 [sflag:s14], $0x800  }
0x120: {  	[sflag:s14] =	ssyncset.done @!p0 $0x0  }
0x121: {  	s20 =	simm.s32 @!p0 $0x700;
	s28 =	simm.s32 @!p0 $0x1C00;
	[sflag:s14] =	ssyncadd.s32 @!p0 $0xFFFFF800  }
0x122: {  	[spmem:s1] =	stream.indirect.scatter.add.f32 @!p0 [tilespmem:s28], [sflag:$0x3], $0x10, s20, s9, $0xb8;
	[tilespmem:$0x1F400] =	vst v63  }
0x123: {  	_ =	swait.ge @!p0 [sflag:s14], $0x800  }
0x124: {  	[sflag:s14] =	ssyncset.done @!p0 $0x0  }
0x125: {  	s20 =	simm.s32 @!p0 $0x780;
	s28 =	simm.s32 @!p0 $0x2400;
	[sflag:s14] =	ssyncadd.s32 @!p0 $0xFFFFF800  }
0x126: {  	[spmem:s1] =	stream.indirect.scatter.add.f32 @!p0 [tilespmem:s28], [sflag:$0x3], $0x10, s20, s9, $0xb8;
	[tilespmem:$0x1F400] =	vst v63  }
0x127: {  	_ =	swait.ge @!p0 [sflag:s14], $0x800  }
0x128: {  	[sflag:s14] =	ssyncset.done @!p0 $0x0  }
0x129: {  	s20 =	simm.s32 @!p0 $0x800;
	s28 =	simm.s32 @!p0 $0x2C00;
	[sflag:s14] =	ssyncadd.s32 @!p0 $0xFFFFF800  }
0x12a: {  	[spmem:s1] =	stream.indirect.scatter.add.f32 @!p0 [tilespmem:s28], [sflag:$0x3], $0x10, s20, s9, $0xb8;
	[tilespmem:$0x1F400] =	vst v63  }
0x12b: {  	p1 =	sgt.u32 @!p0 s3, $0x81;
	_ =	swait.ge @!p0 [sflag:s14], $0x800  }
0x12c: {  	p1 =	por p1, p0;
	[sflag:s14] =	ssyncset.done @!p0 $0x0  }
0x12d: {  	s20 =	simm.s32 @!p0 $0x3400;
	[sflag:s14] =	ssyncadd.s32 @!p0 $0xFFFFF800;
	s14 =	simm.s32 @!p0 $0x880  }
0x12e: {  	[spmem:s1] =	stream.indirect.scatter.add.f32 @!p0 [tilespmem:s20], [sflag:$0x3], $0x10, s14, s9, $0xb8;
	[tilespmem:$0x1F400] =	vst v63  }
0x12f: {  	s9 =	sadd.s32 @!p1 s6, s24  }
0x130: {  	s9 =	sand.u32 @!p1 $0x1FFFFFC0, s9  }
0x131: {  	s14 =	simm.s32 @!p1 $0x0;
	s9 =	sadd.s32 @!p1 s4, s9  }
0x132: {  	[tilespmem:s14], [sflag:$0x5] =	stream.linear.gather @!p1 [hbm4b:s9+s14], $0x300, $0x38;
	[tilespmem:$0x1F400] =	vst v63  }
0x133: {  	p1 =	seq.s32 @!p0 s17, $0x0  }
0x134: {  	p0 =	por p0, !p1  }
.Ltmp6:
0x135: {  	_ = 	snop;
	(pc) =	sbr.rel @!p0 .LBB2_8-.Ltmp6, $1  }
0x136: {  	_ =	sdelay $0x3  }
0x137: {  	_ =	swait.ge [sflag:s21], $0x800  }
0x138: {  	[sflag:s21] =	ssyncset.done $0x0  }
0x139: {  	[sflag:s21] =	ssyncadd.s32 $0xFFFFF800  }
0x13a: {  	_ =	swait.ge [sflag:s21], $0x800  }
0x13b: {  	[sflag:s21] =	ssyncset.done $0x0  }
0x13c: {  	[sflag:s21] =	ssyncadd.s32 $0xFFFFF800  }
0x13d: {  	_ =	swait.ge [sflag:s21], $0x800  }
0x13e: {  	[sflag:s21] =	ssyncset.done $0x0  }
0x13f: {  	[sflag:s21] =	ssyncadd.s32 $0xFFFFF800  }
0x140: {  	_ =	swait.ge [sflag:s21], $0x800  }
0x141: {  	[sflag:s21] =	ssyncset.done $0x0  }
0x142: {  	[sflag:s21] =	ssyncadd.s32 $0xFFFFF800  }
0x143: {  	_ =	swait.ge [sflag:s21], $0x800  }
0x144: {  	[sflag:s21] =	ssyncset.done $0x0  }
0x145: {  	[sflag:s21] =	ssyncadd.s32 $0xFFFFF800  }
0x146: {  	p0 =	seq.s32 s6, $0x3120;
	_ =	swait.ge [sflag:s21], $0x800  }
0x147: {  	s9 =	sadd.s32 @!p0 s6, s23;
	[sflag:s21] =	ssyncset.done $0x0  }
0x148: {  	s14 =	simm.s32 @!p0 $0x0;
	s17 =	simm.s32 @!p0 $0x600;
	[sflag:s21] =	ssyncadd.s32 $0xFFFFF800  }
0x149: {  	[tilespmem:s17], [sflag:$0x7] =	stream.linear.gather @!p0 [hbm4b:s9+s14], $0x300, $0x38;
	[tilespmem:$0x1F400] =	vst v63  }
0x14a: {  	s9 =	simm.s32 @!p0 $0x5  }
0x14b: {  	_ =	swait.ge @!p0 [sflag:s9], $0x300  }
0x14c: {  	[sflag:s9] =	ssyncset.done @!p0 $0x0  }
0x14d: {  	s17 =	simm.s32 @!p0 $0xC00;
	[sflag:s9] =	ssyncadd.s32 @!p0 $0xFFFFFD00;
	s9 =	simm.s32 @!p0 $0x80  }
0x14e: {  	[tilespmem:s17], [sflag:$0x1] =	stream.indirect.gather @!p0 [hbm4b:s5+s9], $0x10, s14, s9, $0xb8;
	[tilespmem:$0x1F400] =	vst v63  }
0x14f: {  	s14 =	simm.s32 @!p0 $0x1400  }
0x150: {  	[tilespmem:s14], [sflag:$0x1] =	stream.indirect.gather @!p0 [hbm4b:s5+s9], $0x10, s9, s9, $0xb8;
	[tilespmem:$0x1F400] =	vst v63  }
0x151: {  	s17 =	simm.s32 @!p0 $0x1C00;
	s14 =	simm.s32 @!p0 $0x100  }
0x152: {  	[tilespmem:s17], [sflag:$0x1] =	stream.indirect.gather @!p0 [hbm4b:s5+s9], $0x10, s14, s9, $0xb8;
	[tilespmem:$0x1F400] =	vst v63  }
0x153: {  	s14 =	simm.s32 @!p0 $0x180;
	s17 =	simm.s32 @!p0 $0x2400  }
0x154: {  	[tilespmem:s17], [sflag:$0x1] =	stream.indirect.gather @!p0 [hbm4b:s5+s9], $0x10, s14, s9, $0xb8;
	[tilespmem:$0x1F400] =	vst v63  }
0x155: {  	s14 =	simm.s32 @!p0 $0x200;
	s17 =	simm.s32 @!p0 $0x2C00  }
0x156: {  	[tilespmem:s17], [sflag:$0x1] =	stream.indirect.gather @!p0 [hbm4b:s5+s9], $0x10, s14, s9, $0xb8;
	[tilespmem:$0x1F400] =	vst v63  }
0x157: {  	s14 =	simm.s32 @!p0 $0x280;
	s17 =	simm.s32 @!p0 $0x3400  }
0x158: {  	[tilespmem:s17], [sflag:$0x1] =	stream.indirect.gather @!p0 [hbm4b:s5+s9], $0x10, s14, s9, $0xb8;
	[tilespmem:$0x1F400] =	vst v63  }
0x159: {  	_ =	swait.ge [sflag:s25], $0x300  }
0x15a: {  	[sflag:s25] =	ssyncset.done $0x0  }
0x15b: {  	[sflag:s25] =	ssyncadd.s32 $0xFFFFFD00  }
0x15c: {  	_ =	swait.ge [sflag:s26], $0x800  }
0x15d: {  	[sflag:s26] =	ssyncset.done $0x0  }
0x15e: {  	s28 =	simm.s32 $0x900;
	[sflag:s26] =	ssyncadd.s32 $0xFFFFF800  }
0x15f: {  	[spmem:s1] =	stream.indirect.scatter.add.f32 [tilespmem:s29], [sflag:$0x4], $0x10, s28, s18, $0xb8;
	[tilespmem:$0x1F400] =	vst v63  }
0x160: {  	_ =	swait.ge [sflag:s26], $0x800  }
0x161: {  	[sflag:s26] =	ssyncset.done $0x0  }
0x162: {  	[sflag:s26] =	ssyncadd.s32 $0xFFFFF800  }
0x163: {  	[spmem:s1] =	stream.indirect.scatter.add.f32 [tilespmem:s31], [sflag:$0x4], $0x10, s30, s18, $0xb8;
	[tilespmem:$0x1F400] =	vst v63  }
0x164: {  	_ =	swait.ge [sflag:s26], $0x800  }
0x165: {  	[sflag:s26] =	ssyncset.done $0x0  }
0x166: {  	[sflag:s26] =	ssyncadd.s32 $0xFFFFF800  }
0x167: {  	[spmem:s1] =	stream.indirect.scatter.add.f32 [tilespmem:s2], [sflag:$0x4], $0x10, s0, s18, $0xb8;
	[tilespmem:$0x1F400] =	vst v63  }
0x168: {  	_ =	swait.ge [sflag:s26], $0x800  }
0x169: {  	[sflag:s26] =	ssyncset.done $0x0  }
0x16a: {  	[sflag:s26] =	ssyncadd.s32 $0xFFFFF800  }
0x16b: {  	[spmem:s1] =	stream.indirect.scatter.add.f32 [tilespmem:s8], [sflag:$0x4], $0x10, s7, s18, $0xb8;
	[tilespmem:$0x1F400] =	vst v63  }
0x16c: {  	_ =	swait.ge [sflag:s26], $0x800  }
0x16d: {  	[sflag:s26] =	ssyncset.done $0x0  }
0x16e: {  	[sflag:s26] =	ssyncadd.s32 $0xFFFFF800  }
0x16f: {  	[spmem:s1] =	stream.indirect.scatter.add.f32 [tilespmem:s11], [sflag:$0x4], $0x10, s10, s18, $0xb8;
	[tilespmem:$0x1F400] =	vst v63  }
0x170: {  	_ =	swait.ge [sflag:s26], $0x800  }
.Ltmp7:
0x171: {  	[sflag:s26] =	ssyncset.done $0x0;
	(pc) =	sbr.rel .LBB2_8-.Ltmp7, $4  }
0x172: {  	p0 =	sgt.u32 s3, $0x81;
	[sflag:s26] =	ssyncadd.s32 $0xFFFFF800  }
0x173: {  	[spmem:s1] =	stream.indirect.scatter.add.f32 [tilespmem:s13], [sflag:$0x4], $0x10, s12, s18, $0xb8;
	[tilespmem:$0x1F400] =	vst v63  }
0x174: {  	s9 =	sadd.s32 @!p0 s6, s22;
	s14 =	simm.s32 @!p0 $0x0;
	s17 =	simm.s32 @!p0 $0x300  }
0x175: {  	[tilespmem:s17], [sflag:$0x6] =	stream.linear.gather @!p0 [hbm4b:s9+s14], $0x300, $0x38;
	[tilespmem:$0x1F400] =	vst v63  }
.LBB2_10:
0x176: {  	_ =	sfence.sel $0x180000  }
0x177: {  	[bflag:$0x0] =	sbarrier.arrive $0xFFFF  }
0x178: {  	_ =	strace $0x9000004D  }
0x179: {  	s0 =	stileid.u32;
	[bflag:$0x2] =	sbarrier.arrive $0xFFFF  }
0x17a: {  	p0 =	sne.s32 s0, $0x0;
	s0 =	rddreg [dreg:$0x2]  }
0x17b: {  	s0 =	sadd.s32 @!p0 $0x100000, s0  }
0x17c: {  	[sflag:s0] =	ssyncadd.tile.s32 @!p0 $0x1;
	_ =	shalt  }
.Lfunc_end2:
_tile_overlayer_lowered:
.L_overlay_start_2:
0x17d: {  	(tag) =	ssettag $0x2  }
0x17e: {  	s0 =	rddreg [dreg:$0x0];
	s2 =	stileid.u32  }
0x17f: {  	s1 =	rddreg [dreg:$0x1];
	p0 =	sne.s32 s2, $0x0  }
0x180: {  	s3 =	rddreg [dreg:$0x2];
	[bflag:$0x3] =	sbarrier.arrive $0xFFFF;
	s2 =	simm.s32 @!p0 $0x1C0A  }
0x181: {  	[timem:s3], [sflag:s2] =	dma.local @!p0 [hbm:s0], s1  }
0x182: {  	s0 =	simm.s32 @!p0 $0xA  }
0x183: {  	_ =	swait.ge @!p0 [sflag:s0], s1  }
0x184: {  	s1 =	ssub.s32 @!p0 $0x0, s1;
	[sflag:s0] =	ssyncset.done @!p0 $0x0  }
0x185: {  	[sflag:s0] =	ssyncadd.s32 @!p0 s1  }
0x186: {  	[bflag:$0x3] =	sbarrier.arrive $0xFFFF  }
0x187: {  	_ =	shalt  }

// kernel: kernel.8.cloned.1.call-start
scs
__scs_entry_jumppad:
0x0: {  	(pc) =	sbr.rel $0x88, $3  }
0x1: {  	(tag) =	ssettag $0x0;
	lr =	simm.s32 $0x1  }
0x2: {  	[smem:$0x3F9B] =	sst lr;
	_ =	strace $0xD0000000  }
0x3: {  	_ = 	snop  }
0x4: {  	_ = 	snop  }
0x5: {  	_ = 	snop  }
0x6: {  	_ = 	snop  }
0x7: {  	_ = 	snop  }
__scs_overlays_trampoline_lowered:
0x8: {  	[smem:$0x3FAA] =	sst s0  }
0x9: {  	[smem:$0x3FAB] =	sst s1  }
0xa: {  	[smem:$0x3FAC] =	sst s2  }
0xb: {  	[smem:$0x3FAD] =	sst s3  }
0xc: {  	[smem:$0x3FAE] =	sst s4  }
0xd: {  	[smem:$0x3FAF] =	sst s5  }
0xe: {  	[smem:$0x3FB0] =	sst s6  }
0xf: {  	[smem:$0x3FB1] =	sst s7  }
0x10: {  	[smem:$0x3FB2] =	sst s8  }
0x11: {  	[smem:$0x3FB3] =	sst s9;
	s0 =	simm.s32 @!p0 $0x0  }
0x12: {  	s1 =	sld [smem:$0x3F99];
	s0 =	simm.s32 @p0 $0x1  }
0x13: {  	[smem:$0x3FB4] =	sst s0;
	s0 =	simm.s32 @!p1 $0x0  }
0x14: {  	s2 =	sld [smem:$0x3F98];
	s0 =	simm.s32 @p1 $0x1  }
0x15: {  	[smem:$0x3FB5] =	sst s0;
	s0 =	simm.s32 @!p2 $0x0  }
0x16: {  	s3 =	sld [smem:$0x3FDB];
	s0 =	simm.s32 @p2 $0x1  }
0x17: {  	s4 =	simm.s32 $0x1BF5;
	[smem:$0x3FB7] =	sst s0  }
0x18: {  	s0 =	sld [smem:$0x3F9A];
	_ =	swait.ge [sflag:s4], $0x0  }
0x19: {  	s7 =	sld [smem:$0x3F9B]  }
0x1a: {  	s8 =	sadd.s32 $0xFFFFE003, lr  }
0x1b: {  	s9 =	sadd.s32 $0xFFFFFEF7, lr;
	s5 =	simm.s32 $0xFFFFFFFF;
	p2 =	slt.u32 s8, $0xFFFFF086  }
0x1c: {  	p1 =	slt.u32 s9, $0xF7A;
	s5 =	simm.s32 @!p2 $0x0  }
0x1d: {  	s5 =	simm.s32 @p1 $0x1;
	p0 =	seq.s32 s7, s2  }
0x1e: {  	s7 =	smul.u32 @!p0 $0xF7A, s2;
	p2 =	seq.s32 @!p0 s5, $0x0  }
0x1f: {  	s9 =	smul.u32 $0xF7A, s1;
	s8 =	simm.s32 @!p0 $0x1BF5;
	p2 =	por !p2, p0  }
0x20: {  	[sflag:s8] =	ssyncset.s32 @!p0 $0xFFFFF086;
	s6 =	sadd.s32 @!p0 s3, s7;
	s7 =	simm.s32 @!p0 $0x108  }
0x21: {  	s3 =	sadd.s32 s3, s9;
	s6 =	sadd.s32 @!p0 $0x88, s6;
	s7 =	simm.s32 @p2 $0x1082  }
0x22: {  	[simem:s7], [sflag:s8] =	dma.local @!p0 [hbm:s6], $0xF7A  }
0x23: {  	s9 =	sor.u32 $0xD0000000, s2;
	s6 =	simm.s32 $0x108;
	_ =	swait.ge @!p0 [sflag:s8], $0x0  }
0x24: {  	s3 =	sadd.s32 $0x88, s3;
	s6 =	simm.s32 @!p1 $0x1082;
	[sflag:s4] =	ssyncset.s32 $0xFFFFF086  }
0x25: {  	[simem:s6], [sflag:s4] =	dma.local [hbm:s3], $0xF7A  }
0x26: {  	[smem:$0x3F9B] =	sst s1;
	(tag) =	ssettag s2;
	_ =	strace s9  }
0x27: {  	s1 =	sld [smem:$0x3FAB]  }
0x28: {  	s2 =	sld [smem:$0x3FAC]  }
0x29: {  	s4 =	sld [smem:$0x3FAE]  }
0x2a: {  	p0 =	seq.s32 s5, $0x0;
	s5 =	sld [smem:$0x3FAF]  }
0x2b: {  	s6 =	sld [smem:$0x3FB0]  }
0x2c: {  	s7 =	sld [smem:$0x3FB1]  }
0x2d: {  	s3 =	simm.s32 $0x108;
	s8 =	sld [smem:$0x3FB2]  }
0x2e: {  	s3 =	simm.s32 @!p0 $0x1082;
	s9 =	sld [smem:$0x3FB3]  }
0x2f: {  	lr =	sadd.s32 s0, s3;
	s0 =	sld [smem:$0x3FAA]  }
0x30: {  	s3 =	sld [smem:$0x3FAD]  }
0x31: {  	[smem:$0x3FB6] =	sst s10  }
0x32: {  	s10 =	sld [smem:$0x3FB4];
	_ =	sdelay $0x3  }
0x33: {  	p0 =	seq.s32 s10, $0x1;
	s10 =	sld [smem:$0x3FB6];
	_ =	sdelay $0x3  }
0x34: {  	[smem:$0x3FB6] =	sst s10  }
0x35: {  	s10 =	sld [smem:$0x3FB5];
	_ =	sdelay $0x3  }
0x36: {  	p1 =	seq.s32 s10, $0x1;
	s10 =	sld [smem:$0x3FB6];
	_ =	sdelay $0x3  }
0x37: {  	[smem:$0x3FB6] =	sst s10  }
0x38: {  	s10 =	sld [smem:$0x3FB7]  }
0x39: {  	_ = 	snop;
	(pc) =	sbr.ind lr, $3  }
0x3a: {  	_ = 	snop  }
0x3b: {  	_ = 	snop  }
0x3c: {  	p2 =	seq.s32 s10, $0x1;
	s10 =	sld [smem:$0x3FB6]  }
0x3d: {  	_ =	shalt  }
0x3e: {  	_ =	shalt  }
0x3f: {  	_ =	shalt  }
0x40: {  	_ =	shalt  }
0x41: {  	_ =	shalt  }
0x42: {  	_ =	shalt  }
0x43: {  	_ =	shalt  }
0x44: {  	_ =	shalt  }
0x45: {  	_ =	shalt  }
0x46: {  	_ =	shalt  }
0x47: {  	_ =	shalt  }
0x48: {  	_ =	shalt  }
0x49: {  	_ =	shalt  }
0x4a: {  	_ =	shalt  }
0x4b: {  	_ =	shalt  }
0x4c: {  	_ =	shalt  }
0x4d: {  	_ =	shalt  }
0x4e: {  	_ =	shalt  }
0x4f: {  	_ =	shalt  }
0x50: {  	_ =	shalt  }
0x51: {  	_ =	shalt  }
0x52: {  	_ =	shalt  }
0x53: {  	_ =	shalt  }
0x54: {  	_ =	shalt  }
0x55: {  	_ =	shalt  }
0x56: {  	_ =	shalt  }
0x57: {  	_ =	shalt  }
0x58: {  	_ =	shalt  }
0x59: {  	_ =	shalt  }
0x5a: {  	_ =	shalt  }
0x5b: {  	_ =	shalt  }
0x5c: {  	_ =	shalt  }
0x5d: {  	_ =	shalt  }
0x5e: {  	_ =	shalt  }
0x5f: {  	_ =	shalt  }
0x60: {  	_ =	shalt  }
0x61: {  	_ =	shalt  }
0x62: {  	_ =	shalt  }
0x63: {  	_ =	shalt  }
0x64: {  	_ =	shalt  }
0x65: {  	_ =	shalt  }
0x66: {  	_ =	shalt  }
0x67: {  	_ =	shalt  }
0x68: {  	_ =	shalt  }
0x69: {  	_ =	shalt  }
0x6a: {  	_ =	shalt  }
0x6b: {  	_ =	shalt  }
0x6c: {  	_ =	shalt  }
0x6d: {  	_ =	shalt  }
0x6e: {  	_ =	shalt  }
0x6f: {  	_ =	shalt  }
0x70: {  	_ =	shalt  }
0x71: {  	_ =	shalt  }
0x72: {  	_ =	shalt  }
0x73: {  	_ =	shalt  }
0x74: {  	_ =	shalt  }
0x75: {  	_ =	shalt  }
0x76: {  	_ =	shalt  }
0x77: {  	_ =	shalt  }
0x78: {  	_ =	shalt  }
0x79: {  	_ =	shalt  }
0x7a: {  	_ =	shalt  }
0x7b: {  	_ =	shalt  }
0x7c: {  	_ =	shalt  }
0x7d: {  	_ =	shalt  }
0x7e: {  	_ =	shalt  }
0x7f: {  	_ =	shalt  }
0x80: {  	_ =	shalt  }
0x81: {  	_ =	shalt  }
0x82: {  	_ =	shalt  }
0x83: {  	_ =	shalt  }
0x84: {  	_ =	shalt  }
0x85: {  	_ =	shalt  }
0x86: {  	_ =	shalt  }
0x87: {  	_ =	shalt  }
.Lfunc_end0:
.L_simem_size_0:
called_computation_lowered:
.L_overlay_start_0:
0x88: {  	s2 =	sld [smem:$0x3FD9]  }
0x89: {  	s3 =	sld [smem:$0x3FFE];
	_ =	sdelay $0x1  }
0x8a: {  	s1 =	srdreg.scid  }
0x8b: {  	s0 =	sand.u32 $0x1, s1  }
0x8c: {  	s16 =	sshll.u32 s0, $0xA;
	s2 =	sadd.s32 s3, s2  }
0x8d: {  	s2 =	sadd.s32 s2, s16  }
0x8e: {  	[smem:$0x3FC2] =	sst s2  }
0x8f: {  	_ = 	snop  }
0x90: {  	(tm) =	ssettm $0x1  }
0x91: {  	s17 =	sld [smem:$0x3FFB];
	_ =	sdelay $0x3  }
0x92: {  	_ =	strace s17  }
0x93: {  	s2 =	sld [smem:$0x3FFC];
	_ =	sdelay $0x3  }
0x94: {  	_ =	strace s2  }
0x95: {  	s2 =	sld [smem:$0x3FFD];
	_ =	sdelay $0x3  }
0x96: {  	_ =	strace s2  }
0x97: {  	_ =	strace $0x8FFFFFFF  }
0x98: {  	s18 =	sld [smem:$0x3FDB];
	_ =	sdelay $0x1  }
0x99: {  	s19 =	simm.s32 $_scs_section_size  }
0x9a: {  	s4 =	simm.s32 $_size__tile_overlayer_lowered;
	s5 =	simm.s32 $_tile_overlayer_lowered  }
0x9b: {  	s22 =	simm.s32 $0x1BFF;
	s21 =	sshll.u32 s5, $0x1;
	s2 =	sadd.s32 s19, s18  }
0x9c: {  	s6 =	simm.s32 $0x0;
	s20 =	sshll.u32 s4, $0x1;
	s4 =	sadd.s32 s21, s2  }
0x9d: {  	[timem:s6], [sflag:s22] =	dma.local [hbm:s4], s20  }
0x9e: {  	_ =	swait.ge [sflag:s22], s20  }
0x9f: {  	s3 =	ssub.s32 $0x0, s20;
	[sflag:s22] =	ssyncset.done $0x0  }
0xa0: {  	[sflag:s22] =	ssyncadd.s32 s3;
	_ =	sdelay $0x1  }
0xa1: {  	s23 =	simm.s32 $0x1B8B  }
0xa2: {  	_ =	swait.ge [sflag:s23], $0x1  }
0xa3: {  	[sflag:s23] =	ssyncset.done $0x0  }
0xa4: {  	s25 =	simm.s32 $0x1B8E;
	s24 =	sld [smem:$0x3FFE];
	[sflag:s23] =	ssyncadd.s32 $0xFFFFFFFF  }
0xa5: {  	s26 =	simm.s32 $execute0_lowered;
	[smem:$0x3FD2] =	sst s25  }
0xa6: {  	s4 =	sshll.u32 s26, $0x1;
	_ =	strace $0x80000046;
	[dreg:$0x1] =	wrdreg $0xFFFFFFFF  }
0xa7: {  	s28 =	simm.s32 $_size_execute0_lowered;
	s2 =	sadd.s32 s2, s4;
	[dreg:$0x0] =	wrdreg $0x0  }
0xa8: {  	s4 =	sshll.u32 s28, $0x1;
	[dreg:$0x2] =	wrdreg s2  }
0xa9: {  	[dreg:$0x3] =	wrdreg s4  }
0xaa: {  	[dreg:$0x4] =	wrdreg $0xC0  }
0xab: {  	_ =	task [dreg:s6], $0x5FFFF  }
0xac: {  	[dreg:$0x1] =	wrdreg $0xFFFFFFFF  }
0xad: {  	[dreg:$0x0] =	wrdreg $0x60  }
0xae: {  	[dreg:$0x2] =	wrdreg s24  }
0xaf: {  	[dreg:$0x3] =	wrdreg $0x28000  }
0xb0: {  	[dreg:$0x4] =	wrdreg $0x9  }
0xb1: {  	_ =	task.clear_ibuf [dreg:s6], $0x5FFFF;
	_ =	strace $0x90000046  }
0xb2: {  	s29 =	simm.s32 $0x9;
	_ =	strace $0x80000048  }
0xb3: {  	_ =	swait.ge [sflag:s29], $0x1  }
0xb4: {  	[sflag:s29] =	ssyncadd.s32 $0xFFFFFFFF  }
0xb5: {  	_ =	strace $0x90000048  }
0xb6: {  	_ =	sfence  }
0xb7: {  	s30 =	sld [smem:$0x0];
	_ =	sdelay $0x2  }
0xb8: {  	s31 =	sshll.u32 s1, $0xD;
	s1 =	sshrl.u32 s1, $0x2  }
0xb9: {  	s3 =	sand.u32 $0x4000, s31;
	s1 =	sadd.s32 s1, s30  }
0xba: {  	s0 =	sor.u32 s3, s0;
	s1 =	sshll.u32 s1, $0x11  }
0xbb: {  	s0 =	sor.u32 s1, s0  }
0xbc: {  	s0 =	sadd.s32 $0x8F2B, s0  }
0xbd: {  	[sflag:s0] =	ssyncadd.remote.s32 $0x1  }
0xbe: {  	_ =	sfence.sel $0xFFFF  }
0xbf: {  	[dreg:$0x0] =	wrdreg $0xFFFFFFFF;
	(pc) =	sbr.abs _section_cstart, $3  }
0xc0: {  	[dreg:$0x1] =	wrdreg $0xFFFFFFFF  }
0xc1: {  	_ =	task.clear_ibuf [dreg:s6], $0x2FFFF;
	_ =	strace $0x9FFFFFFF  }
0xc2: {  	(tm) =	ssettm $0x7FFFFFFF  }
0xc3: {  	_ =	shalt  }
tec
execute0_lowered:
.L_overlay_start_1:
0x0: {  	(tag) =	ssettag $0x1  }
0x1: {  	s0 =	rddreg [dreg:$0x0]  }
0x2: {  	s1 =	srdreg.scid;
	s9 =	stileid.u32  }
0x3: {  	s2 =	rddreg [dreg:$0x1];
	s1 =	sand.u32 $0x1, s1;
	s4 =	smul.u32 $0x18800, s9  }
0x4: {  	s6 =	simm.s32 $0x0;
	s3 =	smul.u32 $0x188000, s1;
	s5 =	sshll.u32 s1, $0x4  }
0x5: {  	[smem:$0x7FF] =	sst s6;
	s7 =	smul.u32 $0x62000, s9;
	s5 =	sor.u32 s9, s5  }
0x6: {  	s8 =	sadd.s32 $0x2800, s0;
	s3 =	sadd.s32 s4, s3;
	s5 =	smul.u32 $0x3180, s5  }
0x7: {  	_ =	strace $0x80000047;
	s19 =	ssub.s32 $0x2, s1;
	s3 =	sshrl.u32 s3, $0x3  }
0x8: {  	s20 =	sshrl.u32 s19, $0x1;
	s0 =	sadd.s32 s3, s0;
	s5 =	sadd.s32 s8, s5  }
0x9: {  	s3 =	ssub.s32 s19, s20;
	[dreg:$0x3] =	wrdreg s5;
	s0 =	sadd.s32 $0x65800, s0  }
0xa: {  	s21 =	sshrl.u32 s7, $0x2;
	s3 =	smax.u32 s3, $0x1;
	[dreg:$0x5] =	wrdreg s0  }
0xb: {  	s5 =	sadd.s32 s21, s2;
	[dreg:$0x6] =	wrdreg s3  }
0xc: {  	s23 =	sadd.s32 $0x800, s5;
	[dreg:$0x4] =	wrdreg s5  }
0xd: {  	s24 =	sadd.s32 $0x1000, s5;
	[dreg:$0x7] =	wrdreg s23  }
0xe: {  	s25 =	sadd.s32 $0x1800, s5;
	[dreg:$0x8] =	wrdreg s24  }
0xf: {  	s26 =	sadd.s32 $0x2000, s5;
	[dreg:$0x9] =	wrdreg s25  }
0x10: {  	s22 =	sadd.s32 s4, s2;
	s4 =	sadd.s32 $0x2800, s5;
	[dreg:$0xa] =	wrdreg s26  }
0x11: {  	s6 =	sadd.s32 $0x3000, s5;
	[dreg:$0xb] =	wrdreg s4  }
0x12: {  	s7 =	smul.u32 $0x318, s9;
	s9 =	sadd.s32 $0x3800, s5;
	[dreg:$0xc] =	wrdreg s6  }
0x13: {  	s10 =	sadd.s32 $0x4000, s5;
	[dreg:$0xd] =	wrdreg s9  }
0x14: {  	s11 =	sadd.s32 $0x4800, s5;
	[dreg:$0xe] =	wrdreg s10  }
0x15: {  	s12 =	sadd.s32 $0x5000, s5;
	[dreg:$0xf] =	wrdreg s11  }
0x16: {  	s13 =	sadd.s32 $0x5800, s5;
	[dreg:$0x10] =	wrdreg s12  }
0x17: {  	s1 =	smul.u32 $0x3180, s1;
	s14 =	sadd.s32 $0x6000, s5;
	[dreg:$0x11] =	wrdreg s13  }
0x18: {  	s15 =	sadd.s32 $0x6800, s5;
	[dreg:$0x12] =	wrdreg s14  }
0x19: {  	s1 =	sadd.s32 s7, s1;
	s16 =	sadd.s32 $0x7000, s5;
	[dreg:$0x13] =	wrdreg s15  }
0x1a: {  	s1 =	sshll.u32 s1, $0x4;
	s17 =	sadd.s32 $0x7800, s5;
	[dreg:$0x14] =	wrdreg s16  }
0x1b: {  	s1 =	sadd.s32 s8, s1;
	s18 =	sadd.s32 $0x8000, s5;
	[dreg:$0x15] =	wrdreg s17  }
0x1c: {  	s1 =	sadd.s32 $0x180, s1;
	[dreg:$0x16] =	wrdreg s18  }
0x1d: {  	s0 =	sshrl.u32 s22, $0x3;
	[dreg:$0x17] =	wrdreg s1  }
0x1e: {  	s19 =	sadd.s32 $0x8800, s5;
	[dreg:$0x18] =	wrdreg s0  }
0x1f: {  	s20 =	sadd.s32 $0x9000, s5;
	[dreg:$0x19] =	wrdreg s19  }
0x20: {  	s21 =	sadd.s32 $0x9800, s5;
	[dreg:$0x1a] =	wrdreg s20  }
0x21: {  	s22 =	sadd.s32 $0xA000, s5;
	[dreg:$0x1b] =	wrdreg s21  }
0x22: {  	s3 =	sadd.s32 $0xD000, s5;
	[dreg:$0x1c] =	wrdreg s22  }
0x23: {  	s7 =	sadd.s32 $0xE800, s5;
	[smem:$0x7E7] =	sst s3  }
0x24: {  	s8 =	sadd.s32 $0xF000, s5;
	[smem:$0x7EA] =	sst s7  }
0x25: {  	s23 =	sadd.s32 $0xA800, s5;
	[smem:$0x7EB] =	sst s8  }
0x26: {  	s24 =	sadd.s32 $0xB000, s5;
	[dreg:$0x1d] =	wrdreg s23  }
0x27: {  	s25 =	sadd.s32 $0xB800, s5;
	[dreg:$0x1e] =	wrdreg s24  }
0x28: {  	s26 =	sadd.s32 $0xC000, s5;
	[dreg:$0x1f] =	wrdreg s25  }
0x29: {  	s1 =	sadd.s32 $0xC800, s5;
	[smem:$0x7E5] =	sst s26  }
0x2a: {  	s4 =	sadd.s32 $0xD800, s5;
	[smem:$0x7E6] =	sst s1  }
0x2b: {  	s6 =	sadd.s32 $0xE000, s5;
	[smem:$0x7E8] =	sst s4  }
0x2c: {  	s9 =	sadd.s32 $0xF800, s5;
	[smem:$0x7E9] =	sst s6  }
0x2d: {  	s10 =	sadd.s32 $0x10000, s5;
	[smem:$0x7EC] =	sst s9  }
0x2e: {  	s11 =	sadd.s32 $0x10800, s5;
	[smem:$0x7ED] =	sst s10  }
0x2f: {  	s12 =	sadd.s32 $0x11000, s5;
	[smem:$0x7EE] =	sst s11  }
0x30: {  	s13 =	sadd.s32 $0x11800, s5;
	[smem:$0x7EF] =	sst s12  }
0x31: {  	s14 =	sadd.s32 $0x12000, s5;
	[smem:$0x7F0] =	sst s13  }
0x32: {  	s15 =	sadd.s32 $0x12800, s5;
	[smem:$0x7F1] =	sst s14  }
0x33: {  	s31 =	simm.s32 $0x2000;
	s16 =	sadd.s32 $0x13000, s5;
	[smem:$0x7F2] =	sst s15  }
0x34: {  	s28 =	simm.s32 $0x1500;
	s17 =	sadd.s32 $0x13800, s5;
	[smem:$0x7F3] =	sst s16  }
0x35: {  	s29 =	simm.s32 $0x1580;
	s18 =	sadd.s32 $0x14000, s5;
	[smem:$0x7F4] =	sst s17  }
0x36: {  	s30 =	simm.s32 $0x1600;
	s19 =	sadd.s32 $0x14800, s5;
	[smem:$0x7F5] =	sst s18  }
0x37: {  	s20 =	sadd.s32 $0x15000, s5;
	s21 =	sadd.s32 $0x15800, s5;
	[smem:$0x7F6] =	sst s19  }
0x38: {  	s22 =	sadd.s32 $0x16000, s5;
	s0 =	simm.s32 $0x5;
	[smem:$0x7F7] =	sst s20  }
0x39: {  	s7 =	simm.s32 $0xC00;
	s8 =	simm.s32 $0x1800;
	[smem:$0x7F8] =	sst s21  }
0x3a: {  	s3 =	simm.s32 $0x1780;
	[smem:$0x7F9] =	sst s22;
	s23 =	sadd.s32 $0x16800, s5  }
0x3b: {  	s24 =	sadd.s32 $0x17000, s5;
	s25 =	sadd.s32 $0x17800, s5;
	s26 =	sadd.s32 $0x18000, s5  }
0x3c: {  	s1 =	simm.s32 $0x1;
	s4 =	simm.s32 $0x4;
	s6 =	simm.s32 $0x80  }
0x3d: {  	s14 =	simm.s32 $0xF00;
	s15 =	simm.s32 $0xF80;
	s16 =	simm.s32 $0x1000  }
0x3e: {  	s17 =	simm.s32 $0x1080;
	s18 =	simm.s32 $0x1100;
	s19 =	simm.s32 $0x1180  }
.Ltmp0:
0x3f: {  	s20 =	simm.s32 $0x1200;
	[smem:$0x7FA] =	sst s23;
	(pc) =	sbr.rel .LBB2_1-.Ltmp0, $4  }
0x40: {  	s21 =	simm.s32 $0x1280;
	s22 =	simm.s32 $0x1300;
	[smem:$0x7FB] =	sst s24  }
0x41: {  	s5 =	simm.s32 $0x1700;
	s9 =	simm.s32 $0x3;
	[smem:$0x7FC] =	sst s25  }
0x42: {  	s12 =	simm.s32 $0x0;
	[smem:$0x7FD] =	sst s26;
	s23 =	simm.s32 $0x1380  }
0x43: {  	v0 =	vimm.f32 $1.000000000e+00;
	v1 =	vimm.f32 $0.0e+00;
	s25 =	simm.s32 $0x1400;
	s26 =	simm.s32 $0x1480;
	s24 =	simm.s32 $0x1680  }
.LBB2_10:
0x44: {  	_ =	swait.ge [sflag:s1], $0x800  }
0x45: {  	[sflag:s1] =	ssyncset.done $0x0  }
0x46: {  	[sflag:s1] =	ssyncadd.s32 $0xFFFFF800  }
0x47: {  	_ =	swait.ge [sflag:s1], $0x800  }
0x48: {  	[sflag:s1] =	ssyncset.done $0x0  }
0x49: {  	[sflag:s1] =	ssyncadd.s32 $0xFFFFF800  }
0x4a: {  	_ =	swait.ge [sflag:s1], $0x800  }
0x4b: {  	[sflag:s1] =	ssyncset.done $0x0  }
0x4c: {  	[sflag:s1] =	ssyncadd.s32 $0xFFFFF800  }
0x4d: {  	_ =	swait.ge [sflag:s1], $0x800  }
0x4e: {  	[sflag:s1] =	ssyncset.done $0x0  }
0x4f: {  	[sflag:s1] =	ssyncadd.s32 $0xFFFFF800  }
0x50: {  	_ =	swait.ge [sflag:s1], $0x800  }
0x51: {  	[sflag:s1] =	ssyncset.done $0x0  }
0x52: {  	[sflag:s1] =	ssyncadd.s32 $0xFFFFF800  }
0x53: {  	_ =	swait.ge [sflag:s1], $0x800  }
0x54: {  	[sflag:s1] =	ssyncset.done $0x0  }
0x55: {  	[sflag:s1] =	ssyncadd.s32 $0xFFFFF800  }
0x56: {  	_ =	swait.ge [sflag:s1], $0x800  }
0x57: {  	[sflag:s1] =	ssyncset.done $0x0  }
0x58: {  	[sflag:s1] =	ssyncadd.s32 $0xFFFFF800  }
0x59: {  	_ =	swait.ge [sflag:s1], $0x800  }
0x5a: {  	[sflag:s1] =	ssyncset.done $0x0  }
0x5b: {  	[sflag:s1] =	ssyncadd.s32 $0xFFFFF800  }
0x5c: {  	_ =	swait.ge [sflag:s1], $0x800  }
0x5d: {  	[sflag:s1] =	ssyncset.done $0x0  }
0x5e: {  	[sflag:s1] =	ssyncadd.s32 $0xFFFFF800  }
0x5f: {  	_ =	swait.ge [sflag:s1], $0x800  }
0x60: {  	[sflag:s1] =	ssyncset.done $0x0  }
0x61: {  	[sflag:s1] =	ssyncadd.s32 $0xFFFFF800  }
0x62: {  	_ =	swait.ge [sflag:s1], $0x800  }
0x63: {  	[sflag:s1] =	ssyncset.done $0x0  }
0x64: {  	[sflag:s1] =	ssyncadd.s32 $0xFFFFF800  }
0x65: {  	_ =	swait.ge [sflag:s1], $0x800  }
0x66: {  	[sflag:s1] =	ssyncset.done $0x0  }
0x67: {  	[sflag:s1] =	ssyncadd.s32 $0xFFFFF800  }
0x68: {  	_ =	swait.ge [sflag:s1], $0x800  }
0x69: {  	[sflag:s1] =	ssyncset.done $0x0  }
0x6a: {  	[sflag:s1] =	ssyncadd.s32 $0xFFFFF800  }
0x6b: {  	_ =	swait.ge [sflag:s1], $0x800  }
0x6c: {  	[sflag:s1] =	ssyncset.done $0x0  }
0x6d: {  	[sflag:s1] =	ssyncadd.s32 $0xFFFFF800  }
0x6e: {  	_ =	swait.ge [sflag:s1], $0x800  }
0x6f: {  	[sflag:s1] =	ssyncset.done $0x0  }
0x70: {  	[sflag:s1] =	ssyncadd.s32 $0xFFFFF800  }
0x71: {  	_ =	swait.ge [sflag:s1], $0x800  }
0x72: {  	[sflag:s1] =	ssyncset.done $0x0  }
0x73: {  	[sflag:s1] =	ssyncadd.s32 $0xFFFFF800  }
0x74: {  	_ =	swait.ge [sflag:s1], $0x800  }
0x75: {  	[sflag:s1] =	ssyncset.done $0x0  }
0x76: {  	[sflag:s1] =	ssyncadd.s32 $0xFFFFF800  }
0x77: {  	_ =	swait.ge [sflag:s1], $0x800  }
0x78: {  	[sflag:s1] =	ssyncset.done $0x0  }
0x79: {  	[sflag:s1] =	ssyncadd.s32 $0xFFFFF800  }
0x7a: {  	_ =	swait.ge [sflag:s1], $0x800  }
0x7b: {  	[sflag:s1] =	ssyncset.done $0x0  }
0x7c: {  	[sflag:s1] =	ssyncadd.s32 $0xFFFFF800  }
0x7d: {  	_ =	swait.ge [sflag:s1], $0x800  }
0x7e: {  	[sflag:s1] =	ssyncset.done $0x0  }
0x7f: {  	[sflag:s1] =	ssyncadd.s32 $0xFFFFF800  }
0x80: {  	_ =	swait.ge [sflag:s1], $0x800  }
0x81: {  	[sflag:s1] =	ssyncset.done $0x0  }
0x82: {  	[sflag:s1] =	ssyncadd.s32 $0xFFFFF800  }
0x83: {  	_ =	swait.ge [sflag:s1], $0x800  }
0x84: {  	[sflag:s1] =	ssyncset.done $0x0  }
0x85: {  	[sflag:s1] =	ssyncadd.s32 $0xFFFFF800  }
0x86: {  	_ =	swait.ge [sflag:s1], $0x800  }
0x87: {  	[sflag:s1] =	ssyncset.done $0x0  }
0x88: {  	[sflag:s1] =	ssyncadd.s32 $0xFFFFF800  }
0x89: {  	_ =	swait.ge [sflag:s1], $0x800  }
0x8a: {  	[sflag:s1] =	ssyncset.done $0x0  }
0x8b: {  	[sflag:s1] =	ssyncadd.s32 $0xFFFFF800  }
0x8c: {  	s10 =	stileid.u32;
	[bflag:$0x0] =	sbarrier.arrive $0xFFFF  }
0x8d: {  	s10 =	sshll.u32 s10, $0x6;
	s11 =	rddreg [dreg:$0x5]  }
0x8e: {  	s10 =	sor.u32 $0x1C06, s10;
	s12 =	rddreg [dreg:$0x18]  }
0x8f: {  	[hbm:s11], [sflag:s10] =	dma.local [spmem:s12], $0x3100  }
0x90: {  	s11 =	simm.s32 $0x6  }
0x91: {  	_ =	swait.ge [sflag:s11], $0x3100  }
0x92: {  	s10 =	sld [smem:$0x7E4];
	_ =	sdelay $0x2  }
0x93: {  	s13 =	rddreg [dreg:$0x6];
	s12 =	sadd.s32 $0x1, s10  }
0x94: {  	p0 =	sne.s32 s12, s13  }
.Ltmp1:
0x95: {  	_ = 	snop;
	(pc) =	sbr.rel @!p0 .LBB2_11-.Ltmp1, $3  }
0x96: {  	_ =	sdelay $0x1  }
0x97: {  	[sflag:s11] =	ssyncset.done $0x0  }
0x98: {  	[sflag:s11] =	ssyncadd.s32 $0xFFFFCF00  }
.LBB2_1:
0x99: {  	s10 =	simm.s32 $0x0;
	s11 =	rddreg [dreg:$0x3]  }
0x9a: {  	[tilespmem:s10], [sflag:$0x3] =	stream.linear.gather [hbm4b:s11+s10], $0xC00, $0x38;
	[tilespmem:$0x1B000] =	vst v63  }
0x9b: {  	[smem:$0x7E4] =	sst s12;
	s10 =	simm.s32 $0x40;
	s11 =	simm.s32 $0x0  }
.LBB2_2:
0x9c: {  	p0 =	sne.s32 s10, $0x1FC0;
	[tilespmem:s11+$0x1800] =	vst v0;
	s12 =	smov.u32 s10;
	s10 =	sadd.s32 $0x40, s10  }
.Ltmp2:
0x9d: {  	[tilespmem:s11+$0x2000] =	vst v1;
	(pc) =	sbr.rel @p0 .LBB2_2-.Ltmp2, $2  }
0x9e: {  	_ =	sdelay $0x2  }
0x9f: {  	s11 =	sshra.s32 s12, $0x2  }
0xa0: {  	[tilespmem:s11+$0x1800] =	vst v0;
	s10 =	rddreg [dreg:$0x4]  }
0xa1: {  	[tilespmem:s11+$0x2000] =	vst v1;
	s11 =	rddreg [dreg:$0x7]  }
0xa2: {  	[spmem:s10] =	stream.linear.scatter [tilespmem:s31], [sflag:$0x5], $0x800, $0x38;
	[tilespmem:$0x1B000] =	vst v63  }
0xa3: {  	s12 =	rddreg [dreg:$0x8]  }
0xa4: {  	[spmem:s11] =	stream.linear.scatter [tilespmem:s31], [sflag:$0x5], $0x800, $0x38;
	[tilespmem:$0x1B000] =	vst v63  }
0xa5: {  	s13 =	rddreg [dreg:$0x9]  }
0xa6: {  	[spmem:s12] =	stream.linear.scatter [tilespmem:s31], [sflag:$0x5], $0x800, $0x38;
	[tilespmem:$0x1B000] =	vst v63  }
0xa7: {  	s11 =	rddreg [dreg:$0xa]  }
0xa8: {  	[spmem:s13] =	stream.linear.scatter [tilespmem:s31], [sflag:$0x5], $0x800, $0x38;
	[tilespmem:$0x1B000] =	vst v63  }
0xa9: {  	s12 =	rddreg [dreg:$0xb]  }
0xaa: {  	[spmem:s11] =	stream.linear.scatter [tilespmem:s31], [sflag:$0x5], $0x800, $0x38;
	[tilespmem:$0x1B000] =	vst v63  }
0xab: {  	s13 =	rddreg [dreg:$0xc]  }
0xac: {  	[spmem:s12] =	stream.linear.scatter [tilespmem:s31], [sflag:$0x5], $0x800, $0x38;
	[tilespmem:$0x1B000] =	vst v63  }
0xad: {  	s11 =	rddreg [dreg:$0xd]  }
0xae: {  	[spmem:s13] =	stream.linear.scatter [tilespmem:s31], [sflag:$0x5], $0x800, $0x38;
	[tilespmem:$0x1B000] =	vst v63  }
0xaf: {  	s12 =	rddreg [dreg:$0xe]  }
0xb0: {  	[spmem:s11] =	stream.linear.scatter [tilespmem:s31], [sflag:$0x5], $0x800, $0x38;
	[tilespmem:$0x1B000] =	vst v63  }
0xb1: {  	s13 =	rddreg [dreg:$0xf]  }
0xb2: {  	[spmem:s12] =	stream.linear.scatter [tilespmem:s31], [sflag:$0x5], $0x800, $0x38;
	[tilespmem:$0x1B000] =	vst v63  }
0xb3: {  	s11 =	rddreg [dreg:$0x10]  }
0xb4: {  	[spmem:s13] =	stream.linear.scatter [tilespmem:s31], [sflag:$0x5], $0x800, $0x38;
	[tilespmem:$0x1B000] =	vst v63  }
0xb5: {  	s12 =	rddreg [dreg:$0x11]  }
0xb6: {  	[spmem:s11] =	stream.linear.scatter [tilespmem:s31], [sflag:$0x5], $0x800, $0x38;
	[tilespmem:$0x1B000] =	vst v63  }
0xb7: {  	s13 =	rddreg [dreg:$0x12]  }
0xb8: {  	[spmem:s12] =	stream.linear.scatter [tilespmem:s31], [sflag:$0x5], $0x800, $0x38;
	[tilespmem:$0x1B000] =	vst v63  }
0xb9: {  	s11 =	rddreg [dreg:$0x13]  }
0xba: {  	[spmem:s13] =	stream.linear.scatter [tilespmem:s31], [sflag:$0x5], $0x800, $0x38;
	[tilespmem:$0x1B000] =	vst v63  }
0xbb: {  	s12 =	rddreg [dreg:$0x14]  }
0xbc: {  	[spmem:s11] =	stream.linear.scatter [tilespmem:s31], [sflag:$0x5], $0x800, $0x38;
	[tilespmem:$0x1B000] =	vst v63  }
0xbd: {  	s13 =	rddreg [dreg:$0x15]  }
0xbe: {  	[spmem:s12] =	stream.linear.scatter [tilespmem:s31], [sflag:$0x5], $0x800, $0x38;
	[tilespmem:$0x1B000] =	vst v63  }
0xbf: {  	s11 =	rddreg [dreg:$0x16]  }
0xc0: {  	[spmem:s13] =	stream.linear.scatter [tilespmem:s31], [sflag:$0x5], $0x800, $0x38;
	[tilespmem:$0x1B000] =	vst v63  }
0xc1: {  	s12 =	rddreg [dreg:$0x19]  }
0xc2: {  	[spmem:s11] =	stream.linear.scatter [tilespmem:s31], [sflag:$0x5], $0x800, $0x38;
	[tilespmem:$0x1B000] =	vst v63  }
0xc3: {  	s13 =	rddreg [dreg:$0x1a]  }
0xc4: {  	[spmem:s12] =	stream.linear.scatter [tilespmem:s31], [sflag:$0x5], $0x800, $0x38;
	[tilespmem:$0x1B000] =	vst v63  }
0xc5: {  	s11 =	rddreg [dreg:$0x1b]  }
0xc6: {  	[spmem:s13] =	stream.linear.scatter [tilespmem:s31], [sflag:$0x5], $0x800, $0x38;
	[tilespmem:$0x1B000] =	vst v63  }
0xc7: {  	s12 =	rddreg [dreg:$0x1c]  }
0xc8: {  	[spmem:s11] =	stream.linear.scatter [tilespmem:s31], [sflag:$0x5], $0x800, $0x38;
	[tilespmem:$0x1B000] =	vst v63  }
0xc9: {  	s13 =	rddreg [dreg:$0x1d]  }
0xca: {  	[spmem:s12] =	stream.linear.scatter [tilespmem:s31], [sflag:$0x5], $0x800, $0x38;
	[tilespmem:$0x1B000] =	vst v63  }
0xcb: {  	s11 =	rddreg [dreg:$0x1e]  }
0xcc: {  	[spmem:s13] =	stream.linear.scatter [tilespmem:s31], [sflag:$0x5], $0x800, $0x38;
	[tilespmem:$0x1B000] =	vst v63  }
0xcd: {  	s12 =	rddreg [dreg:$0x1f]  }
0xce: {  	[spmem:s11] =	stream.linear.scatter [tilespmem:s31], [sflag:$0x5], $0x800, $0x38;
	[tilespmem:$0x1B000] =	vst v63  }
0xcf: {  	s13 =	sld [smem:$0x7E5]  }
0xd0: {  	[spmem:s12] =	stream.linear.scatter [tilespmem:s31], [sflag:$0x5], $0x800, $0x38;
	[tilespmem:$0x1B000] =	vst v63  }
0xd1: {  	s11 =	sld [smem:$0x7E6]  }
0xd2: {  	[spmem:s13] =	stream.linear.scatter [tilespmem:s31], [sflag:$0x5], $0x800, $0x38;
	[tilespmem:$0x1B000] =	vst v63  }
0xd3: {  	s12 =	sld [smem:$0x7E7]  }
0xd4: {  	[spmem:s11] =	stream.linear.scatter [tilespmem:s31], [sflag:$0x5], $0x800, $0x38;
	[tilespmem:$0x1B000] =	vst v63  }
0xd5: {  	s13 =	sld [smem:$0x7E8]  }
0xd6: {  	[spmem:s12] =	stream.linear.scatter [tilespmem:s31], [sflag:$0x5], $0x800, $0x38;
	[tilespmem:$0x1B000] =	vst v63  }
0xd7: {  	s11 =	sld [smem:$0x7E9]  }
0xd8: {  	[spmem:s13] =	stream.linear.scatter [tilespmem:s31], [sflag:$0x5], $0x800, $0x38;
	[tilespmem:$0x1B000] =	vst v63  }
0xd9: {  	s12 =	sld [smem:$0x7EA]  }
0xda: {  	[spmem:s11] =	stream.linear.scatter [tilespmem:s31], [sflag:$0x5], $0x800, $0x38;
	[tilespmem:$0x1B000] =	vst v63  }
0xdb: {  	s13 =	sld [smem:$0x7EB]  }
0xdc: {  	[spmem:s12] =	stream.linear.scatter [tilespmem:s31], [sflag:$0x5], $0x800, $0x38;
	[tilespmem:$0x1B000] =	vst v63  }
0xdd: {  	s11 =	sld [smem:$0x7EC]  }
0xde: {  	[spmem:s13] =	stream.linear.scatter [tilespmem:s31], [sflag:$0x5], $0x800, $0x38;
	[tilespmem:$0x1B000] =	vst v63  }
0xdf: {  	s12 =	sld [smem:$0x7ED]  }
0xe0: {  	[spmem:s11] =	stream.linear.scatter [tilespmem:s31], [sflag:$0x5], $0x800, $0x38;
	[tilespmem:$0x1B000] =	vst v63  }
0xe1: {  	s13 =	sld [smem:$0x7EE]  }
0xe2: {  	[spmem:s12] =	stream.linear.scatter [tilespmem:s31], [sflag:$0x5], $0x800, $0x38;
	[tilespmem:$0x1B000] =	vst v63  }
0xe3: {  	s11 =	sld [smem:$0x7EF]  }
0xe4: {  	[spmem:s13] =	stream.linear.scatter [tilespmem:s31], [sflag:$0x5], $0x800, $0x38;
	[tilespmem:$0x1B000] =	vst v63  }
0xe5: {  	s12 =	sld [smem:$0x7F0]  }
0xe6: {  	[spmem:s11] =	stream.linear.scatter [tilespmem:s31], [sflag:$0x5], $0x800, $0x38;
	[tilespmem:$0x1B000] =	vst v63  }
0xe7: {  	s13 =	sld [smem:$0x7F1]  }
0xe8: {  	[spmem:s12] =	stream.linear.scatter [tilespmem:s31], [sflag:$0x5], $0x800, $0x38;
	[tilespmem:$0x1B000] =	vst v63  }
0xe9: {  	s11 =	sld [smem:$0x7F2]  }
0xea: {  	[spmem:s13] =	stream.linear.scatter [tilespmem:s31], [sflag:$0x5], $0x800, $0x38;
	[tilespmem:$0x1B000] =	vst v63  }
0xeb: {  	s12 =	sld [smem:$0x7F3]  }
0xec: {  	[spmem:s11] =	stream.linear.scatter [tilespmem:s31], [sflag:$0x5], $0x800, $0x38;
	[tilespmem:$0x1B000] =	vst v63  }
0xed: {  	s13 =	sld [smem:$0x7F4]  }
0xee: {  	[spmem:s12] =	stream.linear.scatter [tilespmem:s31], [sflag:$0x5], $0x800, $0x38;
	[tilespmem:$0x1B000] =	vst v63  }
0xef: {  	s11 =	sld [smem:$0x7F5]  }
0xf0: {  	[spmem:s13] =	stream.linear.scatter [tilespmem:s31], [sflag:$0x5], $0x800, $0x38;
	[tilespmem:$0x1B000] =	vst v63  }
0xf1: {  	s12 =	sld [smem:$0x7F6]  }
0xf2: {  	[spmem:s11] =	stream.linear.scatter [tilespmem:s31], [sflag:$0x5], $0x800, $0x38;
	[tilespmem:$0x1B000] =	vst v63  }
0xf3: {  	s13 =	sld [smem:$0x7F7]  }
0xf4: {  	[spmem:s12] =	stream.linear.scatter [tilespmem:s31], [sflag:$0x5], $0x800, $0x38;
	[tilespmem:$0x1B000] =	vst v63  }
0xf5: {  	s11 =	sld [smem:$0x7F8]  }
0xf6: {  	[spmem:s13] =	stream.linear.scatter [tilespmem:s31], [sflag:$0x5], $0x800, $0x38;
	[tilespmem:$0x1B000] =	vst v63  }
0xf7: {  	s12 =	sld [smem:$0x7F9]  }
0xf8: {  	[spmem:s11] =	stream.linear.scatter [tilespmem:s31], [sflag:$0x5], $0x800, $0x38;
	[tilespmem:$0x1B000] =	vst v63  }
0xf9: {  	s13 =	sld [smem:$0x7FA]  }
0xfa: {  	[spmem:s12] =	stream.linear.scatter [tilespmem:s31], [sflag:$0x5], $0x800, $0x38;
	[tilespmem:$0x1B000] =	vst v63  }
0xfb: {  	s11 =	sld [smem:$0x7FB]  }
0xfc: {  	[spmem:s13] =	stream.linear.scatter [tilespmem:s31], [sflag:$0x5], $0x800, $0x38;
	[tilespmem:$0x1B000] =	vst v63  }
0xfd: {  	s12 =	sld [smem:$0x7FC]  }
0xfe: {  	[spmem:s11] =	stream.linear.scatter [tilespmem:s31], [sflag:$0x5], $0x800, $0x38;
	[tilespmem:$0x1B000] =	vst v63  }
0xff: {  	s13 =	sld [smem:$0x7FD]  }
0x100: {  	[spmem:s12] =	stream.linear.scatter [tilespmem:s31], [sflag:$0x5], $0x800, $0x38;
	[tilespmem:$0x1B000] =	vst v63  }
0x101: {  	_ = 	snop  }
0x102: {  	[spmem:s13] =	stream.linear.scatter [tilespmem:s31], [sflag:$0x5], $0x800, $0x38;
	[tilespmem:$0x1B000] =	vst v63  }
0x103: {  	_ =	swait.ge [sflag:s0], $0x800  }
0x104: {  	s10 =	simm.s32 $0x30;
	[sflag:s0] =	ssyncset.done $0x0  }
.LBB2_4:
0x105: {  	p0 =	sne.s32 s10, $0x1;
	s10 =	sadd.s32 $0xFFFFFFFF, s10;
	[sflag:s0] =	ssyncadd.s32 $0xFFFFF800  }
.Ltmp3:
0x106: {  	(pc) =	sbr.rel @p0 .LBB2_4-.Ltmp3, $3  }
0x107: {  	_ =	sdelay $0x1  }
0x108: {  	_ =	swait.ge [sflag:s0], $0x800  }
0x109: {  	[sflag:s0] =	ssyncset.done $0x0  }
.Ltmp4:
0x10a: {  	(pc) =	sbr.rel .LBB2_6-.Ltmp4, $4  }
0x10b: {  	_ = 	snop  }
0x10c: {  	[sflag:s0] =	ssyncadd.s32 $0xFFFFF800  }
0x10d: {  	[bflag:$0x0] =	sbarrier.arrive $0xFFFF  }
0x10e: {  	s10 =	simm.s32 $0x0;
	s11 =	rddreg [dreg:$0x17]  }
.LBB2_8:
0x10f: {  	_ =	swait.ge [sflag:s1], $0x800  }
0x110: {  	[sflag:s1] =	ssyncset.done $0x0  }
0x111: {  	[sflag:s1] =	ssyncadd.s32 $0xFFFFF800  }
0x112: {  	_ =	swait.ge [sflag:s1], $0x800  }
0x113: {  	[sflag:s1] =	ssyncset.done $0x0  }
0x114: {  	[sflag:s1] =	ssyncadd.s32 $0xFFFFF800  }
0x115: {  	_ =	swait.ge [sflag:s1], $0x800  }
0x116: {  	[sflag:s1] =	ssyncset.done $0x0  }
0x117: {  	[sflag:s1] =	ssyncadd.s32 $0xFFFFF800  }
0x118: {  	_ =	swait.ge [sflag:s1], $0x800  }
0x119: {  	[sflag:s1] =	ssyncset.done $0x0  }
0x11a: {  	[sflag:s1] =	ssyncadd.s32 $0xFFFFF800  }
0x11b: {  	_ =	swait.ge [sflag:s1], $0x800  }
0x11c: {  	[sflag:s1] =	ssyncset.done $0x0  }
0x11d: {  	[sflag:s1] =	ssyncadd.s32 $0xFFFFF800  }
0x11e: {  	_ =	swait.ge [sflag:s1], $0x800  }
0x11f: {  	[sflag:s1] =	ssyncset.done $0x0  }
0x120: {  	[sflag:s1] =	ssyncadd.s32 $0xFFFFF800  }
0x121: {  	_ =	swait.ge [sflag:s1], $0x800  }
0x122: {  	[sflag:s1] =	ssyncset.done $0x0  }
0x123: {  	[sflag:s1] =	ssyncadd.s32 $0xFFFFF800  }
0x124: {  	_ =	swait.ge [sflag:s1], $0x800  }
0x125: {  	[sflag:s1] =	ssyncset.done $0x0  }
0x126: {  	[sflag:s1] =	ssyncadd.s32 $0xFFFFF800  }
0x127: {  	_ =	swait.ge [sflag:s1], $0x800  }
0x128: {  	[sflag:s1] =	ssyncset.done $0x0  }
0x129: {  	[sflag:s1] =	ssyncadd.s32 $0xFFFFF800  }
0x12a: {  	_ =	swait.ge [sflag:s1], $0x800  }
0x12b: {  	[sflag:s1] =	ssyncset.done $0x0  }
0x12c: {  	[sflag:s1] =	ssyncadd.s32 $0xFFFFF800  }
0x12d: {  	_ =	swait.ge [sflag:s1], $0x800  }
0x12e: {  	[sflag:s1] =	ssyncset.done $0x0  }
0x12f: {  	[sflag:s1] =	ssyncadd.s32 $0xFFFFF800  }
0x130: {  	_ =	swait.ge [sflag:s1], $0x800  }
0x131: {  	[sflag:s1] =	ssyncset.done $0x0  }
0x132: {  	[sflag:s1] =	ssyncadd.s32 $0xFFFFF800  }
0x133: {  	_ =	swait.ge [sflag:s1], $0x800  }
0x134: {  	[sflag:s1] =	ssyncset.done $0x0  }
0x135: {  	[sflag:s1] =	ssyncadd.s32 $0xFFFFF800  }
0x136: {  	_ =	swait.ge [sflag:s1], $0x800  }
0x137: {  	[sflag:s1] =	ssyncset.done $0x0  }
0x138: {  	[sflag:s1] =	ssyncadd.s32 $0xFFFFF800  }
0x139: {  	_ =	swait.ge [sflag:s1], $0x800  }
0x13a: {  	[sflag:s1] =	ssyncset.done $0x0  }
0x13b: {  	[sflag:s1] =	ssyncadd.s32 $0xFFFFF800  }
0x13c: {  	_ =	swait.ge [sflag:s1], $0x800  }
0x13d: {  	[sflag:s1] =	ssyncset.done $0x0  }
0x13e: {  	[sflag:s1] =	ssyncadd.s32 $0xFFFFF800  }
0x13f: {  	_ =	swait.ge [sflag:s1], $0x800  }
0x140: {  	[sflag:s1] =	ssyncset.done $0x0  }
0x141: {  	[sflag:s1] =	ssyncadd.s32 $0xFFFFF800  }
0x142: {  	_ =	swait.ge [sflag:s1], $0x800  }
0x143: {  	[sflag:s1] =	ssyncset.done $0x0  }
0x144: {  	[sflag:s1] =	ssyncadd.s32 $0xFFFFF800  }
0x145: {  	_ =	swait.ge [sflag:s1], $0x800  }
0x146: {  	[sflag:s1] =	ssyncset.done $0x0  }
0x147: {  	[sflag:s1] =	ssyncadd.s32 $0xFFFFF800  }
0x148: {  	_ =	swait.ge [sflag:s1], $0x800  }
0x149: {  	[sflag:s1] =	ssyncset.done $0x0  }
0x14a: {  	[sflag:s1] =	ssyncadd.s32 $0xFFFFF800  }
0x14b: {  	_ =	swait.ge [sflag:s1], $0x800  }
0x14c: {  	[sflag:s1] =	ssyncset.done $0x0  }
0x14d: {  	[sflag:s1] =	ssyncadd.s32 $0xFFFFF800  }
0x14e: {  	_ =	swait.ge [sflag:s1], $0x800  }
0x14f: {  	[sflag:s1] =	ssyncset.done $0x0  }
0x150: {  	[sflag:s1] =	ssyncadd.s32 $0xFFFFF800  }
0x151: {  	_ =	swait.ge [sflag:s1], $0x800  }
0x152: {  	[sflag:s1] =	ssyncset.done $0x0  }
0x153: {  	[sflag:s1] =	ssyncadd.s32 $0xFFFFF800  }
0x154: {  	_ =	swait.ge [sflag:s1], $0x800  }
0x155: {  	p0 =	seq.s32 s10, $0x20;
	[sflag:s1] =	ssyncset.done $0x0  }
0x156: {  	s12 =	simm.s32 @!p0 $0x0;
	[sflag:s1] =	ssyncadd.s32 $0xFFFFF800  }
0x157: {  	[tilespmem:s12], [sflag:$0x3] =	stream.linear.gather @!p0 [hbm4b:s11+s12], $0xC00, $0x38;
	[tilespmem:$0x1B000] =	vst v63  }
0x158: {  	_ =	swait.ge [sflag:s4], $0xC00  }
0x159: {  	[sflag:s4] =	ssyncset.done $0x0  }
0x15a: {  	[sflag:s4] =	ssyncadd.s32 $0xFFFFF400  }
0x15b: {  	[spmem:s2] =	stream.indirect.scatter.add.f32 [tilespmem:s8], [sflag:$0x2], $0x10, s7, s6, $0xb8;
	[tilespmem:$0x1B000] =	vst v63  }
0x15c: {  	s13 =	simm.s32 $0xC80  }
0x15d: {  	[spmem:s2] =	stream.indirect.scatter.add.f32 [tilespmem:s8], [sflag:$0x2], $0x10, s13, s6, $0xb8;
	[tilespmem:$0x1B000] =	vst v63  }
0x15e: {  	s13 =	simm.s32 $0xD00  }
0x15f: {  	[spmem:s2] =	stream.indirect.scatter.add.f32 [tilespmem:s8], [sflag:$0x2], $0x10, s13, s6, $0xb8;
	[tilespmem:$0x1B000] =	vst v63  }
0x160: {  	s13 =	simm.s32 $0xD80  }
0x161: {  	[spmem:s2] =	stream.indirect.scatter.add.f32 [tilespmem:s8], [sflag:$0x2], $0x10, s13, s6, $0xb8;
	[tilespmem:$0x1B000] =	vst v63  }
0x162: {  	s13 =	simm.s32 $0xE00  }
0x163: {  	[spmem:s2] =	stream.indirect.scatter.add.f32 [tilespmem:s8], [sflag:$0x2], $0x10, s13, s6, $0xb8;
	[tilespmem:$0x1B000] =	vst v63  }
0x164: {  	s13 =	simm.s32 $0xE80  }
0x165: {  	[spmem:s2] =	stream.indirect.scatter.add.f32 [tilespmem:s8], [sflag:$0x2], $0x10, s13, s6, $0xb8;
	[tilespmem:$0x1B000] =	vst v63  }
0x166: {  	_ = 	snop  }
0x167: {  	[spmem:s2] =	stream.indirect.scatter.add.f32 [tilespmem:s8], [sflag:$0x2], $0x10, s14, s6, $0xb8;
	[tilespmem:$0x1B000] =	vst v63  }
0x168: {  	_ = 	snop  }
0x169: {  	[spmem:s2] =	stream.indirect.scatter.add.f32 [tilespmem:s8], [sflag:$0x2], $0x10, s15, s6, $0xb8;
	[tilespmem:$0x1B000] =	vst v63  }
0x16a: {  	_ = 	snop  }
0x16b: {  	[spmem:s2] =	stream.indirect.scatter.add.f32 [tilespmem:s8], [sflag:$0x2], $0x10, s16, s6, $0xb8;
	[tilespmem:$0x1B000] =	vst v63  }
0x16c: {  	_ = 	snop  }
0x16d: {  	[spmem:s2] =	stream.indirect.scatter.add.f32 [tilespmem:s8], [sflag:$0x2], $0x10, s17, s6, $0xb8;
	[tilespmem:$0x1B000] =	vst v63  }
0x16e: {  	_ = 	snop  }
0x16f: {  	[spmem:s2] =	stream.indirect.scatter.add.f32 [tilespmem:s8], [sflag:$0x2], $0x10, s18, s6, $0xb8;
	[tilespmem:$0x1B000] =	vst v63  }
0x170: {  	_ = 	snop  }
0x171: {  	[spmem:s2] =	stream.indirect.scatter.add.f32 [tilespmem:s8], [sflag:$0x2], $0x10, s19, s6, $0xb8;
	[tilespmem:$0x1B000] =	vst v63  }
0x172: {  	_ = 	snop  }
0x173: {  	[spmem:s2] =	stream.indirect.scatter.add.f32 [tilespmem:s8], [sflag:$0x2], $0x10, s20, s6, $0xb8;
	[tilespmem:$0x1B000] =	vst v63  }
0x174: {  	_ = 	snop  }
0x175: {  	[spmem:s2] =	stream.indirect.scatter.add.f32 [tilespmem:s8], [sflag:$0x2], $0x10, s21, s6, $0xb8;
	[tilespmem:$0x1B000] =	vst v63  }
0x176: {  	_ = 	snop  }
0x177: {  	[spmem:s2] =	stream.indirect.scatter.add.f32 [tilespmem:s8], [sflag:$0x2], $0x10, s22, s6, $0xb8;
	[tilespmem:$0x1B000] =	vst v63  }
0x178: {  	_ = 	snop  }
0x179: {  	[spmem:s2] =	stream.indirect.scatter.add.f32 [tilespmem:s8], [sflag:$0x2], $0x10, s23, s6, $0xb8;
	[tilespmem:$0x1B000] =	vst v63  }
0x17a: {  	_ = 	snop  }
0x17b: {  	[spmem:s2] =	stream.indirect.scatter.add.f32 [tilespmem:s8], [sflag:$0x2], $0x10, s25, s6, $0xb8;
	[tilespmem:$0x1B000] =	vst v63  }
0x17c: {  	_ = 	snop  }
0x17d: {  	[spmem:s2] =	stream.indirect.scatter.add.f32 [tilespmem:s8], [sflag:$0x2], $0x10, s26, s6, $0xb8;
	[tilespmem:$0x1B000] =	vst v63  }
0x17e: {  	_ = 	snop  }
0x17f: {  	[spmem:s2] =	stream.indirect.scatter.add.f32 [tilespmem:s8], [sflag:$0x2], $0x10, s28, s6, $0xb8;
	[tilespmem:$0x1B000] =	vst v63  }
0x180: {  	_ = 	snop  }
0x181: {  	[spmem:s2] =	stream.indirect.scatter.add.f32 [tilespmem:s8], [sflag:$0x2], $0x10, s29, s6, $0xb8;
	[tilespmem:$0x1B000] =	vst v63  }
0x182: {  	_ = 	snop  }
0x183: {  	[spmem:s2] =	stream.indirect.scatter.add.f32 [tilespmem:s8], [sflag:$0x2], $0x10, s30, s6, $0xb8;
	[tilespmem:$0x1B000] =	vst v63  }
0x184: {  	_ = 	snop  }
0x185: {  	[spmem:s2] =	stream.indirect.scatter.add.f32 [tilespmem:s8], [sflag:$0x2], $0x10, s24, s6, $0xb8;
	[tilespmem:$0x1B000] =	vst v63  }
0x186: {  	_ = 	snop  }
0x187: {  	[spmem:s2] =	stream.indirect.scatter.add.f32 [tilespmem:s8], [sflag:$0x2], $0x10, s5, s6, $0xb8;
	[tilespmem:$0x1B000] =	vst v63  }
0x188: {  	_ = 	snop  }
0x189: {  	[spmem:s2] =	stream.indirect.scatter.add.f32 [tilespmem:s8], [sflag:$0x2], $0x10, s3, s6, $0xb8;
	[tilespmem:$0x1B000] =	vst v63  }
.LBB2_9:
0x18a: {  	s10 =	sadd.s32 $0x1, s10  }
0x18b: {  	p0 =	sne.s32 s10, $0x21  }
.Ltmp5:
0x18c: {  	_ = 	snop;
	(pc) =	sbr.rel @!p0 .LBB2_10-.Ltmp5, $2  }
0x18d: {  	_ =	sdelay $0x2  }
0x18e: {  	s11 =	sadd.s32 $0x180, s11  }
.LBB2_6:
0x18f: {  	s12 =	sand.u32 $0x1, s10  }
0x190: {  	p0 =	seq.s32 s12, $0x1  }
.Ltmp6:
0x191: {  	_ = 	snop;
	(pc) =	sbr.rel @p0 .LBB2_8-.Ltmp6, $1  }
0x192: {  	_ =	sdelay $0x3  }
0x193: {  	p0 =	seq.s32 s10, $0x0  }
0x194: {  	s13 =	simm.s32 @!p0 $0x2  }
0x195: {  	_ =	swait.ge @!p0 [sflag:s13], $0x800  }
0x196: {  	[sflag:s13] =	ssyncset.done @!p0 $0x0  }
0x197: {  	[sflag:s13] =	ssyncadd.s32 @!p0 $0xFFFFF800  }
0x198: {  	_ =	swait.ge @!p0 [sflag:s13], $0x800  }
0x199: {  	[sflag:s13] =	ssyncset.done @!p0 $0x0  }
0x19a: {  	[sflag:s13] =	ssyncadd.s32 @!p0 $0xFFFFF800  }
0x19b: {  	_ =	swait.ge @!p0 [sflag:s13], $0x800  }
0x19c: {  	[sflag:s13] =	ssyncset.done @!p0 $0x0  }
0x19d: {  	[sflag:s13] =	ssyncadd.s32 @!p0 $0xFFFFF800  }
0x19e: {  	_ =	swait.ge @!p0 [sflag:s13], $0x800  }
0x19f: {  	[sflag:s13] =	ssyncset.done @!p0 $0x0  }
0x1a0: {  	[sflag:s13] =	ssyncadd.s32 @!p0 $0xFFFFF800  }
0x1a1: {  	_ =	swait.ge @!p0 [sflag:s13], $0x800  }
0x1a2: {  	[sflag:s13] =	ssyncset.done @!p0 $0x0  }
0x1a3: {  	[sflag:s13] =	ssyncadd.s32 @!p0 $0xFFFFF800  }
0x1a4: {  	_ =	swait.ge @!p0 [sflag:s13], $0x800  }
0x1a5: {  	[sflag:s13] =	ssyncset.done @!p0 $0x0  }
0x1a6: {  	[sflag:s13] =	ssyncadd.s32 @!p0 $0xFFFFF800  }
0x1a7: {  	_ =	swait.ge @!p0 [sflag:s13], $0x800  }
0x1a8: {  	[sflag:s13] =	ssyncset.done @!p0 $0x0  }
0x1a9: {  	[sflag:s13] =	ssyncadd.s32 @!p0 $0xFFFFF800  }
0x1aa: {  	_ =	swait.ge @!p0 [sflag:s13], $0x800  }
0x1ab: {  	[sflag:s13] =	ssyncset.done @!p0 $0x0  }
0x1ac: {  	[sflag:s13] =	ssyncadd.s32 @!p0 $0xFFFFF800  }
0x1ad: {  	_ =	swait.ge @!p0 [sflag:s13], $0x800  }
0x1ae: {  	[sflag:s13] =	ssyncset.done @!p0 $0x0  }
0x1af: {  	[sflag:s13] =	ssyncadd.s32 @!p0 $0xFFFFF800  }
0x1b0: {  	_ =	swait.ge @!p0 [sflag:s13], $0x800  }
0x1b1: {  	[sflag:s13] =	ssyncset.done @!p0 $0x0  }
0x1b2: {  	[sflag:s13] =	ssyncadd.s32 @!p0 $0xFFFFF800  }
0x1b3: {  	_ =	swait.ge @!p0 [sflag:s13], $0x800  }
0x1b4: {  	[sflag:s13] =	ssyncset.done @!p0 $0x0  }
0x1b5: {  	[sflag:s13] =	ssyncadd.s32 @!p0 $0xFFFFF800  }
0x1b6: {  	_ =	swait.ge @!p0 [sflag:s13], $0x800  }
0x1b7: {  	[sflag:s13] =	ssyncset.done @!p0 $0x0  }
0x1b8: {  	[sflag:s13] =	ssyncadd.s32 @!p0 $0xFFFFF800  }
0x1b9: {  	_ =	swait.ge @!p0 [sflag:s13], $0x800  }
0x1ba: {  	[sflag:s13] =	ssyncset.done @!p0 $0x0  }
0x1bb: {  	[sflag:s13] =	ssyncadd.s32 @!p0 $0xFFFFF800  }
0x1bc: {  	_ =	swait.ge @!p0 [sflag:s13], $0x800  }
0x1bd: {  	[sflag:s13] =	ssyncset.done @!p0 $0x0  }
0x1be: {  	[sflag:s13] =	ssyncadd.s32 @!p0 $0xFFFFF800  }
0x1bf: {  	_ =	swait.ge @!p0 [sflag:s13], $0x800  }
0x1c0: {  	[sflag:s13] =	ssyncset.done @!p0 $0x0  }
0x1c1: {  	[sflag:s13] =	ssyncadd.s32 @!p0 $0xFFFFF800  }
0x1c2: {  	_ =	swait.ge @!p0 [sflag:s13], $0x800  }
0x1c3: {  	[sflag:s13] =	ssyncset.done @!p0 $0x0  }
0x1c4: {  	[sflag:s13] =	ssyncadd.s32 @!p0 $0xFFFFF800  }
0x1c5: {  	_ =	swait.ge @!p0 [sflag:s13], $0x800  }
0x1c6: {  	[sflag:s13] =	ssyncset.done @!p0 $0x0  }
0x1c7: {  	[sflag:s13] =	ssyncadd.s32 @!p0 $0xFFFFF800  }
0x1c8: {  	_ =	swait.ge @!p0 [sflag:s13], $0x800  }
0x1c9: {  	[sflag:s13] =	ssyncset.done @!p0 $0x0  }
0x1ca: {  	[sflag:s13] =	ssyncadd.s32 @!p0 $0xFFFFF800  }
0x1cb: {  	_ =	swait.ge @!p0 [sflag:s13], $0x800  }
0x1cc: {  	[sflag:s13] =	ssyncset.done @!p0 $0x0  }
0x1cd: {  	[sflag:s13] =	ssyncadd.s32 @!p0 $0xFFFFF800  }
0x1ce: {  	_ =	swait.ge @!p0 [sflag:s13], $0x800  }
0x1cf: {  	[sflag:s13] =	ssyncset.done @!p0 $0x0  }
0x1d0: {  	[sflag:s13] =	ssyncadd.s32 @!p0 $0xFFFFF800  }
0x1d1: {  	_ =	swait.ge @!p0 [sflag:s13], $0x800  }
0x1d2: {  	[sflag:s13] =	ssyncset.done @!p0 $0x0  }
0x1d3: {  	[sflag:s13] =	ssyncadd.s32 @!p0 $0xFFFFF800  }
0x1d4: {  	_ =	swait.ge @!p0 [sflag:s13], $0x800  }
0x1d5: {  	[sflag:s13] =	ssyncset.done @!p0 $0x0  }
0x1d6: {  	[sflag:s13] =	ssyncadd.s32 @!p0 $0xFFFFF800  }
0x1d7: {  	_ =	swait.ge @!p0 [sflag:s13], $0x800  }
0x1d8: {  	[sflag:s13] =	ssyncset.done @!p0 $0x0  }
0x1d9: {  	[sflag:s13] =	ssyncadd.s32 @!p0 $0xFFFFF800  }
0x1da: {  	p1 =	seq.s32 @!p0 s10, $0x20;
	_ =	swait.ge @!p0 [sflag:s13], $0x800  }
0x1db: {  	p1 =	por p0, !p1;
	[sflag:s13] =	ssyncset.done @!p0 $0x0  }
0x1dc: {  	[sflag:s13] =	ssyncadd.s32 @!p0 $0xFFFFF800;
	s13 =	simm.s32 @p1 $0x0  }
0x1dd: {  	[tilespmem:s7], [sflag:$0x4] =	stream.linear.gather @p1 [hbm4b:s11+s13], $0xC00, $0x38;
	[tilespmem:$0x1B000] =	vst v63  }
0x1de: {  	_ =	swait.ge [sflag:s9], $0xC00  }
0x1df: {  	[sflag:s9] =	ssyncset.done $0x0  }
0x1e0: {  	s13 =	simm.s32 $0x0;
	[sflag:s9] =	ssyncadd.s32 $0xFFFFF400  }
0x1e1: {  	[spmem:s2] =	stream.indirect.scatter.add.f32 [tilespmem:s8], [sflag:$0x1], $0x10, s13, s6, $0xb8;
	[tilespmem:$0x1B000] =	vst v63  }
0x1e2: {  	_ = 	snop  }
0x1e3: {  	[spmem:s2] =	stream.indirect.scatter.add.f32 [tilespmem:s8], [sflag:$0x1], $0x10, s6, s6, $0xb8;
	[tilespmem:$0x1B000] =	vst v63  }
0x1e4: {  	s13 =	simm.s32 $0x100  }
0x1e5: {  	[spmem:s2] =	stream.indirect.scatter.add.f32 [tilespmem:s8], [sflag:$0x1], $0x10, s13, s6, $0xb8;
	[tilespmem:$0x1B000] =	vst v63  }
0x1e6: {  	s13 =	simm.s32 $0x180  }
0x1e7: {  	[spmem:s2] =	stream.indirect.scatter.add.f32 [tilespmem:s8], [sflag:$0x1], $0x10, s13, s6, $0xb8;
	[tilespmem:$0x1B000] =	vst v63  }
0x1e8: {  	s13 =	simm.s32 $0x200  }
0x1e9: {  	[spmem:s2] =	stream.indirect.scatter.add.f32 [tilespmem:s8], [sflag:$0x1], $0x10, s13, s6, $0xb8;
	[tilespmem:$0x1B000] =	vst v63  }
0x1ea: {  	s13 =	simm.s32 $0x280  }
0x1eb: {  	[spmem:s2] =	stream.indirect.scatter.add.f32 [tilespmem:s8], [sflag:$0x1], $0x10, s13, s6, $0xb8;
	[tilespmem:$0x1B000] =	vst v63  }
0x1ec: {  	s13 =	simm.s32 $0x300  }
0x1ed: {  	[spmem:s2] =	stream.indirect.scatter.add.f32 [tilespmem:s8], [sflag:$0x1], $0x10, s13, s6, $0xb8;
	[tilespmem:$0x1B000] =	vst v63  }
0x1ee: {  	s13 =	simm.s32 $0x380  }
0x1ef: {  	[spmem:s2] =	stream.indirect.scatter.add.f32 [tilespmem:s8], [sflag:$0x1], $0x10, s13, s6, $0xb8;
	[tilespmem:$0x1B000] =	vst v63  }
0x1f0: {  	s13 =	simm.s32 $0x400  }
0x1f1: {  	[spmem:s2] =	stream.indirect.scatter.add.f32 [tilespmem:s8], [sflag:$0x1], $0x10, s13, s6, $0xb8;
	[tilespmem:$0x1B000] =	vst v63  }
0x1f2: {  	s13 =	simm.s32 $0x480  }
0x1f3: {  	[spmem:s2] =	stream.indirect.scatter.add.f32 [tilespmem:s8], [sflag:$0x1], $0x10, s13, s6, $0xb8;
	[tilespmem:$0x1B000] =	vst v63  }
0x1f4: {  	s13 =	simm.s32 $0x500  }
0x1f5: {  	[spmem:s2] =	stream.indirect.scatter.add.f32 [tilespmem:s8], [sflag:$0x1], $0x10, s13, s6, $0xb8;
	[tilespmem:$0x1B000] =	vst v63  }
0x1f6: {  	s13 =	simm.s32 $0x580  }
0x1f7: {  	[spmem:s2] =	stream.indirect.scatter.add.f32 [tilespmem:s8], [sflag:$0x1], $0x10, s13, s6, $0xb8;
	[tilespmem:$0x1B000] =	vst v63  }
0x1f8: {  	s13 =	simm.s32 $0x600  }
0x1f9: {  	[spmem:s2] =	stream.indirect.scatter.add.f32 [tilespmem:s8], [sflag:$0x1], $0x10, s13, s6, $0xb8;
	[tilespmem:$0x1B000] =	vst v63  }
0x1fa: {  	s13 =	simm.s32 $0x680  }
0x1fb: {  	[spmem:s2] =	stream.indirect.scatter.add.f32 [tilespmem:s8], [sflag:$0x1], $0x10, s13, s6, $0xb8;
	[tilespmem:$0x1B000] =	vst v63  }
0x1fc: {  	s13 =	simm.s32 $0x700  }
0x1fd: {  	[spmem:s2] =	stream.indirect.scatter.add.f32 [tilespmem:s8], [sflag:$0x1], $0x10, s13, s6, $0xb8;
	[tilespmem:$0x1B000] =	vst v63  }
0x1fe: {  	s13 =	simm.s32 $0x780  }
0x1ff: {  	[spmem:s2] =	stream.indirect.scatter.add.f32 [tilespmem:s8], [sflag:$0x1], $0x10, s13, s6, $0xb8;
	[tilespmem:$0x1B000] =	vst v63  }
0x200: {  	s13 =	simm.s32 $0x800  }
0x201: {  	[spmem:s2] =	stream.indirect.scatter.add.f32 [tilespmem:s8], [sflag:$0x1], $0x10, s13, s6, $0xb8;
	[tilespmem:$0x1B000] =	vst v63  }
0x202: {  	s13 =	simm.s32 $0x880  }
0x203: {  	[spmem:s2] =	stream.indirect.scatter.add.f32 [tilespmem:s8], [sflag:$0x1], $0x10, s13, s6, $0xb8;
	[tilespmem:$0x1B000] =	vst v63  }
0x204: {  	s13 =	simm.s32 $0x900  }
0x205: {  	[spmem:s2] =	stream.indirect.scatter.add.f32 [tilespmem:s8], [sflag:$0x1], $0x10, s13, s6, $0xb8;
	[tilespmem:$0x1B000] =	vst v63  }
0x206: {  	s13 =	simm.s32 $0x980  }
0x207: {  	[spmem:s2] =	stream.indirect.scatter.add.f32 [tilespmem:s8], [sflag:$0x1], $0x10, s13, s6, $0xb8;
	[tilespmem:$0x1B000] =	vst v63  }
0x208: {  	s13 =	simm.s32 $0xA00  }
0x209: {  	[spmem:s2] =	stream.indirect.scatter.add.f32 [tilespmem:s8], [sflag:$0x1], $0x10, s13, s6, $0xb8;
	[tilespmem:$0x1B000] =	vst v63  }
0x20a: {  	p0 =	seq.s32 s12, $0x0;
	s13 =	simm.s32 $0xA80  }
0x20b: {  	[spmem:s2] =	stream.indirect.scatter.add.f32 [tilespmem:s8], [sflag:$0x1], $0x10, s13, s6, $0xb8;
	[tilespmem:$0x1B000] =	vst v63  }
.Ltmp7:
0x20c: {  	_ = 	snop;
	(pc) =	sbr.rel @p0 .LBB2_9-.Ltmp7, $4  }
.Ltmp8:
0x20d: {  	s13 =	simm.s32 $0xB00;
	(pc) =	sbr.rel @!p0 .LBB2_8-.Ltmp8, $4  }
0x20e: {  	[spmem:s2] =	stream.indirect.scatter.add.f32 [tilespmem:s8], [sflag:$0x1], $0x10, s13, s6, $0xb8;
	[tilespmem:$0x1B000] =	vst v63  }
0x20f: {  	s13 =	simm.s32 $0xB80  }
0x210: {  	[spmem:s2] =	stream.indirect.scatter.add.f32 [tilespmem:s8], [sflag:$0x1], $0x10, s13, s6, $0xb8;
	[tilespmem:$0x1B000] =	vst v63  }
0x211: {  	_ = 	snop  }
.LBB2_11:
0x212: {  	_ =	sfence.sel $0x180000  }
0x213: {  	[bflag:$0x0] =	sbarrier.arrive $0xFFFF  }
0x214: {  	_ =	strace $0x90000047  }
0x215: {  	s0 =	stileid.u32;
	[bflag:$0x2] =	sbarrier.arrive $0xFFFF  }
0x216: {  	p0 =	sne.s32 s0, $0x0;
	s0 =	rddreg [dreg:$0x2]  }
0x217: {  	s0 =	sadd.s32 @!p0 $0x100000, s0  }
0x218: {  	[sflag:s0] =	ssyncadd.tile.s32 @!p0 $0x1;
	_ =	shalt  }
.Lfunc_end2:
_tile_overlayer_lowered:
.L_overlay_start_2:
0x219: {  	(tag) =	ssettag $0x2  }
0x21a: {  	s0 =	rddreg [dreg:$0x0];
	s2 =	stileid.u32  }
0x21b: {  	s1 =	rddreg [dreg:$0x1];
	p0 =	sne.s32 s2, $0x0  }
0x21c: {  	s3 =	rddreg [dreg:$0x2];
	[bflag:$0x3] =	sbarrier.arrive $0xFFFF;
	s2 =	simm.s32 @!p0 $0x1C06  }
0x21d: {  	[timem:s3], [sflag:s2] =	dma.local @!p0 [hbm:s0], s1  }
0x21e: {  	s0 =	simm.s32 @!p0 $0x6  }
0x21f: {  	_ =	swait.ge @!p0 [sflag:s0], s1  }
0x220: {  	s1 =	ssub.s32 @!p0 $0x0, s1;
	[sflag:s0] =	ssyncset.done @!p0 $0x0  }
0x221: {  	[sflag:s0] =	ssyncadd.s32 @!p0 s1  }
0x222: {  	[bflag:$0x3] =	sbarrier.arrive $0xFFFF  }
0x223: {  	_ =	shalt  }

</sc_bundles>
